<compile_context>
chip_gen: v7x
topology: tpu7x:2x2x1
jax: 0.10.2.dev20260603
libtpu: 0.0.44.dev20260713+nightly
codegen_flags: <defaults>
</compile_context>

<pallas_src>
import functools

import jax
import jax.numpy as jnp
import numpy as np
from jax import lax
from jax.experimental import pallas as pl
from jax.experimental.pallas import tpu as pltpu
from jax.experimental.pallas import tpu_sc as plsc

N = 10000
E = 320000
D = 128
G = 32
NC = 2
NS = 16
N_PAD = 10240
ROWS_PER_TILE = N_PAD // NS
CHUNK = 128
NCHUNK = 80
NGRP = 2
GCH = NCHUNK // NGRP
NSUB = 1
E_PAD = NC * NS * NCHUNK * CHUNK
PAD_E = E_PAD - E

_F32 = jnp.float32


def _make_agg(with_cnt: bool):
    mesh = plsc.VectorSubcoreMesh(core_axis_name="c", subcore_axis_name="s")
    if with_cnt:
        out_type = [jax.ShapeDtypeStruct((NC, N_PAD, D), _F32),
                    jax.ShapeDtypeStruct((NC, N_PAD), _F32)]
    else:
        out_type = jax.ShapeDtypeStruct((NC, N_PAD, D), _F32)
    scratch = [
        pltpu.VMEM((GCH, CHUNK), jnp.int32),
        pltpu.VMEM((GCH, CHUNK), jnp.int32),
        pltpu.VMEM((CHUNK, D), _F32),
        pltpu.VMEM((CHUNK, D), _F32),
        pltpu.VMEM((CHUNK,), _F32),
        pltpu.VMEM_SHARED((N_PAD, D), _F32),
        pltpu.VMEM_SHARED((N_PAD,), _F32),
        pltpu.SemaphoreType.DMA,
        pltpu.SemaphoreType.DMA,
    ]

    def body(feats_hbm, edges_hbm, zrows_hbm, zcnt_hbm, *rest):
        if with_cnt:
            out_agg, out_cnt = rest[0], rest[1]
            rest = rest[2:]
        else:
            out_agg = rest[0]
            rest = rest[1:]
        (idx_s, idx_d, rows0, rows1, ones_v, agg_sh, cnt_sh,
         sem0, sem1) = rest
        cid = lax.axis_index("c")
        sid = lax.axis_index("s")
        row0 = sid * ROWS_PER_TILE
        pltpu.sync_copy(zrows_hbm, agg_sh.at[pl.ds(row0, ROWS_PER_TILE)])
        if with_cnt:
            @pl.when(sid == 0)
            def _():
                pltpu.sync_copy(zcnt_hbm, cnt_sh)
            for k in range(CHUNK // 16):
                ones_v[pl.ds(k * 16, 16)] = jnp.ones((16,), _F32)
        plsc.subcore_barrier()

        SUB = CHUNK // NSUB

        def gather_start(i, buf, sem):
            for s in range(NSUB):
                pltpu.async_copy(
                    feats_hbm.at[idx_s.at[i, pl.ds(s * SUB, SUB)]],
                    buf.at[pl.ds(s * SUB, SUB)], sem)

        def gather_wait(i, buf, sem):
            for s in range(NSUB):
                pltpu.make_async_copy(
                    feats_hbm.at[idx_s.at[i, pl.ds(s * SUB, SUB)]],
                    buf.at[pl.ds(s * SUB, SUB)], sem).wait()

        def scatter(i, buf):
            pltpu.sync_copy(buf, agg_sh.at[idx_d.at[i]], add=True)
            if with_cnt:
                pltpu.sync_copy(ones_v, cnt_sh.at[idx_d.at[i]], add=True)

        for g in range(NGRP):
            pltpu.sync_copy(edges_hbm.at[0, cid, sid, pl.ds(g * GCH, GCH)],
                            idx_s)
            pltpu.sync_copy(edges_hbm.at[1, cid, sid, pl.ds(g * GCH, GCH)],
                            idx_d)
            gather_start(0, rows0, sem0)

            def step(j, carry):
                i0 = j * 2
                gather_wait(i0, rows0, sem0)
                gather_start(i0 + 1, rows1, sem1)
                scatter(i0, rows0)
                gather_wait(i0 + 1, rows1, sem1)
                gather_start(i0 + 2, rows0, sem0)
                scatter(i0 + 1, rows1)
                return carry

            lax.fori_loop(0, GCH // 2 - 1, step, 0)
            i0 = GCH - 2
            gather_wait(i0, rows0, sem0)
            gather_start(i0 + 1, rows1, sem1)
            scatter(i0, rows0)
            gather_wait(i0 + 1, rows1, sem1)
            scatter(i0 + 1, rows1)
        plsc.subcore_barrier()
        pltpu.sync_copy(agg_sh.at[pl.ds(row0, ROWS_PER_TILE)],
                        out_agg.at[cid, pl.ds(row0, ROWS_PER_TILE)])
        if with_cnt:
            @pl.when(sid == 0)
            def _():
                pltpu.sync_copy(cnt_sh, out_cnt.at[cid])

    return pl.kernel(body, mesh=mesh, out_type=out_type, scratch_types=scratch)


_agg_with_cnt = _make_agg(True)
_agg = _make_agg(False)


R_UPD = 2000


def _update_body(p_ref, c_ref, h_ref, wl_ref, wr_ref, b_ref, o_ref):
    cnt = c_ref[0] + c_ref[1]
    inv = 1.0 / jnp.maximum(cnt, 1.0)
    mean = (p_ref[0] + p_ref[1]) * inv
    dn = (((1,), (1,)), ((), ()))
    acc = lax.dot_general(mean, wl_ref[...], dn,
                          preferred_element_type=_F32,
                          precision=lax.Precision.HIGHEST)
    acc = acc + lax.dot_general(h_ref[...], wr_ref[...], dn,
                                preferred_element_type=_F32,
                                precision=lax.Precision.HIGHEST)
    o_ref[...] = jnp.maximum(acc + b_ref[...], 0.0)


def _update(p, cnt2, h, Wl, Wr, b):
    grid = N // R_UPD
    return pl.pallas_call(
        _update_body,
        grid=(grid,),
        in_specs=[
            pl.BlockSpec((NC, R_UPD, D), lambda i: (0, i, 0)),
            pl.BlockSpec((NC, R_UPD, 1), lambda i: (0, i, 0)),
            pl.BlockSpec((R_UPD, D), lambda i: (i, 0)),
            pl.BlockSpec((D, D), lambda i: (0, 0)),
            pl.BlockSpec((D, D), lambda i: (0, 0)),
            pl.BlockSpec((1, D), lambda i: (0, 0)),
        ],
        out_specs=pl.BlockSpec((R_UPD, D), lambda i: (i, 0)),
        out_shape=jax.ShapeDtypeStruct((N, D), _F32),
    )(p, cnt2, h, Wl, Wr, b)


NEG = -3.0e38


def _fused3_body(p_ref, c_ref, h_ref, wl_ref, wr_ref, b_ref,
                 x_ref, bcol_ref, brow_ref, srow_ref,
                 f1w_ref, f1b_ref, f2w_ref, f2b_ref, smw_ref, smb_ref,
                 nw_ref, nb_ref, cw_ref, cb_ref, o_ref,
                 pooled_ref, news_ref):
    i = pl.program_id(0)

    @pl.when(i == 0)
    def _():
        pooled_ref[...] = jnp.full((G, D), NEG, _F32)
        news_ref[...] = jnp.zeros((G, D), _F32)

    cnt = c_ref[0] + c_ref[1]
    inv = 1.0 / jnp.maximum(cnt, 1.0)
    mean = (p_ref[0] + p_ref[1]) * inv
    dn = (((1,), (1,)), ((), ()))
    acc = lax.dot_general(mean, wl_ref[...], dn,
                          preferred_element_type=_F32,
                          precision=lax.Precision.HIGHEST)
    acc = acc + lax.dot_general(h_ref[...], wr_ref[...], dn,
                                preferred_element_type=_F32,
                                precision=lax.Precision.HIGHEST)
    hb = jnp.maximum(acc + b_ref[...], 0.0)

    bb = bcol_ref[...]
    blockmax = jnp.concatenate(
        [jnp.max(jnp.where(bb == float(g), hb, NEG), axis=0, keepdims=True)
         for g in range(G)], axis=0)
    pooled_ref[...] = jnp.maximum(pooled_ref[...], blockmax)

    br = brow_ref[0]
    sr = srow_ref[0]
    isroot = jnp.where(br != sr, 1.0, 0.0)
    gid = lax.broadcasted_iota(jnp.int32, (G, 1), 0).astype(_F32)
    onehot = jnp.where(br == gid, 1.0, 0.0) * isroot
    news_ref[...] += lax.dot_general(
        onehot, x_ref[...], (((1,), (0,)), ((), ())),
        preferred_element_type=_F32, precision=lax.Precision.HIGHEST)

    @pl.when(i == (N // R_UPD) - 1)
    def _():
        dn = (((1,), (1,)), ((), ()))

        def dense(v, w, b):
            return lax.dot_general(v, w, dn, preferred_element_type=_F32,
                                   precision=lax.Precision.HIGHEST) + b

        h1 = jnp.maximum(dense(pooled_ref[...], f1w_ref[...], f1b_ref[...]), 0.0)
        h2 = jnp.maximum(dense(h1, f2w_ref[...], f2b_ref[...]), 0.0)
        h3 = jnp.maximum(dense(h2, smw_ref[...], smb_ref[...]), 0.0)
        nl = jnp.maximum(dense(news_ref[...], nw_ref[...], nb_ref[...]), 0.0)
        cw = cw_ref[...]
        logit = (jnp.sum(h3 * cw[:, :64], axis=1, keepdims=True)
                 + jnp.sum(nl * cw[:, 64:], axis=1, keepdims=True)
                 + cb_ref[...])
        o_ref[...] = 1.0 / (1.0 + jnp.exp(-logit))


def _fused3(p, cnt2, h, Wl, Wr, b, x, bcol, brow, srow,
            f1w, f1b, f2w, f2b, smw, smb, nw, nb, cw, cb):
    grid = N // R_UPD
    full = lambda shape: pl.BlockSpec(shape, lambda i: tuple(0 for _ in shape))
    return pl.pallas_call(
        _fused3_body,
        grid=(grid,),
        in_specs=[
            pl.BlockSpec((NC, R_UPD, D), lambda i: (0, i, 0)),
            pl.BlockSpec((NC, R_UPD, 1), lambda i: (0, i, 0)),
            pl.BlockSpec((R_UPD, D), lambda i: (i, 0)),
            full((D, D)), full((D, D)), full((1, D)),
            pl.BlockSpec((R_UPD, D), lambda i: (i, 0)),
            pl.BlockSpec((R_UPD, 1), lambda i: (i, 0)),
            pl.BlockSpec((1, 1, R_UPD), lambda i: (i, 0, 0)),
            pl.BlockSpec((1, 1, R_UPD), lambda i: (i, 0, 0)),
            full((D, D)), full((1, D)),
            full((64, D)), full((1, 64)),
            full((64, 64)), full((1, 64)),
            full((64, D)), full((1, 64)),
            full((1, D)), full((1, 1)),
        ],
        out_specs=pl.BlockSpec((G, 1), lambda i: (0, 0)),
        out_shape=jax.ShapeDtypeStruct((G, 1), _F32),
        scratch_shapes=[pltpu.VMEM((G, D), _F32), pltpu.VMEM((G, D), _F32)],
    )(p, cnt2, h, Wl, Wr, b, x, bcol, brow, srow,
      f1w, f1b, f2w, f2b, smw, smb, nw, nb, cw, cb)


def kernel(x, edge_index, batch,
           conv1_Wl, conv1_Wr, conv1_b,
           conv2_Wl, conv2_Wr, conv2_b,
           conv3_Wl, conv3_Wr, conv3_b,
           full1_W, full1_b, full2_W, full2_b,
           softmax_W, softmax_b, lin_news_W, lin_news_b,
           lin_cat_W, lin_cat_b):
    pad_iota = np.arange(PAD_E, dtype=np.int32)
    pads = jnp.asarray(
        np.stack([pad_iota % N, N + pad_iota % (N_PAD - N)]))
    edges = jnp.concatenate([edge_index, pads], axis=1)
    edges = edges.reshape(2, NC, NS, NCHUNK, CHUNK)
    zrows = jnp.asarray(np.zeros((ROWS_PER_TILE, D), np.float32))
    zcnt = jnp.asarray(np.zeros((N_PAD,), np.float32))

    p1, cnt = _agg_with_cnt(x, edges, zrows, zcnt)
    cnt2 = cnt.reshape(NC, N_PAD, 1)
    h1 = _update(p1, cnt2, x, conv1_Wl, conv1_Wr, conv1_b.reshape(1, D))
    p2 = _agg(h1, edges, zrows, zcnt)
    h2 = _update(p2, cnt2, h1, conv2_Wl, conv2_Wr, conv2_b.reshape(1, D))
    p3 = _agg(h2, edges, zrows, zcnt)

    bf = batch.astype(_F32)
    bcol = batch.astype(jnp.bfloat16).reshape(N, 1)
    flat = bf.reshape(1, N)
    sflat = jnp.concatenate([jnp.full((1, 1), -1.0, _F32), flat[:, :-1]], axis=1)
    brow = flat.reshape(N // R_UPD, 1, R_UPD)
    srow = sflat.reshape(N // R_UPD, 1, R_UPD)
    return _fused3(p3, cnt2, h2, conv3_Wl, conv3_Wr, conv3_b.reshape(1, D),
                   x, bcol, brow, srow,
                   full1_W, full1_b.reshape(1, D),
                   full2_W, full2_b.reshape(1, 64),
                   softmax_W, softmax_b.reshape(1, 64),
                   lin_news_W, lin_news_b.reshape(1, 64),
                   lin_cat_W, lin_cat_b.reshape(1, 1))

# --- scband reference (transcript-rebuilt; emitter-appended) ---
"""Pipeline reference for scband-net-1967095021601 (READ-ONLY COPY).

The authoritative reference and input builder live on the scoring server;
editing this copy changes nothing except your own understanding.
"""

import jax, jax.numpy as jnp
import numpy as np

N_NODES = 10000
N_EDGES = 320000
D_IN = 128
HID = [128, 128, 128, 128, 64]
D_OUT = 64
N_GRAPHS = 32


def _init_w(key, out_c, in_c):
    return jax.random.normal(key, (out_c, in_c), dtype=jnp.float32) * 0.05


def setup_inputs(seed: int = 0) -> dict:
    key = jax.random.key(seed)
    ks = jax.random.split(key, 24)
    x = jax.random.normal(ks[0], (N_NODES, D_IN), dtype=jnp.float32)
    edge_index = jax.random.randint(ks[1], (2, N_EDGES), 0, N_NODES, dtype=jnp.int32)
    batch = jnp.sort(jax.random.randint(ks[2], (N_NODES,), 0, N_GRAPHS, dtype=jnp.int32))
    # ensure every graph id 0..N_GRAPHS-1 is present at the endpoints
    batch = batch.at[0].set(0).at[-1].set(N_GRAPHS - 1)
    inp = {
        'x': x,
        'edge_index': edge_index,
        'batch': batch,
        'conv1_Wl': _init_w(ks[3], HID[0], D_IN),
        'conv1_Wr': _init_w(ks[4], HID[0], D_IN),
        'conv1_b': jnp.zeros((HID[0],), jnp.float32),
        'conv2_Wl': _init_w(ks[5], HID[1], HID[0]),
        'conv2_Wr': _init_w(ks[6], HID[1], HID[0]),
        'conv2_b': jnp.zeros((HID[1],), jnp.float32),
        'conv3_Wl': _init_w(ks[7], HID[2], HID[1]),
        'conv3_Wr': _init_w(ks[8], HID[2], HID[1]),
        'conv3_b': jnp.zeros((HID[2],), jnp.float32),
        'full1_W': _init_w(ks[9], HID[3], HID[2]),
        'full1_b': jnp.zeros((HID[3],), jnp.float32),
        'full2_W': _init_w(ks[10], HID[4], HID[3]),
        'full2_b': jnp.zeros((HID[4],), jnp.float32),
        'softmax_W': _init_w(ks[11], D_OUT, HID[4]),
        'softmax_b': jnp.zeros((D_OUT,), jnp.float32),
        'lin_news_W': _init_w(ks[12], D_OUT, D_IN),
        'lin_news_b': jnp.zeros((D_OUT,), jnp.float32),
        'lin_cat_W': _init_w(ks[13], 1, 2 * D_OUT),
        'lin_cat_b': jnp.zeros((1,), jnp.float32),
    }
    return inp


def _sage_conv(x, edge_index, Wl, Wr, b):
    # PyG SAGEConv with mean aggregation: out = mean_agg(x_src at dst) @ Wl^T + x @ Wr^T + b
    src = edge_index[0]
    dst = edge_index[1]
    msgs = jnp.take(x, src, axis=0)
    agg = jax.ops.segment_sum(msgs, dst, num_segments=x.shape[0])
    cnt = jax.ops.segment_sum(jnp.ones((edge_index.shape[1],), x.dtype), dst, num_segments=x.shape[0])
    mean = agg / jnp.clip(cnt, 1.0)[:, None]
    return mean @ Wl.T + x @ Wr.T + b


def reference(x, edge_index, batch,
              conv1_Wl, conv1_Wr, conv1_b,
              conv2_Wl, conv2_Wr, conv2_b,
              conv3_Wl, conv3_Wr, conv3_b,
              full1_W, full1_b, full2_W, full2_b,
              softmax_W, softmax_b, lin_news_W, lin_news_b,
              lin_cat_W, lin_cat_b):
    h = jax.nn.relu(_sage_conv(x, edge_index, conv1_Wl, conv1_Wr, conv1_b))
    h = jax.nn.relu(_sage_conv(h, edge_index, conv2_Wl, conv2_Wr, conv2_b))
    h = jax.nn.relu(_sage_conv(h, edge_index, conv3_Wl, conv3_Wr, conv3_b))
    num_graphs = N_GRAPHS
    h = jax.ops.segment_max(h, batch, num_segments=num_graphs)
    h = jax.nn.relu(h @ full1_W.T + full1_b)
    h = jax.nn.relu(h @ full2_W.T + full2_b)
    h = jax.nn.relu(h @ softmax_W.T + softmax_b)
    root = jnp.searchsorted(batch, jnp.arange(num_graphs, dtype=batch.dtype))
    news = jnp.take(x, root, axis=0)
    news = jax.nn.relu(news @ lin_news_W.T + lin_news_b)
    output = jnp.concatenate([h, news], axis=-1) @ lin_cat_W.T + lin_cat_b
    return jax.nn.sigmoid(output)

if __name__ == "__main__":
    import jax
    _d = setup_inputs()
    print(jax.jit(kernel)(*tuple(_d.values())))

</pallas_src>

<mosaic_0001>
#map = affine_map<(d0, d1) -> (0, 0)>
#map1 = affine_map<(d0, d1) -> (0, 0, 0, 0, 0)>
#map2 = affine_map<(d0, d1) -> (0)>
#map3 = affine_map<(d0, d1) -> (0, 0, 0)>
module attributes {stable_mosaic.version = 14 : i64} {
  func.func @body(%arg0: i32, %arg1: i32, %arg2: memref<10000x128xf32, #tpu.memory_space<hbm>>, %arg3: memref<2x2x16x80x128xi32, #tpu.memory_space<hbm>>, %arg4: memref<640x128xf32, #tpu.memory_space<hbm>>, %arg5: memref<10240xf32, #tpu.memory_space<hbm>>, %arg6: memref<2x10240x128xf32, #tpu.memory_space<hbm>>, %arg7: memref<2x10240xf32, #tpu.memory_space<hbm>>, %arg8: memref<40x128xi32, #tpu.memory_space<vmem>>, %arg9: memref<40x128xi32, #tpu.memory_space<vmem>>, %arg10: memref<128x128xf32, #tpu.memory_space<vmem>>, %arg11: memref<128x128xf32, #tpu.memory_space<vmem>>, %arg12: memref<128xf32, #tpu.memory_space<vmem>>, %arg13: memref<10240x128xf32, #tpu.memory_space<vmem_shared>>, %arg14: memref<10240xf32, #tpu.memory_space<vmem_shared>>, %arg15: memref<!tpu.dma_semaphore, #tpu.memory_space<semaphore_mem>>, %arg16: memref<!tpu.dma_semaphore, #tpu.memory_space<semaphore_mem>>) attributes {dimension_semantics = [#tpu.dimension_semantics<core_parallel>, #tpu.dimension_semantics<subcore_parallel>], iteration_bounds = array<i64: 2, 16>, scalar_prefetch = 0 : i64, scratch_operands = 9 : i64, tpu.core_type = #tpu.core_type<sc_vector_subcore>, window_params = [{transform_indices = #map}, {transform_indices = #map1}, {transform_indices = #map}, {transform_indices = #map2}, {transform_indices = #map3}, {transform_indices = #map}]} {
    %mul3A = arith.constant 640 : i32
    %mul3A_0 = arith.muli %arg1, %mul3A : i32
    "tpu.region"() ({
      %run_scoped3A_155 = tpu.sem_alloc : memref<!tpu.dma_semaphore, #tpu.memory_space<semaphore_mem>>
      %dma_start3A_156 = arith.constant 0 : i32
      %dma_start3A_157 = tpu.memref_slice %arg13[%mul3A_0, %dma_start3A_156] : memref<10240x128xf32, #tpu.memory_space<vmem_shared>> -> memref<640x128xf32, #tpu.memory_space<vmem_shared>>
      tpu.enqueue_dma source(%arg4 : memref<640x128xf32, #tpu.memory_space<hbm>>) target(%dma_start3A_157 : memref<640x128xf32, #tpu.memory_space<vmem_shared>>) target_semaphore(%run_scoped3A_155 : memref<!tpu.dma_semaphore, #tpu.memory_space<semaphore_mem>>)
      %dma_wait3A_158 = arith.constant 0 : i32
      %dma_wait3A_159 = tpu.memref_slice %arg13[%mul3A_0, %dma_wait3A_158] : memref<10240x128xf32, #tpu.memory_space<vmem_shared>> -> memref<640x128xf32, #tpu.memory_space<vmem_shared>>
      tpu.wait_dma2 semaphore(%run_scoped3A_155 : memref<!tpu.dma_semaphore, #tpu.memory_space<semaphore_mem>>) src(%arg4 : memref<640x128xf32, #tpu.memory_space<hbm>>) dst(%dma_wait3A_159 : memref<640x128xf32, #tpu.memory_space<vmem_shared>>)
      tpu.yield
    }) : () -> ()
    %eq3A = arith.constant 0 : i32
    %eq3A_1 = arith.cmpi eq, %arg1, %eq3A : i32
    %convert_element_type3A = arith.extui %eq3A_1 : i1 to i32
    %cond3A = arith.constant 0 : i32
    %cond3A_2 = arith.cmpi ne, %convert_element_type3A, %cond3A : i32
    scf.if %cond3A_2 {
      "tpu.region"() ({
        %run_scoped3A_155 = tpu.sem_alloc : memref<!tpu.dma_semaphore, #tpu.memory_space<semaphore_mem>>
        tpu.enqueue_dma source(%arg5 : memref<10240xf32, #tpu.memory_space<hbm>>) target(%arg14 : memref<10240xf32, #tpu.memory_space<vmem_shared>>) target_semaphore(%run_scoped3A_155 : memref<!tpu.dma_semaphore, #tpu.memory_space<semaphore_mem>>)
        tpu.wait_dma2 semaphore(%run_scoped3A_155 : memref<!tpu.dma_semaphore, #tpu.memory_space<semaphore_mem>>) src(%arg5 : memref<10240xf32, #tpu.memory_space<hbm>>) dst(%arg14 : memref<10240xf32, #tpu.memory_space<vmem_shared>>)
        tpu.yield
      }) : () -> ()
    } else {
    }
    %broadcast_in_dim3A = arith.constant 1.000000e+00 : f32
    %broadcast_in_dim3A_3 = vector.broadcast %broadcast_in_dim3A : f32 to vector<16xf32>
    %swap3A = arith.constant 0 : index
    %swap3A_4 = tpu.vector_load %arg12[%swap3A] {strides = array<i32>} : memref<128xf32, #tpu.memory_space<vmem>>, vector<16xf32>,
    %swap3A_5 = vector.shape_cast %swap3A_4 : vector<16xf32> to vector<16xf32>
    %swap3A_6 = vector.shape_cast %broadcast_in_dim3A_3 : vector<16xf32> to vector<16xf32>
    tpu.vector_store %arg12[%swap3A], %swap3A_6 {strides = array<i32>} : memref<128xf32, #tpu.memory_space<vmem>>, vector<16xf32>,
    %broadcast_in_dim3A_7 = arith.constant 1.000000e+00 : f32
    %broadcast_in_dim3A_8 = vector.broadcast %broadcast_in_dim3A_7 : f32 to vector<16xf32>
    %swap3A_9 = arith.constant 16 : index
    %swap3A_10 = tpu.vector_load %arg12[%swap3A_9] {strides = array<i32>} : memref<128xf32, #tpu.memory_space<vmem>>, vector<16xf32>,
    %swap3A_11 = vector.shape_cast %swap3A_10 : vector<16xf32> to vector<16xf32>
    %swap3A_12 = vector.shape_cast %broadcast_in_dim3A_8 : vector<16xf32> to vector<16xf32>
    tpu.vector_store %arg12[%swap3A_9], %swap3A_12 {strides = array<i32>} : memref<128xf32, #tpu.memory_space<vmem>>, vector<16xf32>,
    %broadcast_in_dim3A_13 = arith.constant 1.000000e+00 : f32
    %broadcast_in_dim3A_14 = vector.broadcast %broadcast_in_dim3A_13 : f32 to vector<16xf32>
    %swap3A_15 = arith.constant 32 : index
    %swap3A_16 = tpu.vector_load %arg12[%swap3A_15] {strides = array<i32>} : memref<128xf32, #tpu.memory_space<vmem>>, vector<16xf32>,
    %swap3A_17 = vector.shape_cast %swap3A_16 : vector<16xf32> to vector<16xf32>
    %swap3A_18 = vector.shape_cast %broadcast_in_dim3A_14 : vector<16xf32> to vector<16xf32>
    tpu.vector_store %arg12[%swap3A_15], %swap3A_18 {strides = array<i32>} : memref<128xf32, #tpu.memory_space<vmem>>, vector<16xf32>,
    %broadcast_in_dim3A_19 = arith.constant 1.000000e+00 : f32
    %broadcast_in_dim3A_20 = vector.broadcast %broadcast_in_dim3A_19 : f32 to vector<16xf32>
    %swap3A_21 = arith.constant 48 : index
    %swap3A_22 = tpu.vector_load %arg12[%swap3A_21] {strides = array<i32>} : memref<128xf32, #tpu.memory_space<vmem>>, vector<16xf32>,
    %swap3A_23 = vector.shape_cast %swap3A_22 : vector<16xf32> to vector<16xf32>
    %swap3A_24 = vector.shape_cast %broadcast_in_dim3A_20 : vector<16xf32> to vector<16xf32>
    tpu.vector_store %arg12[%swap3A_21], %swap3A_24 {strides = array<i32>} : memref<128xf32, #tpu.memory_space<vmem>>, vector<16xf32>,
    %broadcast_in_dim3A_25 = arith.constant 1.000000e+00 : f32
    %broadcast_in_dim3A_26 = vector.broadcast %broadcast_in_dim3A_25 : f32 to vector<16xf32>
    %swap3A_27 = arith.constant 64 : index
    %swap3A_28 = tpu.vector_load %arg12[%swap3A_27] {strides = array<i32>} : memref<128xf32, #tpu.memory_space<vmem>>, vector<16xf32>,
    %swap3A_29 = vector.shape_cast %swap3A_28 : vector<16xf32> to vector<16xf32>
    %swap3A_30 = vector.shape_cast %broadcast_in_dim3A_26 : vector<16xf32> to vector<16xf32>
    tpu.vector_store %arg12[%swap3A_27], %swap3A_30 {strides = array<i32>} : memref<128xf32, #tpu.memory_space<vmem>>, vector<16xf32>,
    %broadcast_in_dim3A_31 = arith.constant 1.000000e+00 : f32
    %broadcast_in_dim3A_32 = vector.broadcast %broadcast_in_dim3A_31 : f32 to vector<16xf32>
    %swap3A_33 = arith.constant 80 : index
    %swap3A_34 = tpu.vector_load %arg12[%swap3A_33] {strides = array<i32>} : memref<128xf32, #tpu.memory_space<vmem>>, vector<16xf32>,
    %swap3A_35 = vector.shape_cast %swap3A_34 : vector<16xf32> to vector<16xf32>
    %swap3A_36 = vector.shape_cast %broadcast_in_dim3A_32 : vector<16xf32> to vector<16xf32>
    tpu.vector_store %arg12[%swap3A_33], %swap3A_36 {strides = array<i32>} : memref<128xf32, #tpu.memory_space<vmem>>, vector<16xf32>,
    %broadcast_in_dim3A_37 = arith.constant 1.000000e+00 : f32
    %broadcast_in_dim3A_38 = vector.broadcast %broadcast_in_dim3A_37 : f32 to vector<16xf32>
    %swap3A_39 = arith.constant 96 : index
    %swap3A_40 = tpu.vector_load %arg12[%swap3A_39] {strides = array<i32>} : memref<128xf32, #tpu.memory_space<vmem>>, vector<16xf32>,
    %swap3A_41 = vector.shape_cast %swap3A_40 : vector<16xf32> to vector<16xf32>
    %swap3A_42 = vector.shape_cast %broadcast_in_dim3A_38 : vector<16xf32> to vector<16xf32>
    tpu.vector_store %arg12[%swap3A_39], %swap3A_42 {strides = array<i32>} : memref<128xf32, #tpu.memory_space<vmem>>, vector<16xf32>,
    %broadcast_in_dim3A_43 = arith.constant 1.000000e+00 : f32
    %broadcast_in_dim3A_44 = vector.broadcast %broadcast_in_dim3A_43 : f32 to vector<16xf32>
    %swap3A_45 = arith.constant 112 : index
    %swap3A_46 = tpu.vector_load %arg12[%swap3A_45] {strides = array<i32>} : memref<128xf32, #tpu.memory_space<vmem>>, vector<16xf32>,
    %swap3A_47 = vector.shape_cast %swap3A_46 : vector<16xf32> to vector<16xf32>
    %swap3A_48 = vector.shape_cast %broadcast_in_dim3A_44 : vector<16xf32> to vector<16xf32>
    tpu.vector_store %arg12[%swap3A_45], %swap3A_48 {strides = array<i32>} : memref<128xf32, #tpu.memory_space<vmem>>, vector<16xf32>,
    %barrier3A = arith.constant 0 : index
    tpu.barrier barrier_id(%barrier3A)
    %run_scoped3A = arith.constant 0 : i32
    "tpu.region"() ({
      %run_scoped3A_155 = tpu.sem_alloc : memref<!tpu.dma_semaphore, #tpu.memory_space<semaphore_mem>>
      %dma_start3A_156 = arith.constant 0 : i32
      %dma_start3A_157 = arith.constant 0 : i32
      %dma_start3A_158 = tpu.memref_slice %arg3[%run_scoped3A, %arg0, %arg1, %dma_start3A_156, %dma_start3A_157] : memref<2x2x16x80x128xi32, #tpu.memory_space<hbm>> -> memref<1x1x1x40x128xi32, #tpu.memory_space<hbm>>
      %dma_start3A_159 = tpu.memref_squeeze %dma_start3A_158 : memref<1x1x1x40x128xi32, #tpu.memory_space<hbm>> -> memref<40x128xi32, #tpu.memory_space<hbm>>
      %dma_start3A_160 = arith.constant 0 : i32
      %dma_start3A_161 = arith.constant 0 : i32
      %dma_start3A_162 = tpu.memref_slice %arg3[%run_scoped3A, %arg0, %arg1, %dma_start3A_160, %dma_start3A_161] : memref<2x2x16x80x128xi32, #tpu.memory_space<hbm>> -> memref<1x1x1x40x128xi32, #tpu.memory_space<hbm>>
      %dma_start3A_163 = tpu.memref_squeeze %dma_start3A_162 : memref<1x1x1x40x128xi32, #tpu.memory_space<hbm>> -> memref<40x128xi32, #tpu.memory_space<hbm>>
      tpu.enqueue_dma source(%dma_start3A_163 : memref<40x128xi32, #tpu.memory_space<hbm>>) target(%arg8 : memref<40x128xi32, #tpu.memory_space<vmem>>) target_semaphore(%run_scoped3A_155 : memref<!tpu.dma_semaphore, #tpu.memory_space<semaphore_mem>>)
      %dma_wait3A_164 = arith.constant 0 : i32
      %dma_wait3A_165 = arith.constant 0 : i32
      %dma_wait3A_166 = tpu.memref_slice %arg3[%run_scoped3A, %arg0, %arg1, %dma_wait3A_164, %dma_wait3A_165] : memref<2x2x16x80x128xi32, #tpu.memory_space<hbm>> -> memref<1x1x1x40x128xi32, #tpu.memory_space<hbm>>
      %dma_wait3A_167 = tpu.memref_squeeze %dma_wait3A_166 : memref<1x1x1x40x128xi32, #tpu.memory_space<hbm>> -> memref<40x128xi32, #tpu.memory_space<hbm>>
      %dma_wait3A_168 = arith.constant 0 : i32
      %dma_wait3A_169 = arith.constant 0 : i32
      %dma_wait3A_170 = tpu.memref_slice %arg3[%run_scoped3A, %arg0, %arg1, %dma_wait3A_168, %dma_wait3A_169] : memref<2x2x16x80x128xi32, #tpu.memory_space<hbm>> -> memref<1x1x1x40x128xi32, #tpu.memory_space<hbm>>
      %dma_wait3A_171 = tpu.memref_squeeze %dma_wait3A_170 : memref<1x1x1x40x128xi32, #tpu.memory_space<hbm>> -> memref<40x128xi32, #tpu.memory_space<hbm>>
      tpu.wait_dma2 semaphore(%run_scoped3A_155 : memref<!tpu.dma_semaphore, #tpu.memory_space<semaphore_mem>>) src(%dma_wait3A_171 : memref<40x128xi32, #tpu.memory_space<hbm>>) dst(%arg8 : memref<40x128xi32, #tpu.memory_space<vmem>>)
      tpu.yield
    }) : () -> ()
    %run_scoped3A_49 = arith.constant 1 : i32
    "tpu.region"() ({
      %run_scoped3A_155 = tpu.sem_alloc : memref<!tpu.dma_semaphore, #tpu.memory_space<semaphore_mem>>
      %dma_start3A_156 = arith.constant 0 : i32
      %dma_start3A_157 = arith.constant 0 : i32
      %dma_start3A_158 = tpu.memref_slice %arg3[%run_scoped3A_49, %arg0, %arg1, %dma_start3A_156, %dma_start3A_157] : memref<2x2x16x80x128xi32, #tpu.memory_space<hbm>> -> memref<1x1x1x40x128xi32, #tpu.memory_space<hbm>>
      %dma_start3A_159 = tpu.memref_squeeze %dma_start3A_158 : memref<1x1x1x40x128xi32, #tpu.memory_space<hbm>> -> memref<40x128xi32, #tpu.memory_space<hbm>>
      %dma_start3A_160 = arith.constant 0 : i32
      %dma_start3A_161 = arith.constant 0 : i32
      %dma_start3A_162 = tpu.memref_slice %arg3[%run_scoped3A_49, %arg0, %arg1, %dma_start3A_160, %dma_start3A_161] : memref<2x2x16x80x128xi32, #tpu.memory_space<hbm>> -> memref<1x1x1x40x128xi32, #tpu.memory_space<hbm>>
      %dma_start3A_163 = tpu.memref_squeeze %dma_start3A_162 : memref<1x1x1x40x128xi32, #tpu.memory_space<hbm>> -> memref<40x128xi32, #tpu.memory_space<hbm>>
      tpu.enqueue_dma source(%dma_start3A_163 : memref<40x128xi32, #tpu.memory_space<hbm>>) target(%arg9 : memref<40x128xi32, #tpu.memory_space<vmem>>) target_semaphore(%run_scoped3A_155 : memref<!tpu.dma_semaphore, #tpu.memory_space<semaphore_mem>>)
      %dma_wait3A_164 = arith.constant 0 : i32
      %dma_wait3A_165 = arith.constant 0 : i32
      %dma_wait3A_166 = tpu.memref_slice %arg3[%run_scoped3A_49, %arg0, %arg1, %dma_wait3A_164, %dma_wait3A_165] : memref<2x2x16x80x128xi32, #tpu.memory_space<hbm>> -> memref<1x1x1x40x128xi32, #tpu.memory_space<hbm>>
      %dma_wait3A_167 = tpu.memref_squeeze %dma_wait3A_166 : memref<1x1x1x40x128xi32, #tpu.memory_space<hbm>> -> memref<40x128xi32, #tpu.memory_space<hbm>>
      %dma_wait3A_168 = arith.constant 0 : i32
      %dma_wait3A_169 = arith.constant 0 : i32
      %dma_wait3A_170 = tpu.memref_slice %arg3[%run_scoped3A_49, %arg0, %arg1, %dma_wait3A_168, %dma_wait3A_169] : memref<2x2x16x80x128xi32, #tpu.memory_space<hbm>> -> memref<1x1x1x40x128xi32, #tpu.memory_space<hbm>>
      %dma_wait3A_171 = tpu.memref_squeeze %dma_wait3A_170 : memref<1x1x1x40x128xi32, #tpu.memory_space<hbm>> -> memref<40x128xi32, #tpu.memory_space<hbm>>
      tpu.wait_dma2 semaphore(%run_scoped3A_155 : memref<!tpu.dma_semaphore, #tpu.memory_space<semaphore_mem>>) src(%dma_wait3A_171 : memref<40x128xi32, #tpu.memory_space<hbm>>) dst(%arg9 : memref<40x128xi32, #tpu.memory_space<vmem>>)
      tpu.yield
    }) : () -> ()
    %dma_start3A = arith.constant 0 : i32
    %dma_start3A_50 = arith.constant 0 : i32
    %dma_start3A_51 = arith.constant 0 : i32
    %dma_start3A_52 = tpu.memref_slice %arg10[%dma_start3A_50, %dma_start3A_51] : memref<128x128xf32, #tpu.memory_space<vmem>> -> memref<128x128xf32, #tpu.memory_space<vmem>>
    %dma_start3A_53 = arith.constant 0 : i32
    %dma_start3A_54 = tpu.memref_slice %arg8[%dma_start3A, %dma_start3A_53] : memref<40x128xi32, #tpu.memory_space<vmem>> -> memref<1x128xi32, #tpu.memory_space<vmem>>
    %dma_start3A_55 = tpu.memref_squeeze %dma_start3A_54 : memref<1x128xi32, #tpu.memory_space<vmem>> -> memref<128xi32, #tpu.memory_space<vmem>>
    %dma_start3A_56 = arith.constant 0 : i32
    %dma_start3A_57 = arith.constant 0 : i32
    %dma_start3A_58 = tpu.memref_slice %arg2[%dma_start3A_56, %dma_start3A_57] : memref<10000x128xf32, #tpu.memory_space<hbm>> -> memref<10000x128xf32, #tpu.memory_space<hbm>>
    tpu.enqueue_indirect_dma source(%dma_start3A_58 : memref<10000x128xf32, #tpu.memory_space<hbm>>) target(%dma_start3A_52 : memref<128x128xf32, #tpu.memory_space<vmem>>) offsets(%dma_start3A_55 : memref<128xi32, #tpu.memory_space<vmem>>) semaphore(%arg15 : memref<!tpu.dma_semaphore, #tpu.memory_space<semaphore_mem>>)
    %scan3A = arith.constant 0 : i32
    %scan3A_59 = arith.constant 0 : i32
    %scan3A_60 = arith.constant 19 : i32
    %scan3A_61 = arith.addi %scan3A_59, %scan3A_60 : i32
    %scan3A_62 = arith.constant 1 : i32
    scf.for %scan3A_155 = %scan3A_59 to %scan3A_61 step %scan3A_62  : i32 {
      %mul3A_156 = arith.constant 2 : i32
      %mul3A_157 = arith.muli %scan3A_155, %mul3A_156 : i32
      %dma_wait3A_158 = arith.constant 0 : i32
      %dma_wait3A_159 = arith.constant 0 : i32
      %dma_wait3A_160 = tpu.memref_slice %arg10[%dma_wait3A_158, %dma_wait3A_159] : memref<128x128xf32, #tpu.memory_space<vmem>> -> memref<128x128xf32, #tpu.memory_space<vmem>>
      %dma_wait3A_161 = arith.constant 0 : i32
      %dma_wait3A_162 = tpu.memref_slice %arg8[%mul3A_157, %dma_wait3A_161] : memref<40x128xi32, #tpu.memory_space<vmem>> -> memref<1x128xi32, #tpu.memory_space<vmem>>
      %dma_wait3A_163 = tpu.memref_squeeze %dma_wait3A_162 : memref<1x128xi32, #tpu.memory_space<vmem>> -> memref<128xi32, #tpu.memory_space<vmem>>
      %dma_wait3A_164 = arith.constant 0 : i32
      %dma_wait3A_165 = arith.constant 0 : i32
      %dma_wait3A_166 = tpu.memref_slice %arg2[%dma_wait3A_164, %dma_wait3A_165] : memref<10000x128xf32, #tpu.memory_space<hbm>> -> memref<10000x128xf32, #tpu.memory_space<hbm>>
      tpu.wait_indirect_dma semaphore(%arg15 : memref<!tpu.dma_semaphore, #tpu.memory_space<semaphore_mem>>) src(%dma_wait3A_166 : memref<10000x128xf32, #tpu.memory_space<hbm>>) dst(%dma_wait3A_160 : memref<128x128xf32, #tpu.memory_space<vmem>>)
      %add3A = arith.constant 1 : i32
      %add3A_167 = arith.addi %mul3A_157, %add3A : i32
      %dma_start3A_168 = arith.constant 0 : i32
      %dma_start3A_169 = arith.constant 0 : i32
      %dma_start3A_170 = tpu.memref_slice %arg11[%dma_start3A_168, %dma_start3A_169] : memref<128x128xf32, #tpu.memory_space<vmem>> -> memref<128x128xf32, #tpu.memory_space<vmem>>
      %dma_start3A_171 = arith.constant 0 : i32
      %dma_start3A_172 = tpu.memref_slice %arg8[%add3A_167, %dma_start3A_171] : memref<40x128xi32, #tpu.memory_space<vmem>> -> memref<1x128xi32, #tpu.memory_space<vmem>>
      %dma_start3A_173 = tpu.memref_squeeze %dma_start3A_172 : memref<1x128xi32, #tpu.memory_space<vmem>> -> memref<128xi32, #tpu.memory_space<vmem>>
      %dma_start3A_174 = arith.constant 0 : i32
      %dma_start3A_175 = arith.constant 0 : i32
      %dma_start3A_176 = tpu.memref_slice %arg2[%dma_start3A_174, %dma_start3A_175] : memref<10000x128xf32, #tpu.memory_space<hbm>> -> memref<10000x128xf32, #tpu.memory_space<hbm>>
      tpu.enqueue_indirect_dma source(%dma_start3A_176 : memref<10000x128xf32, #tpu.memory_space<hbm>>) target(%dma_start3A_170 : memref<128x128xf32, #tpu.memory_space<vmem>>) offsets(%dma_start3A_173 : memref<128xi32, #tpu.memory_space<vmem>>) semaphore(%arg16 : memref<!tpu.dma_semaphore, #tpu.memory_space<semaphore_mem>>)
      "tpu.region"() ({
        %run_scoped3A_201 = tpu.sem_alloc : memref<!tpu.dma_semaphore, #tpu.memory_space<semaphore_mem>>
        %dma_start3A_202 = arith.constant 0 : i32
        %dma_start3A_203 = tpu.memref_slice %arg9[%mul3A_157, %dma_start3A_202] : memref<40x128xi32, #tpu.memory_space<vmem>> -> memref<1x128xi32, #tpu.memory_space<vmem>>
        %dma_start3A_204 = tpu.memref_squeeze %dma_start3A_203 : memref<1x128xi32, #tpu.memory_space<vmem>> -> memref<128xi32, #tpu.memory_space<vmem>>
        %dma_start3A_205 = arith.constant 0 : i32
        %dma_start3A_206 = arith.constant 0 : i32
        %dma_start3A_207 = tpu.memref_slice %arg13[%dma_start3A_205, %dma_start3A_206] : memref<10240x128xf32, #tpu.memory_space<vmem_shared>> -> memref<10240x128xf32, #tpu.memory_space<vmem_shared>>
        tpu.enqueue_indirect_dma source(%arg10 : memref<128x128xf32, #tpu.memory_space<vmem>>) target(%dma_start3A_207 : memref<10240x128xf32, #tpu.memory_space<vmem_shared>>) offsets(%dma_start3A_204 : memref<128xi32, #tpu.memory_space<vmem>>) semaphore(%run_scoped3A_201 : memref<!tpu.dma_semaphore, #tpu.memory_space<semaphore_mem>>) {add = true}
        %dma_wait3A_208 = arith.constant 0 : i32
        %dma_wait3A_209 = tpu.memref_slice %arg9[%mul3A_157, %dma_wait3A_208] : memref<40x128xi32, #tpu.memory_space<vmem>> -> memref<1x128xi32, #tpu.memory_space<vmem>>
        %dma_wait3A_210 = tpu.memref_squeeze %dma_wait3A_209 : memref<1x128xi32, #tpu.memory_space<vmem>> -> memref<128xi32, #tpu.memory_space<vmem>>
        %dma_wait3A_211 = arith.constant 0 : i32
        %dma_wait3A_212 = arith.constant 0 : i32
        %dma_wait3A_213 = tpu.memref_slice %arg13[%dma_wait3A_211, %dma_wait3A_212] : memref<10240x128xf32, #tpu.memory_space<vmem_shared>> -> memref<10240x128xf32, #tpu.memory_space<vmem_shared>>
        tpu.wait_indirect_dma semaphore(%run_scoped3A_201 : memref<!tpu.dma_semaphore, #tpu.memory_space<semaphore_mem>>) src(%arg10 : memref<128x128xf32, #tpu.memory_space<vmem>>) dst(%dma_wait3A_213 : memref<10240x128xf32, #tpu.memory_space<vmem_shared>>)
        tpu.yield
      }) : () -> ()
      "tpu.region"() ({
        %run_scoped3A_201 = tpu.sem_alloc : memref<!tpu.dma_semaphore, #tpu.memory_space<semaphore_mem>>
        %dma_start3A_202 = arith.constant 0 : i32
        %dma_start3A_203 = tpu.memref_slice %arg9[%mul3A_157, %dma_start3A_202] : memref<40x128xi32, #tpu.memory_space<vmem>> -> memref<1x128xi32, #tpu.memory_space<vmem>>
        %dma_start3A_204 = tpu.memref_squeeze %dma_start3A_203 : memref<1x128xi32, #tpu.memory_space<vmem>> -> memref<128xi32, #tpu.memory_space<vmem>>
        %dma_start3A_205 = arith.constant 0 : i32
        %dma_start3A_206 = tpu.memref_slice %arg14[%dma_start3A_205] : memref<10240xf32, #tpu.memory_space<vmem_shared>> -> memref<10240xf32, #tpu.memory_space<vmem_shared>>
        tpu.enqueue_indirect_dma source(%arg12 : memref<128xf32, #tpu.memory_space<vmem>>) target(%dma_start3A_206 : memref<10240xf32, #tpu.memory_space<vmem_shared>>) offsets(%dma_start3A_204 : memref<128xi32, #tpu.memory_space<vmem>>) semaphore(%run_scoped3A_201 : memref<!tpu.dma_semaphore, #tpu.memory_space<semaphore_mem>>) {add = true}
        %dma_wait3A_207 = arith.constant 0 : i32
        %dma_wait3A_208 = tpu.memref_slice %arg9[%mul3A_157, %dma_wait3A_207] : memref<40x128xi32, #tpu.memory_space<vmem>> -> memref<1x128xi32, #tpu.memory_space<vmem>>
        %dma_wait3A_209 = tpu.memref_squeeze %dma_wait3A_208 : memref<1x128xi32, #tpu.memory_space<vmem>> -> memref<128xi32, #tpu.memory_space<vmem>>
        %dma_wait3A_210 = arith.constant 0 : i32
        %dma_wait3A_211 = tpu.memref_slice %arg14[%dma_wait3A_210] : memref<10240xf32, #tpu.memory_space<vmem_shared>> -> memref<10240xf32, #tpu.memory_space<vmem_shared>>
        tpu.wait_indirect_dma semaphore(%run_scoped3A_201 : memref<!tpu.dma_semaphore, #tpu.memory_space<semaphore_mem>>) src(%arg12 : memref<128xf32, #tpu.memory_space<vmem>>) dst(%dma_wait3A_211 : memref<10240xf32, #tpu.memory_space<vmem_shared>>)
        tpu.yield
      }) : () -> ()
      %add3A_177 = arith.constant 1 : i32
      %add3A_178 = arith.addi %mul3A_157, %add3A_177 : i32
      %dma_wait3A_179 = arith.constant 0 : i32
      %dma_wait3A_180 = arith.constant 0 : i32
      %dma_wait3A_181 = tpu.memref_slice %arg11[%dma_wait3A_179, %dma_wait3A_180] : memref<128x128xf32, #tpu.memory_space<vmem>> -> memref<128x128xf32, #tpu.memory_space<vmem>>
      %dma_wait3A_182 = arith.constant 0 : i32
      %dma_wait3A_183 = tpu.memref_slice %arg8[%add3A_178, %dma_wait3A_182] : memref<40x128xi32, #tpu.memory_space<vmem>> -> memref<1x128xi32, #tpu.memory_space<vmem>>
      %dma_wait3A_184 = tpu.memref_squeeze %dma_wait3A_183 : memref<1x128xi32, #tpu.memory_space<vmem>> -> memref<128xi32, #tpu.memory_space<vmem>>
      %dma_wait3A_185 = arith.constant 0 : i32
      %dma_wait3A_186 = arith.constant 0 : i32
      %dma_wait3A_187 = tpu.memref_slice %arg2[%dma_wait3A_185, %dma_wait3A_186] : memref<10000x128xf32, #tpu.memory_space<hbm>> -> memref<10000x128xf32, #tpu.memory_space<hbm>>
      tpu.wait_indirect_dma semaphore(%arg16 : memref<!tpu.dma_semaphore, #tpu.memory_space<semaphore_mem>>) src(%dma_wait3A_187 : memref<10000x128xf32, #tpu.memory_space<hbm>>) dst(%dma_wait3A_181 : memref<128x128xf32, #tpu.memory_space<vmem>>)
      %add3A_188 = arith.constant 2 : i32
      %add3A_189 = arith.addi %mul3A_157, %add3A_188 : i32
      %dma_start3A_190 = arith.constant 0 : i32
      %dma_start3A_191 = arith.constant 0 : i32
      %dma_start3A_192 = tpu.memref_slice %arg10[%dma_start3A_190, %dma_start3A_191] : memref<128x128xf32, #tpu.memory_space<vmem>> -> memref<128x128xf32, #tpu.memory_space<vmem>>
      %dma_start3A_193 = arith.constant 0 : i32
      %dma_start3A_194 = tpu.memref_slice %arg8[%add3A_189, %dma_start3A_193] : memref<40x128xi32, #tpu.memory_space<vmem>> -> memref<1x128xi32, #tpu.memory_space<vmem>>
      %dma_start3A_195 = tpu.memref_squeeze %dma_start3A_194 : memref<1x128xi32, #tpu.memory_space<vmem>> -> memref<128xi32, #tpu.memory_space<vmem>>
      %dma_start3A_196 = arith.constant 0 : i32
      %dma_start3A_197 = arith.constant 0 : i32
      %dma_start3A_198 = tpu.memref_slice %arg2[%dma_start3A_196, %dma_start3A_197] : memref<10000x128xf32, #tpu.memory_space<hbm>> -> memref<10000x128xf32, #tpu.memory_space<hbm>>
      tpu.enqueue_indirect_dma source(%dma_start3A_198 : memref<10000x128xf32, #tpu.memory_space<hbm>>) target(%dma_start3A_192 : memref<128x128xf32, #tpu.memory_space<vmem>>) offsets(%dma_start3A_195 : memref<128xi32, #tpu.memory_space<vmem>>) semaphore(%arg15 : memref<!tpu.dma_semaphore, #tpu.memory_space<semaphore_mem>>)
      %add3A_199 = arith.constant 1 : i32
      %add3A_200 = arith.addi %mul3A_157, %add3A_199 : i32
      "tpu.region"() ({
        %run_scoped3A_201 = tpu.sem_alloc : memref<!tpu.dma_semaphore, #tpu.memory_space<semaphore_mem>>
        %dma_start3A_202 = arith.constant 0 : i32
        %dma_start3A_203 = tpu.memref_slice %arg9[%add3A_200, %dma_start3A_202] : memref<40x128xi32, #tpu.memory_space<vmem>> -> memref<1x128xi32, #tpu.memory_space<vmem>>
        %dma_start3A_204 = tpu.memref_squeeze %dma_start3A_203 : memref<1x128xi32, #tpu.memory_space<vmem>> -> memref<128xi32, #tpu.memory_space<vmem>>
        %dma_start3A_205 = arith.constant 0 : i32
        %dma_start3A_206 = arith.constant 0 : i32
        %dma_start3A_207 = tpu.memref_slice %arg13[%dma_start3A_205, %dma_start3A_206] : memref<10240x128xf32, #tpu.memory_space<vmem_shared>> -> memref<10240x128xf32, #tpu.memory_space<vmem_shared>>
        tpu.enqueue_indirect_dma source(%arg11 : memref<128x128xf32, #tpu.memory_space<vmem>>) target(%dma_start3A_207 : memref<10240x128xf32, #tpu.memory_space<vmem_shared>>) offsets(%dma_start3A_204 : memref<128xi32, #tpu.memory_space<vmem>>) semaphore(%run_scoped3A_201 : memref<!tpu.dma_semaphore, #tpu.memory_space<semaphore_mem>>) {add = true}
        %dma_wait3A_208 = arith.constant 0 : i32
        %dma_wait3A_209 = tpu.memref_slice %arg9[%add3A_200, %dma_wait3A_208] : memref<40x128xi32, #tpu.memory_space<vmem>> -> memref<1x128xi32, #tpu.memory_space<vmem>>
        %dma_wait3A_210 = tpu.memref_squeeze %dma_wait3A_209 : memref<1x128xi32, #tpu.memory_space<vmem>> -> memref<128xi32, #tpu.memory_space<vmem>>
        %dma_wait3A_211 = arith.constant 0 : i32
        %dma_wait3A_212 = arith.constant 0 : i32
        %dma_wait3A_213 = tpu.memref_slice %arg13[%dma_wait3A_211, %dma_wait3A_212] : memref<10240x128xf32, #tpu.memory_space<vmem_shared>> -> memref<10240x128xf32, #tpu.memory_space<vmem_shared>>
        tpu.wait_indirect_dma semaphore(%run_scoped3A_201 : memref<!tpu.dma_semaphore, #tpu.memory_space<semaphore_mem>>) src(%arg11 : memref<128x128xf32, #tpu.memory_space<vmem>>) dst(%dma_wait3A_213 : memref<10240x128xf32, #tpu.memory_space<vmem_shared>>)
        tpu.yield
      }) : () -> ()
      "tpu.region"() ({
        %run_scoped3A_201 = tpu.sem_alloc : memref<!tpu.dma_semaphore, #tpu.memory_space<semaphore_mem>>
        %dma_start3A_202 = arith.constant 0 : i32
        %dma_start3A_203 = tpu.memref_slice %arg9[%add3A_200, %dma_start3A_202] : memref<40x128xi32, #tpu.memory_space<vmem>> -> memref<1x128xi32, #tpu.memory_space<vmem>>
        %dma_start3A_204 = tpu.memref_squeeze %dma_start3A_203 : memref<1x128xi32, #tpu.memory_space<vmem>> -> memref<128xi32, #tpu.memory_space<vmem>>
        %dma_start3A_205 = arith.constant 0 : i32
        %dma_start3A_206 = tpu.memref_slice %arg14[%dma_start3A_205] : memref<10240xf32, #tpu.memory_space<vmem_shared>> -> memref<10240xf32, #tpu.memory_space<vmem_shared>>
        tpu.enqueue_indirect_dma source(%arg12 : memref<128xf32, #tpu.memory_space<vmem>>) target(%dma_start3A_206 : memref<10240xf32, #tpu.memory_space<vmem_shared>>) offsets(%dma_start3A_204 : memref<128xi32, #tpu.memory_space<vmem>>) semaphore(%run_scoped3A_201 : memref<!tpu.dma_semaphore, #tpu.memory_space<semaphore_mem>>) {add = true}
        %dma_wait3A_207 = arith.constant 0 : i32
        %dma_wait3A_208 = tpu.memref_slice %arg9[%add3A_200, %dma_wait3A_207] : memref<40x128xi32, #tpu.memory_space<vmem>> -> memref<1x128xi32, #tpu.memory_space<vmem>>
        %dma_wait3A_209 = tpu.memref_squeeze %dma_wait3A_208 : memref<1x128xi32, #tpu.memory_space<vmem>> -> memref<128xi32, #tpu.memory_space<vmem>>
        %dma_wait3A_210 = arith.constant 0 : i32
        %dma_wait3A_211 = tpu.memref_slice %arg14[%dma_wait3A_210] : memref<10240xf32, #tpu.memory_space<vmem_shared>> -> memref<10240xf32, #tpu.memory_space<vmem_shared>>
        tpu.wait_indirect_dma semaphore(%run_scoped3A_201 : memref<!tpu.dma_semaphore, #tpu.memory_space<semaphore_mem>>) src(%arg12 : memref<128xf32, #tpu.memory_space<vmem>>) dst(%dma_wait3A_211 : memref<10240xf32, #tpu.memory_space<vmem_shared>>)
        tpu.yield
      }) : () -> ()
    }
    %scan3A_63 = arith.constant 19 : i32
    %dma_wait3A = arith.constant 38 : i32
    %dma_wait3A_64 = arith.constant 0 : i32
    %dma_wait3A_65 = arith.constant 0 : i32
    %dma_wait3A_66 = tpu.memref_slice %arg10[%dma_wait3A_64, %dma_wait3A_65] : memref<128x128xf32, #tpu.memory_space<vmem>> -> memref<128x128xf32, #tpu.memory_space<vmem>>
    %dma_wait3A_67 = arith.constant 0 : i32
    %dma_wait3A_68 = tpu.memref_slice %arg8[%dma_wait3A, %dma_wait3A_67] : memref<40x128xi32, #tpu.memory_space<vmem>> -> memref<1x128xi32, #tpu.memory_space<vmem>>
    %dma_wait3A_69 = tpu.memref_squeeze %dma_wait3A_68 : memref<1x128xi32, #tpu.memory_space<vmem>> -> memref<128xi32, #tpu.memory_space<vmem>>
    %dma_wait3A_70 = arith.constant 0 : i32
    %dma_wait3A_71 = arith.constant 0 : i32
    %dma_wait3A_72 = tpu.memref_slice %arg2[%dma_wait3A_70, %dma_wait3A_71] : memref<10000x128xf32, #tpu.memory_space<hbm>> -> memref<10000x128xf32, #tpu.memory_space<hbm>>
    tpu.wait_indirect_dma semaphore(%arg15 : memref<!tpu.dma_semaphore, #tpu.memory_space<semaphore_mem>>) src(%dma_wait3A_72 : memref<10000x128xf32, #tpu.memory_space<hbm>>) dst(%dma_wait3A_66 : memref<128x128xf32, #tpu.memory_space<vmem>>)
    %dma_start3A_73 = arith.constant 39 : i32
    %dma_start3A_74 = arith.constant 0 : i32
    %dma_start3A_75 = arith.constant 0 : i32
    %dma_start3A_76 = tpu.memref_slice %arg11[%dma_start3A_74, %dma_start3A_75] : memref<128x128xf32, #tpu.memory_space<vmem>> -> memref<128x128xf32, #tpu.memory_space<vmem>>
    %dma_start3A_77 = arith.constant 0 : i32
    %dma_start3A_78 = tpu.memref_slice %arg8[%dma_start3A_73, %dma_start3A_77] : memref<40x128xi32, #tpu.memory_space<vmem>> -> memref<1x128xi32, #tpu.memory_space<vmem>>
    %dma_start3A_79 = tpu.memref_squeeze %dma_start3A_78 : memref<1x128xi32, #tpu.memory_space<vmem>> -> memref<128xi32, #tpu.memory_space<vmem>>
    %dma_start3A_80 = arith.constant 0 : i32
    %dma_start3A_81 = arith.constant 0 : i32
    %dma_start3A_82 = tpu.memref_slice %arg2[%dma_start3A_80, %dma_start3A_81] : memref<10000x128xf32, #tpu.memory_space<hbm>> -> memref<10000x128xf32, #tpu.memory_space<hbm>>
    tpu.enqueue_indirect_dma source(%dma_start3A_82 : memref<10000x128xf32, #tpu.memory_space<hbm>>) target(%dma_start3A_76 : memref<128x128xf32, #tpu.memory_space<vmem>>) offsets(%dma_start3A_79 : memref<128xi32, #tpu.memory_space<vmem>>) semaphore(%arg16 : memref<!tpu.dma_semaphore, #tpu.memory_space<semaphore_mem>>)
    %run_scoped3A_83 = arith.constant 38 : i32
    "tpu.region"() ({
      %run_scoped3A_155 = tpu.sem_alloc : memref<!tpu.dma_semaphore, #tpu.memory_space<semaphore_mem>>
      %dma_start3A_156 = arith.constant 0 : i32
      %dma_start3A_157 = tpu.memref_slice %arg9[%run_scoped3A_83, %dma_start3A_156] : memref<40x128xi32, #tpu.memory_space<vmem>> -> memref<1x128xi32, #tpu.memory_space<vmem>>
      %dma_start3A_158 = tpu.memref_squeeze %dma_start3A_157 : memref<1x128xi32, #tpu.memory_space<vmem>> -> memref<128xi32, #tpu.memory_space<vmem>>
      %dma_start3A_159 = arith.constant 0 : i32
      %dma_start3A_160 = arith.constant 0 : i32
      %dma_start3A_161 = tpu.memref_slice %arg13[%dma_start3A_159, %dma_start3A_160] : memref<10240x128xf32, #tpu.memory_space<vmem_shared>> -> memref<10240x128xf32, #tpu.memory_space<vmem_shared>>
      tpu.enqueue_indirect_dma source(%arg10 : memref<128x128xf32, #tpu.memory_space<vmem>>) target(%dma_start3A_161 : memref<10240x128xf32, #tpu.memory_space<vmem_shared>>) offsets(%dma_start3A_158 : memref<128xi32, #tpu.memory_space<vmem>>) semaphore(%run_scoped3A_155 : memref<!tpu.dma_semaphore, #tpu.memory_space<semaphore_mem>>) {add = true}
      %dma_wait3A_162 = arith.constant 0 : i32
      %dma_wait3A_163 = tpu.memref_slice %arg9[%run_scoped3A_83, %dma_wait3A_162] : memref<40x128xi32, #tpu.memory_space<vmem>> -> memref<1x128xi32, #tpu.memory_space<vmem>>
      %dma_wait3A_164 = tpu.memref_squeeze %dma_wait3A_163 : memref<1x128xi32, #tpu.memory_space<vmem>> -> memref<128xi32, #tpu.memory_space<vmem>>
      %dma_wait3A_165 = arith.constant 0 : i32
      %dma_wait3A_166 = arith.constant 0 : i32
      %dma_wait3A_167 = tpu.memref_slice %arg13[%dma_wait3A_165, %dma_wait3A_166] : memref<10240x128xf32, #tpu.memory_space<vmem_shared>> -> memref<10240x128xf32, #tpu.memory_space<vmem_shared>>
      tpu.wait_indirect_dma semaphore(%run_scoped3A_155 : memref<!tpu.dma_semaphore, #tpu.memory_space<semaphore_mem>>) src(%arg10 : memref<128x128xf32, #tpu.memory_space<vmem>>) dst(%dma_wait3A_167 : memref<10240x128xf32, #tpu.memory_space<vmem_shared>>)
      tpu.yield
    }) : () -> ()
    %run_scoped3A_84 = arith.constant 38 : i32
    "tpu.region"() ({
      %run_scoped3A_155 = tpu.sem_alloc : memref<!tpu.dma_semaphore, #tpu.memory_space<semaphore_mem>>
      %dma_start3A_156 = arith.constant 0 : i32
      %dma_start3A_157 = tpu.memref_slice %arg9[%run_scoped3A_84, %dma_start3A_156] : memref<40x128xi32, #tpu.memory_space<vmem>> -> memref<1x128xi32, #tpu.memory_space<vmem>>
      %dma_start3A_158 = tpu.memref_squeeze %dma_start3A_157 : memref<1x128xi32, #tpu.memory_space<vmem>> -> memref<128xi32, #tpu.memory_space<vmem>>
      %dma_start3A_159 = arith.constant 0 : i32
      %dma_start3A_160 = tpu.memref_slice %arg14[%dma_start3A_159] : memref<10240xf32, #tpu.memory_space<vmem_shared>> -> memref<10240xf32, #tpu.memory_space<vmem_shared>>
      tpu.enqueue_indirect_dma source(%arg12 : memref<128xf32, #tpu.memory_space<vmem>>) target(%dma_start3A_160 : memref<10240xf32, #tpu.memory_space<vmem_shared>>) offsets(%dma_start3A_158 : memref<128xi32, #tpu.memory_space<vmem>>) semaphore(%run_scoped3A_155 : memref<!tpu.dma_semaphore, #tpu.memory_space<semaphore_mem>>) {add = true}
      %dma_wait3A_161 = arith.constant 0 : i32
      %dma_wait3A_162 = tpu.memref_slice %arg9[%run_scoped3A_84, %dma_wait3A_161] : memref<40x128xi32, #tpu.memory_space<vmem>> -> memref<1x128xi32, #tpu.memory_space<vmem>>
      %dma_wait3A_163 = tpu.memref_squeeze %dma_wait3A_162 : memref<1x128xi32, #tpu.memory_space<vmem>> -> memref<128xi32, #tpu.memory_space<vmem>>
      %dma_wait3A_164 = arith.constant 0 : i32
      %dma_wait3A_165 = tpu.memref_slice %arg14[%dma_wait3A_164] : memref<10240xf32, #tpu.memory_space<vmem_shared>> -> memref<10240xf32, #tpu.memory_space<vmem_shared>>
      tpu.wait_indirect_dma semaphore(%run_scoped3A_155 : memref<!tpu.dma_semaphore, #tpu.memory_space<semaphore_mem>>) src(%arg12 : memref<128xf32, #tpu.memory_space<vmem>>) dst(%dma_wait3A_165 : memref<10240xf32, #tpu.memory_space<vmem_shared>>)
      tpu.yield
    }) : () -> ()
    %dma_wait3A_85 = arith.constant 39 : i32
    %dma_wait3A_86 = arith.constant 0 : i32
    %dma_wait3A_87 = arith.constant 0 : i32
    %dma_wait3A_88 = tpu.memref_slice %arg11[%dma_wait3A_86, %dma_wait3A_87] : memref<128x128xf32, #tpu.memory_space<vmem>> -> memref<128x128xf32, #tpu.memory_space<vmem>>
    %dma_wait3A_89 = arith.constant 0 : i32
    %dma_wait3A_90 = tpu.memref_slice %arg8[%dma_wait3A_85, %dma_wait3A_89] : memref<40x128xi32, #tpu.memory_space<vmem>> -> memref<1x128xi32, #tpu.memory_space<vmem>>
    %dma_wait3A_91 = tpu.memref_squeeze %dma_wait3A_90 : memref<1x128xi32, #tpu.memory_space<vmem>> -> memref<128xi32, #tpu.memory_space<vmem>>
    %dma_wait3A_92 = arith.constant 0 : i32
    %dma_wait3A_93 = arith.constant 0 : i32
    %dma_wait3A_94 = tpu.memref_slice %arg2[%dma_wait3A_92, %dma_wait3A_93] : memref<10000x128xf32, #tpu.memory_space<hbm>> -> memref<10000x128xf32, #tpu.memory_space<hbm>>
    tpu.wait_indirect_dma semaphore(%arg16 : memref<!tpu.dma_semaphore, #tpu.memory_space<semaphore_mem>>) src(%dma_wait3A_94 : memref<10000x128xf32, #tpu.memory_space<hbm>>) dst(%dma_wait3A_88 : memref<128x128xf32, #tpu.memory_space<vmem>>)
    %run_scoped3A_95 = arith.constant 39 : i32
    "tpu.region"() ({
      %run_scoped3A_155 = tpu.sem_alloc : memref<!tpu.dma_semaphore, #tpu.memory_space<semaphore_mem>>
      %dma_start3A_156 = arith.constant 0 : i32
      %dma_start3A_157 = tpu.memref_slice %arg9[%run_scoped3A_95, %dma_start3A_156] : memref<40x128xi32, #tpu.memory_space<vmem>> -> memref<1x128xi32, #tpu.memory_space<vmem>>
      %dma_start3A_158 = tpu.memref_squeeze %dma_start3A_157 : memref<1x128xi32, #tpu.memory_space<vmem>> -> memref<128xi32, #tpu.memory_space<vmem>>
      %dma_start3A_159 = arith.constant 0 : i32
      %dma_start3A_160 = arith.constant 0 : i32
      %dma_start3A_161 = tpu.memref_slice %arg13[%dma_start3A_159, %dma_start3A_160] : memref<10240x128xf32, #tpu.memory_space<vmem_shared>> -> memref<10240x128xf32, #tpu.memory_space<vmem_shared>>
      tpu.enqueue_indirect_dma source(%arg11 : memref<128x128xf32, #tpu.memory_space<vmem>>) target(%dma_start3A_161 : memref<10240x128xf32, #tpu.memory_space<vmem_shared>>) offsets(%dma_start3A_158 : memref<128xi32, #tpu.memory_space<vmem>>) semaphore(%run_scoped3A_155 : memref<!tpu.dma_semaphore, #tpu.memory_space<semaphore_mem>>) {add = true}
      %dma_wait3A_162 = arith.constant 0 : i32
      %dma_wait3A_163 = tpu.memref_slice %arg9[%run_scoped3A_95, %dma_wait3A_162] : memref<40x128xi32, #tpu.memory_space<vmem>> -> memref<1x128xi32, #tpu.memory_space<vmem>>
      %dma_wait3A_164 = tpu.memref_squeeze %dma_wait3A_163 : memref<1x128xi32, #tpu.memory_space<vmem>> -> memref<128xi32, #tpu.memory_space<vmem>>
      %dma_wait3A_165 = arith.constant 0 : i32
      %dma_wait3A_166 = arith.constant 0 : i32
      %dma_wait3A_167 = tpu.memref_slice %arg13[%dma_wait3A_165, %dma_wait3A_166] : memref<10240x128xf32, #tpu.memory_space<vmem_shared>> -> memref<10240x128xf32, #tpu.memory_space<vmem_shared>>
      tpu.wait_indirect_dma semaphore(%run_scoped3A_155 : memref<!tpu.dma_semaphore, #tpu.memory_space<semaphore_mem>>) src(%arg11 : memref<128x128xf32, #tpu.memory_space<vmem>>) dst(%dma_wait3A_167 : memref<10240x128xf32, #tpu.memory_space<vmem_shared>>)
      tpu.yield
    }) : () -> ()
    %run_scoped3A_96 = arith.constant 39 : i32
    "tpu.region"() ({
      %run_scoped3A_155 = tpu.sem_alloc : memref<!tpu.dma_semaphore, #tpu.memory_space<semaphore_mem>>
      %dma_start3A_156 = arith.constant 0 : i32
      %dma_start3A_157 = tpu.memref_slice %arg9[%run_scoped3A_96, %dma_start3A_156] : memref<40x128xi32, #tpu.memory_space<vmem>> -> memref<1x128xi32, #tpu.memory_space<vmem>>
      %dma_start3A_158 = tpu.memref_squeeze %dma_start3A_157 : memref<1x128xi32, #tpu.memory_space<vmem>> -> memref<128xi32, #tpu.memory_space<vmem>>
      %dma_start3A_159 = arith.constant 0 : i32
      %dma_start3A_160 = tpu.memref_slice %arg14[%dma_start3A_159] : memref<10240xf32, #tpu.memory_space<vmem_shared>> -> memref<10240xf32, #tpu.memory_space<vmem_shared>>
      tpu.enqueue_indirect_dma source(%arg12 : memref<128xf32, #tpu.memory_space<vmem>>) target(%dma_start3A_160 : memref<10240xf32, #tpu.memory_space<vmem_shared>>) offsets(%dma_start3A_158 : memref<128xi32, #tpu.memory_space<vmem>>) semaphore(%run_scoped3A_155 : memref<!tpu.dma_semaphore, #tpu.memory_space<semaphore_mem>>) {add = true}
      %dma_wait3A_161 = arith.constant 0 : i32
      %dma_wait3A_162 = tpu.memref_slice %arg9[%run_scoped3A_96, %dma_wait3A_161] : memref<40x128xi32, #tpu.memory_space<vmem>> -> memref<1x128xi32, #tpu.memory_space<vmem>>
      %dma_wait3A_163 = tpu.memref_squeeze %dma_wait3A_162 : memref<1x128xi32, #tpu.memory_space<vmem>> -> memref<128xi32, #tpu.memory_space<vmem>>
      %dma_wait3A_164 = arith.constant 0 : i32
      %dma_wait3A_165 = tpu.memref_slice %arg14[%dma_wait3A_164] : memref<10240xf32, #tpu.memory_space<vmem_shared>> -> memref<10240xf32, #tpu.memory_space<vmem_shared>>
      tpu.wait_indirect_dma semaphore(%run_scoped3A_155 : memref<!tpu.dma_semaphore, #tpu.memory_space<semaphore_mem>>) src(%arg12 : memref<128xf32, #tpu.memory_space<vmem>>) dst(%dma_wait3A_165 : memref<10240xf32, #tpu.memory_space<vmem_shared>>)
      tpu.yield
    }) : () -> ()
    %run_scoped3A_97 = arith.constant 0 : i32
    "tpu.region"() ({
      %run_scoped3A_155 = tpu.sem_alloc : memref<!tpu.dma_semaphore, #tpu.memory_space<semaphore_mem>>
      %dma_start3A_156 = arith.constant 40 : i32
      %dma_start3A_157 = arith.constant 0 : i32
      %dma_start3A_158 = tpu.memref_slice %arg3[%run_scoped3A_97, %arg0, %arg1, %dma_start3A_156, %dma_start3A_157] : memref<2x2x16x80x128xi32, #tpu.memory_space<hbm>> -> memref<1x1x1x40x128xi32, #tpu.memory_space<hbm>>
      %dma_start3A_159 = tpu.memref_squeeze %dma_start3A_158 : memref<1x1x1x40x128xi32, #tpu.memory_space<hbm>> -> memref<40x128xi32, #tpu.memory_space<hbm>>
      %dma_start3A_160 = arith.constant 40 : i32
      %dma_start3A_161 = arith.constant 0 : i32
      %dma_start3A_162 = tpu.memref_slice %arg3[%run_scoped3A_97, %arg0, %arg1, %dma_start3A_160, %dma_start3A_161] : memref<2x2x16x80x128xi32, #tpu.memory_space<hbm>> -> memref<1x1x1x40x128xi32, #tpu.memory_space<hbm>>
      %dma_start3A_163 = tpu.memref_squeeze %dma_start3A_162 : memref<1x1x1x40x128xi32, #tpu.memory_space<hbm>> -> memref<40x128xi32, #tpu.memory_space<hbm>>
      tpu.enqueue_dma source(%dma_start3A_163 : memref<40x128xi32, #tpu.memory_space<hbm>>) target(%arg8 : memref<40x128xi32, #tpu.memory_space<vmem>>) target_semaphore(%run_scoped3A_155 : memref<!tpu.dma_semaphore, #tpu.memory_space<semaphore_mem>>)
      %dma_wait3A_164 = arith.constant 40 : i32
      %dma_wait3A_165 = arith.constant 0 : i32
      %dma_wait3A_166 = tpu.memref_slice %arg3[%run_scoped3A_97, %arg0, %arg1, %dma_wait3A_164, %dma_wait3A_165] : memref<2x2x16x80x128xi32, #tpu.memory_space<hbm>> -> memref<1x1x1x40x128xi32, #tpu.memory_space<hbm>>
      %dma_wait3A_167 = tpu.memref_squeeze %dma_wait3A_166 : memref<1x1x1x40x128xi32, #tpu.memory_space<hbm>> -> memref<40x128xi32, #tpu.memory_space<hbm>>
      %dma_wait3A_168 = arith.constant 40 : i32
      %dma_wait3A_169 = arith.constant 0 : i32
      %dma_wait3A_170 = tpu.memref_slice %arg3[%run_scoped3A_97, %arg0, %arg1, %dma_wait3A_168, %dma_wait3A_169] : memref<2x2x16x80x128xi32, #tpu.memory_space<hbm>> -> memref<1x1x1x40x128xi32, #tpu.memory_space<hbm>>
      %dma_wait3A_171 = tpu.memref_squeeze %dma_wait3A_170 : memref<1x1x1x40x128xi32, #tpu.memory_space<hbm>> -> memref<40x128xi32, #tpu.memory_space<hbm>>
      tpu.wait_dma2 semaphore(%run_scoped3A_155 : memref<!tpu.dma_semaphore, #tpu.memory_space<semaphore_mem>>) src(%dma_wait3A_171 : memref<40x128xi32, #tpu.memory_space<hbm>>) dst(%arg8 : memref<40x128xi32, #tpu.memory_space<vmem>>)
      tpu.yield
    }) : () -> ()
    %run_scoped3A_98 = arith.constant 1 : i32
    "tpu.region"() ({
      %run_scoped3A_155 = tpu.sem_alloc : memref<!tpu.dma_semaphore, #tpu.memory_space<semaphore_mem>>
      %dma_start3A_156 = arith.constant 40 : i32
      %dma_start3A_157 = arith.constant 0 : i32
      %dma_start3A_158 = tpu.memref_slice %arg3[%run_scoped3A_98, %arg0, %arg1, %dma_start3A_156, %dma_start3A_157] : memref<2x2x16x80x128xi32, #tpu.memory_space<hbm>> -> memref<1x1x1x40x128xi32, #tpu.memory_space<hbm>>
      %dma_start3A_159 = tpu.memref_squeeze %dma_start3A_158 : memref<1x1x1x40x128xi32, #tpu.memory_space<hbm>> -> memref<40x128xi32, #tpu.memory_space<hbm>>
      %dma_start3A_160 = arith.constant 40 : i32
      %dma_start3A_161 = arith.constant 0 : i32
      %dma_start3A_162 = tpu.memref_slice %arg3[%run_scoped3A_98, %arg0, %arg1, %dma_start3A_160, %dma_start3A_161] : memref<2x2x16x80x128xi32, #tpu.memory_space<hbm>> -> memref<1x1x1x40x128xi32, #tpu.memory_space<hbm>>
      %dma_start3A_163 = tpu.memref_squeeze %dma_start3A_162 : memref<1x1x1x40x128xi32, #tpu.memory_space<hbm>> -> memref<40x128xi32, #tpu.memory_space<hbm>>
      tpu.enqueue_dma source(%dma_start3A_163 : memref<40x128xi32, #tpu.memory_space<hbm>>) target(%arg9 : memref<40x128xi32, #tpu.memory_space<vmem>>) target_semaphore(%run_scoped3A_155 : memref<!tpu.dma_semaphore, #tpu.memory_space<semaphore_mem>>)
      %dma_wait3A_164 = arith.constant 40 : i32
      %dma_wait3A_165 = arith.constant 0 : i32
      %dma_wait3A_166 = tpu.memref_slice %arg3[%run_scoped3A_98, %arg0, %arg1, %dma_wait3A_164, %dma_wait3A_165] : memref<2x2x16x80x128xi32, #tpu.memory_space<hbm>> -> memref<1x1x1x40x128xi32, #tpu.memory_space<hbm>>
      %dma_wait3A_167 = tpu.memref_squeeze %dma_wait3A_166 : memref<1x1x1x40x128xi32, #tpu.memory_space<hbm>> -> memref<40x128xi32, #tpu.memory_space<hbm>>
      %dma_wait3A_168 = arith.constant 40 : i32
      %dma_wait3A_169 = arith.constant 0 : i32
      %dma_wait3A_170 = tpu.memref_slice %arg3[%run_scoped3A_98, %arg0, %arg1, %dma_wait3A_168, %dma_wait3A_169] : memref<2x2x16x80x128xi32, #tpu.memory_space<hbm>> -> memref<1x1x1x40x128xi32, #tpu.memory_space<hbm>>
      %dma_wait3A_171 = tpu.memref_squeeze %dma_wait3A_170 : memref<1x1x1x40x128xi32, #tpu.memory_space<hbm>> -> memref<40x128xi32, #tpu.memory_space<hbm>>
      tpu.wait_dma2 semaphore(%run_scoped3A_155 : memref<!tpu.dma_semaphore, #tpu.memory_space<semaphore_mem>>) src(%dma_wait3A_171 : memref<40x128xi32, #tpu.memory_space<hbm>>) dst(%arg9 : memref<40x128xi32, #tpu.memory_space<vmem>>)
      tpu.yield
    }) : () -> ()
    %dma_start3A_99 = arith.constant 0 : i32
    %dma_start3A_100 = arith.constant 0 : i32
    %dma_start3A_101 = arith.constant 0 : i32
    %dma_start3A_102 = tpu.memref_slice %arg10[%dma_start3A_100, %dma_start3A_101] : memref<128x128xf32, #tpu.memory_space<vmem>> -> memref<128x128xf32, #tpu.memory_space<vmem>>
    %dma_start3A_103 = arith.constant 0 : i32
    %dma_start3A_104 = tpu.memref_slice %arg8[%dma_start3A_99, %dma_start3A_103] : memref<40x128xi32, #tpu.memory_space<vmem>> -> memref<1x128xi32, #tpu.memory_space<vmem>>
    %dma_start3A_105 = tpu.memref_squeeze %dma_start3A_104 : memref<1x128xi32, #tpu.memory_space<vmem>> -> memref<128xi32, #tpu.memory_space<vmem>>
    %dma_start3A_106 = arith.constant 0 : i32
    %dma_start3A_107 = arith.constant 0 : i32
    %dma_start3A_108 = tpu.memref_slice %arg2[%dma_start3A_106, %dma_start3A_107] : memref<10000x128xf32, #tpu.memory_space<hbm>> -> memref<10000x128xf32, #tpu.memory_space<hbm>>
    tpu.enqueue_indirect_dma source(%dma_start3A_108 : memref<10000x128xf32, #tpu.memory_space<hbm>>) target(%dma_start3A_102 : memref<128x128xf32, #tpu.memory_space<vmem>>) offsets(%dma_start3A_105 : memref<128xi32, #tpu.memory_space<vmem>>) semaphore(%arg15 : memref<!tpu.dma_semaphore, #tpu.memory_space<semaphore_mem>>)
    %scan3A_109 = arith.constant 0 : i32
    %scan3A_110 = arith.constant 0 : i32
    %scan3A_111 = arith.constant 19 : i32
    %scan3A_112 = arith.addi %scan3A_110, %scan3A_111 : i32
    %scan3A_113 = arith.constant 1 : i32
    scf.for %scan3A_155 = %scan3A_110 to %scan3A_112 step %scan3A_113  : i32 {
      %mul3A_156 = arith.constant 2 : i32
      %mul3A_157 = arith.muli %scan3A_155, %mul3A_156 : i32
      %dma_wait3A_158 = arith.constant 0 : i32
      %dma_wait3A_159 = arith.constant 0 : i32
      %dma_wait3A_160 = tpu.memref_slice %arg10[%dma_wait3A_158, %dma_wait3A_159] : memref<128x128xf32, #tpu.memory_space<vmem>> -> memref<128x128xf32, #tpu.memory_space<vmem>>
      %dma_wait3A_161 = arith.constant 0 : i32
      %dma_wait3A_162 = tpu.memref_slice %arg8[%mul3A_157, %dma_wait3A_161] : memref<40x128xi32, #tpu.memory_space<vmem>> -> memref<1x128xi32, #tpu.memory_space<vmem>>
      %dma_wait3A_163 = tpu.memref_squeeze %dma_wait3A_162 : memref<1x128xi32, #tpu.memory_space<vmem>> -> memref<128xi32, #tpu.memory_space<vmem>>
      %dma_wait3A_164 = arith.constant 0 : i32
      %dma_wait3A_165 = arith.constant 0 : i32
      %dma_wait3A_166 = tpu.memref_slice %arg2[%dma_wait3A_164, %dma_wait3A_165] : memref<10000x128xf32, #tpu.memory_space<hbm>> -> memref<10000x128xf32, #tpu.memory_space<hbm>>
      tpu.wait_indirect_dma semaphore(%arg15 : memref<!tpu.dma_semaphore, #tpu.memory_space<semaphore_mem>>) src(%dma_wait3A_166 : memref<10000x128xf32, #tpu.memory_space<hbm>>) dst(%dma_wait3A_160 : memref<128x128xf32, #tpu.memory_space<vmem>>)
      %add3A = arith.constant 1 : i32
      %add3A_167 = arith.addi %mul3A_157, %add3A : i32
      %dma_start3A_168 = arith.constant 0 : i32
      %dma_start3A_169 = arith.constant 0 : i32
      %dma_start3A_170 = tpu.memref_slice %arg11[%dma_start3A_168, %dma_start3A_169] : memref<128x128xf32, #tpu.memory_space<vmem>> -> memref<128x128xf32, #tpu.memory_space<vmem>>
      %dma_start3A_171 = arith.constant 0 : i32
      %dma_start3A_172 = tpu.memref_slice %arg8[%add3A_167, %dma_start3A_171] : memref<40x128xi32, #tpu.memory_space<vmem>> -> memref<1x128xi32, #tpu.memory_space<vmem>>
      %dma_start3A_173 = tpu.memref_squeeze %dma_start3A_172 : memref<1x128xi32, #tpu.memory_space<vmem>> -> memref<128xi32, #tpu.memory_space<vmem>>
      %dma_start3A_174 = arith.constant 0 : i32
      %dma_start3A_175 = arith.constant 0 : i32
      %dma_start3A_176 = tpu.memref_slice %arg2[%dma_start3A_174, %dma_start3A_175] : memref<10000x128xf32, #tpu.memory_space<hbm>> -> memref<10000x128xf32, #tpu.memory_space<hbm>>
      tpu.enqueue_indirect_dma source(%dma_start3A_176 : memref<10000x128xf32, #tpu.memory_space<hbm>>) target(%dma_start3A_170 : memref<128x128xf32, #tpu.memory_space<vmem>>) offsets(%dma_start3A_173 : memref<128xi32, #tpu.memory_space<vmem>>) semaphore(%arg16 : memref<!tpu.dma_semaphore, #tpu.memory_space<semaphore_mem>>)
      "tpu.region"() ({
        %run_scoped3A_201 = tpu.sem_alloc : memref<!tpu.dma_semaphore, #tpu.memory_space<semaphore_mem>>
        %dma_start3A_202 = arith.constant 0 : i32
        %dma_start3A_203 = tpu.memref_slice %arg9[%mul3A_157, %dma_start3A_202] : memref<40x128xi32, #tpu.memory_space<vmem>> -> memref<1x128xi32, #tpu.memory_space<vmem>>
        %dma_start3A_204 = tpu.memref_squeeze %dma_start3A_203 : memref<1x128xi32, #tpu.memory_space<vmem>> -> memref<128xi32, #tpu.memory_space<vmem>>
        %dma_start3A_205 = arith.constant 0 : i32
        %dma_start3A_206 = arith.constant 0 : i32
        %dma_start3A_207 = tpu.memref_slice %arg13[%dma_start3A_205, %dma_start3A_206] : memref<10240x128xf32, #tpu.memory_space<vmem_shared>> -> memref<10240x128xf32, #tpu.memory_space<vmem_shared>>
        tpu.enqueue_indirect_dma source(%arg10 : memref<128x128xf32, #tpu.memory_space<vmem>>) target(%dma_start3A_207 : memref<10240x128xf32, #tpu.memory_space<vmem_shared>>) offsets(%dma_start3A_204 : memref<128xi32, #tpu.memory_space<vmem>>) semaphore(%run_scoped3A_201 : memref<!tpu.dma_semaphore, #tpu.memory_space<semaphore_mem>>) {add = true}
        %dma_wait3A_208 = arith.constant 0 : i32
        %dma_wait3A_209 = tpu.memref_slice %arg9[%mul3A_157, %dma_wait3A_208] : memref<40x128xi32, #tpu.memory_space<vmem>> -> memref<1x128xi32, #tpu.memory_space<vmem>>
        %dma_wait3A_210 = tpu.memref_squeeze %dma_wait3A_209 : memref<1x128xi32, #tpu.memory_space<vmem>> -> memref<128xi32, #tpu.memory_space<vmem>>
        %dma_wait3A_211 = arith.constant 0 : i32
        %dma_wait3A_212 = arith.constant 0 : i32
        %dma_wait3A_213 = tpu.memref_slice %arg13[%dma_wait3A_211, %dma_wait3A_212] : memref<10240x128xf32, #tpu.memory_space<vmem_shared>> -> memref<10240x128xf32, #tpu.memory_space<vmem_shared>>
        tpu.wait_indirect_dma semaphore(%run_scoped3A_201 : memref<!tpu.dma_semaphore, #tpu.memory_space<semaphore_mem>>) src(%arg10 : memref<128x128xf32, #tpu.memory_space<vmem>>) dst(%dma_wait3A_213 : memref<10240x128xf32, #tpu.memory_space<vmem_shared>>)
        tpu.yield
      }) : () -> ()
      "tpu.region"() ({
        %run_scoped3A_201 = tpu.sem_alloc : memref<!tpu.dma_semaphore, #tpu.memory_space<semaphore_mem>>
        %dma_start3A_202 = arith.constant 0 : i32
        %dma_start3A_203 = tpu.memref_slice %arg9[%mul3A_157, %dma_start3A_202] : memref<40x128xi32, #tpu.memory_space<vmem>> -> memref<1x128xi32, #tpu.memory_space<vmem>>
        %dma_start3A_204 = tpu.memref_squeeze %dma_start3A_203 : memref<1x128xi32, #tpu.memory_space<vmem>> -> memref<128xi32, #tpu.memory_space<vmem>>
        %dma_start3A_205 = arith.constant 0 : i32
        %dma_start3A_206 = tpu.memref_slice %arg14[%dma_start3A_205] : memref<10240xf32, #tpu.memory_space<vmem_shared>> -> memref<10240xf32, #tpu.memory_space<vmem_shared>>
        tpu.enqueue_indirect_dma source(%arg12 : memref<128xf32, #tpu.memory_space<vmem>>) target(%dma_start3A_206 : memref<10240xf32, #tpu.memory_space<vmem_shared>>) offsets(%dma_start3A_204 : memref<128xi32, #tpu.memory_space<vmem>>) semaphore(%run_scoped3A_201 : memref<!tpu.dma_semaphore, #tpu.memory_space<semaphore_mem>>) {add = true}
        %dma_wait3A_207 = arith.constant 0 : i32
        %dma_wait3A_208 = tpu.memref_slice %arg9[%mul3A_157, %dma_wait3A_207] : memref<40x128xi32, #tpu.memory_space<vmem>> -> memref<1x128xi32, #tpu.memory_space<vmem>>
        %dma_wait3A_209 = tpu.memref_squeeze %dma_wait3A_208 : memref<1x128xi32, #tpu.memory_space<vmem>> -> memref<128xi32, #tpu.memory_space<vmem>>
        %dma_wait3A_210 = arith.constant 0 : i32
        %dma_wait3A_211 = tpu.memref_slice %arg14[%dma_wait3A_210] : memref<10240xf32, #tpu.memory_space<vmem_shared>> -> memref<10240xf32, #tpu.memory_space<vmem_shared>>
        tpu.wait_indirect_dma semaphore(%run_scoped3A_201 : memref<!tpu.dma_semaphore, #tpu.memory_space<semaphore_mem>>) src(%arg12 : memref<128xf32, #tpu.memory_space<vmem>>) dst(%dma_wait3A_211 : memref<10240xf32, #tpu.memory_space<vmem_shared>>)
        tpu.yield
      }) : () -> ()
      %add3A_177 = arith.constant 1 : i32
      %add3A_178 = arith.addi %mul3A_157, %add3A_177 : i32
      %dma_wait3A_179 = arith.constant 0 : i32
      %dma_wait3A_180 = arith.constant 0 : i32
      %dma_wait3A_181 = tpu.memref_slice %arg11[%dma_wait3A_179, %dma_wait3A_180] : memref<128x128xf32, #tpu.memory_space<vmem>> -> memref<128x128xf32, #tpu.memory_space<vmem>>
      %dma_wait3A_182 = arith.constant 0 : i32
      %dma_wait3A_183 = tpu.memref_slice %arg8[%add3A_178, %dma_wait3A_182] : memref<40x128xi32, #tpu.memory_space<vmem>> -> memref<1x128xi32, #tpu.memory_space<vmem>>
      %dma_wait3A_184 = tpu.memref_squeeze %dma_wait3A_183 : memref<1x128xi32, #tpu.memory_space<vmem>> -> memref<128xi32, #tpu.memory_space<vmem>>
      %dma_wait3A_185 = arith.constant 0 : i32
      %dma_wait3A_186 = arith.constant 0 : i32
      %dma_wait3A_187 = tpu.memref_slice %arg2[%dma_wait3A_185, %dma_wait3A_186] : memref<10000x128xf32, #tpu.memory_space<hbm>> -> memref<10000x128xf32, #tpu.memory_space<hbm>>
      tpu.wait_indirect_dma semaphore(%arg16 : memref<!tpu.dma_semaphore, #tpu.memory_space<semaphore_mem>>) src(%dma_wait3A_187 : memref<10000x128xf32, #tpu.memory_space<hbm>>) dst(%dma_wait3A_181 : memref<128x128xf32, #tpu.memory_space<vmem>>)
      %add3A_188 = arith.constant 2 : i32
      %add3A_189 = arith.addi %mul3A_157, %add3A_188 : i32
      %dma_start3A_190 = arith.constant 0 : i32
      %dma_start3A_191 = arith.constant 0 : i32
      %dma_start3A_192 = tpu.memref_slice %arg10[%dma_start3A_190, %dma_start3A_191] : memref<128x128xf32, #tpu.memory_space<vmem>> -> memref<128x128xf32, #tpu.memory_space<vmem>>
      %dma_start3A_193 = arith.constant 0 : i32
      %dma_start3A_194 = tpu.memref_slice %arg8[%add3A_189, %dma_start3A_193] : memref<40x128xi32, #tpu.memory_space<vmem>> -> memref<1x128xi32, #tpu.memory_space<vmem>>
      %dma_start3A_195 = tpu.memref_squeeze %dma_start3A_194 : memref<1x128xi32, #tpu.memory_space<vmem>> -> memref<128xi32, #tpu.memory_space<vmem>>
      %dma_start3A_196 = arith.constant 0 : i32
      %dma_start3A_197 = arith.constant 0 : i32
      %dma_start3A_198 = tpu.memref_slice %arg2[%dma_start3A_196, %dma_start3A_197] : memref<10000x128xf32, #tpu.memory_space<hbm>> -> memref<10000x128xf32, #tpu.memory_space<hbm>>
      tpu.enqueue_indirect_dma source(%dma_start3A_198 : memref<10000x128xf32, #tpu.memory_space<hbm>>) target(%dma_start3A_192 : memref<128x128xf32, #tpu.memory_space<vmem>>) offsets(%dma_start3A_195 : memref<128xi32, #tpu.memory_space<vmem>>) semaphore(%arg15 : memref<!tpu.dma_semaphore, #tpu.memory_space<semaphore_mem>>)
      %add3A_199 = arith.constant 1 : i32
      %add3A_200 = arith.addi %mul3A_157, %add3A_199 : i32
      "tpu.region"() ({
        %run_scoped3A_201 = tpu.sem_alloc : memref<!tpu.dma_semaphore, #tpu.memory_space<semaphore_mem>>
        %dma_start3A_202 = arith.constant 0 : i32
        %dma_start3A_203 = tpu.memref_slice %arg9[%add3A_200, %dma_start3A_202] : memref<40x128xi32, #tpu.memory_space<vmem>> -> memref<1x128xi32, #tpu.memory_space<vmem>>
        %dma_start3A_204 = tpu.memref_squeeze %dma_start3A_203 : memref<1x128xi32, #tpu.memory_space<vmem>> -> memref<128xi32, #tpu.memory_space<vmem>>
        %dma_start3A_205 = arith.constant 0 : i32
        %dma_start3A_206 = arith.constant 0 : i32
        %dma_start3A_207 = tpu.memref_slice %arg13[%dma_start3A_205, %dma_start3A_206] : memref<10240x128xf32, #tpu.memory_space<vmem_shared>> -> memref<10240x128xf32, #tpu.memory_space<vmem_shared>>
        tpu.enqueue_indirect_dma source(%arg11 : memref<128x128xf32, #tpu.memory_space<vmem>>) target(%dma_start3A_207 : memref<10240x128xf32, #tpu.memory_space<vmem_shared>>) offsets(%dma_start3A_204 : memref<128xi32, #tpu.memory_space<vmem>>) semaphore(%run_scoped3A_201 : memref<!tpu.dma_semaphore, #tpu.memory_space<semaphore_mem>>) {add = true}
        %dma_wait3A_208 = arith.constant 0 : i32
        %dma_wait3A_209 = tpu.memref_slice %arg9[%add3A_200, %dma_wait3A_208] : memref<40x128xi32, #tpu.memory_space<vmem>> -> memref<1x128xi32, #tpu.memory_space<vmem>>
        %dma_wait3A_210 = tpu.memref_squeeze %dma_wait3A_209 : memref<1x128xi32, #tpu.memory_space<vmem>> -> memref<128xi32, #tpu.memory_space<vmem>>
        %dma_wait3A_211 = arith.constant 0 : i32
        %dma_wait3A_212 = arith.constant 0 : i32
        %dma_wait3A_213 = tpu.memref_slice %arg13[%dma_wait3A_211, %dma_wait3A_212] : memref<10240x128xf32, #tpu.memory_space<vmem_shared>> -> memref<10240x128xf32, #tpu.memory_space<vmem_shared>>
        tpu.wait_indirect_dma semaphore(%run_scoped3A_201 : memref<!tpu.dma_semaphore, #tpu.memory_space<semaphore_mem>>) src(%arg11 : memref<128x128xf32, #tpu.memory_space<vmem>>) dst(%dma_wait3A_213 : memref<10240x128xf32, #tpu.memory_space<vmem_shared>>)
        tpu.yield
      }) : () -> ()
      "tpu.region"() ({
        %run_scoped3A_201 = tpu.sem_alloc : memref<!tpu.dma_semaphore, #tpu.memory_space<semaphore_mem>>
        %dma_start3A_202 = arith.constant 0 : i32
        %dma_start3A_203 = tpu.memref_slice %arg9[%add3A_200, %dma_start3A_202] : memref<40x128xi32, #tpu.memory_space<vmem>> -> memref<1x128xi32, #tpu.memory_space<vmem>>
        %dma_start3A_204 = tpu.memref_squeeze %dma_start3A_203 : memref<1x128xi32, #tpu.memory_space<vmem>> -> memref<128xi32, #tpu.memory_space<vmem>>
        %dma_start3A_205 = arith.constant 0 : i32
        %dma_start3A_206 = tpu.memref_slice %arg14[%dma_start3A_205] : memref<10240xf32, #tpu.memory_space<vmem_shared>> -> memref<10240xf32, #tpu.memory_space<vmem_shared>>
        tpu.enqueue_indirect_dma source(%arg12 : memref<128xf32, #tpu.memory_space<vmem>>) target(%dma_start3A_206 : memref<10240xf32, #tpu.memory_space<vmem_shared>>) offsets(%dma_start3A_204 : memref<128xi32, #tpu.memory_space<vmem>>) semaphore(%run_scoped3A_201 : memref<!tpu.dma_semaphore, #tpu.memory_space<semaphore_mem>>) {add = true}
        %dma_wait3A_207 = arith.constant 0 : i32
        %dma_wait3A_208 = tpu.memref_slice %arg9[%add3A_200, %dma_wait3A_207] : memref<40x128xi32, #tpu.memory_space<vmem>> -> memref<1x128xi32, #tpu.memory_space<vmem>>
        %dma_wait3A_209 = tpu.memref_squeeze %dma_wait3A_208 : memref<1x128xi32, #tpu.memory_space<vmem>> -> memref<128xi32, #tpu.memory_space<vmem>>
        %dma_wait3A_210 = arith.constant 0 : i32
        %dma_wait3A_211 = tpu.memref_slice %arg14[%dma_wait3A_210] : memref<10240xf32, #tpu.memory_space<vmem_shared>> -> memref<10240xf32, #tpu.memory_space<vmem_shared>>
        tpu.wait_indirect_dma semaphore(%run_scoped3A_201 : memref<!tpu.dma_semaphore, #tpu.memory_space<semaphore_mem>>) src(%arg12 : memref<128xf32, #tpu.memory_space<vmem>>) dst(%dma_wait3A_211 : memref<10240xf32, #tpu.memory_space<vmem_shared>>)
        tpu.yield
      }) : () -> ()
    }
    %scan3A_114 = arith.constant 19 : i32
    %dma_wait3A_115 = arith.constant 38 : i32
    %dma_wait3A_116 = arith.constant 0 : i32
    %dma_wait3A_117 = arith.constant 0 : i32
    %dma_wait3A_118 = tpu.memref_slice %arg10[%dma_wait3A_116, %dma_wait3A_117] : memref<128x128xf32, #tpu.memory_space<vmem>> -> memref<128x128xf32, #tpu.memory_space<vmem>>
    %dma_wait3A_119 = arith.constant 0 : i32
    %dma_wait3A_120 = tpu.memref_slice %arg8[%dma_wait3A_115, %dma_wait3A_119] : memref<40x128xi32, #tpu.memory_space<vmem>> -> memref<1x128xi32, #tpu.memory_space<vmem>>
    %dma_wait3A_121 = tpu.memref_squeeze %dma_wait3A_120 : memref<1x128xi32, #tpu.memory_space<vmem>> -> memref<128xi32, #tpu.memory_space<vmem>>
    %dma_wait3A_122 = arith.constant 0 : i32
    %dma_wait3A_123 = arith.constant 0 : i32
    %dma_wait3A_124 = tpu.memref_slice %arg2[%dma_wait3A_122, %dma_wait3A_123] : memref<10000x128xf32, #tpu.memory_space<hbm>> -> memref<10000x128xf32, #tpu.memory_space<hbm>>
    tpu.wait_indirect_dma semaphore(%arg15 : memref<!tpu.dma_semaphore, #tpu.memory_space<semaphore_mem>>) src(%dma_wait3A_124 : memref<10000x128xf32, #tpu.memory_space<hbm>>) dst(%dma_wait3A_118 : memref<128x128xf32, #tpu.memory_space<vmem>>)
    %dma_start3A_125 = arith.constant 39 : i32
    %dma_start3A_126 = arith.constant 0 : i32
    %dma_start3A_127 = arith.constant 0 : i32
    %dma_start3A_128 = tpu.memref_slice %arg11[%dma_start3A_126, %dma_start3A_127] : memref<128x128xf32, #tpu.memory_space<vmem>> -> memref<128x128xf32, #tpu.memory_space<vmem>>
    %dma_start3A_129 = arith.constant 0 : i32
    %dma_start3A_130 = tpu.memref_slice %arg8[%dma_start3A_125, %dma_start3A_129] : memref<40x128xi32, #tpu.memory_space<vmem>> -> memref<1x128xi32, #tpu.memory_space<vmem>>
    %dma_start3A_131 = tpu.memref_squeeze %dma_start3A_130 : memref<1x128xi32, #tpu.memory_space<vmem>> -> memref<128xi32, #tpu.memory_space<vmem>>
    %dma_start3A_132 = arith.constant 0 : i32
    %dma_start3A_133 = arith.constant 0 : i32
    %dma_start3A_134 = tpu.memref_slice %arg2[%dma_start3A_132, %dma_start3A_133] : memref<10000x128xf32, #tpu.memory_space<hbm>> -> memref<10000x128xf32, #tpu.memory_space<hbm>>
    tpu.enqueue_indirect_dma source(%dma_start3A_134 : memref<10000x128xf32, #tpu.memory_space<hbm>>) target(%dma_start3A_128 : memref<128x128xf32, #tpu.memory_space<vmem>>) offsets(%dma_start3A_131 : memref<128xi32, #tpu.memory_space<vmem>>) semaphore(%arg16 : memref<!tpu.dma_semaphore, #tpu.memory_space<semaphore_mem>>)
    %run_scoped3A_135 = arith.constant 38 : i32
    "tpu.region"() ({
      %run_scoped3A_155 = tpu.sem_alloc : memref<!tpu.dma_semaphore, #tpu.memory_space<semaphore_mem>>
      %dma_start3A_156 = arith.constant 0 : i32
      %dma_start3A_157 = tpu.memref_slice %arg9[%run_scoped3A_135, %dma_start3A_156] : memref<40x128xi32, #tpu.memory_space<vmem>> -> memref<1x128xi32, #tpu.memory_space<vmem>>
      %dma_start3A_158 = tpu.memref_squeeze %dma_start3A_157 : memref<1x128xi32, #tpu.memory_space<vmem>> -> memref<128xi32, #tpu.memory_space<vmem>>
      %dma_start3A_159 = arith.constant 0 : i32
      %dma_start3A_160 = arith.constant 0 : i32
      %dma_start3A_161 = tpu.memref_slice %arg13[%dma_start3A_159, %dma_start3A_160] : memref<10240x128xf32, #tpu.memory_space<vmem_shared>> -> memref<10240x128xf32, #tpu.memory_space<vmem_shared>>
      tpu.enqueue_indirect_dma source(%arg10 : memref<128x128xf32, #tpu.memory_space<vmem>>) target(%dma_start3A_161 : memref<10240x128xf32, #tpu.memory_space<vmem_shared>>) offsets(%dma_start3A_158 : memref<128xi32, #tpu.memory_space<vmem>>) semaphore(%run_scoped3A_155 : memref<!tpu.dma_semaphore, #tpu.memory_space<semaphore_mem>>) {add = true}
      %dma_wait3A_162 = arith.constant 0 : i32
      %dma_wait3A_163 = tpu.memref_slice %arg9[%run_scoped3A_135, %dma_wait3A_162] : memref<40x128xi32, #tpu.memory_space<vmem>> -> memref<1x128xi32, #tpu.memory_space<vmem>>
      %dma_wait3A_164 = tpu.memref_squeeze %dma_wait3A_163 : memref<1x128xi32, #tpu.memory_space<vmem>> -> memref<128xi32, #tpu.memory_space<vmem>>
      %dma_wait3A_165 = arith.constant 0 : i32
      %dma_wait3A_166 = arith.constant 0 : i32
      %dma_wait3A_167 = tpu.memref_slice %arg13[%dma_wait3A_165, %dma_wait3A_166] : memref<10240x128xf32, #tpu.memory_space<vmem_shared>> -> memref<10240x128xf32, #tpu.memory_space<vmem_shared>>
      tpu.wait_indirect_dma semaphore(%run_scoped3A_155 : memref<!tpu.dma_semaphore, #tpu.memory_space<semaphore_mem>>) src(%arg10 : memref<128x128xf32, #tpu.memory_space<vmem>>) dst(%dma_wait3A_167 : memref<10240x128xf32, #tpu.memory_space<vmem_shared>>)
      tpu.yield
    }) : () -> ()
    %run_scoped3A_136 = arith.constant 38 : i32
    "tpu.region"() ({
      %run_scoped3A_155 = tpu.sem_alloc : memref<!tpu.dma_semaphore, #tpu.memory_space<semaphore_mem>>
      %dma_start3A_156 = arith.constant 0 : i32
      %dma_start3A_157 = tpu.memref_slice %arg9[%run_scoped3A_136, %dma_start3A_156] : memref<40x128xi32, #tpu.memory_space<vmem>> -> memref<1x128xi32, #tpu.memory_space<vmem>>
      %dma_start3A_158 = tpu.memref_squeeze %dma_start3A_157 : memref<1x128xi32, #tpu.memory_space<vmem>> -> memref<128xi32, #tpu.memory_space<vmem>>
      %dma_start3A_159 = arith.constant 0 : i32
      %dma_start3A_160 = tpu.memref_slice %arg14[%dma_start3A_159] : memref<10240xf32, #tpu.memory_space<vmem_shared>> -> memref<10240xf32, #tpu.memory_space<vmem_shared>>
      tpu.enqueue_indirect_dma source(%arg12 : memref<128xf32, #tpu.memory_space<vmem>>) target(%dma_start3A_160 : memref<10240xf32, #tpu.memory_space<vmem_shared>>) offsets(%dma_start3A_158 : memref<128xi32, #tpu.memory_space<vmem>>) semaphore(%run_scoped3A_155 : memref<!tpu.dma_semaphore, #tpu.memory_space<semaphore_mem>>) {add = true}
      %dma_wait3A_161 = arith.constant 0 : i32
      %dma_wait3A_162 = tpu.memref_slice %arg9[%run_scoped3A_136, %dma_wait3A_161] : memref<40x128xi32, #tpu.memory_space<vmem>> -> memref<1x128xi32, #tpu.memory_space<vmem>>
      %dma_wait3A_163 = tpu.memref_squeeze %dma_wait3A_162 : memref<1x128xi32, #tpu.memory_space<vmem>> -> memref<128xi32, #tpu.memory_space<vmem>>
      %dma_wait3A_164 = arith.constant 0 : i32
      %dma_wait3A_165 = tpu.memref_slice %arg14[%dma_wait3A_164] : memref<10240xf32, #tpu.memory_space<vmem_shared>> -> memref<10240xf32, #tpu.memory_space<vmem_shared>>
      tpu.wait_indirect_dma semaphore(%run_scoped3A_155 : memref<!tpu.dma_semaphore, #tpu.memory_space<semaphore_mem>>) src(%arg12 : memref<128xf32, #tpu.memory_space<vmem>>) dst(%dma_wait3A_165 : memref<10240xf32, #tpu.memory_space<vmem_shared>>)
      tpu.yield
    }) : () -> ()
    %dma_wait3A_137 = arith.constant 39 : i32
    %dma_wait3A_138 = arith.constant 0 : i32
    %dma_wait3A_139 = arith.constant 0 : i32
    %dma_wait3A_140 = tpu.memref_slice %arg11[%dma_wait3A_138, %dma_wait3A_139] : memref<128x128xf32, #tpu.memory_space<vmem>> -> memref<128x128xf32, #tpu.memory_space<vmem>>
    %dma_wait3A_141 = arith.constant 0 : i32
    %dma_wait3A_142 = tpu.memref_slice %arg8[%dma_wait3A_137, %dma_wait3A_141] : memref<40x128xi32, #tpu.memory_space<vmem>> -> memref<1x128xi32, #tpu.memory_space<vmem>>
    %dma_wait3A_143 = tpu.memref_squeeze %dma_wait3A_142 : memref<1x128xi32, #tpu.memory_space<vmem>> -> memref<128xi32, #tpu.memory_space<vmem>>
    %dma_wait3A_144 = arith.constant 0 : i32
    %dma_wait3A_145 = arith.constant 0 : i32
    %dma_wait3A_146 = tpu.memref_slice %arg2[%dma_wait3A_144, %dma_wait3A_145] : memref<10000x128xf32, #tpu.memory_space<hbm>> -> memref<10000x128xf32, #tpu.memory_space<hbm>>
    tpu.wait_indirect_dma semaphore(%arg16 : memref<!tpu.dma_semaphore, #tpu.memory_space<semaphore_mem>>) src(%dma_wait3A_146 : memref<10000x128xf32, #tpu.memory_space<hbm>>) dst(%dma_wait3A_140 : memref<128x128xf32, #tpu.memory_space<vmem>>)
    %run_scoped3A_147 = arith.constant 39 : i32
    "tpu.region"() ({
      %run_scoped3A_155 = tpu.sem_alloc : memref<!tpu.dma_semaphore, #tpu.memory_space<semaphore_mem>>
      %dma_start3A_156 = arith.constant 0 : i32
      %dma_start3A_157 = tpu.memref_slice %arg9[%run_scoped3A_147, %dma_start3A_156] : memref<40x128xi32, #tpu.memory_space<vmem>> -> memref<1x128xi32, #tpu.memory_space<vmem>>
      %dma_start3A_158 = tpu.memref_squeeze %dma_start3A_157 : memref<1x128xi32, #tpu.memory_space<vmem>> -> memref<128xi32, #tpu.memory_space<vmem>>
      %dma_start3A_159 = arith.constant 0 : i32
      %dma_start3A_160 = arith.constant 0 : i32
      %dma_start3A_161 = tpu.memref_slice %arg13[%dma_start3A_159, %dma_start3A_160] : memref<10240x128xf32, #tpu.memory_space<vmem_shared>> -> memref<10240x128xf32, #tpu.memory_space<vmem_shared>>
      tpu.enqueue_indirect_dma source(%arg11 : memref<128x128xf32, #tpu.memory_space<vmem>>) target(%dma_start3A_161 : memref<10240x128xf32, #tpu.memory_space<vmem_shared>>) offsets(%dma_start3A_158 : memref<128xi32, #tpu.memory_space<vmem>>) semaphore(%run_scoped3A_155 : memref<!tpu.dma_semaphore, #tpu.memory_space<semaphore_mem>>) {add = true}
      %dma_wait3A_162 = arith.constant 0 : i32
      %dma_wait3A_163 = tpu.memref_slice %arg9[%run_scoped3A_147, %dma_wait3A_162] : memref<40x128xi32, #tpu.memory_space<vmem>> -> memref<1x128xi32, #tpu.memory_space<vmem>>
      %dma_wait3A_164 = tpu.memref_squeeze %dma_wait3A_163 : memref<1x128xi32, #tpu.memory_space<vmem>> -> memref<128xi32, #tpu.memory_space<vmem>>
      %dma_wait3A_165 = arith.constant 0 : i32
      %dma_wait3A_166 = arith.constant 0 : i32
      %dma_wait3A_167 = tpu.memref_slice %arg13[%dma_wait3A_165, %dma_wait3A_166] : memref<10240x128xf32, #tpu.memory_space<vmem_shared>> -> memref<10240x128xf32, #tpu.memory_space<vmem_shared>>
      tpu.wait_indirect_dma semaphore(%run_scoped3A_155 : memref<!tpu.dma_semaphore, #tpu.memory_space<semaphore_mem>>) src(%arg11 : memref<128x128xf32, #tpu.memory_space<vmem>>) dst(%dma_wait3A_167 : memref<10240x128xf32, #tpu.memory_space<vmem_shared>>)
      tpu.yield
    }) : () -> ()
    %run_scoped3A_148 = arith.constant 39 : i32
    "tpu.region"() ({
      %run_scoped3A_155 = tpu.sem_alloc : memref<!tpu.dma_semaphore, #tpu.memory_space<semaphore_mem>>
      %dma_start3A_156 = arith.constant 0 : i32
      %dma_start3A_157 = tpu.memref_slice %arg9[%run_scoped3A_148, %dma_start3A_156] : memref<40x128xi32, #tpu.memory_space<vmem>> -> memref<1x128xi32, #tpu.memory_space<vmem>>
      %dma_start3A_158 = tpu.memref_squeeze %dma_start3A_157 : memref<1x128xi32, #tpu.memory_space<vmem>> -> memref<128xi32, #tpu.memory_space<vmem>>
      %dma_start3A_159 = arith.constant 0 : i32
      %dma_start3A_160 = tpu.memref_slice %arg14[%dma_start3A_159] : memref<10240xf32, #tpu.memory_space<vmem_shared>> -> memref<10240xf32, #tpu.memory_space<vmem_shared>>
      tpu.enqueue_indirect_dma source(%arg12 : memref<128xf32, #tpu.memory_space<vmem>>) target(%dma_start3A_160 : memref<10240xf32, #tpu.memory_space<vmem_shared>>) offsets(%dma_start3A_158 : memref<128xi32, #tpu.memory_space<vmem>>) semaphore(%run_scoped3A_155 : memref<!tpu.dma_semaphore, #tpu.memory_space<semaphore_mem>>) {add = true}
      %dma_wait3A_161 = arith.constant 0 : i32
      %dma_wait3A_162 = tpu.memref_slice %arg9[%run_scoped3A_148, %dma_wait3A_161] : memref<40x128xi32, #tpu.memory_space<vmem>> -> memref<1x128xi32, #tpu.memory_space<vmem>>
      %dma_wait3A_163 = tpu.memref_squeeze %dma_wait3A_162 : memref<1x128xi32, #tpu.memory_space<vmem>> -> memref<128xi32, #tpu.memory_space<vmem>>
      %dma_wait3A_164 = arith.constant 0 : i32
      %dma_wait3A_165 = tpu.memref_slice %arg14[%dma_wait3A_164] : memref<10240xf32, #tpu.memory_space<vmem_shared>> -> memref<10240xf32, #tpu.memory_space<vmem_shared>>
      tpu.wait_indirect_dma semaphore(%run_scoped3A_155 : memref<!tpu.dma_semaphore, #tpu.memory_space<semaphore_mem>>) src(%arg12 : memref<128xf32, #tpu.memory_space<vmem>>) dst(%dma_wait3A_165 : memref<10240xf32, #tpu.memory_space<vmem_shared>>)
      tpu.yield
    }) : () -> ()
    %barrier3A_149 = arith.constant 0 : index
    tpu.barrier barrier_id(%barrier3A_149)
    "tpu.region"() ({
      %run_scoped3A_155 = tpu.sem_alloc : memref<!tpu.dma_semaphore, #tpu.memory_space<semaphore_mem>>
      %dma_start3A_156 = arith.constant 0 : i32
      %dma_start3A_157 = tpu.memref_slice %arg6[%arg0, %mul3A_0, %dma_start3A_156] : memref<2x10240x128xf32, #tpu.memory_space<hbm>> -> memref<1x640x128xf32, #tpu.memory_space<hbm>>
      %dma_start3A_158 = tpu.memref_squeeze %dma_start3A_157 : memref<1x640x128xf32, #tpu.memory_space<hbm>> -> memref<640x128xf32, #tpu.memory_space<hbm>>
      %dma_start3A_159 = arith.constant 0 : i32
      %dma_start3A_160 = tpu.memref_slice %arg13[%mul3A_0, %dma_start3A_159] : memref<10240x128xf32, #tpu.memory_space<vmem_shared>> -> memref<640x128xf32, #tpu.memory_space<vmem_shared>>
      tpu.enqueue_dma source(%dma_start3A_160 : memref<640x128xf32, #tpu.memory_space<vmem_shared>>) target(%dma_start3A_158 : memref<640x128xf32, #tpu.memory_space<hbm>>) target_semaphore(%run_scoped3A_155 : memref<!tpu.dma_semaphore, #tpu.memory_space<semaphore_mem>>)
      %dma_wait3A_161 = arith.constant 0 : i32
      %dma_wait3A_162 = tpu.memref_slice %arg6[%arg0, %mul3A_0, %dma_wait3A_161] : memref<2x10240x128xf32, #tpu.memory_space<hbm>> -> memref<1x640x128xf32, #tpu.memory_space<hbm>>
      %dma_wait3A_163 = tpu.memref_squeeze %dma_wait3A_162 : memref<1x640x128xf32, #tpu.memory_space<hbm>> -> memref<640x128xf32, #tpu.memory_space<hbm>>
      %dma_wait3A_164 = arith.constant 0 : i32
      %dma_wait3A_165 = tpu.memref_slice %arg13[%mul3A_0, %dma_wait3A_164] : memref<10240x128xf32, #tpu.memory_space<vmem_shared>> -> memref<640x128xf32, #tpu.memory_space<vmem_shared>>
      tpu.wait_dma2 semaphore(%run_scoped3A_155 : memref<!tpu.dma_semaphore, #tpu.memory_space<semaphore_mem>>) src(%dma_wait3A_165 : memref<640x128xf32, #tpu.memory_space<vmem_shared>>) dst(%dma_wait3A_163 : memref<640x128xf32, #tpu.memory_space<hbm>>)
      tpu.yield
    }) : () -> ()
    %eq3A_150 = arith.constant 0 : i32
    %eq3A_151 = arith.cmpi eq, %arg1, %eq3A_150 : i32
    %convert_element_type3A_152 = arith.extui %eq3A_151 : i1 to i32
    %cond3A_153 = arith.constant 0 : i32
    %cond3A_154 = arith.cmpi ne, %convert_element_type3A_152, %cond3A_153 : i32
    scf.if %cond3A_154 {
      "tpu.region"() ({
        %run_scoped3A_155 = tpu.sem_alloc : memref<!tpu.dma_semaphore, #tpu.memory_space<semaphore_mem>>
        %dma_start3A_156 = arith.constant 0 : i32
        %dma_start3A_157 = tpu.memref_slice %arg7[%arg0, %dma_start3A_156] : memref<2x10240xf32, #tpu.memory_space<hbm>> -> memref<1x10240xf32, #tpu.memory_space<hbm>>
        %dma_start3A_158 = tpu.memref_squeeze %dma_start3A_157 : memref<1x10240xf32, #tpu.memory_space<hbm>> -> memref<10240xf32, #tpu.memory_space<hbm>>
        tpu.enqueue_dma source(%arg14 : memref<10240xf32, #tpu.memory_space<vmem_shared>>) target(%dma_start3A_158 : memref<10240xf32, #tpu.memory_space<hbm>>) target_semaphore(%run_scoped3A_155 : memref<!tpu.dma_semaphore, #tpu.memory_space<semaphore_mem>>)
        %dma_wait3A_159 = arith.constant 0 : i32
        %dma_wait3A_160 = tpu.memref_slice %arg7[%arg0, %dma_wait3A_159] : memref<2x10240xf32, #tpu.memory_space<hbm>> -> memref<1x10240xf32, #tpu.memory_space<hbm>>
        %dma_wait3A_161 = tpu.memref_squeeze %dma_wait3A_160 : memref<1x10240xf32, #tpu.memory_space<hbm>> -> memref<10240xf32, #tpu.memory_space<hbm>>
        tpu.wait_dma2 semaphore(%run_scoped3A_155 : memref<!tpu.dma_semaphore, #tpu.memory_space<semaphore_mem>>) src(%arg14 : memref<10240xf32, #tpu.memory_space<vmem_shared>>) dst(%dma_wait3A_161 : memref<10240xf32, #tpu.memory_space<hbm>>)
        tpu.yield
      }) : () -> ()
    } else {
    }
    return
  }
}

#map = affine_map<(d0, d1) -> (0, 0)>
#map1 = affine_map<(d0, d1) -> (0, 0, 0, 0, 0)>
#map2 = affine_map<(d0, d1) -> (0)>
#map3 = affine_map<(d0, d1) -> (0, 0, 0)>
module attributes {stable_mosaic.version = 14 : i64} {
  func.func @body(%arg0: i32, %arg1: i32, %arg2: memref<10000x128xf32, #tpu.memory_space<hbm>>, %arg3: memref<2x2x16x80x128xi32, #tpu.memory_space<hbm>>, %arg4: memref<640x128xf32, #tpu.memory_space<hbm>>, %arg5: memref<10240xf32, #tpu.memory_space<hbm>>, %arg6: memref<2x10240x128xf32, #tpu.memory_space<hbm>>, %arg7: memref<40x128xi32, #tpu.memory_space<vmem>>, %arg8: memref<40x128xi32, #tpu.memory_space<vmem>>, %arg9: memref<128x128xf32, #tpu.memory_space<vmem>>, %arg10: memref<128x128xf32, #tpu.memory_space<vmem>>, %arg11: memref<128xf32, #tpu.memory_space<vmem>>, %arg12: memref<10240x128xf32, #tpu.memory_space<vmem_shared>>, %arg13: memref<10240xf32, #tpu.memory_space<vmem_shared>>, %arg14: memref<!tpu.dma_semaphore, #tpu.memory_space<semaphore_mem>>, %arg15: memref<!tpu.dma_semaphore, #tpu.memory_space<semaphore_mem>>) attributes {dimension_semantics = [#tpu.dimension_semantics<core_parallel>, #tpu.dimension_semantics<subcore_parallel>], iteration_bounds = array<i64: 2, 16>, scalar_prefetch = 0 : i64, scratch_operands = 9 : i64, tpu.core_type = #tpu.core_type<sc_vector_subcore>, window_params = [{transform_indices = #map}, {transform_indices = #map1}, {transform_indices = #map}, {transform_indices = #map2}, {transform_indices = #map3}]} {
    %mul3A = arith.constant 640 : i32
    %mul3A_0 = arith.muli %arg1, %mul3A : i32
    "tpu.region"() ({
      %run_scoped3A_98 = tpu.sem_alloc : memref<!tpu.dma_semaphore, #tpu.memory_space<semaphore_mem>>
      %dma_start3A_99 = arith.constant 0 : i32
      %dma_start3A_100 = tpu.memref_slice %arg12[%mul3A_0, %dma_start3A_99] : memref<10240x128xf32, #tpu.memory_space<vmem_shared>> -> memref<640x128xf32, #tpu.memory_space<vmem_shared>>
      tpu.enqueue_dma source(%arg4 : memref<640x128xf32, #tpu.memory_space<hbm>>) target(%dma_start3A_100 : memref<640x128xf32, #tpu.memory_space<vmem_shared>>) target_semaphore(%run_scoped3A_98 : memref<!tpu.dma_semaphore, #tpu.memory_space<semaphore_mem>>)
      %dma_wait3A_101 = arith.constant 0 : i32
      %dma_wait3A_102 = tpu.memref_slice %arg12[%mul3A_0, %dma_wait3A_101] : memref<10240x128xf32, #tpu.memory_space<vmem_shared>> -> memref<640x128xf32, #tpu.memory_space<vmem_shared>>
      tpu.wait_dma2 semaphore(%run_scoped3A_98 : memref<!tpu.dma_semaphore, #tpu.memory_space<semaphore_mem>>) src(%arg4 : memref<640x128xf32, #tpu.memory_space<hbm>>) dst(%dma_wait3A_102 : memref<640x128xf32, #tpu.memory_space<vmem_shared>>)
      tpu.yield
    }) : () -> ()
    %barrier3A = arith.constant 0 : index
    tpu.barrier barrier_id(%barrier3A)
    %run_scoped3A = arith.constant 0 : i32
    "tpu.region"() ({
      %run_scoped3A_98 = tpu.sem_alloc : memref<!tpu.dma_semaphore, #tpu.memory_space<semaphore_mem>>
      %dma_start3A_99 = arith.constant 0 : i32
      %dma_start3A_100 = arith.constant 0 : i32
      %dma_start3A_101 = tpu.memref_slice %arg3[%run_scoped3A, %arg0, %arg1, %dma_start3A_99, %dma_start3A_100] : memref<2x2x16x80x128xi32, #tpu.memory_space<hbm>> -> memref<1x1x1x40x128xi32, #tpu.memory_space<hbm>>
      %dma_start3A_102 = tpu.memref_squeeze %dma_start3A_101 : memref<1x1x1x40x128xi32, #tpu.memory_space<hbm>> -> memref<40x128xi32, #tpu.memory_space<hbm>>
      %dma_start3A_103 = arith.constant 0 : i32
      %dma_start3A_104 = arith.constant 0 : i32
      %dma_start3A_105 = tpu.memref_slice %arg3[%run_scoped3A, %arg0, %arg1, %dma_start3A_103, %dma_start3A_104] : memref<2x2x16x80x128xi32, #tpu.memory_space<hbm>> -> memref<1x1x1x40x128xi32, #tpu.memory_space<hbm>>
      %dma_start3A_106 = tpu.memref_squeeze %dma_start3A_105 : memref<1x1x1x40x128xi32, #tpu.memory_space<hbm>> -> memref<40x128xi32, #tpu.memory_space<hbm>>
      tpu.enqueue_dma source(%dma_start3A_106 : memref<40x128xi32, #tpu.memory_space<hbm>>) target(%arg7 : memref<40x128xi32, #tpu.memory_space<vmem>>) target_semaphore(%run_scoped3A_98 : memref<!tpu.dma_semaphore, #tpu.memory_space<semaphore_mem>>)
      %dma_wait3A_107 = arith.constant 0 : i32
      %dma_wait3A_108 = arith.constant 0 : i32
      %dma_wait3A_109 = tpu.memref_slice %arg3[%run_scoped3A, %arg0, %arg1, %dma_wait3A_107, %dma_wait3A_108] : memref<2x2x16x80x128xi32, #tpu.memory_space<hbm>> -> memref<1x1x1x40x128xi32, #tpu.memory_space<hbm>>
      %dma_wait3A_110 = tpu.memref_squeeze %dma_wait3A_109 : memref<1x1x1x40x128xi32, #tpu.memory_space<hbm>> -> memref<40x128xi32, #tpu.memory_space<hbm>>
      %dma_wait3A_111 = arith.constant 0 : i32
      %dma_wait3A_112 = arith.constant 0 : i32
      %dma_wait3A_113 = tpu.memref_slice %arg3[%run_scoped3A, %arg0, %arg1, %dma_wait3A_111, %dma_wait3A_112] : memref<2x2x16x80x128xi32, #tpu.memory_space<hbm>> -> memref<1x1x1x40x128xi32, #tpu.memory_space<hbm>>
      %dma_wait3A_114 = tpu.memref_squeeze %dma_wait3A_113 : memref<1x1x1x40x128xi32, #tpu.memory_space<hbm>> -> memref<40x128xi32, #tpu.memory_space<hbm>>
      tpu.wait_dma2 semaphore(%run_scoped3A_98 : memref<!tpu.dma_semaphore, #tpu.memory_space<semaphore_mem>>) src(%dma_wait3A_114 : memref<40x128xi32, #tpu.memory_space<hbm>>) dst(%arg7 : memref<40x128xi32, #tpu.memory_space<vmem>>)
      tpu.yield
    }) : () -> ()
    %run_scoped3A_1 = arith.constant 1 : i32
    "tpu.region"() ({
      %run_scoped3A_98 = tpu.sem_alloc : memref<!tpu.dma_semaphore, #tpu.memory_space<semaphore_mem>>
      %dma_start3A_99 = arith.constant 0 : i32
      %dma_start3A_100 = arith.constant 0 : i32
      %dma_start3A_101 = tpu.memref_slice %arg3[%run_scoped3A_1, %arg0, %arg1, %dma_start3A_99, %dma_start3A_100] : memref<2x2x16x80x128xi32, #tpu.memory_space<hbm>> -> memref<1x1x1x40x128xi32, #tpu.memory_space<hbm>>
      %dma_start3A_102 = tpu.memref_squeeze %dma_start3A_101 : memref<1x1x1x40x128xi32, #tpu.memory_space<hbm>> -> memref<40x128xi32, #tpu.memory_space<hbm>>
      %dma_start3A_103 = arith.constant 0 : i32
      %dma_start3A_104 = arith.constant 0 : i32
      %dma_start3A_105 = tpu.memref_slice %arg3[%run_scoped3A_1, %arg0, %arg1, %dma_start3A_103, %dma_start3A_104] : memref<2x2x16x80x128xi32, #tpu.memory_space<hbm>> -> memref<1x1x1x40x128xi32, #tpu.memory_space<hbm>>
      %dma_start3A_106 = tpu.memref_squeeze %dma_start3A_105 : memref<1x1x1x40x128xi32, #tpu.memory_space<hbm>> -> memref<40x128xi32, #tpu.memory_space<hbm>>
      tpu.enqueue_dma source(%dma_start3A_106 : memref<40x128xi32, #tpu.memory_space<hbm>>) target(%arg8 : memref<40x128xi32, #tpu.memory_space<vmem>>) target_semaphore(%run_scoped3A_98 : memref<!tpu.dma_semaphore, #tpu.memory_space<semaphore_mem>>)
      %dma_wait3A_107 = arith.constant 0 : i32
      %dma_wait3A_108 = arith.constant 0 : i32
      %dma_wait3A_109 = tpu.memref_slice %arg3[%run_scoped3A_1, %arg0, %arg1, %dma_wait3A_107, %dma_wait3A_108] : memref<2x2x16x80x128xi32, #tpu.memory_space<hbm>> -> memref<1x1x1x40x128xi32, #tpu.memory_space<hbm>>
      %dma_wait3A_110 = tpu.memref_squeeze %dma_wait3A_109 : memref<1x1x1x40x128xi32, #tpu.memory_space<hbm>> -> memref<40x128xi32, #tpu.memory_space<hbm>>
      %dma_wait3A_111 = arith.constant 0 : i32
      %dma_wait3A_112 = arith.constant 0 : i32
      %dma_wait3A_113 = tpu.memref_slice %arg3[%run_scoped3A_1, %arg0, %arg1, %dma_wait3A_111, %dma_wait3A_112] : memref<2x2x16x80x128xi32, #tpu.memory_space<hbm>> -> memref<1x1x1x40x128xi32, #tpu.memory_space<hbm>>
      %dma_wait3A_114 = tpu.memref_squeeze %dma_wait3A_113 : memref<1x1x1x40x128xi32, #tpu.memory_space<hbm>> -> memref<40x128xi32, #tpu.memory_space<hbm>>
      tpu.wait_dma2 semaphore(%run_scoped3A_98 : memref<!tpu.dma_semaphore, #tpu.memory_space<semaphore_mem>>) src(%dma_wait3A_114 : memref<40x128xi32, #tpu.memory_space<hbm>>) dst(%arg8 : memref<40x128xi32, #tpu.memory_space<vmem>>)
      tpu.yield
    }) : () -> ()
    %dma_start3A = arith.constant 0 : i32
    %dma_start3A_2 = arith.constant 0 : i32
    %dma_start3A_3 = arith.constant 0 : i32
    %dma_start3A_4 = tpu.memref_slice %arg9[%dma_start3A_2, %dma_start3A_3] : memref<128x128xf32, #tpu.memory_space<vmem>> -> memref<128x128xf32, #tpu.memory_space<vmem>>
    %dma_start3A_5 = arith.constant 0 : i32
    %dma_start3A_6 = tpu.memref_slice %arg7[%dma_start3A, %dma_start3A_5] : memref<40x128xi32, #tpu.memory_space<vmem>> -> memref<1x128xi32, #tpu.memory_space<vmem>>
    %dma_start3A_7 = tpu.memref_squeeze %dma_start3A_6 : memref<1x128xi32, #tpu.memory_space<vmem>> -> memref<128xi32, #tpu.memory_space<vmem>>
    %dma_start3A_8 = arith.constant 0 : i32
    %dma_start3A_9 = arith.constant 0 : i32
    %dma_start3A_10 = tpu.memref_slice %arg2[%dma_start3A_8, %dma_start3A_9] : memref<10000x128xf32, #tpu.memory_space<hbm>> -> memref<10000x128xf32, #tpu.memory_space<hbm>>
    tpu.enqueue_indirect_dma source(%dma_start3A_10 : memref<10000x128xf32, #tpu.memory_space<hbm>>) target(%dma_start3A_4 : memref<128x128xf32, #tpu.memory_space<vmem>>) offsets(%dma_start3A_7 : memref<128xi32, #tpu.memory_space<vmem>>) semaphore(%arg14 : memref<!tpu.dma_semaphore, #tpu.memory_space<semaphore_mem>>)
    %scan3A = arith.constant 0 : i32
    %scan3A_11 = arith.constant 0 : i32
    %scan3A_12 = arith.constant 19 : i32
    %scan3A_13 = arith.addi %scan3A_11, %scan3A_12 : i32
    %scan3A_14 = arith.constant 1 : i32
    scf.for %scan3A_98 = %scan3A_11 to %scan3A_13 step %scan3A_14  : i32 {
      %mul3A_99 = arith.constant 2 : i32
      %mul3A_100 = arith.muli %scan3A_98, %mul3A_99 : i32
      %dma_wait3A_101 = arith.constant 0 : i32
      %dma_wait3A_102 = arith.constant 0 : i32
      %dma_wait3A_103 = tpu.memref_slice %arg9[%dma_wait3A_101, %dma_wait3A_102] : memref<128x128xf32, #tpu.memory_space<vmem>> -> memref<128x128xf32, #tpu.memory_space<vmem>>
      %dma_wait3A_104 = arith.constant 0 : i32
      %dma_wait3A_105 = tpu.memref_slice %arg7[%mul3A_100, %dma_wait3A_104] : memref<40x128xi32, #tpu.memory_space<vmem>> -> memref<1x128xi32, #tpu.memory_space<vmem>>
      %dma_wait3A_106 = tpu.memref_squeeze %dma_wait3A_105 : memref<1x128xi32, #tpu.memory_space<vmem>> -> memref<128xi32, #tpu.memory_space<vmem>>
      %dma_wait3A_107 = arith.constant 0 : i32
      %dma_wait3A_108 = arith.constant 0 : i32
      %dma_wait3A_109 = tpu.memref_slice %arg2[%dma_wait3A_107, %dma_wait3A_108] : memref<10000x128xf32, #tpu.memory_space<hbm>> -> memref<10000x128xf32, #tpu.memory_space<hbm>>
      tpu.wait_indirect_dma semaphore(%arg14 : memref<!tpu.dma_semaphore, #tpu.memory_space<semaphore_mem>>) src(%dma_wait3A_109 : memref<10000x128xf32, #tpu.memory_space<hbm>>) dst(%dma_wait3A_103 : memref<128x128xf32, #tpu.memory_space<vmem>>)
      %add3A = arith.constant 1 : i32
      %add3A_110 = arith.addi %mul3A_100, %add3A : i32
      %dma_start3A_111 = arith.constant 0 : i32
      %dma_start3A_112 = arith.constant 0 : i32
      %dma_start3A_113 = tpu.memref_slice %arg10[%dma_start3A_111, %dma_start3A_112] : memref<128x128xf32, #tpu.memory_space<vmem>> -> memref<128x128xf32, #tpu.memory_space<vmem>>
      %dma_start3A_114 = arith.constant 0 : i32
      %dma_start3A_115 = tpu.memref_slice %arg7[%add3A_110, %dma_start3A_114] : memref<40x128xi32, #tpu.memory_space<vmem>> -> memref<1x128xi32, #tpu.memory_space<vmem>>
      %dma_start3A_116 = tpu.memref_squeeze %dma_start3A_115 : memref<1x128xi32, #tpu.memory_space<vmem>> -> memref<128xi32, #tpu.memory_space<vmem>>
      %dma_start3A_117 = arith.constant 0 : i32
      %dma_start3A_118 = arith.constant 0 : i32
      %dma_start3A_119 = tpu.memref_slice %arg2[%dma_start3A_117, %dma_start3A_118] : memref<10000x128xf32, #tpu.memory_space<hbm>> -> memref<10000x128xf32, #tpu.memory_space<hbm>>
      tpu.enqueue_indirect_dma source(%dma_start3A_119 : memref<10000x128xf32, #tpu.memory_space<hbm>>) target(%dma_start3A_113 : memref<128x128xf32, #tpu.memory_space<vmem>>) offsets(%dma_start3A_116 : memref<128xi32, #tpu.memory_space<vmem>>) semaphore(%arg15 : memref<!tpu.dma_semaphore, #tpu.memory_space<semaphore_mem>>)
      "tpu.region"() ({
        %run_scoped3A_144 = tpu.sem_alloc : memref<!tpu.dma_semaphore, #tpu.memory_space<semaphore_mem>>
        %dma_start3A_145 = arith.constant 0 : i32
        %dma_start3A_146 = tpu.memref_slice %arg8[%mul3A_100, %dma_start3A_145] : memref<40x128xi32, #tpu.memory_space<vmem>> -> memref<1x128xi32, #tpu.memory_space<vmem>>
        %dma_start3A_147 = tpu.memref_squeeze %dma_start3A_146 : memref<1x128xi32, #tpu.memory_space<vmem>> -> memref<128xi32, #tpu.memory_space<vmem>>
        %dma_start3A_148 = arith.constant 0 : i32
        %dma_start3A_149 = arith.constant 0 : i32
        %dma_start3A_150 = tpu.memref_slice %arg12[%dma_start3A_148, %dma_start3A_149] : memref<10240x128xf32, #tpu.memory_space<vmem_shared>> -> memref<10240x128xf32, #tpu.memory_space<vmem_shared>>
        tpu.enqueue_indirect_dma source(%arg9 : memref<128x128xf32, #tpu.memory_space<vmem>>) target(%dma_start3A_150 : memref<10240x128xf32, #tpu.memory_space<vmem_shared>>) offsets(%dma_start3A_147 : memref<128xi32, #tpu.memory_space<vmem>>) semaphore(%run_scoped3A_144 : memref<!tpu.dma_semaphore, #tpu.memory_space<semaphore_mem>>) {add = true}
        %dma_wait3A_151 = arith.constant 0 : i32
        %dma_wait3A_152 = tpu.memref_slice %arg8[%mul3A_100, %dma_wait3A_151] : memref<40x128xi32, #tpu.memory_space<vmem>> -> memref<1x128xi32, #tpu.memory_space<vmem>>
        %dma_wait3A_153 = tpu.memref_squeeze %dma_wait3A_152 : memref<1x128xi32, #tpu.memory_space<vmem>> -> memref<128xi32, #tpu.memory_space<vmem>>
        %dma_wait3A_154 = arith.constant 0 : i32
        %dma_wait3A_155 = arith.constant 0 : i32
        %dma_wait3A_156 = tpu.memref_slice %arg12[%dma_wait3A_154, %dma_wait3A_155] : memref<10240x128xf32, #tpu.memory_space<vmem_shared>> -> memref<10240x128xf32, #tpu.memory_space<vmem_shared>>
        tpu.wait_indirect_dma semaphore(%run_scoped3A_144 : memref<!tpu.dma_semaphore, #tpu.memory_space<semaphore_mem>>) src(%arg9 : memref<128x128xf32, #tpu.memory_space<vmem>>) dst(%dma_wait3A_156 : memref<10240x128xf32, #tpu.memory_space<vmem_shared>>)
        tpu.yield
      }) : () -> ()
      %add3A_120 = arith.constant 1 : i32
      %add3A_121 = arith.addi %mul3A_100, %add3A_120 : i32
      %dma_wait3A_122 = arith.constant 0 : i32
      %dma_wait3A_123 = arith.constant 0 : i32
      %dma_wait3A_124 = tpu.memref_slice %arg10[%dma_wait3A_122, %dma_wait3A_123] : memref<128x128xf32, #tpu.memory_space<vmem>> -> memref<128x128xf32, #tpu.memory_space<vmem>>
      %dma_wait3A_125 = arith.constant 0 : i32
      %dma_wait3A_126 = tpu.memref_slice %arg7[%add3A_121, %dma_wait3A_125] : memref<40x128xi32, #tpu.memory_space<vmem>> -> memref<1x128xi32, #tpu.memory_space<vmem>>
      %dma_wait3A_127 = tpu.memref_squeeze %dma_wait3A_126 : memref<1x128xi32, #tpu.memory_space<vmem>> -> memref<128xi32, #tpu.memory_space<vmem>>
      %dma_wait3A_128 = arith.constant 0 : i32
      %dma_wait3A_129 = arith.constant 0 : i32
      %dma_wait3A_130 = tpu.memref_slice %arg2[%dma_wait3A_128, %dma_wait3A_129] : memref<10000x128xf32, #tpu.memory_space<hbm>> -> memref<10000x128xf32, #tpu.memory_space<hbm>>
      tpu.wait_indirect_dma semaphore(%arg15 : memref<!tpu.dma_semaphore, #tpu.memory_space<semaphore_mem>>) src(%dma_wait3A_130 : memref<10000x128xf32, #tpu.memory_space<hbm>>) dst(%dma_wait3A_124 : memref<128x128xf32, #tpu.memory_space<vmem>>)
      %add3A_131 = arith.constant 2 : i32
      %add3A_132 = arith.addi %mul3A_100, %add3A_131 : i32
      %dma_start3A_133 = arith.constant 0 : i32
      %dma_start3A_134 = arith.constant 0 : i32
      %dma_start3A_135 = tpu.memref_slice %arg9[%dma_start3A_133, %dma_start3A_134] : memref<128x128xf32, #tpu.memory_space<vmem>> -> memref<128x128xf32, #tpu.memory_space<vmem>>
      %dma_start3A_136 = arith.constant 0 : i32
      %dma_start3A_137 = tpu.memref_slice %arg7[%add3A_132, %dma_start3A_136] : memref<40x128xi32, #tpu.memory_space<vmem>> -> memref<1x128xi32, #tpu.memory_space<vmem>>
      %dma_start3A_138 = tpu.memref_squeeze %dma_start3A_137 : memref<1x128xi32, #tpu.memory_space<vmem>> -> memref<128xi32, #tpu.memory_space<vmem>>
      %dma_start3A_139 = arith.constant 0 : i32
      %dma_start3A_140 = arith.constant 0 : i32
      %dma_start3A_141 = tpu.memref_slice %arg2[%dma_start3A_139, %dma_start3A_140] : memref<10000x128xf32, #tpu.memory_space<hbm>> -> memref<10000x128xf32, #tpu.memory_space<hbm>>
      tpu.enqueue_indirect_dma source(%dma_start3A_141 : memref<10000x128xf32, #tpu.memory_space<hbm>>) target(%dma_start3A_135 : memref<128x128xf32, #tpu.memory_space<vmem>>) offsets(%dma_start3A_138 : memref<128xi32, #tpu.memory_space<vmem>>) semaphore(%arg14 : memref<!tpu.dma_semaphore, #tpu.memory_space<semaphore_mem>>)
      %add3A_142 = arith.constant 1 : i32
      %add3A_143 = arith.addi %mul3A_100, %add3A_142 : i32
      "tpu.region"() ({
        %run_scoped3A_144 = tpu.sem_alloc : memref<!tpu.dma_semaphore, #tpu.memory_space<semaphore_mem>>
        %dma_start3A_145 = arith.constant 0 : i32
        %dma_start3A_146 = tpu.memref_slice %arg8[%add3A_143, %dma_start3A_145] : memref<40x128xi32, #tpu.memory_space<vmem>> -> memref<1x128xi32, #tpu.memory_space<vmem>>
        %dma_start3A_147 = tpu.memref_squeeze %dma_start3A_146 : memref<1x128xi32, #tpu.memory_space<vmem>> -> memref<128xi32, #tpu.memory_space<vmem>>
        %dma_start3A_148 = arith.constant 0 : i32
        %dma_start3A_149 = arith.constant 0 : i32
        %dma_start3A_150 = tpu.memref_slice %arg12[%dma_start3A_148, %dma_start3A_149] : memref<10240x128xf32, #tpu.memory_space<vmem_shared>> -> memref<10240x128xf32, #tpu.memory_space<vmem_shared>>
        tpu.enqueue_indirect_dma source(%arg10 : memref<128x128xf32, #tpu.memory_space<vmem>>) target(%dma_start3A_150 : memref<10240x128xf32, #tpu.memory_space<vmem_shared>>) offsets(%dma_start3A_147 : memref<128xi32, #tpu.memory_space<vmem>>) semaphore(%run_scoped3A_144 : memref<!tpu.dma_semaphore, #tpu.memory_space<semaphore_mem>>) {add = true}
        %dma_wait3A_151 = arith.constant 0 : i32
        %dma_wait3A_152 = tpu.memref_slice %arg8[%add3A_143, %dma_wait3A_151] : memref<40x128xi32, #tpu.memory_space<vmem>> -> memref<1x128xi32, #tpu.memory_space<vmem>>
        %dma_wait3A_153 = tpu.memref_squeeze %dma_wait3A_152 : memref<1x128xi32, #tpu.memory_space<vmem>> -> memref<128xi32, #tpu.memory_space<vmem>>
        %dma_wait3A_154 = arith.constant 0 : i32
        %dma_wait3A_155 = arith.constant 0 : i32
        %dma_wait3A_156 = tpu.memref_slice %arg12[%dma_wait3A_154, %dma_wait3A_155] : memref<10240x128xf32, #tpu.memory_space<vmem_shared>> -> memref<10240x128xf32, #tpu.memory_space<vmem_shared>>
        tpu.wait_indirect_dma semaphore(%run_scoped3A_144 : memref<!tpu.dma_semaphore, #tpu.memory_space<semaphore_mem>>) src(%arg10 : memref<128x128xf32, #tpu.memory_space<vmem>>) dst(%dma_wait3A_156 : memref<10240x128xf32, #tpu.memory_space<vmem_shared>>)
        tpu.yield
      }) : () -> ()
    }
    %scan3A_15 = arith.constant 19 : i32
    %dma_wait3A = arith.constant 38 : i32
    %dma_wait3A_16 = arith.constant 0 : i32
    %dma_wait3A_17 = arith.constant 0 : i32
    %dma_wait3A_18 = tpu.memref_slice %arg9[%dma_wait3A_16, %dma_wait3A_17] : memref<128x128xf32, #tpu.memory_space<vmem>> -> memref<128x128xf32, #tpu.memory_space<vmem>>
    %dma_wait3A_19 = arith.constant 0 : i32
    %dma_wait3A_20 = tpu.memref_slice %arg7[%dma_wait3A, %dma_wait3A_19] : memref<40x128xi32, #tpu.memory_space<vmem>> -> memref<1x128xi32, #tpu.memory_space<vmem>>
    %dma_wait3A_21 = tpu.memref_squeeze %dma_wait3A_20 : memref<1x128xi32, #tpu.memory_space<vmem>> -> memref<128xi32, #tpu.memory_space<vmem>>
    %dma_wait3A_22 = arith.constant 0 : i32
    %dma_wait3A_23 = arith.constant 0 : i32
    %dma_wait3A_24 = tpu.memref_slice %arg2[%dma_wait3A_22, %dma_wait3A_23] : memref<10000x128xf32, #tpu.memory_space<hbm>> -> memref<10000x128xf32, #tpu.memory_space<hbm>>
    tpu.wait_indirect_dma semaphore(%arg14 : memref<!tpu.dma_semaphore, #tpu.memory_space<semaphore_mem>>) src(%dma_wait3A_24 : memref<10000x128xf32, #tpu.memory_space<hbm>>) dst(%dma_wait3A_18 : memref<128x128xf32, #tpu.memory_space<vmem>>)
    %dma_start3A_25 = arith.constant 39 : i32
    %dma_start3A_26 = arith.constant 0 : i32
    %dma_start3A_27 = arith.constant 0 : i32
    %dma_start3A_28 = tpu.memref_slice %arg10[%dma_start3A_26, %dma_start3A_27] : memref<128x128xf32, #tpu.memory_space<vmem>> -> memref<128x128xf32, #tpu.memory_space<vmem>>
    %dma_start3A_29 = arith.constant 0 : i32
    %dma_start3A_30 = tpu.memref_slice %arg7[%dma_start3A_25, %dma_start3A_29] : memref<40x128xi32, #tpu.memory_space<vmem>> -> memref<1x128xi32, #tpu.memory_space<vmem>>
    %dma_start3A_31 = tpu.memref_squeeze %dma_start3A_30 : memref<1x128xi32, #tpu.memory_space<vmem>> -> memref<128xi32, #tpu.memory_space<vmem>>
    %dma_start3A_32 = arith.constant 0 : i32
    %dma_start3A_33 = arith.constant 0 : i32
    %dma_start3A_34 = tpu.memref_slice %arg2[%dma_start3A_32, %dma_start3A_33] : memref<10000x128xf32, #tpu.memory_space<hbm>> -> memref<10000x128xf32, #tpu.memory_space<hbm>>
    tpu.enqueue_indirect_dma source(%dma_start3A_34 : memref<10000x128xf32, #tpu.memory_space<hbm>>) target(%dma_start3A_28 : memref<128x128xf32, #tpu.memory_space<vmem>>) offsets(%dma_start3A_31 : memref<128xi32, #tpu.memory_space<vmem>>) semaphore(%arg15 : memref<!tpu.dma_semaphore, #tpu.memory_space<semaphore_mem>>)
    %run_scoped3A_35 = arith.constant 38 : i32
    "tpu.region"() ({
      %run_scoped3A_98 = tpu.sem_alloc : memref<!tpu.dma_semaphore, #tpu.memory_space<semaphore_mem>>
      %dma_start3A_99 = arith.constant 0 : i32
      %dma_start3A_100 = tpu.memref_slice %arg8[%run_scoped3A_35, %dma_start3A_99] : memref<40x128xi32, #tpu.memory_space<vmem>> -> memref<1x128xi32, #tpu.memory_space<vmem>>
      %dma_start3A_101 = tpu.memref_squeeze %dma_start3A_100 : memref<1x128xi32, #tpu.memory_space<vmem>> -> memref<128xi32, #tpu.memory_space<vmem>>
      %dma_start3A_102 = arith.constant 0 : i32
      %dma_start3A_103 = arith.constant 0 : i32
      %dma_start3A_104 = tpu.memref_slice %arg12[%dma_start3A_102, %dma_start3A_103] : memref<10240x128xf32, #tpu.memory_space<vmem_shared>> -> memref<10240x128xf32, #tpu.memory_space<vmem_shared>>
      tpu.enqueue_indirect_dma source(%arg9 : memref<128x128xf32, #tpu.memory_space<vmem>>) target(%dma_start3A_104 : memref<10240x128xf32, #tpu.memory_space<vmem_shared>>) offsets(%dma_start3A_101 : memref<128xi32, #tpu.memory_space<vmem>>) semaphore(%run_scoped3A_98 : memref<!tpu.dma_semaphore, #tpu.memory_space<semaphore_mem>>) {add = true}
      %dma_wait3A_105 = arith.constant 0 : i32
      %dma_wait3A_106 = tpu.memref_slice %arg8[%run_scoped3A_35, %dma_wait3A_105] : memref<40x128xi32, #tpu.memory_space<vmem>> -> memref<1x128xi32, #tpu.memory_space<vmem>>
      %dma_wait3A_107 = tpu.memref_squeeze %dma_wait3A_106 : memref<1x128xi32, #tpu.memory_space<vmem>> -> memref<128xi32, #tpu.memory_space<vmem>>
      %dma_wait3A_108 = arith.constant 0 : i32
      %dma_wait3A_109 = arith.constant 0 : i32
      %dma_wait3A_110 = tpu.memref_slice %arg12[%dma_wait3A_108, %dma_wait3A_109] : memref<10240x128xf32, #tpu.memory_space<vmem_shared>> -> memref<10240x128xf32, #tpu.memory_space<vmem_shared>>
      tpu.wait_indirect_dma semaphore(%run_scoped3A_98 : memref<!tpu.dma_semaphore, #tpu.memory_space<semaphore_mem>>) src(%arg9 : memref<128x128xf32, #tpu.memory_space<vmem>>) dst(%dma_wait3A_110 : memref<10240x128xf32, #tpu.memory_space<vmem_shared>>)
      tpu.yield
    }) : () -> ()
    %dma_wait3A_36 = arith.constant 39 : i32
    %dma_wait3A_37 = arith.constant 0 : i32
    %dma_wait3A_38 = arith.constant 0 : i32
    %dma_wait3A_39 = tpu.memref_slice %arg10[%dma_wait3A_37, %dma_wait3A_38] : memref<128x128xf32, #tpu.memory_space<vmem>> -> memref<128x128xf32, #tpu.memory_space<vmem>>
    %dma_wait3A_40 = arith.constant 0 : i32
    %dma_wait3A_41 = tpu.memref_slice %arg7[%dma_wait3A_36, %dma_wait3A_40] : memref<40x128xi32, #tpu.memory_space<vmem>> -> memref<1x128xi32, #tpu.memory_space<vmem>>
    %dma_wait3A_42 = tpu.memref_squeeze %dma_wait3A_41 : memref<1x128xi32, #tpu.memory_space<vmem>> -> memref<128xi32, #tpu.memory_space<vmem>>
    %dma_wait3A_43 = arith.constant 0 : i32
    %dma_wait3A_44 = arith.constant 0 : i32
    %dma_wait3A_45 = tpu.memref_slice %arg2[%dma_wait3A_43, %dma_wait3A_44] : memref<10000x128xf32, #tpu.memory_space<hbm>> -> memref<10000x128xf32, #tpu.memory_space<hbm>>
    tpu.wait_indirect_dma semaphore(%arg15 : memref<!tpu.dma_semaphore, #tpu.memory_space<semaphore_mem>>) src(%dma_wait3A_45 : memref<10000x128xf32, #tpu.memory_space<hbm>>) dst(%dma_wait3A_39 : memref<128x128xf32, #tpu.memory_space<vmem>>)
    %run_scoped3A_46 = arith.constant 39 : i32
    "tpu.region"() ({
      %run_scoped3A_98 = tpu.sem_alloc : memref<!tpu.dma_semaphore, #tpu.memory_space<semaphore_mem>>
      %dma_start3A_99 = arith.constant 0 : i32
      %dma_start3A_100 = tpu.memref_slice %arg8[%run_scoped3A_46, %dma_start3A_99] : memref<40x128xi32, #tpu.memory_space<vmem>> -> memref<1x128xi32, #tpu.memory_space<vmem>>
      %dma_start3A_101 = tpu.memref_squeeze %dma_start3A_100 : memref<1x128xi32, #tpu.memory_space<vmem>> -> memref<128xi32, #tpu.memory_space<vmem>>
      %dma_start3A_102 = arith.constant 0 : i32
      %dma_start3A_103 = arith.constant 0 : i32
      %dma_start3A_104 = tpu.memref_slice %arg12[%dma_start3A_102, %dma_start3A_103] : memref<10240x128xf32, #tpu.memory_space<vmem_shared>> -> memref<10240x128xf32, #tpu.memory_space<vmem_shared>>
      tpu.enqueue_indirect_dma source(%arg10 : memref<128x128xf32, #tpu.memory_space<vmem>>) target(%dma_start3A_104 : memref<10240x128xf32, #tpu.memory_space<vmem_shared>>) offsets(%dma_start3A_101 : memref<128xi32, #tpu.memory_space<vmem>>) semaphore(%run_scoped3A_98 : memref<!tpu.dma_semaphore, #tpu.memory_space<semaphore_mem>>) {add = true}
      %dma_wait3A_105 = arith.constant 0 : i32
      %dma_wait3A_106 = tpu.memref_slice %arg8[%run_scoped3A_46, %dma_wait3A_105] : memref<40x128xi32, #tpu.memory_space<vmem>> -> memref<1x128xi32, #tpu.memory_space<vmem>>
      %dma_wait3A_107 = tpu.memref_squeeze %dma_wait3A_106 : memref<1x128xi32, #tpu.memory_space<vmem>> -> memref<128xi32, #tpu.memory_space<vmem>>
      %dma_wait3A_108 = arith.constant 0 : i32
      %dma_wait3A_109 = arith.constant 0 : i32
      %dma_wait3A_110 = tpu.memref_slice %arg12[%dma_wait3A_108, %dma_wait3A_109] : memref<10240x128xf32, #tpu.memory_space<vmem_shared>> -> memref<10240x128xf32, #tpu.memory_space<vmem_shared>>
      tpu.wait_indirect_dma semaphore(%run_scoped3A_98 : memref<!tpu.dma_semaphore, #tpu.memory_space<semaphore_mem>>) src(%arg10 : memref<128x128xf32, #tpu.memory_space<vmem>>) dst(%dma_wait3A_110 : memref<10240x128xf32, #tpu.memory_space<vmem_shared>>)
      tpu.yield
    }) : () -> ()
    %run_scoped3A_47 = arith.constant 0 : i32
    "tpu.region"() ({
      %run_scoped3A_98 = tpu.sem_alloc : memref<!tpu.dma_semaphore, #tpu.memory_space<semaphore_mem>>
      %dma_start3A_99 = arith.constant 40 : i32
      %dma_start3A_100 = arith.constant 0 : i32
      %dma_start3A_101 = tpu.memref_slice %arg3[%run_scoped3A_47, %arg0, %arg1, %dma_start3A_99, %dma_start3A_100] : memref<2x2x16x80x128xi32, #tpu.memory_space<hbm>> -> memref<1x1x1x40x128xi32, #tpu.memory_space<hbm>>
      %dma_start3A_102 = tpu.memref_squeeze %dma_start3A_101 : memref<1x1x1x40x128xi32, #tpu.memory_space<hbm>> -> memref<40x128xi32, #tpu.memory_space<hbm>>
      %dma_start3A_103 = arith.constant 40 : i32
      %dma_start3A_104 = arith.constant 0 : i32
      %dma_start3A_105 = tpu.memref_slice %arg3[%run_scoped3A_47, %arg0, %arg1, %dma_start3A_103, %dma_start3A_104] : memref<2x2x16x80x128xi32, #tpu.memory_space<hbm>> -> memref<1x1x1x40x128xi32, #tpu.memory_space<hbm>>
      %dma_start3A_106 = tpu.memref_squeeze %dma_start3A_105 : memref<1x1x1x40x128xi32, #tpu.memory_space<hbm>> -> memref<40x128xi32, #tpu.memory_space<hbm>>
      tpu.enqueue_dma source(%dma_start3A_106 : memref<40x128xi32, #tpu.memory_space<hbm>>) target(%arg7 : memref<40x128xi32, #tpu.memory_space<vmem>>) target_semaphore(%run_scoped3A_98 : memref<!tpu.dma_semaphore, #tpu.memory_space<semaphore_mem>>)
      %dma_wait3A_107 = arith.constant 40 : i32
      %dma_wait3A_108 = arith.constant 0 : i32
      %dma_wait3A_109 = tpu.memref_slice %arg3[%run_scoped3A_47, %arg0, %arg1, %dma_wait3A_107, %dma_wait3A_108] : memref<2x2x16x80x128xi32, #tpu.memory_space<hbm>> -> memref<1x1x1x40x128xi32, #tpu.memory_space<hbm>>
      %dma_wait3A_110 = tpu.memref_squeeze %dma_wait3A_109 : memref<1x1x1x40x128xi32, #tpu.memory_space<hbm>> -> memref<40x128xi32, #tpu.memory_space<hbm>>
      %dma_wait3A_111 = arith.constant 40 : i32
      %dma_wait3A_112 = arith.constant 0 : i32
      %dma_wait3A_113 = tpu.memref_slice %arg3[%run_scoped3A_47, %arg0, %arg1, %dma_wait3A_111, %dma_wait3A_112] : memref<2x2x16x80x128xi32, #tpu.memory_space<hbm>> -> memref<1x1x1x40x128xi32, #tpu.memory_space<hbm>>
      %dma_wait3A_114 = tpu.memref_squeeze %dma_wait3A_113 : memref<1x1x1x40x128xi32, #tpu.memory_space<hbm>> -> memref<40x128xi32, #tpu.memory_space<hbm>>
      tpu.wait_dma2 semaphore(%run_scoped3A_98 : memref<!tpu.dma_semaphore, #tpu.memory_space<semaphore_mem>>) src(%dma_wait3A_114 : memref<40x128xi32, #tpu.memory_space<hbm>>) dst(%arg7 : memref<40x128xi32, #tpu.memory_space<vmem>>)
      tpu.yield
    }) : () -> ()
    %run_scoped3A_48 = arith.constant 1 : i32
    "tpu.region"() ({
      %run_scoped3A_98 = tpu.sem_alloc : memref<!tpu.dma_semaphore, #tpu.memory_space<semaphore_mem>>
      %dma_start3A_99 = arith.constant 40 : i32
      %dma_start3A_100 = arith.constant 0 : i32
      %dma_start3A_101 = tpu.memref_slice %arg3[%run_scoped3A_48, %arg0, %arg1, %dma_start3A_99, %dma_start3A_100] : memref<2x2x16x80x128xi32, #tpu.memory_space<hbm>> -> memref<1x1x1x40x128xi32, #tpu.memory_space<hbm>>
      %dma_start3A_102 = tpu.memref_squeeze %dma_start3A_101 : memref<1x1x1x40x128xi32, #tpu.memory_space<hbm>> -> memref<40x128xi32, #tpu.memory_space<hbm>>
      %dma_start3A_103 = arith.constant 40 : i32
      %dma_start3A_104 = arith.constant 0 : i32
      %dma_start3A_105 = tpu.memref_slice %arg3[%run_scoped3A_48, %arg0, %arg1, %dma_start3A_103, %dma_start3A_104] : memref<2x2x16x80x128xi32, #tpu.memory_space<hbm>> -> memref<1x1x1x40x128xi32, #tpu.memory_space<hbm>>
      %dma_start3A_106 = tpu.memref_squeeze %dma_start3A_105 : memref<1x1x1x40x128xi32, #tpu.memory_space<hbm>> -> memref<40x128xi32, #tpu.memory_space<hbm>>
      tpu.enqueue_dma source(%dma_start3A_106 : memref<40x128xi32, #tpu.memory_space<hbm>>) target(%arg8 : memref<40x128xi32, #tpu.memory_space<vmem>>) target_semaphore(%run_scoped3A_98 : memref<!tpu.dma_semaphore, #tpu.memory_space<semaphore_mem>>)
      %dma_wait3A_107 = arith.constant 40 : i32
      %dma_wait3A_108 = arith.constant 0 : i32
      %dma_wait3A_109 = tpu.memref_slice %arg3[%run_scoped3A_48, %arg0, %arg1, %dma_wait3A_107, %dma_wait3A_108] : memref<2x2x16x80x128xi32, #tpu.memory_space<hbm>> -> memref<1x1x1x40x128xi32, #tpu.memory_space<hbm>>
      %dma_wait3A_110 = tpu.memref_squeeze %dma_wait3A_109 : memref<1x1x1x40x128xi32, #tpu.memory_space<hbm>> -> memref<40x128xi32, #tpu.memory_space<hbm>>
      %dma_wait3A_111 = arith.constant 40 : i32
      %dma_wait3A_112 = arith.constant 0 : i32
      %dma_wait3A_113 = tpu.memref_slice %arg3[%run_scoped3A_48, %arg0, %arg1, %dma_wait3A_111, %dma_wait3A_112] : memref<2x2x16x80x128xi32, #tpu.memory_space<hbm>> -> memref<1x1x1x40x128xi32, #tpu.memory_space<hbm>>
      %dma_wait3A_114 = tpu.memref_squeeze %dma_wait3A_113 : memref<1x1x1x40x128xi32, #tpu.memory_space<hbm>> -> memref<40x128xi32, #tpu.memory_space<hbm>>
      tpu.wait_dma2 semaphore(%run_scoped3A_98 : memref<!tpu.dma_semaphore, #tpu.memory_space<semaphore_mem>>) src(%dma_wait3A_114 : memref<40x128xi32, #tpu.memory_space<hbm>>) dst(%arg8 : memref<40x128xi32, #tpu.memory_space<vmem>>)
      tpu.yield
    }) : () -> ()
    %dma_start3A_49 = arith.constant 0 : i32
    %dma_start3A_50 = arith.constant 0 : i32
    %dma_start3A_51 = arith.constant 0 : i32
    %dma_start3A_52 = tpu.memref_slice %arg9[%dma_start3A_50, %dma_start3A_51] : memref<128x128xf32, #tpu.memory_space<vmem>> -> memref<128x128xf32, #tpu.memory_space<vmem>>
    %dma_start3A_53 = arith.constant 0 : i32
    %dma_start3A_54 = tpu.memref_slice %arg7[%dma_start3A_49, %dma_start3A_53] : memref<40x128xi32, #tpu.memory_space<vmem>> -> memref<1x128xi32, #tpu.memory_space<vmem>>
    %dma_start3A_55 = tpu.memref_squeeze %dma_start3A_54 : memref<1x128xi32, #tpu.memory_space<vmem>> -> memref<128xi32, #tpu.memory_space<vmem>>
    %dma_start3A_56 = arith.constant 0 : i32
    %dma_start3A_57 = arith.constant 0 : i32
    %dma_start3A_58 = tpu.memref_slice %arg2[%dma_start3A_56, %dma_start3A_57] : memref<10000x128xf32, #tpu.memory_space<hbm>> -> memref<10000x128xf32, #tpu.memory_space<hbm>>
    tpu.enqueue_indirect_dma source(%dma_start3A_58 : memref<10000x128xf32, #tpu.memory_space<hbm>>) target(%dma_start3A_52 : memref<128x128xf32, #tpu.memory_space<vmem>>) offsets(%dma_start3A_55 : memref<128xi32, #tpu.memory_space<vmem>>) semaphore(%arg14 : memref<!tpu.dma_semaphore, #tpu.memory_space<semaphore_mem>>)
    %scan3A_59 = arith.constant 0 : i32
    %scan3A_60 = arith.constant 0 : i32
    %scan3A_61 = arith.constant 19 : i32
    %scan3A_62 = arith.addi %scan3A_60, %scan3A_61 : i32
    %scan3A_63 = arith.constant 1 : i32
    scf.for %scan3A_98 = %scan3A_60 to %scan3A_62 step %scan3A_63  : i32 {
      %mul3A_99 = arith.constant 2 : i32
      %mul3A_100 = arith.muli %scan3A_98, %mul3A_99 : i32
      %dma_wait3A_101 = arith.constant 0 : i32
      %dma_wait3A_102 = arith.constant 0 : i32
      %dma_wait3A_103 = tpu.memref_slice %arg9[%dma_wait3A_101, %dma_wait3A_102] : memref<128x128xf32, #tpu.memory_space<vmem>> -> memref<128x128xf32, #tpu.memory_space<vmem>>
      %dma_wait3A_104 = arith.constant 0 : i32
      %dma_wait3A_105 = tpu.memref_slice %arg7[%mul3A_100, %dma_wait3A_104] : memref<40x128xi32, #tpu.memory_space<vmem>> -> memref<1x128xi32, #tpu.memory_space<vmem>>
      %dma_wait3A_106 = tpu.memref_squeeze %dma_wait3A_105 : memref<1x128xi32, #tpu.memory_space<vmem>> -> memref<128xi32, #tpu.memory_space<vmem>>
      %dma_wait3A_107 = arith.constant 0 : i32
      %dma_wait3A_108 = arith.constant 0 : i32
      %dma_wait3A_109 = tpu.memref_slice %arg2[%dma_wait3A_107, %dma_wait3A_108] : memref<10000x128xf32, #tpu.memory_space<hbm>> -> memref<10000x128xf32, #tpu.memory_space<hbm>>
      tpu.wait_indirect_dma semaphore(%arg14 : memref<!tpu.dma_semaphore, #tpu.memory_space<semaphore_mem>>) src(%dma_wait3A_109 : memref<10000x128xf32, #tpu.memory_space<hbm>>) dst(%dma_wait3A_103 : memref<128x128xf32, #tpu.memory_space<vmem>>)
      %add3A = arith.constant 1 : i32
      %add3A_110 = arith.addi %mul3A_100, %add3A : i32
      %dma_start3A_111 = arith.constant 0 : i32
      %dma_start3A_112 = arith.constant 0 : i32
      %dma_start3A_113 = tpu.memref_slice %arg10[%dma_start3A_111, %dma_start3A_112] : memref<128x128xf32, #tpu.memory_space<vmem>> -> memref<128x128xf32, #tpu.memory_space<vmem>>
      %dma_start3A_114 = arith.constant 0 : i32
      %dma_start3A_115 = tpu.memref_slice %arg7[%add3A_110, %dma_start3A_114] : memref<40x128xi32, #tpu.memory_space<vmem>> -> memref<1x128xi32, #tpu.memory_space<vmem>>
      %dma_start3A_116 = tpu.memref_squeeze %dma_start3A_115 : memref<1x128xi32, #tpu.memory_space<vmem>> -> memref<128xi32, #tpu.memory_space<vmem>>
      %dma_start3A_117 = arith.constant 0 : i32
      %dma_start3A_118 = arith.constant 0 : i32
      %dma_start3A_119 = tpu.memref_slice %arg2[%dma_start3A_117, %dma_start3A_118] : memref<10000x128xf32, #tpu.memory_space<hbm>> -> memref<10000x128xf32, #tpu.memory_space<hbm>>
      tpu.enqueue_indirect_dma source(%dma_start3A_119 : memref<10000x128xf32, #tpu.memory_space<hbm>>) target(%dma_start3A_113 : memref<128x128xf32, #tpu.memory_space<vmem>>) offsets(%dma_start3A_116 : memref<128xi32, #tpu.memory_space<vmem>>) semaphore(%arg15 : memref<!tpu.dma_semaphore, #tpu.memory_space<semaphore_mem>>)
      "tpu.region"() ({
        %run_scoped3A_144 = tpu.sem_alloc : memref<!tpu.dma_semaphore, #tpu.memory_space<semaphore_mem>>
        %dma_start3A_145 = arith.constant 0 : i32
        %dma_start3A_146 = tpu.memref_slice %arg8[%mul3A_100, %dma_start3A_145] : memref<40x128xi32, #tpu.memory_space<vmem>> -> memref<1x128xi32, #tpu.memory_space<vmem>>
        %dma_start3A_147 = tpu.memref_squeeze %dma_start3A_146 : memref<1x128xi32, #tpu.memory_space<vmem>> -> memref<128xi32, #tpu.memory_space<vmem>>
        %dma_start3A_148 = arith.constant 0 : i32
        %dma_start3A_149 = arith.constant 0 : i32
        %dma_start3A_150 = tpu.memref_slice %arg12[%dma_start3A_148, %dma_start3A_149] : memref<10240x128xf32, #tpu.memory_space<vmem_shared>> -> memref<10240x128xf32, #tpu.memory_space<vmem_shared>>
        tpu.enqueue_indirect_dma source(%arg9 : memref<128x128xf32, #tpu.memory_space<vmem>>) target(%dma_start3A_150 : memref<10240x128xf32, #tpu.memory_space<vmem_shared>>) offsets(%dma_start3A_147 : memref<128xi32, #tpu.memory_space<vmem>>) semaphore(%run_scoped3A_144 : memref<!tpu.dma_semaphore, #tpu.memory_space<semaphore_mem>>) {add = true}
        %dma_wait3A_151 = arith.constant 0 : i32
        %dma_wait3A_152 = tpu.memref_slice %arg8[%mul3A_100, %dma_wait3A_151] : memref<40x128xi32, #tpu.memory_space<vmem>> -> memref<1x128xi32, #tpu.memory_space<vmem>>
        %dma_wait3A_153 = tpu.memref_squeeze %dma_wait3A_152 : memref<1x128xi32, #tpu.memory_space<vmem>> -> memref<128xi32, #tpu.memory_space<vmem>>
        %dma_wait3A_154 = arith.constant 0 : i32
        %dma_wait3A_155 = arith.constant 0 : i32
        %dma_wait3A_156 = tpu.memref_slice %arg12[%dma_wait3A_154, %dma_wait3A_155] : memref<10240x128xf32, #tpu.memory_space<vmem_shared>> -> memref<10240x128xf32, #tpu.memory_space<vmem_shared>>
        tpu.wait_indirect_dma semaphore(%run_scoped3A_144 : memref<!tpu.dma_semaphore, #tpu.memory_space<semaphore_mem>>) src(%arg9 : memref<128x128xf32, #tpu.memory_space<vmem>>) dst(%dma_wait3A_156 : memref<10240x128xf32, #tpu.memory_space<vmem_shared>>)
        tpu.yield
      }) : () -> ()
      %add3A_120 = arith.constant 1 : i32
      %add3A_121 = arith.addi %mul3A_100, %add3A_120 : i32
      %dma_wait3A_122 = arith.constant 0 : i32
      %dma_wait3A_123 = arith.constant 0 : i32
      %dma_wait3A_124 = tpu.memref_slice %arg10[%dma_wait3A_122, %dma_wait3A_123] : memref<128x128xf32, #tpu.memory_space<vmem>> -> memref<128x128xf32, #tpu.memory_space<vmem>>
      %dma_wait3A_125 = arith.constant 0 : i32
      %dma_wait3A_126 = tpu.memref_slice %arg7[%add3A_121, %dma_wait3A_125] : memref<40x128xi32, #tpu.memory_space<vmem>> -> memref<1x128xi32, #tpu.memory_space<vmem>>
      %dma_wait3A_127 = tpu.memref_squeeze %dma_wait3A_126 : memref<1x128xi32, #tpu.memory_space<vmem>> -> memref<128xi32, #tpu.memory_space<vmem>>
      %dma_wait3A_128 = arith.constant 0 : i32
      %dma_wait3A_129 = arith.constant 0 : i32
      %dma_wait3A_130 = tpu.memref_slice %arg2[%dma_wait3A_128, %dma_wait3A_129] : memref<10000x128xf32, #tpu.memory_space<hbm>> -> memref<10000x128xf32, #tpu.memory_space<hbm>>
      tpu.wait_indirect_dma semaphore(%arg15 : memref<!tpu.dma_semaphore, #tpu.memory_space<semaphore_mem>>) src(%dma_wait3A_130 : memref<10000x128xf32, #tpu.memory_space<hbm>>) dst(%dma_wait3A_124 : memref<128x128xf32, #tpu.memory_space<vmem>>)
      %add3A_131 = arith.constant 2 : i32
      %add3A_132 = arith.addi %mul3A_100, %add3A_131 : i32
      %dma_start3A_133 = arith.constant 0 : i32
      %dma_start3A_134 = arith.constant 0 : i32
      %dma_start3A_135 = tpu.memref_slice %arg9[%dma_start3A_133, %dma_start3A_134] : memref<128x128xf32, #tpu.memory_space<vmem>> -> memref<128x128xf32, #tpu.memory_space<vmem>>
      %dma_start3A_136 = arith.constant 0 : i32
      %dma_start3A_137 = tpu.memref_slice %arg7[%add3A_132, %dma_start3A_136] : memref<40x128xi32, #tpu.memory_space<vmem>> -> memref<1x128xi32, #tpu.memory_space<vmem>>
      %dma_start3A_138 = tpu.memref_squeeze %dma_start3A_137 : memref<1x128xi32, #tpu.memory_space<vmem>> -> memref<128xi32, #tpu.memory_space<vmem>>
      %dma_start3A_139 = arith.constant 0 : i32
      %dma_start3A_140 = arith.constant 0 : i32
      %dma_start3A_141 = tpu.memref_slice %arg2[%dma_start3A_139, %dma_start3A_140] : memref<10000x128xf32, #tpu.memory_space<hbm>> -> memref<10000x128xf32, #tpu.memory_space<hbm>>
      tpu.enqueue_indirect_dma source(%dma_start3A_141 : memref<10000x128xf32, #tpu.memory_space<hbm>>) target(%dma_start3A_135 : memref<128x128xf32, #tpu.memory_space<vmem>>) offsets(%dma_start3A_138 : memref<128xi32, #tpu.memory_space<vmem>>) semaphore(%arg14 : memref<!tpu.dma_semaphore, #tpu.memory_space<semaphore_mem>>)
      %add3A_142 = arith.constant 1 : i32
      %add3A_143 = arith.addi %mul3A_100, %add3A_142 : i32
      "tpu.region"() ({
        %run_scoped3A_144 = tpu.sem_alloc : memref<!tpu.dma_semaphore, #tpu.memory_space<semaphore_mem>>
        %dma_start3A_145 = arith.constant 0 : i32
        %dma_start3A_146 = tpu.memref_slice %arg8[%add3A_143, %dma_start3A_145] : memref<40x128xi32, #tpu.memory_space<vmem>> -> memref<1x128xi32, #tpu.memory_space<vmem>>
        %dma_start3A_147 = tpu.memref_squeeze %dma_start3A_146 : memref<1x128xi32, #tpu.memory_space<vmem>> -> memref<128xi32, #tpu.memory_space<vmem>>
        %dma_start3A_148 = arith.constant 0 : i32
        %dma_start3A_149 = arith.constant 0 : i32
        %dma_start3A_150 = tpu.memref_slice %arg12[%dma_start3A_148, %dma_start3A_149] : memref<10240x128xf32, #tpu.memory_space<vmem_shared>> -> memref<10240x128xf32, #tpu.memory_space<vmem_shared>>
        tpu.enqueue_indirect_dma source(%arg10 : memref<128x128xf32, #tpu.memory_space<vmem>>) target(%dma_start3A_150 : memref<10240x128xf32, #tpu.memory_space<vmem_shared>>) offsets(%dma_start3A_147 : memref<128xi32, #tpu.memory_space<vmem>>) semaphore(%run_scoped3A_144 : memref<!tpu.dma_semaphore, #tpu.memory_space<semaphore_mem>>) {add = true}
        %dma_wait3A_151 = arith.constant 0 : i32
        %dma_wait3A_152 = tpu.memref_slice %arg8[%add3A_143, %dma_wait3A_151] : memref<40x128xi32, #tpu.memory_space<vmem>> -> memref<1x128xi32, #tpu.memory_space<vmem>>
        %dma_wait3A_153 = tpu.memref_squeeze %dma_wait3A_152 : memref<1x128xi32, #tpu.memory_space<vmem>> -> memref<128xi32, #tpu.memory_space<vmem>>
        %dma_wait3A_154 = arith.constant 0 : i32
        %dma_wait3A_155 = arith.constant 0 : i32
        %dma_wait3A_156 = tpu.memref_slice %arg12[%dma_wait3A_154, %dma_wait3A_155] : memref<10240x128xf32, #tpu.memory_space<vmem_shared>> -> memref<10240x128xf32, #tpu.memory_space<vmem_shared>>
        tpu.wait_indirect_dma semaphore(%run_scoped3A_144 : memref<!tpu.dma_semaphore, #tpu.memory_space<semaphore_mem>>) src(%arg10 : memref<128x128xf32, #tpu.memory_space<vmem>>) dst(%dma_wait3A_156 : memref<10240x128xf32, #tpu.memory_space<vmem_shared>>)
        tpu.yield
      }) : () -> ()
    }
    %scan3A_64 = arith.constant 19 : i32
    %dma_wait3A_65 = arith.constant 38 : i32
    %dma_wait3A_66 = arith.constant 0 : i32
    %dma_wait3A_67 = arith.constant 0 : i32
    %dma_wait3A_68 = tpu.memref_slice %arg9[%dma_wait3A_66, %dma_wait3A_67] : memref<128x128xf32, #tpu.memory_space<vmem>> -> memref<128x128xf32, #tpu.memory_space<vmem>>
    %dma_wait3A_69 = arith.constant 0 : i32
    %dma_wait3A_70 = tpu.memref_slice %arg7[%dma_wait3A_65, %dma_wait3A_69] : memref<40x128xi32, #tpu.memory_space<vmem>> -> memref<1x128xi32, #tpu.memory_space<vmem>>
    %dma_wait3A_71 = tpu.memref_squeeze %dma_wait3A_70 : memref<1x128xi32, #tpu.memory_space<vmem>> -> memref<128xi32, #tpu.memory_space<vmem>>
    %dma_wait3A_72 = arith.constant 0 : i32
    %dma_wait3A_73 = arith.constant 0 : i32
    %dma_wait3A_74 = tpu.memref_slice %arg2[%dma_wait3A_72, %dma_wait3A_73] : memref<10000x128xf32, #tpu.memory_space<hbm>> -> memref<10000x128xf32, #tpu.memory_space<hbm>>
    tpu.wait_indirect_dma semaphore(%arg14 : memref<!tpu.dma_semaphore, #tpu.memory_space<semaphore_mem>>) src(%dma_wait3A_74 : memref<10000x128xf32, #tpu.memory_space<hbm>>) dst(%dma_wait3A_68 : memref<128x128xf32, #tpu.memory_space<vmem>>)
    %dma_start3A_75 = arith.constant 39 : i32
    %dma_start3A_76 = arith.constant 0 : i32
    %dma_start3A_77 = arith.constant 0 : i32
    %dma_start3A_78 = tpu.memref_slice %arg10[%dma_start3A_76, %dma_start3A_77] : memref<128x128xf32, #tpu.memory_space<vmem>> -> memref<128x128xf32, #tpu.memory_space<vmem>>
    %dma_start3A_79 = arith.constant 0 : i32
    %dma_start3A_80 = tpu.memref_slice %arg7[%dma_start3A_75, %dma_start3A_79] : memref<40x128xi32, #tpu.memory_space<vmem>> -> memref<1x128xi32, #tpu.memory_space<vmem>>
    %dma_start3A_81 = tpu.memref_squeeze %dma_start3A_80 : memref<1x128xi32, #tpu.memory_space<vmem>> -> memref<128xi32, #tpu.memory_space<vmem>>
    %dma_start3A_82 = arith.constant 0 : i32
    %dma_start3A_83 = arith.constant 0 : i32
    %dma_start3A_84 = tpu.memref_slice %arg2[%dma_start3A_82, %dma_start3A_83] : memref<10000x128xf32, #tpu.memory_space<hbm>> -> memref<10000x128xf32, #tpu.memory_space<hbm>>
    tpu.enqueue_indirect_dma source(%dma_start3A_84 : memref<10000x128xf32, #tpu.memory_space<hbm>>) target(%dma_start3A_78 : memref<128x128xf32, #tpu.memory_space<vmem>>) offsets(%dma_start3A_81 : memref<128xi32, #tpu.memory_space<vmem>>) semaphore(%arg15 : memref<!tpu.dma_semaphore, #tpu.memory_space<semaphore_mem>>)
    %run_scoped3A_85 = arith.constant 38 : i32
    "tpu.region"() ({
      %run_scoped3A_98 = tpu.sem_alloc : memref<!tpu.dma_semaphore, #tpu.memory_space<semaphore_mem>>
      %dma_start3A_99 = arith.constant 0 : i32
      %dma_start3A_100 = tpu.memref_slice %arg8[%run_scoped3A_85, %dma_start3A_99] : memref<40x128xi32, #tpu.memory_space<vmem>> -> memref<1x128xi32, #tpu.memory_space<vmem>>
      %dma_start3A_101 = tpu.memref_squeeze %dma_start3A_100 : memref<1x128xi32, #tpu.memory_space<vmem>> -> memref<128xi32, #tpu.memory_space<vmem>>
      %dma_start3A_102 = arith.constant 0 : i32
      %dma_start3A_103 = arith.constant 0 : i32
      %dma_start3A_104 = tpu.memref_slice %arg12[%dma_start3A_102, %dma_start3A_103] : memref<10240x128xf32, #tpu.memory_space<vmem_shared>> -> memref<10240x128xf32, #tpu.memory_space<vmem_shared>>
      tpu.enqueue_indirect_dma source(%arg9 : memref<128x128xf32, #tpu.memory_space<vmem>>) target(%dma_start3A_104 : memref<10240x128xf32, #tpu.memory_space<vmem_shared>>) offsets(%dma_start3A_101 : memref<128xi32, #tpu.memory_space<vmem>>) semaphore(%run_scoped3A_98 : memref<!tpu.dma_semaphore, #tpu.memory_space<semaphore_mem>>) {add = true}
      %dma_wait3A_105 = arith.constant 0 : i32
      %dma_wait3A_106 = tpu.memref_slice %arg8[%run_scoped3A_85, %dma_wait3A_105] : memref<40x128xi32, #tpu.memory_space<vmem>> -> memref<1x128xi32, #tpu.memory_space<vmem>>
      %dma_wait3A_107 = tpu.memref_squeeze %dma_wait3A_106 : memref<1x128xi32, #tpu.memory_space<vmem>> -> memref<128xi32, #tpu.memory_space<vmem>>
      %dma_wait3A_108 = arith.constant 0 : i32
      %dma_wait3A_109 = arith.constant 0 : i32
      %dma_wait3A_110 = tpu.memref_slice %arg12[%dma_wait3A_108, %dma_wait3A_109] : memref<10240x128xf32, #tpu.memory_space<vmem_shared>> -> memref<10240x128xf32, #tpu.memory_space<vmem_shared>>
      tpu.wait_indirect_dma semaphore(%run_scoped3A_98 : memref<!tpu.dma_semaphore, #tpu.memory_space<semaphore_mem>>) src(%arg9 : memref<128x128xf32, #tpu.memory_space<vmem>>) dst(%dma_wait3A_110 : memref<10240x128xf32, #tpu.memory_space<vmem_shared>>)
      tpu.yield
    }) : () -> ()
    %dma_wait3A_86 = arith.constant 39 : i32
    %dma_wait3A_87 = arith.constant 0 : i32
    %dma_wait3A_88 = arith.constant 0 : i32
    %dma_wait3A_89 = tpu.memref_slice %arg10[%dma_wait3A_87, %dma_wait3A_88] : memref<128x128xf32, #tpu.memory_space<vmem>> -> memref<128x128xf32, #tpu.memory_space<vmem>>
    %dma_wait3A_90 = arith.constant 0 : i32
    %dma_wait3A_91 = tpu.memref_slice %arg7[%dma_wait3A_86, %dma_wait3A_90] : memref<40x128xi32, #tpu.memory_space<vmem>> -> memref<1x128xi32, #tpu.memory_space<vmem>>
    %dma_wait3A_92 = tpu.memref_squeeze %dma_wait3A_91 : memref<1x128xi32, #tpu.memory_space<vmem>> -> memref<128xi32, #tpu.memory_space<vmem>>
    %dma_wait3A_93 = arith.constant 0 : i32
    %dma_wait3A_94 = arith.constant 0 : i32
    %dma_wait3A_95 = tpu.memref_slice %arg2[%dma_wait3A_93, %dma_wait3A_94] : memref<10000x128xf32, #tpu.memory_space<hbm>> -> memref<10000x128xf32, #tpu.memory_space<hbm>>
    tpu.wait_indirect_dma semaphore(%arg15 : memref<!tpu.dma_semaphore, #tpu.memory_space<semaphore_mem>>) src(%dma_wait3A_95 : memref<10000x128xf32, #tpu.memory_space<hbm>>) dst(%dma_wait3A_89 : memref<128x128xf32, #tpu.memory_space<vmem>>)
    %run_scoped3A_96 = arith.constant 39 : i32
    "tpu.region"() ({
      %run_scoped3A_98 = tpu.sem_alloc : memref<!tpu.dma_semaphore, #tpu.memory_space<semaphore_mem>>
      %dma_start3A_99 = arith.constant 0 : i32
      %dma_start3A_100 = tpu.memref_slice %arg8[%run_scoped3A_96, %dma_start3A_99] : memref<40x128xi32, #tpu.memory_space<vmem>> -> memref<1x128xi32, #tpu.memory_space<vmem>>
      %dma_start3A_101 = tpu.memref_squeeze %dma_start3A_100 : memref<1x128xi32, #tpu.memory_space<vmem>> -> memref<128xi32, #tpu.memory_space<vmem>>
      %dma_start3A_102 = arith.constant 0 : i32
      %dma_start3A_103 = arith.constant 0 : i32
      %dma_start3A_104 = tpu.memref_slice %arg12[%dma_start3A_102, %dma_start3A_103] : memref<10240x128xf32, #tpu.memory_space<vmem_shared>> -> memref<10240x128xf32, #tpu.memory_space<vmem_shared>>
      tpu.enqueue_indirect_dma source(%arg10 : memref<128x128xf32, #tpu.memory_space<vmem>>) target(%dma_start3A_104 : memref<10240x128xf32, #tpu.memory_space<vmem_shared>>) offsets(%dma_start3A_101 : memref<128xi32, #tpu.memory_space<vmem>>) semaphore(%run_scoped3A_98 : memref<!tpu.dma_semaphore, #tpu.memory_space<semaphore_mem>>) {add = true}
      %dma_wait3A_105 = arith.constant 0 : i32
      %dma_wait3A_106 = tpu.memref_slice %arg8[%run_scoped3A_96, %dma_wait3A_105] : memref<40x128xi32, #tpu.memory_space<vmem>> -> memref<1x128xi32, #tpu.memory_space<vmem>>
      %dma_wait3A_107 = tpu.memref_squeeze %dma_wait3A_106 : memref<1x128xi32, #tpu.memory_space<vmem>> -> memref<128xi32, #tpu.memory_space<vmem>>
      %dma_wait3A_108 = arith.constant 0 : i32
      %dma_wait3A_109 = arith.constant 0 : i32
      %dma_wait3A_110 = tpu.memref_slice %arg12[%dma_wait3A_108, %dma_wait3A_109] : memref<10240x128xf32, #tpu.memory_space<vmem_shared>> -> memref<10240x128xf32, #tpu.memory_space<vmem_shared>>
      tpu.wait_indirect_dma semaphore(%run_scoped3A_98 : memref<!tpu.dma_semaphore, #tpu.memory_space<semaphore_mem>>) src(%arg10 : memref<128x128xf32, #tpu.memory_space<vmem>>) dst(%dma_wait3A_110 : memref<10240x128xf32, #tpu.memory_space<vmem_shared>>)
      tpu.yield
    }) : () -> ()
    %barrier3A_97 = arith.constant 0 : index
    tpu.barrier barrier_id(%barrier3A_97)
    "tpu.region"() ({
      %run_scoped3A_98 = tpu.sem_alloc : memref<!tpu.dma_semaphore, #tpu.memory_space<semaphore_mem>>
      %dma_start3A_99 = arith.constant 0 : i32
      %dma_start3A_100 = tpu.memref_slice %arg6[%arg0, %mul3A_0, %dma_start3A_99] : memref<2x10240x128xf32, #tpu.memory_space<hbm>> -> memref<1x640x128xf32, #tpu.memory_space<hbm>>
      %dma_start3A_101 = tpu.memref_squeeze %dma_start3A_100 : memref<1x640x128xf32, #tpu.memory_space<hbm>> -> memref<640x128xf32, #tpu.memory_space<hbm>>
      %dma_start3A_102 = arith.constant 0 : i32
      %dma_start3A_103 = tpu.memref_slice %arg12[%mul3A_0, %dma_start3A_102] : memref<10240x128xf32, #tpu.memory_space<vmem_shared>> -> memref<640x128xf32, #tpu.memory_space<vmem_shared>>
      tpu.enqueue_dma source(%dma_start3A_103 : memref<640x128xf32, #tpu.memory_space<vmem_shared>>) target(%dma_start3A_101 : memref<640x128xf32, #tpu.memory_space<hbm>>) target_semaphore(%run_scoped3A_98 : memref<!tpu.dma_semaphore, #tpu.memory_space<semaphore_mem>>)
      %dma_wait3A_104 = arith.constant 0 : i32
      %dma_wait3A_105 = tpu.memref_slice %arg6[%arg0, %mul3A_0, %dma_wait3A_104] : memref<2x10240x128xf32, #tpu.memory_space<hbm>> -> memref<1x640x128xf32, #tpu.memory_space<hbm>>
      %dma_wait3A_106 = tpu.memref_squeeze %dma_wait3A_105 : memref<1x640x128xf32, #tpu.memory_space<hbm>> -> memref<640x128xf32, #tpu.memory_space<hbm>>
      %dma_wait3A_107 = arith.constant 0 : i32
      %dma_wait3A_108 = tpu.memref_slice %arg12[%mul3A_0, %dma_wait3A_107] : memref<10240x128xf32, #tpu.memory_space<vmem_shared>> -> memref<640x128xf32, #tpu.memory_space<vmem_shared>>
      tpu.wait_dma2 semaphore(%run_scoped3A_98 : memref<!tpu.dma_semaphore, #tpu.memory_space<semaphore_mem>>) src(%dma_wait3A_108 : memref<640x128xf32, #tpu.memory_space<vmem_shared>>) dst(%dma_wait3A_106 : memref<640x128xf32, #tpu.memory_space<hbm>>)
      tpu.yield
    }) : () -> ()
    return
  }
}

#map = affine_map<(d0, d1) -> (0, 0)>
#map1 = affine_map<(d0, d1) -> (0, 0, 0, 0, 0)>
#map2 = affine_map<(d0, d1) -> (0)>
#map3 = affine_map<(d0, d1) -> (0, 0, 0)>
module attributes {stable_mosaic.version = 14 : i64} {
  func.func @body(%arg0: i32, %arg1: i32, %arg2: memref<10000x128xf32, #tpu.memory_space<hbm>>, %arg3: memref<2x2x16x80x128xi32, #tpu.memory_space<hbm>>, %arg4: memref<640x128xf32, #tpu.memory_space<hbm>>, %arg5: memref<10240xf32, #tpu.memory_space<hbm>>, %arg6: memref<2x10240x128xf32, #tpu.memory_space<hbm>>, %arg7: memref<40x128xi32, #tpu.memory_space<vmem>>, %arg8: memref<40x128xi32, #tpu.memory_space<vmem>>, %arg9: memref<128x128xf32, #tpu.memory_space<vmem>>, %arg10: memref<128x128xf32, #tpu.memory_space<vmem>>, %arg11: memref<128xf32, #tpu.memory_space<vmem>>, %arg12: memref<10240x128xf32, #tpu.memory_space<vmem_shared>>, %arg13: memref<10240xf32, #tpu.memory_space<vmem_shared>>, %arg14: memref<!tpu.dma_semaphore, #tpu.memory_space<semaphore_mem>>, %arg15: memref<!tpu.dma_semaphore, #tpu.memory_space<semaphore_mem>>) attributes {dimension_semantics = [#tpu.dimension_semantics<core_parallel>, #tpu.dimension_semantics<subcore_parallel>], iteration_bounds = array<i64: 2, 16>, scalar_prefetch = 0 : i64, scratch_operands = 9 : i64, tpu.core_type = #tpu.core_type<sc_vector_subcore>, window_params = [{transform_indices = #map}, {transform_indices = #map1}, {transform_indices = #map}, {transform_indices = #map2}, {transform_indices = #map3}]} {
    %mul3A = arith.constant 640 : i32
    %mul3A_0 = arith.muli %arg1, %mul3A : i32
    "tpu.region"() ({
      %run_scoped3A_98 = tpu.sem_alloc : memref<!tpu.dma_semaphore, #tpu.memory_space<semaphore_mem>>
      %dma_start3A_99 = arith.constant 0 : i32
      %dma_start3A_100 = tpu.memref_slice %arg12[%mul3A_0, %dma_start3A_99] : memref<10240x128xf32, #tpu.memory_space<vmem_shared>> -> memref<640x128xf32, #tpu.memory_space<vmem_shared>>
      tpu.enqueue_dma source(%arg4 : memref<640x128xf32, #tpu.memory_space<hbm>>) target(%dma_start3A_100 : memref<640x128xf32, #tpu.memory_space<vmem_shared>>) target_semaphore(%run_scoped3A_98 : memref<!tpu.dma_semaphore, #tpu.memory_space<semaphore_mem>>)
      %dma_wait3A_101 = arith.constant 0 : i32
      %dma_wait3A_102 = tpu.memref_slice %arg12[%mul3A_0, %dma_wait3A_101] : memref<10240x128xf32, #tpu.memory_space<vmem_shared>> -> memref<640x128xf32, #tpu.memory_space<vmem_shared>>
      tpu.wait_dma2 semaphore(%run_scoped3A_98 : memref<!tpu.dma_semaphore, #tpu.memory_space<semaphore_mem>>) src(%arg4 : memref<640x128xf32, #tpu.memory_space<hbm>>) dst(%dma_wait3A_102 : memref<640x128xf32, #tpu.memory_space<vmem_shared>>)
      tpu.yield
    }) : () -> ()
    %barrier3A = arith.constant 0 : index
    tpu.barrier barrier_id(%barrier3A)
    %run_scoped3A = arith.constant 0 : i32
    "tpu.region"() ({
      %run_scoped3A_98 = tpu.sem_alloc : memref<!tpu.dma_semaphore, #tpu.memory_space<semaphore_mem>>
      %dma_start3A_99 = arith.constant 0 : i32
      %dma_start3A_100 = arith.constant 0 : i32
      %dma_start3A_101 = tpu.memref_slice %arg3[%run_scoped3A, %arg0, %arg1, %dma_start3A_99, %dma_start3A_100] : memref<2x2x16x80x128xi32, #tpu.memory_space<hbm>> -> memref<1x1x1x40x128xi32, #tpu.memory_space<hbm>>
      %dma_start3A_102 = tpu.memref_squeeze %dma_start3A_101 : memref<1x1x1x40x128xi32, #tpu.memory_space<hbm>> -> memref<40x128xi32, #tpu.memory_space<hbm>>
      %dma_start3A_103 = arith.constant 0 : i32
      %dma_start3A_104 = arith.constant 0 : i32
      %dma_start3A_105 = tpu.memref_slice %arg3[%run_scoped3A, %arg0, %arg1, %dma_start3A_103, %dma_start3A_104] : memref<2x2x16x80x128xi32, #tpu.memory_space<hbm>> -> memref<1x1x1x40x128xi32, #tpu.memory_space<hbm>>
      %dma_start3A_106 = tpu.memref_squeeze %dma_start3A_105 : memref<1x1x1x40x128xi32, #tpu.memory_space<hbm>> -> memref<40x128xi32, #tpu.memory_space<hbm>>
      tpu.enqueue_dma source(%dma_start3A_106 : memref<40x128xi32, #tpu.memory_space<hbm>>) target(%arg7 : memref<40x128xi32, #tpu.memory_space<vmem>>) target_semaphore(%run_scoped3A_98 : memref<!tpu.dma_semaphore, #tpu.memory_space<semaphore_mem>>)
      %dma_wait3A_107 = arith.constant 0 : i32
      %dma_wait3A_108 = arith.constant 0 : i32
      %dma_wait3A_109 = tpu.memref_slice %arg3[%run_scoped3A, %arg0, %arg1, %dma_wait3A_107, %dma_wait3A_108] : memref<2x2x16x80x128xi32, #tpu.memory_space<hbm>> -> memref<1x1x1x40x128xi32, #tpu.memory_space<hbm>>
      %dma_wait3A_110 = tpu.memref_squeeze %dma_wait3A_109 : memref<1x1x1x40x128xi32, #tpu.memory_space<hbm>> -> memref<40x128xi32, #tpu.memory_space<hbm>>
      %dma_wait3A_111 = arith.constant 0 : i32
      %dma_wait3A_112 = arith.constant 0 : i32
      %dma_wait3A_113 = tpu.memref_slice %arg3[%run_scoped3A, %arg0, %arg1, %dma_wait3A_111, %dma_wait3A_112] : memref<2x2x16x80x128xi32, #tpu.memory_space<hbm>> -> memref<1x1x1x40x128xi32, #tpu.memory_space<hbm>>
      %dma_wait3A_114 = tpu.memref_squeeze %dma_wait3A_113 : memref<1x1x1x40x128xi32, #tpu.memory_space<hbm>> -> memref<40x128xi32, #tpu.memory_space<hbm>>
      tpu.wait_dma2 semaphore(%run_scoped3A_98 : memref<!tpu.dma_semaphore, #tpu.memory_space<semaphore_mem>>) src(%dma_wait3A_114 : memref<40x128xi32, #tpu.memory_space<hbm>>) dst(%arg7 : memref<40x128xi32, #tpu.memory_space<vmem>>)
      tpu.yield
    }) : () -> ()
    %run_scoped3A_1 = arith.constant 1 : i32
    "tpu.region"() ({
      %run_scoped3A_98 = tpu.sem_alloc : memref<!tpu.dma_semaphore, #tpu.memory_space<semaphore_mem>>
      %dma_start3A_99 = arith.constant 0 : i32
      %dma_start3A_100 = arith.constant 0 : i32
      %dma_start3A_101 = tpu.memref_slice %arg3[%run_scoped3A_1, %arg0, %arg1, %dma_start3A_99, %dma_start3A_100] : memref<2x2x16x80x128xi32, #tpu.memory_space<hbm>> -> memref<1x1x1x40x128xi32, #tpu.memory_space<hbm>>
      %dma_start3A_102 = tpu.memref_squeeze %dma_start3A_101 : memref<1x1x1x40x128xi32, #tpu.memory_space<hbm>> -> memref<40x128xi32, #tpu.memory_space<hbm>>
      %dma_start3A_103 = arith.constant 0 : i32
      %dma_start3A_104 = arith.constant 0 : i32
      %dma_start3A_105 = tpu.memref_slice %arg3[%run_scoped3A_1, %arg0, %arg1, %dma_start3A_103, %dma_start3A_104] : memref<2x2x16x80x128xi32, #tpu.memory_space<hbm>> -> memref<1x1x1x40x128xi32, #tpu.memory_space<hbm>>
      %dma_start3A_106 = tpu.memref_squeeze %dma_start3A_105 : memref<1x1x1x40x128xi32, #tpu.memory_space<hbm>> -> memref<40x128xi32, #tpu.memory_space<hbm>>
      tpu.enqueue_dma source(%dma_start3A_106 : memref<40x128xi32, #tpu.memory_space<hbm>>) target(%arg8 : memref<40x128xi32, #tpu.memory_space<vmem>>) target_semaphore(%run_scoped3A_98 : memref<!tpu.dma_semaphore, #tpu.memory_space<semaphore_mem>>)
      %dma_wait3A_107 = arith.constant 0 : i32
      %dma_wait3A_108 = arith.constant 0 : i32
      %dma_wait3A_109 = tpu.memref_slice %arg3[%run_scoped3A_1, %arg0, %arg1, %dma_wait3A_107, %dma_wait3A_108] : memref<2x2x16x80x128xi32, #tpu.memory_space<hbm>> -> memref<1x1x1x40x128xi32, #tpu.memory_space<hbm>>
      %dma_wait3A_110 = tpu.memref_squeeze %dma_wait3A_109 : memref<1x1x1x40x128xi32, #tpu.memory_space<hbm>> -> memref<40x128xi32, #tpu.memory_space<hbm>>
      %dma_wait3A_111 = arith.constant 0 : i32
      %dma_wait3A_112 = arith.constant 0 : i32
      %dma_wait3A_113 = tpu.memref_slice %arg3[%run_scoped3A_1, %arg0, %arg1, %dma_wait3A_111, %dma_wait3A_112] : memref<2x2x16x80x128xi32, #tpu.memory_space<hbm>> -> memref<1x1x1x40x128xi32, #tpu.memory_space<hbm>>
      %dma_wait3A_114 = tpu.memref_squeeze %dma_wait3A_113 : memref<1x1x1x40x128xi32, #tpu.memory_space<hbm>> -> memref<40x128xi32, #tpu.memory_space<hbm>>
      tpu.wait_dma2 semaphore(%run_scoped3A_98 : memref<!tpu.dma_semaphore, #tpu.memory_space<semaphore_mem>>) src(%dma_wait3A_114 : memref<40x128xi32, #tpu.memory_space<hbm>>) dst(%arg8 : memref<40x128xi32, #tpu.memory_space<vmem>>)
      tpu.yield
    }) : () -> ()
    %dma_start3A = arith.constant 0 : i32
    %dma_start3A_2 = arith.constant 0 : i32
    %dma_start3A_3 = arith.constant 0 : i32
    %dma_start3A_4 = tpu.memref_slice %arg9[%dma_start3A_2, %dma_start3A_3] : memref<128x128xf32, #tpu.memory_space<vmem>> -> memref<128x128xf32, #tpu.memory_space<vmem>>
    %dma_start3A_5 = arith.constant 0 : i32
    %dma_start3A_6 = tpu.memref_slice %arg7[%dma_start3A, %dma_start3A_5] : memref<40x128xi32, #tpu.memory_space<vmem>> -> memref<1x128xi32, #tpu.memory_space<vmem>>
    %dma_start3A_7 = tpu.memref_squeeze %dma_start3A_6 : memref<1x128xi32, #tpu.memory_space<vmem>> -> memref<128xi32, #tpu.memory_space<vmem>>
    %dma_start3A_8 = arith.constant 0 : i32
    %dma_start3A_9 = arith.constant 0 : i32
    %dma_start3A_10 = tpu.memref_slice %arg2[%dma_start3A_8, %dma_start3A_9] : memref<10000x128xf32, #tpu.memory_space<hbm>> -> memref<10000x128xf32, #tpu.memory_space<hbm>>
    tpu.enqueue_indirect_dma source(%dma_start3A_10 : memref<10000x128xf32, #tpu.memory_space<hbm>>) target(%dma_start3A_4 : memref<128x128xf32, #tpu.memory_space<vmem>>) offsets(%dma_start3A_7 : memref<128xi32, #tpu.memory_space<vmem>>) semaphore(%arg14 : memref<!tpu.dma_semaphore, #tpu.memory_space<semaphore_mem>>)
    %scan3A = arith.constant 0 : i32
    %scan3A_11 = arith.constant 0 : i32
    %scan3A_12 = arith.constant 19 : i32
    %scan3A_13 = arith.addi %scan3A_11, %scan3A_12 : i32
    %scan3A_14 = arith.constant 1 : i32
    scf.for %scan3A_98 = %scan3A_11 to %scan3A_13 step %scan3A_14  : i32 {
      %mul3A_99 = arith.constant 2 : i32
      %mul3A_100 = arith.muli %scan3A_98, %mul3A_99 : i32
      %dma_wait3A_101 = arith.constant 0 : i32
      %dma_wait3A_102 = arith.constant 0 : i32
      %dma_wait3A_103 = tpu.memref_slice %arg9[%dma_wait3A_101, %dma_wait3A_102] : memref<128x128xf32, #tpu.memory_space<vmem>> -> memref<128x128xf32, #tpu.memory_space<vmem>>
      %dma_wait3A_104 = arith.constant 0 : i32
      %dma_wait3A_105 = tpu.memref_slice %arg7[%mul3A_100, %dma_wait3A_104] : memref<40x128xi32, #tpu.memory_space<vmem>> -> memref<1x128xi32, #tpu.memory_space<vmem>>
      %dma_wait3A_106 = tpu.memref_squeeze %dma_wait3A_105 : memref<1x128xi32, #tpu.memory_space<vmem>> -> memref<128xi32, #tpu.memory_space<vmem>>
      %dma_wait3A_107 = arith.constant 0 : i32
      %dma_wait3A_108 = arith.constant 0 : i32
      %dma_wait3A_109 = tpu.memref_slice %arg2[%dma_wait3A_107, %dma_wait3A_108] : memref<10000x128xf32, #tpu.memory_space<hbm>> -> memref<10000x128xf32, #tpu.memory_space<hbm>>
      tpu.wait_indirect_dma semaphore(%arg14 : memref<!tpu.dma_semaphore, #tpu.memory_space<semaphore_mem>>) src(%dma_wait3A_109 : memref<10000x128xf32, #tpu.memory_space<hbm>>) dst(%dma_wait3A_103 : memref<128x128xf32, #tpu.memory_space<vmem>>)
      %add3A = arith.constant 1 : i32
      %add3A_110 = arith.addi %mul3A_100, %add3A : i32
      %dma_start3A_111 = arith.constant 0 : i32
      %dma_start3A_112 = arith.constant 0 : i32
      %dma_start3A_113 = tpu.memref_slice %arg10[%dma_start3A_111, %dma_start3A_112] : memref<128x128xf32, #tpu.memory_space<vmem>> -> memref<128x128xf32, #tpu.memory_space<vmem>>
      %dma_start3A_114 = arith.constant 0 : i32
      %dma_start3A_115 = tpu.memref_slice %arg7[%add3A_110, %dma_start3A_114] : memref<40x128xi32, #tpu.memory_space<vmem>> -> memref<1x128xi32, #tpu.memory_space<vmem>>
      %dma_start3A_116 = tpu.memref_squeeze %dma_start3A_115 : memref<1x128xi32, #tpu.memory_space<vmem>> -> memref<128xi32, #tpu.memory_space<vmem>>
      %dma_start3A_117 = arith.constant 0 : i32
      %dma_start3A_118 = arith.constant 0 : i32
      %dma_start3A_119 = tpu.memref_slice %arg2[%dma_start3A_117, %dma_start3A_118] : memref<10000x128xf32, #tpu.memory_space<hbm>> -> memref<10000x128xf32, #tpu.memory_space<hbm>>
      tpu.enqueue_indirect_dma source(%dma_start3A_119 : memref<10000x128xf32, #tpu.memory_space<hbm>>) target(%dma_start3A_113 : memref<128x128xf32, #tpu.memory_space<vmem>>) offsets(%dma_start3A_116 : memref<128xi32, #tpu.memory_space<vmem>>) semaphore(%arg15 : memref<!tpu.dma_semaphore, #tpu.memory_space<semaphore_mem>>)
      "tpu.region"() ({
        %run_scoped3A_144 = tpu.sem_alloc : memref<!tpu.dma_semaphore, #tpu.memory_space<semaphore_mem>>
        %dma_start3A_145 = arith.constant 0 : i32
        %dma_start3A_146 = tpu.memref_slice %arg8[%mul3A_100, %dma_start3A_145] : memref<40x128xi32, #tpu.memory_space<vmem>> -> memref<1x128xi32, #tpu.memory_space<vmem>>
        %dma_start3A_147 = tpu.memref_squeeze %dma_start3A_146 : memref<1x128xi32, #tpu.memory_space<vmem>> -> memref<128xi32, #tpu.memory_space<vmem>>
        %dma_start3A_148 = arith.constant 0 : i32
        %dma_start3A_149 = arith.constant 0 : i32
        %dma_start3A_150 = tpu.memref_slice %arg12[%dma_start3A_148, %dma_start3A_149] : memref<10240x128xf32, #tpu.memory_space<vmem_shared>> -> memref<10240x128xf32, #tpu.memory_space<vmem_shared>>
        tpu.enqueue_indirect_dma source(%arg9 : memref<128x128xf32, #tpu.memory_space<vmem>>) target(%dma_start3A_150 : memref<10240x128xf32, #tpu.memory_space<vmem_shared>>) offsets(%dma_start3A_147 : memref<128xi32, #tpu.memory_space<vmem>>) semaphore(%run_scoped3A_144 : memref<!tpu.dma_semaphore, #tpu.memory_space<semaphore_mem>>) {add = true}
        %dma_wait3A_151 = arith.constant 0 : i32
        %dma_wait3A_152 = tpu.memref_slice %arg8[%mul3A_100, %dma_wait3A_151] : memref<40x128xi32, #tpu.memory_space<vmem>> -> memref<1x128xi32, #tpu.memory_space<vmem>>
        %dma_wait3A_153 = tpu.memref_squeeze %dma_wait3A_152 : memref<1x128xi32, #tpu.memory_space<vmem>> -> memref<128xi32, #tpu.memory_space<vmem>>
        %dma_wait3A_154 = arith.constant 0 : i32
        %dma_wait3A_155 = arith.constant 0 : i32
        %dma_wait3A_156 = tpu.memref_slice %arg12[%dma_wait3A_154, %dma_wait3A_155] : memref<10240x128xf32, #tpu.memory_space<vmem_shared>> -> memref<10240x128xf32, #tpu.memory_space<vmem_shared>>
        tpu.wait_indirect_dma semaphore(%run_scoped3A_144 : memref<!tpu.dma_semaphore, #tpu.memory_space<semaphore_mem>>) src(%arg9 : memref<128x128xf32, #tpu.memory_space<vmem>>) dst(%dma_wait3A_156 : memref<10240x128xf32, #tpu.memory_space<vmem_shared>>)
        tpu.yield
      }) : () -> ()
      %add3A_120 = arith.constant 1 : i32
      %add3A_121 = arith.addi %mul3A_100, %add3A_120 : i32
      %dma_wait3A_122 = arith.constant 0 : i32
      %dma_wait3A_123 = arith.constant 0 : i32
      %dma_wait3A_124 = tpu.memref_slice %arg10[%dma_wait3A_122, %dma_wait3A_123] : memref<128x128xf32, #tpu.memory_space<vmem>> -> memref<128x128xf32, #tpu.memory_space<vmem>>
      %dma_wait3A_125 = arith.constant 0 : i32
      %dma_wait3A_126 = tpu.memref_slice %arg7[%add3A_121, %dma_wait3A_125] : memref<40x128xi32, #tpu.memory_space<vmem>> -> memref<1x128xi32, #tpu.memory_space<vmem>>
      %dma_wait3A_127 = tpu.memref_squeeze %dma_wait3A_126 : memref<1x128xi32, #tpu.memory_space<vmem>> -> memref<128xi32, #tpu.memory_space<vmem>>
      %dma_wait3A_128 = arith.constant 0 : i32
      %dma_wait3A_129 = arith.constant 0 : i32
      %dma_wait3A_130 = tpu.memref_slice %arg2[%dma_wait3A_128, %dma_wait3A_129] : memref<10000x128xf32, #tpu.memory_space<hbm>> -> memref<10000x128xf32, #tpu.memory_space<hbm>>
      tpu.wait_indirect_dma semaphore(%arg15 : memref<!tpu.dma_semaphore, #tpu.memory_space<semaphore_mem>>) src(%dma_wait3A_130 : memref<10000x128xf32, #tpu.memory_space<hbm>>) dst(%dma_wait3A_124 : memref<128x128xf32, #tpu.memory_space<vmem>>)
      %add3A_131 = arith.constant 2 : i32
      %add3A_132 = arith.addi %mul3A_100, %add3A_131 : i32
      %dma_start3A_133 = arith.constant 0 : i32
      %dma_start3A_134 = arith.constant 0 : i32
      %dma_start3A_135 = tpu.memref_slice %arg9[%dma_start3A_133, %dma_start3A_134] : memref<128x128xf32, #tpu.memory_space<vmem>> -> memref<128x128xf32, #tpu.memory_space<vmem>>
      %dma_start3A_136 = arith.constant 0 : i32
      %dma_start3A_137 = tpu.memref_slice %arg7[%add3A_132, %dma_start3A_136] : memref<40x128xi32, #tpu.memory_space<vmem>> -> memref<1x128xi32, #tpu.memory_space<vmem>>
      %dma_start3A_138 = tpu.memref_squeeze %dma_start3A_137 : memref<1x128xi32, #tpu.memory_space<vmem>> -> memref<128xi32, #tpu.memory_space<vmem>>
      %dma_start3A_139 = arith.constant 0 : i32
      %dma_start3A_140 = arith.constant 0 : i32
      %dma_start3A_141 = tpu.memref_slice %arg2[%dma_start3A_139, %dma_start3A_140] : memref<10000x128xf32, #tpu.memory_space<hbm>> -> memref<10000x128xf32, #tpu.memory_space<hbm>>
      tpu.enqueue_indirect_dma source(%dma_start3A_141 : memref<10000x128xf32, #tpu.memory_space<hbm>>) target(%dma_start3A_135 : memref<128x128xf32, #tpu.memory_space<vmem>>) offsets(%dma_start3A_138 : memref<128xi32, #tpu.memory_space<vmem>>) semaphore(%arg14 : memref<!tpu.dma_semaphore, #tpu.memory_space<semaphore_mem>>)
      %add3A_142 = arith.constant 1 : i32
      %add3A_143 = arith.addi %mul3A_100, %add3A_142 : i32
      "tpu.region"() ({
        %run_scoped3A_144 = tpu.sem_alloc : memref<!tpu.dma_semaphore, #tpu.memory_space<semaphore_mem>>
        %dma_start3A_145 = arith.constant 0 : i32
        %dma_start3A_146 = tpu.memref_slice %arg8[%add3A_143, %dma_start3A_145] : memref<40x128xi32, #tpu.memory_space<vmem>> -> memref<1x128xi32, #tpu.memory_space<vmem>>
        %dma_start3A_147 = tpu.memref_squeeze %dma_start3A_146 : memref<1x128xi32, #tpu.memory_space<vmem>> -> memref<128xi32, #tpu.memory_space<vmem>>
        %dma_start3A_148 = arith.constant 0 : i32
        %dma_start3A_149 = arith.constant 0 : i32
        %dma_start3A_150 = tpu.memref_slice %arg12[%dma_start3A_148, %dma_start3A_149] : memref<10240x128xf32, #tpu.memory_space<vmem_shared>> -> memref<10240x128xf32, #tpu.memory_space<vmem_shared>>
        tpu.enqueue_indirect_dma source(%arg10 : memref<128x128xf32, #tpu.memory_space<vmem>>) target(%dma_start3A_150 : memref<10240x128xf32, #tpu.memory_space<vmem_shared>>) offsets(%dma_start3A_147 : memref<128xi32, #tpu.memory_space<vmem>>) semaphore(%run_scoped3A_144 : memref<!tpu.dma_semaphore, #tpu.memory_space<semaphore_mem>>) {add = true}
        %dma_wait3A_151 = arith.constant 0 : i32
        %dma_wait3A_152 = tpu.memref_slice %arg8[%add3A_143, %dma_wait3A_151] : memref<40x128xi32, #tpu.memory_space<vmem>> -> memref<1x128xi32, #tpu.memory_space<vmem>>
        %dma_wait3A_153 = tpu.memref_squeeze %dma_wait3A_152 : memref<1x128xi32, #tpu.memory_space<vmem>> -> memref<128xi32, #tpu.memory_space<vmem>>
        %dma_wait3A_154 = arith.constant 0 : i32
        %dma_wait3A_155 = arith.constant 0 : i32
        %dma_wait3A_156 = tpu.memref_slice %arg12[%dma_wait3A_154, %dma_wait3A_155] : memref<10240x128xf32, #tpu.memory_space<vmem_shared>> -> memref<10240x128xf32, #tpu.memory_space<vmem_shared>>
        tpu.wait_indirect_dma semaphore(%run_scoped3A_144 : memref<!tpu.dma_semaphore, #tpu.memory_space<semaphore_mem>>) src(%arg10 : memref<128x128xf32, #tpu.memory_space<vmem>>) dst(%dma_wait3A_156 : memref<10240x128xf32, #tpu.memory_space<vmem_shared>>)
        tpu.yield
      }) : () -> ()
    }
    %scan3A_15 = arith.constant 19 : i32
    %dma_wait3A = arith.constant 38 : i32
    %dma_wait3A_16 = arith.constant 0 : i32
    %dma_wait3A_17 = arith.constant 0 : i32
    %dma_wait3A_18 = tpu.memref_slice %arg9[%dma_wait3A_16, %dma_wait3A_17] : memref<128x128xf32, #tpu.memory_space<vmem>> -> memref<128x128xf32, #tpu.memory_space<vmem>>
    %dma_wait3A_19 = arith.constant 0 : i32
    %dma_wait3A_20 = tpu.memref_slice %arg7[%dma_wait3A, %dma_wait3A_19] : memref<40x128xi32, #tpu.memory_space<vmem>> -> memref<1x128xi32, #tpu.memory_space<vmem>>
    %dma_wait3A_21 = tpu.memref_squeeze %dma_wait3A_20 : memref<1x128xi32, #tpu.memory_space<vmem>> -> memref<128xi32, #tpu.memory_space<vmem>>
    %dma_wait3A_22 = arith.constant 0 : i32
    %dma_wait3A_23 = arith.constant 0 : i32
    %dma_wait3A_24 = tpu.memref_slice %arg2[%dma_wait3A_22, %dma_wait3A_23] : memref<10000x128xf32, #tpu.memory_space<hbm>> -> memref<10000x128xf32, #tpu.memory_space<hbm>>
    tpu.wait_indirect_dma semaphore(%arg14 : memref<!tpu.dma_semaphore, #tpu.memory_space<semaphore_mem>>) src(%dma_wait3A_24 : memref<10000x128xf32, #tpu.memory_space<hbm>>) dst(%dma_wait3A_18 : memref<128x128xf32, #tpu.memory_space<vmem>>)
    %dma_start3A_25 = arith.constant 39 : i32
    %dma_start3A_26 = arith.constant 0 : i32
    %dma_start3A_27 = arith.constant 0 : i32
    %dma_start3A_28 = tpu.memref_slice %arg10[%dma_start3A_26, %dma_start3A_27] : memref<128x128xf32, #tpu.memory_space<vmem>> -> memref<128x128xf32, #tpu.memory_space<vmem>>
    %dma_start3A_29 = arith.constant 0 : i32
    %dma_start3A_30 = tpu.memref_slice %arg7[%dma_start3A_25, %dma_start3A_29] : memref<40x128xi32, #tpu.memory_space<vmem>> -> memref<1x128xi32, #tpu.memory_space<vmem>>
    %dma_start3A_31 = tpu.memref_squeeze %dma_start3A_30 : memref<1x128xi32, #tpu.memory_space<vmem>> -> memref<128xi32, #tpu.memory_space<vmem>>
    %dma_start3A_32 = arith.constant 0 : i32
    %dma_start3A_33 = arith.constant 0 : i32
    %dma_start3A_34 = tpu.memref_slice %arg2[%dma_start3A_32, %dma_start3A_33] : memref<10000x128xf32, #tpu.memory_space<hbm>> -> memref<10000x128xf32, #tpu.memory_space<hbm>>
    tpu.enqueue_indirect_dma source(%dma_start3A_34 : memref<10000x128xf32, #tpu.memory_space<hbm>>) target(%dma_start3A_28 : memref<128x128xf32, #tpu.memory_space<vmem>>) offsets(%dma_start3A_31 : memref<128xi32, #tpu.memory_space<vmem>>) semaphore(%arg15 : memref<!tpu.dma_semaphore, #tpu.memory_space<semaphore_mem>>)
    %run_scoped3A_35 = arith.constant 38 : i32
    "tpu.region"() ({
      %run_scoped3A_98 = tpu.sem_alloc : memref<!tpu.dma_semaphore, #tpu.memory_space<semaphore_mem>>
      %dma_start3A_99 = arith.constant 0 : i32
      %dma_start3A_100 = tpu.memref_slice %arg8[%run_scoped3A_35, %dma_start3A_99] : memref<40x128xi32, #tpu.memory_space<vmem>> -> memref<1x128xi32, #tpu.memory_space<vmem>>
      %dma_start3A_101 = tpu.memref_squeeze %dma_start3A_100 : memref<1x128xi32, #tpu.memory_space<vmem>> -> memref<128xi32, #tpu.memory_space<vmem>>
      %dma_start3A_102 = arith.constant 0 : i32
      %dma_start3A_103 = arith.constant 0 : i32
      %dma_start3A_104 = tpu.memref_slice %arg12[%dma_start3A_102, %dma_start3A_103] : memref<10240x128xf32, #tpu.memory_space<vmem_shared>> -> memref<10240x128xf32, #tpu.memory_space<vmem_shared>>
      tpu.enqueue_indirect_dma source(%arg9 : memref<128x128xf32, #tpu.memory_space<vmem>>) target(%dma_start3A_104 : memref<10240x128xf32, #tpu.memory_space<vmem_shared>>) offsets(%dma_start3A_101 : memref<128xi32, #tpu.memory_space<vmem>>) semaphore(%run_scoped3A_98 : memref<!tpu.dma_semaphore, #tpu.memory_space<semaphore_mem>>) {add = true}
      %dma_wait3A_105 = arith.constant 0 : i32
      %dma_wait3A_106 = tpu.memref_slice %arg8[%run_scoped3A_35, %dma_wait3A_105] : memref<40x128xi32, #tpu.memory_space<vmem>> -> memref<1x128xi32, #tpu.memory_space<vmem>>
      %dma_wait3A_107 = tpu.memref_squeeze %dma_wait3A_106 : memref<1x128xi32, #tpu.memory_space<vmem>> -> memref<128xi32, #tpu.memory_space<vmem>>
      %dma_wait3A_108 = arith.constant 0 : i32
      %dma_wait3A_109 = arith.constant 0 : i32
      %dma_wait3A_110 = tpu.memref_slice %arg12[%dma_wait3A_108, %dma_wait3A_109] : memref<10240x128xf32, #tpu.memory_space<vmem_shared>> -> memref<10240x128xf32, #tpu.memory_space<vmem_shared>>
      tpu.wait_indirect_dma semaphore(%run_scoped3A_98 : memref<!tpu.dma_semaphore, #tpu.memory_space<semaphore_mem>>) src(%arg9 : memref<128x128xf32, #tpu.memory_space<vmem>>) dst(%dma_wait3A_110 : memref<10240x128xf32, #tpu.memory_space<vmem_shared>>)
      tpu.yield
    }) : () -> ()
    %dma_wait3A_36 = arith.constant 39 : i32
    %dma_wait3A_37 = arith.constant 0 : i32
    %dma_wait3A_38 = arith.constant 0 : i32
    %dma_wait3A_39 = tpu.memref_slice %arg10[%dma_wait3A_37, %dma_wait3A_38] : memref<128x128xf32, #tpu.memory_space<vmem>> -> memref<128x128xf32, #tpu.memory_space<vmem>>
    %dma_wait3A_40 = arith.constant 0 : i32
    %dma_wait3A_41 = tpu.memref_slice %arg7[%dma_wait3A_36, %dma_wait3A_40] : memref<40x128xi32, #tpu.memory_space<vmem>> -> memref<1x128xi32, #tpu.memory_space<vmem>>
    %dma_wait3A_42 = tpu.memref_squeeze %dma_wait3A_41 : memref<1x128xi32, #tpu.memory_space<vmem>> -> memref<128xi32, #tpu.memory_space<vmem>>
    %dma_wait3A_43 = arith.constant 0 : i32
    %dma_wait3A_44 = arith.constant 0 : i32
    %dma_wait3A_45 = tpu.memref_slice %arg2[%dma_wait3A_43, %dma_wait3A_44] : memref<10000x128xf32, #tpu.memory_space<hbm>> -> memref<10000x128xf32, #tpu.memory_space<hbm>>
    tpu.wait_indirect_dma semaphore(%arg15 : memref<!tpu.dma_semaphore, #tpu.memory_space<semaphore_mem>>) src(%dma_wait3A_45 : memref<10000x128xf32, #tpu.memory_space<hbm>>) dst(%dma_wait3A_39 : memref<128x128xf32, #tpu.memory_space<vmem>>)
    %run_scoped3A_46 = arith.constant 39 : i32
    "tpu.region"() ({
      %run_scoped3A_98 = tpu.sem_alloc : memref<!tpu.dma_semaphore, #tpu.memory_space<semaphore_mem>>
      %dma_start3A_99 = arith.constant 0 : i32
      %dma_start3A_100 = tpu.memref_slice %arg8[%run_scoped3A_46, %dma_start3A_99] : memref<40x128xi32, #tpu.memory_space<vmem>> -> memref<1x128xi32, #tpu.memory_space<vmem>>
      %dma_start3A_101 = tpu.memref_squeeze %dma_start3A_100 : memref<1x128xi32, #tpu.memory_space<vmem>> -> memref<128xi32, #tpu.memory_space<vmem>>
      %dma_start3A_102 = arith.constant 0 : i32
      %dma_start3A_103 = arith.constant 0 : i32
      %dma_start3A_104 = tpu.memref_slice %arg12[%dma_start3A_102, %dma_start3A_103] : memref<10240x128xf32, #tpu.memory_space<vmem_shared>> -> memref<10240x128xf32, #tpu.memory_space<vmem_shared>>
      tpu.enqueue_indirect_dma source(%arg10 : memref<128x128xf32, #tpu.memory_space<vmem>>) target(%dma_start3A_104 : memref<10240x128xf32, #tpu.memory_space<vmem_shared>>) offsets(%dma_start3A_101 : memref<128xi32, #tpu.memory_space<vmem>>) semaphore(%run_scoped3A_98 : memref<!tpu.dma_semaphore, #tpu.memory_space<semaphore_mem>>) {add = true}
      %dma_wait3A_105 = arith.constant 0 : i32
      %dma_wait3A_106 = tpu.memref_slice %arg8[%run_scoped3A_46, %dma_wait3A_105] : memref<40x128xi32, #tpu.memory_space<vmem>> -> memref<1x128xi32, #tpu.memory_space<vmem>>
      %dma_wait3A_107 = tpu.memref_squeeze %dma_wait3A_106 : memref<1x128xi32, #tpu.memory_space<vmem>> -> memref<128xi32, #tpu.memory_space<vmem>>
      %dma_wait3A_108 = arith.constant 0 : i32
      %dma_wait3A_109 = arith.constant 0 : i32
      %dma_wait3A_110 = tpu.memref_slice %arg12[%dma_wait3A_108, %dma_wait3A_109] : memref<10240x128xf32, #tpu.memory_space<vmem_shared>> -> memref<10240x128xf32, #tpu.memory_space<vmem_shared>>
      tpu.wait_indirect_dma semaphore(%run_scoped3A_98 : memref<!tpu.dma_semaphore, #tpu.memory_space<semaphore_mem>>) src(%arg10 : memref<128x128xf32, #tpu.memory_space<vmem>>) dst(%dma_wait3A_110 : memref<10240x128xf32, #tpu.memory_space<vmem_shared>>)
      tpu.yield
    }) : () -> ()
    %run_scoped3A_47 = arith.constant 0 : i32
    "tpu.region"() ({
      %run_scoped3A_98 = tpu.sem_alloc : memref<!tpu.dma_semaphore, #tpu.memory_space<semaphore_mem>>
      %dma_start3A_99 = arith.constant 40 : i32
      %dma_start3A_100 = arith.constant 0 : i32
      %dma_start3A_101 = tpu.memref_slice %arg3[%run_scoped3A_47, %arg0, %arg1, %dma_start3A_99, %dma_start3A_100] : memref<2x2x16x80x128xi32, #tpu.memory_space<hbm>> -> memref<1x1x1x40x128xi32, #tpu.memory_space<hbm>>
      %dma_start3A_102 = tpu.memref_squeeze %dma_start3A_101 : memref<1x1x1x40x128xi32, #tpu.memory_space<hbm>> -> memref<40x128xi32, #tpu.memory_space<hbm>>
      %dma_start3A_103 = arith.constant 40 : i32
      %dma_start3A_104 = arith.constant 0 : i32
      %dma_start3A_105 = tpu.memref_slice %arg3[%run_scoped3A_47, %arg0, %arg1, %dma_start3A_103, %dma_start3A_104] : memref<2x2x16x80x128xi32, #tpu.memory_space<hbm>> -> memref<1x1x1x40x128xi32, #tpu.memory_space<hbm>>
      %dma_start3A_106 = tpu.memref_squeeze %dma_start3A_105 : memref<1x1x1x40x128xi32, #tpu.memory_space<hbm>> -> memref<40x128xi32, #tpu.memory_space<hbm>>
      tpu.enqueue_dma source(%dma_start3A_106 : memref<40x128xi32, #tpu.memory_space<hbm>>) target(%arg7 : memref<40x128xi32, #tpu.memory_space<vmem>>) target_semaphore(%run_scoped3A_98 : memref<!tpu.dma_semaphore, #tpu.memory_space<semaphore_mem>>)
      %dma_wait3A_107 = arith.constant 40 : i32
      %dma_wait3A_108 = arith.constant 0 : i32
      %dma_wait3A_109 = tpu.memref_slice %arg3[%run_scoped3A_47, %arg0, %arg1, %dma_wait3A_107, %dma_wait3A_108] : memref<2x2x16x80x128xi32, #tpu.memory_space<hbm>> -> memref<1x1x1x40x128xi32, #tpu.memory_space<hbm>>
      %dma_wait3A_110 = tpu.memref_squeeze %dma_wait3A_109 : memref<1x1x1x40x128xi32, #tpu.memory_space<hbm>> -> memref<40x128xi32, #tpu.memory_space<hbm>>
      %dma_wait3A_111 = arith.constant 40 : i32
      %dma_wait3A_112 = arith.constant 0 : i32
      %dma_wait3A_113 = tpu.memref_slice %arg3[%run_scoped3A_47, %arg0, %arg1, %dma_wait3A_111, %dma_wait3A_112] : memref<2x2x16x80x128xi32, #tpu.memory_space<hbm>> -> memref<1x1x1x40x128xi32, #tpu.memory_space<hbm>>
      %dma_wait3A_114 = tpu.memref_squeeze %dma_wait3A_113 : memref<1x1x1x40x128xi32, #tpu.memory_space<hbm>> -> memref<40x128xi32, #tpu.memory_space<hbm>>
      tpu.wait_dma2 semaphore(%run_scoped3A_98 : memref<!tpu.dma_semaphore, #tpu.memory_space<semaphore_mem>>) src(%dma_wait3A_114 : memref<40x128xi32, #tpu.memory_space<hbm>>) dst(%arg7 : memref<40x128xi32, #tpu.memory_space<vmem>>)
      tpu.yield
    }) : () -> ()
    %run_scoped3A_48 = arith.constant 1 : i32
    "tpu.region"() ({
      %run_scoped3A_98 = tpu.sem_alloc : memref<!tpu.dma_semaphore, #tpu.memory_space<semaphore_mem>>
      %dma_start3A_99 = arith.constant 40 : i32
      %dma_start3A_100 = arith.constant 0 : i32
      %dma_start3A_101 = tpu.memref_slice %arg3[%run_scoped3A_48, %arg0, %arg1, %dma_start3A_99, %dma_start3A_100] : memref<2x2x16x80x128xi32, #tpu.memory_space<hbm>> -> memref<1x1x1x40x128xi32, #tpu.memory_space<hbm>>
      %dma_start3A_102 = tpu.memref_squeeze %dma_start3A_101 : memref<1x1x1x40x128xi32, #tpu.memory_space<hbm>> -> memref<40x128xi32, #tpu.memory_space<hbm>>
      %dma_start3A_103 = arith.constant 40 : i32
      %dma_start3A_104 = arith.constant 0 : i32
      %dma_start3A_105 = tpu.memref_slice %arg3[%run_scoped3A_48, %arg0, %arg1, %dma_start3A_103, %dma_start3A_104] : memref<2x2x16x80x128xi32, #tpu.memory_space<hbm>> -> memref<1x1x1x40x128xi32, #tpu.memory_space<hbm>>
      %dma_start3A_106 = tpu.memref_squeeze %dma_start3A_105 : memref<1x1x1x40x128xi32, #tpu.memory_space<hbm>> -> memref<40x128xi32, #tpu.memory_space<hbm>>
      tpu.enqueue_dma source(%dma_start3A_106 : memref<40x128xi32, #tpu.memory_space<hbm>>) target(%arg8 : memref<40x128xi32, #tpu.memory_space<vmem>>) target_semaphore(%run_scoped3A_98 : memref<!tpu.dma_semaphore, #tpu.memory_space<semaphore_mem>>)
      %dma_wait3A_107 = arith.constant 40 : i32
      %dma_wait3A_108 = arith.constant 0 : i32
      %dma_wait3A_109 = tpu.memref_slice %arg3[%run_scoped3A_48, %arg0, %arg1, %dma_wait3A_107, %dma_wait3A_108] : memref<2x2x16x80x128xi32, #tpu.memory_space<hbm>> -> memref<1x1x1x40x128xi32, #tpu.memory_space<hbm>>
      %dma_wait3A_110 = tpu.memref_squeeze %dma_wait3A_109 : memref<1x1x1x40x128xi32, #tpu.memory_space<hbm>> -> memref<40x128xi32, #tpu.memory_space<hbm>>
      %dma_wait3A_111 = arith.constant 40 : i32
      %dma_wait3A_112 = arith.constant 0 : i32
      %dma_wait3A_113 = tpu.memref_slice %arg3[%run_scoped3A_48, %arg0, %arg1, %dma_wait3A_111, %dma_wait3A_112] : memref<2x2x16x80x128xi32, #tpu.memory_space<hbm>> -> memref<1x1x1x40x128xi32, #tpu.memory_space<hbm>>
      %dma_wait3A_114 = tpu.memref_squeeze %dma_wait3A_113 : memref<1x1x1x40x128xi32, #tpu.memory_space<hbm>> -> memref<40x128xi32, #tpu.memory_space<hbm>>
      tpu.wait_dma2 semaphore(%run_scoped3A_98 : memref<!tpu.dma_semaphore, #tpu.memory_space<semaphore_mem>>) src(%dma_wait3A_114 : memref<40x128xi32, #tpu.memory_space<hbm>>) dst(%arg8 : memref<40x128xi32, #tpu.memory_space<vmem>>)
      tpu.yield
    }) : () -> ()
    %dma_start3A_49 = arith.constant 0 : i32
    %dma_start3A_50 = arith.constant 0 : i32
    %dma_start3A_51 = arith.constant 0 : i32
    %dma_start3A_52 = tpu.memref_slice %arg9[%dma_start3A_50, %dma_start3A_51] : memref<128x128xf32, #tpu.memory_space<vmem>> -> memref<128x128xf32, #tpu.memory_space<vmem>>
    %dma_start3A_53 = arith.constant 0 : i32
    %dma_start3A_54 = tpu.memref_slice %arg7[%dma_start3A_49, %dma_start3A_53] : memref<40x128xi32, #tpu.memory_space<vmem>> -> memref<1x128xi32, #tpu.memory_space<vmem>>
    %dma_start3A_55 = tpu.memref_squeeze %dma_start3A_54 : memref<1x128xi32, #tpu.memory_space<vmem>> -> memref<128xi32, #tpu.memory_space<vmem>>
    %dma_start3A_56 = arith.constant 0 : i32
    %dma_start3A_57 = arith.constant 0 : i32
    %dma_start3A_58 = tpu.memref_slice %arg2[%dma_start3A_56, %dma_start3A_57] : memref<10000x128xf32, #tpu.memory_space<hbm>> -> memref<10000x128xf32, #tpu.memory_space<hbm>>
    tpu.enqueue_indirect_dma source(%dma_start3A_58 : memref<10000x128xf32, #tpu.memory_space<hbm>>) target(%dma_start3A_52 : memref<128x128xf32, #tpu.memory_space<vmem>>) offsets(%dma_start3A_55 : memref<128xi32, #tpu.memory_space<vmem>>) semaphore(%arg14 : memref<!tpu.dma_semaphore, #tpu.memory_space<semaphore_mem>>)
    %scan3A_59 = arith.constant 0 : i32
    %scan3A_60 = arith.constant 0 : i32
    %scan3A_61 = arith.constant 19 : i32
    %scan3A_62 = arith.addi %scan3A_60, %scan3A_61 : i32
    %scan3A_63 = arith.constant 1 : i32
    scf.for %scan3A_98 = %scan3A_60 to %scan3A_62 step %scan3A_63  : i32 {
      %mul3A_99 = arith.constant 2 : i32
      %mul3A_100 = arith.muli %scan3A_98, %mul3A_99 : i32
      %dma_wait3A_101 = arith.constant 0 : i32
      %dma_wait3A_102 = arith.constant 0 : i32
      %dma_wait3A_103 = tpu.memref_slice %arg9[%dma_wait3A_101, %dma_wait3A_102] : memref<128x128xf32, #tpu.memory_space<vmem>> -> memref<128x128xf32, #tpu.memory_space<vmem>>
      %dma_wait3A_104 = arith.constant 0 : i32
      %dma_wait3A_105 = tpu.memref_slice %arg7[%mul3A_100, %dma_wait3A_104] : memref<40x128xi32, #tpu.memory_space<vmem>> -> memref<1x128xi32, #tpu.memory_space<vmem>>
      %dma_wait3A_106 = tpu.memref_squeeze %dma_wait3A_105 : memref<1x128xi32, #tpu.memory_space<vmem>> -> memref<128xi32, #tpu.memory_space<vmem>>
      %dma_wait3A_107 = arith.constant 0 : i32
      %dma_wait3A_108 = arith.constant 0 : i32
      %dma_wait3A_109 = tpu.memref_slice %arg2[%dma_wait3A_107, %dma_wait3A_108] : memref<10000x128xf32, #tpu.memory_space<hbm>> -> memref<10000x128xf32, #tpu.memory_space<hbm>>
      tpu.wait_indirect_dma semaphore(%arg14 : memref<!tpu.dma_semaphore, #tpu.memory_space<semaphore_mem>>) src(%dma_wait3A_109 : memref<10000x128xf32, #tpu.memory_space<hbm>>) dst(%dma_wait3A_103 : memref<128x128xf32, #tpu.memory_space<vmem>>)
      %add3A = arith.constant 1 : i32
      %add3A_110 = arith.addi %mul3A_100, %add3A : i32
      %dma_start3A_111 = arith.constant 0 : i32
      %dma_start3A_112 = arith.constant 0 : i32
      %dma_start3A_113 = tpu.memref_slice %arg10[%dma_start3A_111, %dma_start3A_112] : memref<128x128xf32, #tpu.memory_space<vmem>> -> memref<128x128xf32, #tpu.memory_space<vmem>>
      %dma_start3A_114 = arith.constant 0 : i32
      %dma_start3A_115 = tpu.memref_slice %arg7[%add3A_110, %dma_start3A_114] : memref<40x128xi32, #tpu.memory_space<vmem>> -> memref<1x128xi32, #tpu.memory_space<vmem>>
      %dma_start3A_116 = tpu.memref_squeeze %dma_start3A_115 : memref<1x128xi32, #tpu.memory_space<vmem>> -> memref<128xi32, #tpu.memory_space<vmem>>
      %dma_start3A_117 = arith.constant 0 : i32
      %dma_start3A_118 = arith.constant 0 : i32
      %dma_start3A_119 = tpu.memref_slice %arg2[%dma_start3A_117, %dma_start3A_118] : memref<10000x128xf32, #tpu.memory_space<hbm>> -> memref<10000x128xf32, #tpu.memory_space<hbm>>
      tpu.enqueue_indirect_dma source(%dma_start3A_119 : memref<10000x128xf32, #tpu.memory_space<hbm>>) target(%dma_start3A_113 : memref<128x128xf32, #tpu.memory_space<vmem>>) offsets(%dma_start3A_116 : memref<128xi32, #tpu.memory_space<vmem>>) semaphore(%arg15 : memref<!tpu.dma_semaphore, #tpu.memory_space<semaphore_mem>>)
      "tpu.region"() ({
        %run_scoped3A_144 = tpu.sem_alloc : memref<!tpu.dma_semaphore, #tpu.memory_space<semaphore_mem>>
        %dma_start3A_145 = arith.constant 0 : i32
        %dma_start3A_146 = tpu.memref_slice %arg8[%mul3A_100, %dma_start3A_145] : memref<40x128xi32, #tpu.memory_space<vmem>> -> memref<1x128xi32, #tpu.memory_space<vmem>>
        %dma_start3A_147 = tpu.memref_squeeze %dma_start3A_146 : memref<1x128xi32, #tpu.memory_space<vmem>> -> memref<128xi32, #tpu.memory_space<vmem>>
        %dma_start3A_148 = arith.constant 0 : i32
        %dma_start3A_149 = arith.constant 0 : i32
        %dma_start3A_150 = tpu.memref_slice %arg12[%dma_start3A_148, %dma_start3A_149] : memref<10240x128xf32, #tpu.memory_space<vmem_shared>> -> memref<10240x128xf32, #tpu.memory_space<vmem_shared>>
        tpu.enqueue_indirect_dma source(%arg9 : memref<128x128xf32, #tpu.memory_space<vmem>>) target(%dma_start3A_150 : memref<10240x128xf32, #tpu.memory_space<vmem_shared>>) offsets(%dma_start3A_147 : memref<128xi32, #tpu.memory_space<vmem>>) semaphore(%run_scoped3A_144 : memref<!tpu.dma_semaphore, #tpu.memory_space<semaphore_mem>>) {add = true}
        %dma_wait3A_151 = arith.constant 0 : i32
        %dma_wait3A_152 = tpu.memref_slice %arg8[%mul3A_100, %dma_wait3A_151] : memref<40x128xi32, #tpu.memory_space<vmem>> -> memref<1x128xi32, #tpu.memory_space<vmem>>
        %dma_wait3A_153 = tpu.memref_squeeze %dma_wait3A_152 : memref<1x128xi32, #tpu.memory_space<vmem>> -> memref<128xi32, #tpu.memory_space<vmem>>
        %dma_wait3A_154 = arith.constant 0 : i32
        %dma_wait3A_155 = arith.constant 0 : i32
        %dma_wait3A_156 = tpu.memref_slice %arg12[%dma_wait3A_154, %dma_wait3A_155] : memref<10240x128xf32, #tpu.memory_space<vmem_shared>> -> memref<10240x128xf32, #tpu.memory_space<vmem_shared>>
        tpu.wait_indirect_dma semaphore(%run_scoped3A_144 : memref<!tpu.dma_semaphore, #tpu.memory_space<semaphore_mem>>) src(%arg9 : memref<128x128xf32, #tpu.memory_space<vmem>>) dst(%dma_wait3A_156 : memref<10240x128xf32, #tpu.memory_space<vmem_shared>>)
        tpu.yield
      }) : () -> ()
      %add3A_120 = arith.constant 1 : i32
      %add3A_121 = arith.addi %mul3A_100, %add3A_120 : i32
      %dma_wait3A_122 = arith.constant 0 : i32
      %dma_wait3A_123 = arith.constant 0 : i32
      %dma_wait3A_124 = tpu.memref_slice %arg10[%dma_wait3A_122, %dma_wait3A_123] : memref<128x128xf32, #tpu.memory_space<vmem>> -> memref<128x128xf32, #tpu.memory_space<vmem>>
      %dma_wait3A_125 = arith.constant 0 : i32
      %dma_wait3A_126 = tpu.memref_slice %arg7[%add3A_121, %dma_wait3A_125] : memref<40x128xi32, #tpu.memory_space<vmem>> -> memref<1x128xi32, #tpu.memory_space<vmem>>
      %dma_wait3A_127 = tpu.memref_squeeze %dma_wait3A_126 : memref<1x128xi32, #tpu.memory_space<vmem>> -> memref<128xi32, #tpu.memory_space<vmem>>
      %dma_wait3A_128 = arith.constant 0 : i32
      %dma_wait3A_129 = arith.constant 0 : i32
      %dma_wait3A_130 = tpu.memref_slice %arg2[%dma_wait3A_128, %dma_wait3A_129] : memref<10000x128xf32, #tpu.memory_space<hbm>> -> memref<10000x128xf32, #tpu.memory_space<hbm>>
      tpu.wait_indirect_dma semaphore(%arg15 : memref<!tpu.dma_semaphore, #tpu.memory_space<semaphore_mem>>) src(%dma_wait3A_130 : memref<10000x128xf32, #tpu.memory_space<hbm>>) dst(%dma_wait3A_124 : memref<128x128xf32, #tpu.memory_space<vmem>>)
      %add3A_131 = arith.constant 2 : i32
      %add3A_132 = arith.addi %mul3A_100, %add3A_131 : i32
      %dma_start3A_133 = arith.constant 0 : i32
      %dma_start3A_134 = arith.constant 0 : i32
      %dma_start3A_135 = tpu.memref_slice %arg9[%dma_start3A_133, %dma_start3A_134] : memref<128x128xf32, #tpu.memory_space<vmem>> -> memref<128x128xf32, #tpu.memory_space<vmem>>
      %dma_start3A_136 = arith.constant 0 : i32
      %dma_start3A_137 = tpu.memref_slice %arg7[%add3A_132, %dma_start3A_136] : memref<40x128xi32, #tpu.memory_space<vmem>> -> memref<1x128xi32, #tpu.memory_space<vmem>>
      %dma_start3A_138 = tpu.memref_squeeze %dma_start3A_137 : memref<1x128xi32, #tpu.memory_space<vmem>> -> memref<128xi32, #tpu.memory_space<vmem>>
      %dma_start3A_139 = arith.constant 0 : i32
      %dma_start3A_140 = arith.constant 0 : i32
      %dma_start3A_141 = tpu.memref_slice %arg2[%dma_start3A_139, %dma_start3A_140] : memref<10000x128xf32, #tpu.memory_space<hbm>> -> memref<10000x128xf32, #tpu.memory_space<hbm>>
      tpu.enqueue_indirect_dma source(%dma_start3A_141 : memref<10000x128xf32, #tpu.memory_space<hbm>>) target(%dma_start3A_135 : memref<128x128xf32, #tpu.memory_space<vmem>>) offsets(%dma_start3A_138 : memref<128xi32, #tpu.memory_space<vmem>>) semaphore(%arg14 : memref<!tpu.dma_semaphore, #tpu.memory_space<semaphore_mem>>)
      %add3A_142 = arith.constant 1 : i32
      %add3A_143 = arith.addi %mul3A_100, %add3A_142 : i32
      "tpu.region"() ({
        %run_scoped3A_144 = tpu.sem_alloc : memref<!tpu.dma_semaphore, #tpu.memory_space<semaphore_mem>>
        %dma_start3A_145 = arith.constant 0 : i32
        %dma_start3A_146 = tpu.memref_slice %arg8[%add3A_143, %dma_start3A_145] : memref<40x128xi32, #tpu.memory_space<vmem>> -> memref<1x128xi32, #tpu.memory_space<vmem>>
        %dma_start3A_147 = tpu.memref_squeeze %dma_start3A_146 : memref<1x128xi32, #tpu.memory_space<vmem>> -> memref<128xi32, #tpu.memory_space<vmem>>
        %dma_start3A_148 = arith.constant 0 : i32
        %dma_start3A_149 = arith.constant 0 : i32
        %dma_start3A_150 = tpu.memref_slice %arg12[%dma_start3A_148, %dma_start3A_149] : memref<10240x128xf32, #tpu.memory_space<vmem_shared>> -> memref<10240x128xf32, #tpu.memory_space<vmem_shared>>
        tpu.enqueue_indirect_dma source(%arg10 : memref<128x128xf32, #tpu.memory_space<vmem>>) target(%dma_start3A_150 : memref<10240x128xf32, #tpu.memory_space<vmem_shared>>) offsets(%dma_start3A_147 : memref<128xi32, #tpu.memory_space<vmem>>) semaphore(%run_scoped3A_144 : memref<!tpu.dma_semaphore, #tpu.memory_space<semaphore_mem>>) {add = true}
        %dma_wait3A_151 = arith.constant 0 : i32
        %dma_wait3A_152 = tpu.memref_slice %arg8[%add3A_143, %dma_wait3A_151] : memref<40x128xi32, #tpu.memory_space<vmem>> -> memref<1x128xi32, #tpu.memory_space<vmem>>
        %dma_wait3A_153 = tpu.memref_squeeze %dma_wait3A_152 : memref<1x128xi32, #tpu.memory_space<vmem>> -> memref<128xi32, #tpu.memory_space<vmem>>
        %dma_wait3A_154 = arith.constant 0 : i32
        %dma_wait3A_155 = arith.constant 0 : i32
        %dma_wait3A_156 = tpu.memref_slice %arg12[%dma_wait3A_154, %dma_wait3A_155] : memref<10240x128xf32, #tpu.memory_space<vmem_shared>> -> memref<10240x128xf32, #tpu.memory_space<vmem_shared>>
        tpu.wait_indirect_dma semaphore(%run_scoped3A_144 : memref<!tpu.dma_semaphore, #tpu.memory_space<semaphore_mem>>) src(%arg10 : memref<128x128xf32, #tpu.memory_space<vmem>>) dst(%dma_wait3A_156 : memref<10240x128xf32, #tpu.memory_space<vmem_shared>>)
        tpu.yield
      }) : () -> ()
    }
    %scan3A_64 = arith.constant 19 : i32
    %dma_wait3A_65 = arith.constant 38 : i32
    %dma_wait3A_66 = arith.constant 0 : i32
    %dma_wait3A_67 = arith.constant 0 : i32
    %dma_wait3A_68 = tpu.memref_slice %arg9[%dma_wait3A_66, %dma_wait3A_67] : memref<128x128xf32, #tpu.memory_space<vmem>> -> memref<128x128xf32, #tpu.memory_space<vmem>>
    %dma_wait3A_69 = arith.constant 0 : i32
    %dma_wait3A_70 = tpu.memref_slice %arg7[%dma_wait3A_65, %dma_wait3A_69] : memref<40x128xi32, #tpu.memory_space<vmem>> -> memref<1x128xi32, #tpu.memory_space<vmem>>
    %dma_wait3A_71 = tpu.memref_squeeze %dma_wait3A_70 : memref<1x128xi32, #tpu.memory_space<vmem>> -> memref<128xi32, #tpu.memory_space<vmem>>
    %dma_wait3A_72 = arith.constant 0 : i32
    %dma_wait3A_73 = arith.constant 0 : i32
    %dma_wait3A_74 = tpu.memref_slice %arg2[%dma_wait3A_72, %dma_wait3A_73] : memref<10000x128xf32, #tpu.memory_space<hbm>> -> memref<10000x128xf32, #tpu.memory_space<hbm>>
    tpu.wait_indirect_dma semaphore(%arg14 : memref<!tpu.dma_semaphore, #tpu.memory_space<semaphore_mem>>) src(%dma_wait3A_74 : memref<10000x128xf32, #tpu.memory_space<hbm>>) dst(%dma_wait3A_68 : memref<128x128xf32, #tpu.memory_space<vmem>>)
    %dma_start3A_75 = arith.constant 39 : i32
    %dma_start3A_76 = arith.constant 0 : i32
    %dma_start3A_77 = arith.constant 0 : i32
    %dma_start3A_78 = tpu.memref_slice %arg10[%dma_start3A_76, %dma_start3A_77] : memref<128x128xf32, #tpu.memory_space<vmem>> -> memref<128x128xf32, #tpu.memory_space<vmem>>
    %dma_start3A_79 = arith.constant 0 : i32
    %dma_start3A_80 = tpu.memref_slice %arg7[%dma_start3A_75, %dma_start3A_79] : memref<40x128xi32, #tpu.memory_space<vmem>> -> memref<1x128xi32, #tpu.memory_space<vmem>>
    %dma_start3A_81 = tpu.memref_squeeze %dma_start3A_80 : memref<1x128xi32, #tpu.memory_space<vmem>> -> memref<128xi32, #tpu.memory_space<vmem>>
    %dma_start3A_82 = arith.constant 0 : i32
    %dma_start3A_83 = arith.constant 0 : i32
    %dma_start3A_84 = tpu.memref_slice %arg2[%dma_start3A_82, %dma_start3A_83] : memref<10000x128xf32, #tpu.memory_space<hbm>> -> memref<10000x128xf32, #tpu.memory_space<hbm>>
    tpu.enqueue_indirect_dma source(%dma_start3A_84 : memref<10000x128xf32, #tpu.memory_space<hbm>>) target(%dma_start3A_78 : memref<128x128xf32, #tpu.memory_space<vmem>>) offsets(%dma_start3A_81 : memref<128xi32, #tpu.memory_space<vmem>>) semaphore(%arg15 : memref<!tpu.dma_semaphore, #tpu.memory_space<semaphore_mem>>)
    %run_scoped3A_85 = arith.constant 38 : i32
    "tpu.region"() ({
      %run_scoped3A_98 = tpu.sem_alloc : memref<!tpu.dma_semaphore, #tpu.memory_space<semaphore_mem>>
      %dma_start3A_99 = arith.constant 0 : i32
      %dma_start3A_100 = tpu.memref_slice %arg8[%run_scoped3A_85, %dma_start3A_99] : memref<40x128xi32, #tpu.memory_space<vmem>> -> memref<1x128xi32, #tpu.memory_space<vmem>>
      %dma_start3A_101 = tpu.memref_squeeze %dma_start3A_100 : memref<1x128xi32, #tpu.memory_space<vmem>> -> memref<128xi32, #tpu.memory_space<vmem>>
      %dma_start3A_102 = arith.constant 0 : i32
      %dma_start3A_103 = arith.constant 0 : i32
      %dma_start3A_104 = tpu.memref_slice %arg12[%dma_start3A_102, %dma_start3A_103] : memref<10240x128xf32, #tpu.memory_space<vmem_shared>> -> memref<10240x128xf32, #tpu.memory_space<vmem_shared>>
      tpu.enqueue_indirect_dma source(%arg9 : memref<128x128xf32, #tpu.memory_space<vmem>>) target(%dma_start3A_104 : memref<10240x128xf32, #tpu.memory_space<vmem_shared>>) offsets(%dma_start3A_101 : memref<128xi32, #tpu.memory_space<vmem>>) semaphore(%run_scoped3A_98 : memref<!tpu.dma_semaphore, #tpu.memory_space<semaphore_mem>>) {add = true}
      %dma_wait3A_105 = arith.constant 0 : i32
      %dma_wait3A_106 = tpu.memref_slice %arg8[%run_scoped3A_85, %dma_wait3A_105] : memref<40x128xi32, #tpu.memory_space<vmem>> -> memref<1x128xi32, #tpu.memory_space<vmem>>
      %dma_wait3A_107 = tpu.memref_squeeze %dma_wait3A_106 : memref<1x128xi32, #tpu.memory_space<vmem>> -> memref<128xi32, #tpu.memory_space<vmem>>
      %dma_wait3A_108 = arith.constant 0 : i32
      %dma_wait3A_109 = arith.constant 0 : i32
      %dma_wait3A_110 = tpu.memref_slice %arg12[%dma_wait3A_108, %dma_wait3A_109] : memref<10240x128xf32, #tpu.memory_space<vmem_shared>> -> memref<10240x128xf32, #tpu.memory_space<vmem_shared>>
      tpu.wait_indirect_dma semaphore(%run_scoped3A_98 : memref<!tpu.dma_semaphore, #tpu.memory_space<semaphore_mem>>) src(%arg9 : memref<128x128xf32, #tpu.memory_space<vmem>>) dst(%dma_wait3A_110 : memref<10240x128xf32, #tpu.memory_space<vmem_shared>>)
      tpu.yield
    }) : () -> ()
    %dma_wait3A_86 = arith.constant 39 : i32
    %dma_wait3A_87 = arith.constant 0 : i32
    %dma_wait3A_88 = arith.constant 0 : i32
    %dma_wait3A_89 = tpu.memref_slice %arg10[%dma_wait3A_87, %dma_wait3A_88] : memref<128x128xf32, #tpu.memory_space<vmem>> -> memref<128x128xf32, #tpu.memory_space<vmem>>
    %dma_wait3A_90 = arith.constant 0 : i32
    %dma_wait3A_91 = tpu.memref_slice %arg7[%dma_wait3A_86, %dma_wait3A_90] : memref<40x128xi32, #tpu.memory_space<vmem>> -> memref<1x128xi32, #tpu.memory_space<vmem>>
    %dma_wait3A_92 = tpu.memref_squeeze %dma_wait3A_91 : memref<1x128xi32, #tpu.memory_space<vmem>> -> memref<128xi32, #tpu.memory_space<vmem>>
    %dma_wait3A_93 = arith.constant 0 : i32
    %dma_wait3A_94 = arith.constant 0 : i32
    %dma_wait3A_95 = tpu.memref_slice %arg2[%dma_wait3A_93, %dma_wait3A_94] : memref<10000x128xf32, #tpu.memory_space<hbm>> -> memref<10000x128xf32, #tpu.memory_space<hbm>>
    tpu.wait_indirect_dma semaphore(%arg15 : memref<!tpu.dma_semaphore, #tpu.memory_space<semaphore_mem>>) src(%dma_wait3A_95 : memref<10000x128xf32, #tpu.memory_space<hbm>>) dst(%dma_wait3A_89 : memref<128x128xf32, #tpu.memory_space<vmem>>)
    %run_scoped3A_96 = arith.constant 39 : i32
    "tpu.region"() ({
      %run_scoped3A_98 = tpu.sem_alloc : memref<!tpu.dma_semaphore, #tpu.memory_space<semaphore_mem>>
      %dma_start3A_99 = arith.constant 0 : i32
      %dma_start3A_100 = tpu.memref_slice %arg8[%run_scoped3A_96, %dma_start3A_99] : memref<40x128xi32, #tpu.memory_space<vmem>> -> memref<1x128xi32, #tpu.memory_space<vmem>>
      %dma_start3A_101 = tpu.memref_squeeze %dma_start3A_100 : memref<1x128xi32, #tpu.memory_space<vmem>> -> memref<128xi32, #tpu.memory_space<vmem>>
      %dma_start3A_102 = arith.constant 0 : i32
      %dma_start3A_103 = arith.constant 0 : i32
      %dma_start3A_104 = tpu.memref_slice %arg12[%dma_start3A_102, %dma_start3A_103] : memref<10240x128xf32, #tpu.memory_space<vmem_shared>> -> memref<10240x128xf32, #tpu.memory_space<vmem_shared>>
      tpu.enqueue_indirect_dma source(%arg10 : memref<128x128xf32, #tpu.memory_space<vmem>>) target(%dma_start3A_104 : memref<10240x128xf32, #tpu.memory_space<vmem_shared>>) offsets(%dma_start3A_101 : memref<128xi32, #tpu.memory_space<vmem>>) semaphore(%run_scoped3A_98 : memref<!tpu.dma_semaphore, #tpu.memory_space<semaphore_mem>>) {add = true}
      %dma_wait3A_105 = arith.constant 0 : i32
      %dma_wait3A_106 = tpu.memref_slice %arg8[%run_scoped3A_96, %dma_wait3A_105] : memref<40x128xi32, #tpu.memory_space<vmem>> -> memref<1x128xi32, #tpu.memory_space<vmem>>
      %dma_wait3A_107 = tpu.memref_squeeze %dma_wait3A_106 : memref<1x128xi32, #tpu.memory_space<vmem>> -> memref<128xi32, #tpu.memory_space<vmem>>
      %dma_wait3A_108 = arith.constant 0 : i32
      %dma_wait3A_109 = arith.constant 0 : i32
      %dma_wait3A_110 = tpu.memref_slice %arg12[%dma_wait3A_108, %dma_wait3A_109] : memref<10240x128xf32, #tpu.memory_space<vmem_shared>> -> memref<10240x128xf32, #tpu.memory_space<vmem_shared>>
      tpu.wait_indirect_dma semaphore(%run_scoped3A_98 : memref<!tpu.dma_semaphore, #tpu.memory_space<semaphore_mem>>) src(%arg10 : memref<128x128xf32, #tpu.memory_space<vmem>>) dst(%dma_wait3A_110 : memref<10240x128xf32, #tpu.memory_space<vmem_shared>>)
      tpu.yield
    }) : () -> ()
    %barrier3A_97 = arith.constant 0 : index
    tpu.barrier barrier_id(%barrier3A_97)
    "tpu.region"() ({
      %run_scoped3A_98 = tpu.sem_alloc : memref<!tpu.dma_semaphore, #tpu.memory_space<semaphore_mem>>
      %dma_start3A_99 = arith.constant 0 : i32
      %dma_start3A_100 = tpu.memref_slice %arg6[%arg0, %mul3A_0, %dma_start3A_99] : memref<2x10240x128xf32, #tpu.memory_space<hbm>> -> memref<1x640x128xf32, #tpu.memory_space<hbm>>
      %dma_start3A_101 = tpu.memref_squeeze %dma_start3A_100 : memref<1x640x128xf32, #tpu.memory_space<hbm>> -> memref<640x128xf32, #tpu.memory_space<hbm>>
      %dma_start3A_102 = arith.constant 0 : i32
      %dma_start3A_103 = tpu.memref_slice %arg12[%mul3A_0, %dma_start3A_102] : memref<10240x128xf32, #tpu.memory_space<vmem_shared>> -> memref<640x128xf32, #tpu.memory_space<vmem_shared>>
      tpu.enqueue_dma source(%dma_start3A_103 : memref<640x128xf32, #tpu.memory_space<vmem_shared>>) target(%dma_start3A_101 : memref<640x128xf32, #tpu.memory_space<hbm>>) target_semaphore(%run_scoped3A_98 : memref<!tpu.dma_semaphore, #tpu.memory_space<semaphore_mem>>)
      %dma_wait3A_104 = arith.constant 0 : i32
      %dma_wait3A_105 = tpu.memref_slice %arg6[%arg0, %mul3A_0, %dma_wait3A_104] : memref<2x10240x128xf32, #tpu.memory_space<hbm>> -> memref<1x640x128xf32, #tpu.memory_space<hbm>>
      %dma_wait3A_106 = tpu.memref_squeeze %dma_wait3A_105 : memref<1x640x128xf32, #tpu.memory_space<hbm>> -> memref<640x128xf32, #tpu.memory_space<hbm>>
      %dma_wait3A_107 = arith.constant 0 : i32
      %dma_wait3A_108 = tpu.memref_slice %arg12[%mul3A_0, %dma_wait3A_107] : memref<10240x128xf32, #tpu.memory_space<vmem_shared>> -> memref<640x128xf32, #tpu.memory_space<vmem_shared>>
      tpu.wait_dma2 semaphore(%run_scoped3A_98 : memref<!tpu.dma_semaphore, #tpu.memory_space<semaphore_mem>>) src(%dma_wait3A_108 : memref<640x128xf32, #tpu.memory_space<vmem_shared>>) dst(%dma_wait3A_106 : memref<640x128xf32, #tpu.memory_space<hbm>>)
      tpu.yield
    }) : () -> ()
    return
  }
}

module attributes {stable_mosaic.version = 14 : i64} {
  func.func @_update_body(%arg0: i32, %arg1: memref<2x2000x128xf32, #tpu.memory_space<vmem>>, %arg2: memref<2x2000x1xf32, #tpu.memory_space<vmem>>, %arg3: memref<2000x128xf32, #tpu.memory_space<vmem>>, %arg4: memref<128x128xf32, #tpu.memory_space<vmem>>, %arg5: memref<128x128xf32, #tpu.memory_space<vmem>>, %arg6: memref<1x128xf32, #tpu.memory_space<vmem>>, %arg7: memref<2000x128xf32, #tpu.memory_space<vmem>>) attributes {dimension_semantics = [#tpu.dimension_semantics<arbitrary>], iteration_bounds = array<i64: 5>, scalar_prefetch = 0 : i64, scratch_operands = 0 : i64, tpu.core_type = #tpu.core_type<tc>, window_params = [{transform_indices = @transform_0, window_bounds = array<i64: 2, 2000, 128>}, {transform_indices = @transform_1, window_bounds = array<i64: 2, 2000, 1>}, {transform_indices = @transform_2, window_bounds = array<i64: 2000, 128>}, {pipeline_mode = #tpu.pipeline_mode<synchronous>, transform_indices = @transform_3, window_bounds = array<i64: 128, 128>}, {pipeline_mode = #tpu.pipeline_mode<synchronous>, transform_indices = @transform_4, window_bounds = array<i64: 128, 128>}, {pipeline_mode = #tpu.pipeline_mode<synchronous>, transform_indices = @transform_5, window_bounds = array<i64: 1, 128>}, {transform_indices = @transform_6, window_bounds = array<i64: 2000, 128>}]} {
    %get3A = arith.constant 0 : index
    %get3A_0 = arith.constant 0 : index
    %get3A_1 = arith.constant 0 : index
    %get3A_2 = vector.load %arg2[%get3A, %get3A_0, %get3A_1] : memref<2x2000x1xf32, #tpu.memory_space<vmem>>, vector<1x2000x1xf32>
    %get3A_3 = vector.shape_cast %get3A_2 : vector<1x2000x1xf32> to vector<2000x1xf32>
    %get3A_4 = arith.constant 1 : index
    %get3A_5 = arith.constant 0 : index
    %get3A_6 = arith.constant 0 : index
    %get3A_7 = vector.load %arg2[%get3A_4, %get3A_5, %get3A_6] : memref<2x2000x1xf32, #tpu.memory_space<vmem>>, vector<1x2000x1xf32>
    %get3A_8 = vector.shape_cast %get3A_7 : vector<1x2000x1xf32> to vector<2000x1xf32>
    %add3A = arith.addf %get3A_3, %get3A_8 : vector<2000x1xf32>
    %max3A = arith.constant 1.000000e+00 : f32
    %max3A_9 = vector.broadcast %max3A : f32 to vector<2000x1xf32>
    %max3A_10 = arith.maximumf %add3A, %max3A_9 : vector<2000x1xf32>
    %div3A = arith.constant 1.000000e+00 : f32
    %div3A_11 = vector.broadcast %div3A : f32 to vector<2000x1xf32>
    %div3A_12 = arith.divf %div3A_11, %max3A_10 : vector<2000x1xf32>
    %get3A_13 = arith.constant 0 : index
    %get3A_14 = arith.constant 0 : index
    %get3A_15 = arith.constant 0 : index
    %get3A_16 = vector.load %arg1[%get3A_13, %get3A_14, %get3A_15] : memref<2x2000x128xf32, #tpu.memory_space<vmem>>, vector<1x2000x128xf32>
    %get3A_17 = vector.shape_cast %get3A_16 : vector<1x2000x128xf32> to vector<2000x128xf32>
    %get3A_18 = arith.constant 1 : index
    %get3A_19 = arith.constant 0 : index
    %get3A_20 = arith.constant 0 : index
    %get3A_21 = vector.load %arg1[%get3A_18, %get3A_19, %get3A_20] : memref<2x2000x128xf32, #tpu.memory_space<vmem>>, vector<1x2000x128xf32>
    %get3A_22 = vector.shape_cast %get3A_21 : vector<1x2000x128xf32> to vector<2000x128xf32>
    %add3A_23 = arith.addf %get3A_17, %get3A_22 : vector<2000x128xf32>
    %mul3A = vector.broadcast %div3A_12 : vector<2000x1xf32> to vector<2000x128xf32>
    %mul3A_24 = arith.mulf %add3A_23, %mul3A : vector<2000x128xf32>
    %get3A_25 = arith.constant 0 : index
    %get3A_26 = arith.constant 0 : index
    %get3A_27 = vector.load %arg4[%get3A_25, %get3A_26] : memref<128x128xf32, #tpu.memory_space<vmem>>, vector<128x128xf32>
    %dot_general3A = arith.constant dense<0.000000e+00> : vector<2000x128xf32>
    %dot_general3A_28 = tpu.matmul %mul3A_24, %get3A_27, %dot_general3A {dimension_numbers = #tpu.dot_dimension_numbers<[1], [1], [0], [0], [0, 0, 1, 0], [], []>, precision = #tpu.contract_precision<fp32>, transpose_lhs_hint = false} : vector<2000x128xf32>, vector<128x128xf32>, vector<2000x128xf32> -> vector<2000x128xf32>
    %get3A_29 = arith.constant 0 : index
    %get3A_30 = arith.constant 0 : index
    %get3A_31 = vector.load %arg3[%get3A_29, %get3A_30] : memref<2000x128xf32, #tpu.memory_space<vmem>>, vector<2000x128xf32>
    %get3A_32 = arith.constant 0 : index
    %get3A_33 = arith.constant 0 : index
    %get3A_34 = vector.load %arg5[%get3A_32, %get3A_33] : memref<128x128xf32, #tpu.memory_space<vmem>>, vector<128x128xf32>
    %dot_general3A_35 = arith.constant dense<0.000000e+00> : vector<2000x128xf32>
    %dot_general3A_36 = tpu.matmul %get3A_31, %get3A_34, %dot_general3A_35 {dimension_numbers = #tpu.dot_dimension_numbers<[1], [1], [0], [0], [0, 0, 1, 0], [], []>, precision = #tpu.contract_precision<fp32>, transpose_lhs_hint = false} : vector<2000x128xf32>, vector<128x128xf32>, vector<2000x128xf32> -> vector<2000x128xf32>
    %add3A_37 = arith.addf %dot_general3A_28, %dot_general3A_36 : vector<2000x128xf32>
    %get3A_38 = arith.constant 0 : index
    %get3A_39 = arith.constant 0 : index
    %get3A_40 = vector.load %arg6[%get3A_38, %get3A_39] : memref<1x128xf32, #tpu.memory_space<vmem>>, vector<1x128xf32>
    %add3A_41 = vector.broadcast %get3A_40 : vector<1x128xf32> to vector<2000x128xf32>
    %add3A_42 = arith.addf %add3A_37, %add3A_41 : vector<2000x128xf32>
    %max3A_43 = arith.constant 0.000000e+00 : f32
    %max3A_44 = vector.broadcast %max3A_43 : f32 to vector<2000x128xf32>
    %max3A_45 = arith.maximumf %add3A_42, %max3A_44 : vector<2000x128xf32>
    %swap3A = arith.constant 0 : index
    %swap3A_46 = arith.constant 0 : index
    %swap3A_47 = vector.load %arg7[%swap3A, %swap3A_46] : memref<2000x128xf32, #tpu.memory_space<vmem>>, vector<2000x128xf32>
    tpu.vector_store %arg7[%swap3A, %swap3A_46], %max3A_45 {strides = array<i32>} : memref<2000x128xf32, #tpu.memory_space<vmem>>, vector<2000x128xf32>,
    return
  }
  func.func @transform_0(%arg0: i32) -> (i32, i32, i32) {
    %c0_i32 = arith.constant 0 : i32
    %c0_i32_0 = arith.constant 0 : i32
    %c0_i32_1 = arith.constant 0 : i32
    return %c0_i32, %arg0, %c0_i32_0 : i32, i32, i32
  }
  func.func @transform_1(%arg0: i32) -> (i32, i32, i32) {
    %c0_i32 = arith.constant 0 : i32
    %c0_i32_0 = arith.constant 0 : i32
    %c0_i32_1 = arith.constant 0 : i32
    return %c0_i32, %arg0, %c0_i32_0 : i32, i32, i32
  }
  func.func @transform_2(%arg0: i32) -> (i32, i32) {
    %c0_i32 = arith.constant 0 : i32
    %c0_i32_0 = arith.constant 0 : i32
    return %arg0, %c0_i32 : i32, i32
  }
  func.func @transform_3(%arg0: i32) -> (i32, i32) {
    %c0_i32 = arith.constant 0 : i32
    %c0_i32_0 = arith.constant 0 : i32
    %c0_i32_1 = arith.constant 0 : i32
    return %c0_i32, %c0_i32_0 : i32, i32
  }
  func.func @transform_4(%arg0: i32) -> (i32, i32) {
    %c0_i32 = arith.constant 0 : i32
    %c0_i32_0 = arith.constant 0 : i32
    %c0_i32_1 = arith.constant 0 : i32
    return %c0_i32, %c0_i32_0 : i32, i32
  }
  func.func @transform_5(%arg0: i32) -> (i32, i32) {
    %c0_i32 = arith.constant 0 : i32
    %c0_i32_0 = arith.constant 0 : i32
    %c0_i32_1 = arith.constant 0 : i32
    return %c0_i32, %c0_i32_0 : i32, i32
  }
  func.func @transform_6(%arg0: i32) -> (i32, i32) {
    %c0_i32 = arith.constant 0 : i32
    %c0_i32_0 = arith.constant 0 : i32
    return %arg0, %c0_i32 : i32, i32
  }
}

module attributes {stable_mosaic.version = 14 : i64} {
  func.func @_fused3_body(%arg0: i32, %arg1: memref<2x2000x128xf32, #tpu.memory_space<vmem>>, %arg2: memref<2x2000x1xf32, #tpu.memory_space<vmem>>, %arg3: memref<2000x128xf32, #tpu.memory_space<vmem>>, %arg4: memref<128x128xf32, #tpu.memory_space<vmem>>, %arg5: memref<128x128xf32, #tpu.memory_space<vmem>>, %arg6: memref<1x128xf32, #tpu.memory_space<vmem>>, %arg7: memref<2000x128xf32, #tpu.memory_space<vmem>>, %arg8: memref<2000x1xbf16, #tpu.memory_space<vmem>>, %arg9: memref<1x1x2000xf32, #tpu.memory_space<vmem>>, %arg10: memref<1x1x2000xf32, #tpu.memory_space<vmem>>, %arg11: memref<128x128xf32, #tpu.memory_space<vmem>>, %arg12: memref<1x128xf32, #tpu.memory_space<vmem>>, %arg13: memref<64x128xf32, #tpu.memory_space<vmem>>, %arg14: memref<1x64xf32, #tpu.memory_space<vmem>>, %arg15: memref<64x64xf32, #tpu.memory_space<vmem>>, %arg16: memref<1x64xf32, #tpu.memory_space<vmem>>, %arg17: memref<64x128xf32, #tpu.memory_space<vmem>>, %arg18: memref<1x64xf32, #tpu.memory_space<vmem>>, %arg19: memref<1x128xf32, #tpu.memory_space<vmem>>, %arg20: memref<1x1xf32, #tpu.memory_space<vmem>>, %arg21: memref<32x1xf32, #tpu.memory_space<vmem>>, %arg22: memref<32x128xf32, #tpu.memory_space<vmem>>, %arg23: memref<32x128xf32, #tpu.memory_space<vmem>>) attributes {dimension_semantics = [#tpu.dimension_semantics<arbitrary>], iteration_bounds = array<i64: 5>, scalar_prefetch = 0 : i64, scratch_operands = 2 : i64, tpu.core_type = #tpu.core_type<tc>, window_params = [{transform_indices = @transform_0, window_bounds = array<i64: 2, 2000, 128>}, {transform_indices = @transform_1, window_bounds = array<i64: 2, 2000, 1>}, {transform_indices = @transform_2, window_bounds = array<i64: 2000, 128>}, {pipeline_mode = #tpu.pipeline_mode<synchronous>, transform_indices = @transform_3, window_bounds = array<i64: 128, 128>}, {pipeline_mode = #tpu.pipeline_mode<synchronous>, transform_indices = @transform_4, window_bounds = array<i64: 128, 128>}, {pipeline_mode = #tpu.pipeline_mode<synchronous>, transform_indices = @transform_5, window_bounds = array<i64: 1, 128>}, {transform_indices = @transform_6, window_bounds = array<i64: 2000, 128>}, {transform_indices = @transform_7, window_bounds = array<i64: 2000, 1>}, {transform_indices = @transform_8, window_bounds = array<i64: 1, 1, 2000>}, {transform_indices = @transform_9, window_bounds = array<i64: 1, 1, 2000>}, {pipeline_mode = #tpu.pipeline_mode<synchronous>, transform_indices = @transform_10, window_bounds = array<i64: 128, 128>}, {pipeline_mode = #tpu.pipeline_mode<synchronous>, transform_indices = @transform_11, window_bounds = array<i64: 1, 128>}, {pipeline_mode = #tpu.pipeline_mode<synchronous>, transform_indices = @transform_12, window_bounds = array<i64: 64, 128>}, {pipeline_mode = #tpu.pipeline_mode<synchronous>, transform_indices = @transform_13, window_bounds = array<i64: 1, 64>}, {pipeline_mode = #tpu.pipeline_mode<synchronous>, transform_indices = @transform_14, window_bounds = array<i64: 64, 64>}, {pipeline_mode = #tpu.pipeline_mode<synchronous>, transform_indices = @transform_15, window_bounds = array<i64: 1, 64>}, {pipeline_mode = #tpu.pipeline_mode<synchronous>, transform_indices = @transform_16, window_bounds = array<i64: 64, 128>}, {pipeline_mode = #tpu.pipeline_mode<synchronous>, transform_indices = @transform_17, window_bounds = array<i64: 1, 64>}, {pipeline_mode = #tpu.pipeline_mode<synchronous>, transform_indices = @transform_18, window_bounds = array<i64: 1, 128>}, {pipeline_mode = #tpu.pipeline_mode<synchronous>, transform_indices = @transform_19, window_bounds = array<i64: 1, 1>}, {pipeline_mode = #tpu.pipeline_mode<synchronous>, transform_indices = @transform_20, window_bounds = array<i64: 32, 1>}]} {
    %eq3A = arith.constant 0 : i32
    %eq3A_0 = arith.cmpi eq, %arg0, %eq3A : i32
    %convert_element_type3A = arith.extui %eq3A_0 : i1 to i32
    %cond3A = arith.constant 0 : i32
    %cond3A_1 = arith.cmpi ne, %convert_element_type3A, %cond3A : i32
    scf.if %cond3A_1 {
      %broadcast_in_dim3A_448 = arith.constant -3.000000e+38 : f32
      %broadcast_in_dim3A_449 = vector.broadcast %broadcast_in_dim3A_448 : f32 to vector<32x128xf32>
      %swap3A_450 = arith.constant 0 : index
      %swap3A_451 = arith.constant 0 : index
      %swap3A_452 = vector.load %arg22[%swap3A_450, %swap3A_451] : memref<32x128xf32, #tpu.memory_space<vmem>>, vector<32x128xf32>
      tpu.vector_store %arg22[%swap3A_450, %swap3A_451], %broadcast_in_dim3A_449 {strides = array<i32>} : memref<32x128xf32, #tpu.memory_space<vmem>>, vector<32x128xf32>,
      %broadcast_in_dim3A_453 = arith.constant 0.000000e+00 : f32
      %broadcast_in_dim3A_454 = vector.broadcast %broadcast_in_dim3A_453 : f32 to vector<32x128xf32>
      %swap3A_455 = arith.constant 0 : index
      %swap3A_456 = arith.constant 0 : index
      %swap3A_457 = vector.load %arg23[%swap3A_455, %swap3A_456] : memref<32x128xf32, #tpu.memory_space<vmem>>, vector<32x128xf32>
      tpu.vector_store %arg23[%swap3A_455, %swap3A_456], %broadcast_in_dim3A_454 {strides = array<i32>} : memref<32x128xf32, #tpu.memory_space<vmem>>, vector<32x128xf32>,
    } else {
    }
    %get3A = arith.constant 0 : index
    %get3A_2 = arith.constant 0 : index
    %get3A_3 = arith.constant 0 : index
    %get3A_4 = vector.load %arg2[%get3A, %get3A_2, %get3A_3] : memref<2x2000x1xf32, #tpu.memory_space<vmem>>, vector<1x2000x1xf32>
    %get3A_5 = vector.shape_cast %get3A_4 : vector<1x2000x1xf32> to vector<2000x1xf32>
    %get3A_6 = arith.constant 1 : index
    %get3A_7 = arith.constant 0 : index
    %get3A_8 = arith.constant 0 : index
    %get3A_9 = vector.load %arg2[%get3A_6, %get3A_7, %get3A_8] : memref<2x2000x1xf32, #tpu.memory_space<vmem>>, vector<1x2000x1xf32>
    %get3A_10 = vector.shape_cast %get3A_9 : vector<1x2000x1xf32> to vector<2000x1xf32>
    %add3A = arith.addf %get3A_5, %get3A_10 : vector<2000x1xf32>
    %max3A = arith.constant 1.000000e+00 : f32
    %max3A_11 = vector.broadcast %max3A : f32 to vector<2000x1xf32>
    %max3A_12 = arith.maximumf %add3A, %max3A_11 : vector<2000x1xf32>
    %div3A = arith.constant 1.000000e+00 : f32
    %div3A_13 = vector.broadcast %div3A : f32 to vector<2000x1xf32>
    %div3A_14 = arith.divf %div3A_13, %max3A_12 : vector<2000x1xf32>
    %get3A_15 = arith.constant 0 : index
    %get3A_16 = arith.constant 0 : index
    %get3A_17 = arith.constant 0 : index
    %get3A_18 = vector.load %arg1[%get3A_15, %get3A_16, %get3A_17] : memref<2x2000x128xf32, #tpu.memory_space<vmem>>, vector<1x2000x128xf32>
    %get3A_19 = vector.shape_cast %get3A_18 : vector<1x2000x128xf32> to vector<2000x128xf32>
    %get3A_20 = arith.constant 1 : index
    %get3A_21 = arith.constant 0 : index
    %get3A_22 = arith.constant 0 : index
    %get3A_23 = vector.load %arg1[%get3A_20, %get3A_21, %get3A_22] : memref<2x2000x128xf32, #tpu.memory_space<vmem>>, vector<1x2000x128xf32>
    %get3A_24 = vector.shape_cast %get3A_23 : vector<1x2000x128xf32> to vector<2000x128xf32>
    %add3A_25 = arith.addf %get3A_19, %get3A_24 : vector<2000x128xf32>
    %mul3A = vector.broadcast %div3A_14 : vector<2000x1xf32> to vector<2000x128xf32>
    %mul3A_26 = arith.mulf %add3A_25, %mul3A : vector<2000x128xf32>
    %get3A_27 = arith.constant 0 : index
    %get3A_28 = arith.constant 0 : index
    %get3A_29 = vector.load %arg4[%get3A_27, %get3A_28] : memref<128x128xf32, #tpu.memory_space<vmem>>, vector<128x128xf32>
    %dot_general3A = arith.constant dense<0.000000e+00> : vector<2000x128xf32>
    %dot_general3A_30 = tpu.matmul %mul3A_26, %get3A_29, %dot_general3A {dimension_numbers = #tpu.dot_dimension_numbers<[1], [1], [0], [0], [0, 0, 1, 0], [], []>, precision = #tpu.contract_precision<fp32>, transpose_lhs_hint = false} : vector<2000x128xf32>, vector<128x128xf32>, vector<2000x128xf32> -> vector<2000x128xf32>
    %get3A_31 = arith.constant 0 : index
    %get3A_32 = arith.constant 0 : index
    %get3A_33 = vector.load %arg3[%get3A_31, %get3A_32] : memref<2000x128xf32, #tpu.memory_space<vmem>>, vector<2000x128xf32>
    %get3A_34 = arith.constant 0 : index
    %get3A_35 = arith.constant 0 : index
    %get3A_36 = vector.load %arg5[%get3A_34, %get3A_35] : memref<128x128xf32, #tpu.memory_space<vmem>>, vector<128x128xf32>
    %dot_general3A_37 = arith.constant dense<0.000000e+00> : vector<2000x128xf32>
    %dot_general3A_38 = tpu.matmul %get3A_33, %get3A_36, %dot_general3A_37 {dimension_numbers = #tpu.dot_dimension_numbers<[1], [1], [0], [0], [0, 0, 1, 0], [], []>, precision = #tpu.contract_precision<fp32>, transpose_lhs_hint = false} : vector<2000x128xf32>, vector<128x128xf32>, vector<2000x128xf32> -> vector<2000x128xf32>
    %add3A_39 = arith.addf %dot_general3A_30, %dot_general3A_38 : vector<2000x128xf32>
    %get3A_40 = arith.constant 0 : index
    %get3A_41 = arith.constant 0 : index
    %get3A_42 = vector.load %arg6[%get3A_40, %get3A_41] : memref<1x128xf32, #tpu.memory_space<vmem>>, vector<1x128xf32>
    %add3A_43 = vector.broadcast %get3A_42 : vector<1x128xf32> to vector<2000x128xf32>
    %add3A_44 = arith.addf %add3A_39, %add3A_43 : vector<2000x128xf32>
    %max3A_45 = arith.constant 0.000000e+00 : f32
    %max3A_46 = vector.broadcast %max3A_45 : f32 to vector<2000x128xf32>
    %max3A_47 = arith.maximumf %add3A_44, %max3A_46 : vector<2000x128xf32>
    %get3A_48 = arith.constant 0 : index
    %get3A_49 = arith.constant 0 : index
    %get3A_50 = vector.load %arg8[%get3A_48, %get3A_49] : memref<2000x1xbf16, #tpu.memory_space<vmem>>, vector<2000x1xbf16>
    %eq3A_51 = arith.constant 0.000000e+00 : bf16
    %eq3A_52 = vector.broadcast %eq3A_51 : bf16 to vector<2000x1xbf16>
    %eq3A_53 = arith.cmpf oeq, %get3A_50, %eq3A_52 : vector<2000x1xbf16>
    %jit3A = arith.constant -3.000000e+38 : f32
    %broadcast_in_dim3A = vector.shape_cast %eq3A_53 : vector<2000x1xi1> to vector<2000x1xi1>
    %broadcast_in_dim3A_54 = vector.broadcast %broadcast_in_dim3A : vector<2000x1xi1> to vector<2000x128xi1>
    %broadcast_in_dim3A_55 = vector.broadcast %jit3A : f32 to vector<2000x128xf32>
    %select_n3A = arith.select %broadcast_in_dim3A_54, %max3A_47, %broadcast_in_dim3A_55 : vector<2000x128xi1>, vector<2000x128xf32>
    %reduce_max3A = arith.constant dense<0xFF800000> : vector<128xf32>
    %reduce_max3A_56 = vector.multi_reduction <maximumf>, %select_n3A, %reduce_max3A [0] : vector<2000x128xf32> to vector<128xf32>
    %broadcast_in_dim3A_57 = vector.shape_cast %reduce_max3A_56 : vector<128xf32> to vector<1x128xf32>
    %eq3A_58 = arith.constant 1.000000e+00 : bf16
    %eq3A_59 = vector.broadcast %eq3A_58 : bf16 to vector<2000x1xbf16>
    %eq3A_60 = arith.cmpf oeq, %get3A_50, %eq3A_59 : vector<2000x1xbf16>
    %jit3A_61 = arith.constant -3.000000e+38 : f32
    %broadcast_in_dim3A_62 = vector.shape_cast %eq3A_60 : vector<2000x1xi1> to vector<2000x1xi1>
    %broadcast_in_dim3A_63 = vector.broadcast %broadcast_in_dim3A_62 : vector<2000x1xi1> to vector<2000x128xi1>
    %broadcast_in_dim3A_64 = vector.broadcast %jit3A_61 : f32 to vector<2000x128xf32>
    %select_n3A_65 = arith.select %broadcast_in_dim3A_63, %max3A_47, %broadcast_in_dim3A_64 : vector<2000x128xi1>, vector<2000x128xf32>
    %reduce_max3A_66 = arith.constant dense<0xFF800000> : vector<128xf32>
    %reduce_max3A_67 = vector.multi_reduction <maximumf>, %select_n3A_65, %reduce_max3A_66 [0] : vector<2000x128xf32> to vector<128xf32>
    %broadcast_in_dim3A_68 = vector.shape_cast %reduce_max3A_67 : vector<128xf32> to vector<1x128xf32>
    %eq3A_69 = arith.constant 2.000000e+00 : bf16
    %eq3A_70 = vector.broadcast %eq3A_69 : bf16 to vector<2000x1xbf16>
    %eq3A_71 = arith.cmpf oeq, %get3A_50, %eq3A_70 : vector<2000x1xbf16>
    %jit3A_72 = arith.constant -3.000000e+38 : f32
    %broadcast_in_dim3A_73 = vector.shape_cast %eq3A_71 : vector<2000x1xi1> to vector<2000x1xi1>
    %broadcast_in_dim3A_74 = vector.broadcast %broadcast_in_dim3A_73 : vector<2000x1xi1> to vector<2000x128xi1>
    %broadcast_in_dim3A_75 = vector.broadcast %jit3A_72 : f32 to vector<2000x128xf32>
    %select_n3A_76 = arith.select %broadcast_in_dim3A_74, %max3A_47, %broadcast_in_dim3A_75 : vector<2000x128xi1>, vector<2000x128xf32>
    %reduce_max3A_77 = arith.constant dense<0xFF800000> : vector<128xf32>
    %reduce_max3A_78 = vector.multi_reduction <maximumf>, %select_n3A_76, %reduce_max3A_77 [0] : vector<2000x128xf32> to vector<128xf32>
    %broadcast_in_dim3A_79 = vector.shape_cast %reduce_max3A_78 : vector<128xf32> to vector<1x128xf32>
    %eq3A_80 = arith.constant 3.000000e+00 : bf16
    %eq3A_81 = vector.broadcast %eq3A_80 : bf16 to vector<2000x1xbf16>
    %eq3A_82 = arith.cmpf oeq, %get3A_50, %eq3A_81 : vector<2000x1xbf16>
    %jit3A_83 = arith.constant -3.000000e+38 : f32
    %broadcast_in_dim3A_84 = vector.shape_cast %eq3A_82 : vector<2000x1xi1> to vector<2000x1xi1>
    %broadcast_in_dim3A_85 = vector.broadcast %broadcast_in_dim3A_84 : vector<2000x1xi1> to vector<2000x128xi1>
    %broadcast_in_dim3A_86 = vector.broadcast %jit3A_83 : f32 to vector<2000x128xf32>
    %select_n3A_87 = arith.select %broadcast_in_dim3A_85, %max3A_47, %broadcast_in_dim3A_86 : vector<2000x128xi1>, vector<2000x128xf32>
    %reduce_max3A_88 = arith.constant dense<0xFF800000> : vector<128xf32>
    %reduce_max3A_89 = vector.multi_reduction <maximumf>, %select_n3A_87, %reduce_max3A_88 [0] : vector<2000x128xf32> to vector<128xf32>
    %broadcast_in_dim3A_90 = vector.shape_cast %reduce_max3A_89 : vector<128xf32> to vector<1x128xf32>
    %eq3A_91 = arith.constant 4.000000e+00 : bf16
    %eq3A_92 = vector.broadcast %eq3A_91 : bf16 to vector<2000x1xbf16>
    %eq3A_93 = arith.cmpf oeq, %get3A_50, %eq3A_92 : vector<2000x1xbf16>
    %jit3A_94 = arith.constant -3.000000e+38 : f32
    %broadcast_in_dim3A_95 = vector.shape_cast %eq3A_93 : vector<2000x1xi1> to vector<2000x1xi1>
    %broadcast_in_dim3A_96 = vector.broadcast %broadcast_in_dim3A_95 : vector<2000x1xi1> to vector<2000x128xi1>
    %broadcast_in_dim3A_97 = vector.broadcast %jit3A_94 : f32 to vector<2000x128xf32>
    %select_n3A_98 = arith.select %broadcast_in_dim3A_96, %max3A_47, %broadcast_in_dim3A_97 : vector<2000x128xi1>, vector<2000x128xf32>
    %reduce_max3A_99 = arith.constant dense<0xFF800000> : vector<128xf32>
    %reduce_max3A_100 = vector.multi_reduction <maximumf>, %select_n3A_98, %reduce_max3A_99 [0] : vector<2000x128xf32> to vector<128xf32>
    %broadcast_in_dim3A_101 = vector.shape_cast %reduce_max3A_100 : vector<128xf32> to vector<1x128xf32>
    %eq3A_102 = arith.constant 5.000000e+00 : bf16
    %eq3A_103 = vector.broadcast %eq3A_102 : bf16 to vector<2000x1xbf16>
    %eq3A_104 = arith.cmpf oeq, %get3A_50, %eq3A_103 : vector<2000x1xbf16>
    %jit3A_105 = arith.constant -3.000000e+38 : f32
    %broadcast_in_dim3A_106 = vector.shape_cast %eq3A_104 : vector<2000x1xi1> to vector<2000x1xi1>
    %broadcast_in_dim3A_107 = vector.broadcast %broadcast_in_dim3A_106 : vector<2000x1xi1> to vector<2000x128xi1>
    %broadcast_in_dim3A_108 = vector.broadcast %jit3A_105 : f32 to vector<2000x128xf32>
    %select_n3A_109 = arith.select %broadcast_in_dim3A_107, %max3A_47, %broadcast_in_dim3A_108 : vector<2000x128xi1>, vector<2000x128xf32>
    %reduce_max3A_110 = arith.constant dense<0xFF800000> : vector<128xf32>
    %reduce_max3A_111 = vector.multi_reduction <maximumf>, %select_n3A_109, %reduce_max3A_110 [0] : vector<2000x128xf32> to vector<128xf32>
    %broadcast_in_dim3A_112 = vector.shape_cast %reduce_max3A_111 : vector<128xf32> to vector<1x128xf32>
    %eq3A_113 = arith.constant 6.000000e+00 : bf16
    %eq3A_114 = vector.broadcast %eq3A_113 : bf16 to vector<2000x1xbf16>
    %eq3A_115 = arith.cmpf oeq, %get3A_50, %eq3A_114 : vector<2000x1xbf16>
    %jit3A_116 = arith.constant -3.000000e+38 : f32
    %broadcast_in_dim3A_117 = vector.shape_cast %eq3A_115 : vector<2000x1xi1> to vector<2000x1xi1>
    %broadcast_in_dim3A_118 = vector.broadcast %broadcast_in_dim3A_117 : vector<2000x1xi1> to vector<2000x128xi1>
    %broadcast_in_dim3A_119 = vector.broadcast %jit3A_116 : f32 to vector<2000x128xf32>
    %select_n3A_120 = arith.select %broadcast_in_dim3A_118, %max3A_47, %broadcast_in_dim3A_119 : vector<2000x128xi1>, vector<2000x128xf32>
    %reduce_max3A_121 = arith.constant dense<0xFF800000> : vector<128xf32>
    %reduce_max3A_122 = vector.multi_reduction <maximumf>, %select_n3A_120, %reduce_max3A_121 [0] : vector<2000x128xf32> to vector<128xf32>
    %broadcast_in_dim3A_123 = vector.shape_cast %reduce_max3A_122 : vector<128xf32> to vector<1x128xf32>
    %eq3A_124 = arith.constant 7.000000e+00 : bf16
    %eq3A_125 = vector.broadcast %eq3A_124 : bf16 to vector<2000x1xbf16>
    %eq3A_126 = arith.cmpf oeq, %get3A_50, %eq3A_125 : vector<2000x1xbf16>
    %jit3A_127 = arith.constant -3.000000e+38 : f32
    %broadcast_in_dim3A_128 = vector.shape_cast %eq3A_126 : vector<2000x1xi1> to vector<2000x1xi1>
    %broadcast_in_dim3A_129 = vector.broadcast %broadcast_in_dim3A_128 : vector<2000x1xi1> to vector<2000x128xi1>
    %broadcast_in_dim3A_130 = vector.broadcast %jit3A_127 : f32 to vector<2000x128xf32>
    %select_n3A_131 = arith.select %broadcast_in_dim3A_129, %max3A_47, %broadcast_in_dim3A_130 : vector<2000x128xi1>, vector<2000x128xf32>
    %reduce_max3A_132 = arith.constant dense<0xFF800000> : vector<128xf32>
    %reduce_max3A_133 = vector.multi_reduction <maximumf>, %select_n3A_131, %reduce_max3A_132 [0] : vector<2000x128xf32> to vector<128xf32>
    %broadcast_in_dim3A_134 = vector.shape_cast %reduce_max3A_133 : vector<128xf32> to vector<1x128xf32>
    %eq3A_135 = arith.constant 8.000000e+00 : bf16
    %eq3A_136 = vector.broadcast %eq3A_135 : bf16 to vector<2000x1xbf16>
    %eq3A_137 = arith.cmpf oeq, %get3A_50, %eq3A_136 : vector<2000x1xbf16>
    %jit3A_138 = arith.constant -3.000000e+38 : f32
    %broadcast_in_dim3A_139 = vector.shape_cast %eq3A_137 : vector<2000x1xi1> to vector<2000x1xi1>
    %broadcast_in_dim3A_140 = vector.broadcast %broadcast_in_dim3A_139 : vector<2000x1xi1> to vector<2000x128xi1>
    %broadcast_in_dim3A_141 = vector.broadcast %jit3A_138 : f32 to vector<2000x128xf32>
    %select_n3A_142 = arith.select %broadcast_in_dim3A_140, %max3A_47, %broadcast_in_dim3A_141 : vector<2000x128xi1>, vector<2000x128xf32>
    %reduce_max3A_143 = arith.constant dense<0xFF800000> : vector<128xf32>
    %reduce_max3A_144 = vector.multi_reduction <maximumf>, %select_n3A_142, %reduce_max3A_143 [0] : vector<2000x128xf32> to vector<128xf32>
    %broadcast_in_dim3A_145 = vector.shape_cast %reduce_max3A_144 : vector<128xf32> to vector<1x128xf32>
    %eq3A_146 = arith.constant 9.000000e+00 : bf16
    %eq3A_147 = vector.broadcast %eq3A_146 : bf16 to vector<2000x1xbf16>
    %eq3A_148 = arith.cmpf oeq, %get3A_50, %eq3A_147 : vector<2000x1xbf16>
    %jit3A_149 = arith.constant -3.000000e+38 : f32
    %broadcast_in_dim3A_150 = vector.shape_cast %eq3A_148 : vector<2000x1xi1> to vector<2000x1xi1>
    %broadcast_in_dim3A_151 = vector.broadcast %broadcast_in_dim3A_150 : vector<2000x1xi1> to vector<2000x128xi1>
    %broadcast_in_dim3A_152 = vector.broadcast %jit3A_149 : f32 to vector<2000x128xf32>
    %select_n3A_153 = arith.select %broadcast_in_dim3A_151, %max3A_47, %broadcast_in_dim3A_152 : vector<2000x128xi1>, vector<2000x128xf32>
    %reduce_max3A_154 = arith.constant dense<0xFF800000> : vector<128xf32>
    %reduce_max3A_155 = vector.multi_reduction <maximumf>, %select_n3A_153, %reduce_max3A_154 [0] : vector<2000x128xf32> to vector<128xf32>
    %broadcast_in_dim3A_156 = vector.shape_cast %reduce_max3A_155 : vector<128xf32> to vector<1x128xf32>
    %eq3A_157 = arith.constant 1.000000e+01 : bf16
    %eq3A_158 = vector.broadcast %eq3A_157 : bf16 to vector<2000x1xbf16>
    %eq3A_159 = arith.cmpf oeq, %get3A_50, %eq3A_158 : vector<2000x1xbf16>
    %jit3A_160 = arith.constant -3.000000e+38 : f32
    %broadcast_in_dim3A_161 = vector.shape_cast %eq3A_159 : vector<2000x1xi1> to vector<2000x1xi1>
    %broadcast_in_dim3A_162 = vector.broadcast %broadcast_in_dim3A_161 : vector<2000x1xi1> to vector<2000x128xi1>
    %broadcast_in_dim3A_163 = vector.broadcast %jit3A_160 : f32 to vector<2000x128xf32>
    %select_n3A_164 = arith.select %broadcast_in_dim3A_162, %max3A_47, %broadcast_in_dim3A_163 : vector<2000x128xi1>, vector<2000x128xf32>
    %reduce_max3A_165 = arith.constant dense<0xFF800000> : vector<128xf32>
    %reduce_max3A_166 = vector.multi_reduction <maximumf>, %select_n3A_164, %reduce_max3A_165 [0] : vector<2000x128xf32> to vector<128xf32>
    %broadcast_in_dim3A_167 = vector.shape_cast %reduce_max3A_166 : vector<128xf32> to vector<1x128xf32>
    %eq3A_168 = arith.constant 1.100000e+01 : bf16
    %eq3A_169 = vector.broadcast %eq3A_168 : bf16 to vector<2000x1xbf16>
    %eq3A_170 = arith.cmpf oeq, %get3A_50, %eq3A_169 : vector<2000x1xbf16>
    %jit3A_171 = arith.constant -3.000000e+38 : f32
    %broadcast_in_dim3A_172 = vector.shape_cast %eq3A_170 : vector<2000x1xi1> to vector<2000x1xi1>
    %broadcast_in_dim3A_173 = vector.broadcast %broadcast_in_dim3A_172 : vector<2000x1xi1> to vector<2000x128xi1>
    %broadcast_in_dim3A_174 = vector.broadcast %jit3A_171 : f32 to vector<2000x128xf32>
    %select_n3A_175 = arith.select %broadcast_in_dim3A_173, %max3A_47, %broadcast_in_dim3A_174 : vector<2000x128xi1>, vector<2000x128xf32>
    %reduce_max3A_176 = arith.constant dense<0xFF800000> : vector<128xf32>
    %reduce_max3A_177 = vector.multi_reduction <maximumf>, %select_n3A_175, %reduce_max3A_176 [0] : vector<2000x128xf32> to vector<128xf32>
    %broadcast_in_dim3A_178 = vector.shape_cast %reduce_max3A_177 : vector<128xf32> to vector<1x128xf32>
    %eq3A_179 = arith.constant 1.200000e+01 : bf16
    %eq3A_180 = vector.broadcast %eq3A_179 : bf16 to vector<2000x1xbf16>
    %eq3A_181 = arith.cmpf oeq, %get3A_50, %eq3A_180 : vector<2000x1xbf16>
    %jit3A_182 = arith.constant -3.000000e+38 : f32
    %broadcast_in_dim3A_183 = vector.shape_cast %eq3A_181 : vector<2000x1xi1> to vector<2000x1xi1>
    %broadcast_in_dim3A_184 = vector.broadcast %broadcast_in_dim3A_183 : vector<2000x1xi1> to vector<2000x128xi1>
    %broadcast_in_dim3A_185 = vector.broadcast %jit3A_182 : f32 to vector<2000x128xf32>
    %select_n3A_186 = arith.select %broadcast_in_dim3A_184, %max3A_47, %broadcast_in_dim3A_185 : vector<2000x128xi1>, vector<2000x128xf32>
    %reduce_max3A_187 = arith.constant dense<0xFF800000> : vector<128xf32>
    %reduce_max3A_188 = vector.multi_reduction <maximumf>, %select_n3A_186, %reduce_max3A_187 [0] : vector<2000x128xf32> to vector<128xf32>
    %broadcast_in_dim3A_189 = vector.shape_cast %reduce_max3A_188 : vector<128xf32> to vector<1x128xf32>
    %eq3A_190 = arith.constant 1.300000e+01 : bf16
    %eq3A_191 = vector.broadcast %eq3A_190 : bf16 to vector<2000x1xbf16>
    %eq3A_192 = arith.cmpf oeq, %get3A_50, %eq3A_191 : vector<2000x1xbf16>
    %jit3A_193 = arith.constant -3.000000e+38 : f32
    %broadcast_in_dim3A_194 = vector.shape_cast %eq3A_192 : vector<2000x1xi1> to vector<2000x1xi1>
    %broadcast_in_dim3A_195 = vector.broadcast %broadcast_in_dim3A_194 : vector<2000x1xi1> to vector<2000x128xi1>
    %broadcast_in_dim3A_196 = vector.broadcast %jit3A_193 : f32 to vector<2000x128xf32>
    %select_n3A_197 = arith.select %broadcast_in_dim3A_195, %max3A_47, %broadcast_in_dim3A_196 : vector<2000x128xi1>, vector<2000x128xf32>
    %reduce_max3A_198 = arith.constant dense<0xFF800000> : vector<128xf32>
    %reduce_max3A_199 = vector.multi_reduction <maximumf>, %select_n3A_197, %reduce_max3A_198 [0] : vector<2000x128xf32> to vector<128xf32>
    %broadcast_in_dim3A_200 = vector.shape_cast %reduce_max3A_199 : vector<128xf32> to vector<1x128xf32>
    %eq3A_201 = arith.constant 1.400000e+01 : bf16
    %eq3A_202 = vector.broadcast %eq3A_201 : bf16 to vector<2000x1xbf16>
    %eq3A_203 = arith.cmpf oeq, %get3A_50, %eq3A_202 : vector<2000x1xbf16>
    %jit3A_204 = arith.constant -3.000000e+38 : f32
    %broadcast_in_dim3A_205 = vector.shape_cast %eq3A_203 : vector<2000x1xi1> to vector<2000x1xi1>
    %broadcast_in_dim3A_206 = vector.broadcast %broadcast_in_dim3A_205 : vector<2000x1xi1> to vector<2000x128xi1>
    %broadcast_in_dim3A_207 = vector.broadcast %jit3A_204 : f32 to vector<2000x128xf32>
    %select_n3A_208 = arith.select %broadcast_in_dim3A_206, %max3A_47, %broadcast_in_dim3A_207 : vector<2000x128xi1>, vector<2000x128xf32>
    %reduce_max3A_209 = arith.constant dense<0xFF800000> : vector<128xf32>
    %reduce_max3A_210 = vector.multi_reduction <maximumf>, %select_n3A_208, %reduce_max3A_209 [0] : vector<2000x128xf32> to vector<128xf32>
    %broadcast_in_dim3A_211 = vector.shape_cast %reduce_max3A_210 : vector<128xf32> to vector<1x128xf32>
    %eq3A_212 = arith.constant 1.500000e+01 : bf16
    %eq3A_213 = vector.broadcast %eq3A_212 : bf16 to vector<2000x1xbf16>
    %eq3A_214 = arith.cmpf oeq, %get3A_50, %eq3A_213 : vector<2000x1xbf16>
    %jit3A_215 = arith.constant -3.000000e+38 : f32
    %broadcast_in_dim3A_216 = vector.shape_cast %eq3A_214 : vector<2000x1xi1> to vector<2000x1xi1>
    %broadcast_in_dim3A_217 = vector.broadcast %broadcast_in_dim3A_216 : vector<2000x1xi1> to vector<2000x128xi1>
    %broadcast_in_dim3A_218 = vector.broadcast %jit3A_215 : f32 to vector<2000x128xf32>
    %select_n3A_219 = arith.select %broadcast_in_dim3A_217, %max3A_47, %broadcast_in_dim3A_218 : vector<2000x128xi1>, vector<2000x128xf32>
    %reduce_max3A_220 = arith.constant dense<0xFF800000> : vector<128xf32>
    %reduce_max3A_221 = vector.multi_reduction <maximumf>, %select_n3A_219, %reduce_max3A_220 [0] : vector<2000x128xf32> to vector<128xf32>
    %broadcast_in_dim3A_222 = vector.shape_cast %reduce_max3A_221 : vector<128xf32> to vector<1x128xf32>
    %eq3A_223 = arith.constant 1.600000e+01 : bf16
    %eq3A_224 = vector.broadcast %eq3A_223 : bf16 to vector<2000x1xbf16>
    %eq3A_225 = arith.cmpf oeq, %get3A_50, %eq3A_224 : vector<2000x1xbf16>
    %jit3A_226 = arith.constant -3.000000e+38 : f32
    %broadcast_in_dim3A_227 = vector.shape_cast %eq3A_225 : vector<2000x1xi1> to vector<2000x1xi1>
    %broadcast_in_dim3A_228 = vector.broadcast %broadcast_in_dim3A_227 : vector<2000x1xi1> to vector<2000x128xi1>
    %broadcast_in_dim3A_229 = vector.broadcast %jit3A_226 : f32 to vector<2000x128xf32>
    %select_n3A_230 = arith.select %broadcast_in_dim3A_228, %max3A_47, %broadcast_in_dim3A_229 : vector<2000x128xi1>, vector<2000x128xf32>
    %reduce_max3A_231 = arith.constant dense<0xFF800000> : vector<128xf32>
    %reduce_max3A_232 = vector.multi_reduction <maximumf>, %select_n3A_230, %reduce_max3A_231 [0] : vector<2000x128xf32> to vector<128xf32>
    %broadcast_in_dim3A_233 = vector.shape_cast %reduce_max3A_232 : vector<128xf32> to vector<1x128xf32>
    %eq3A_234 = arith.constant 1.700000e+01 : bf16
    %eq3A_235 = vector.broadcast %eq3A_234 : bf16 to vector<2000x1xbf16>
    %eq3A_236 = arith.cmpf oeq, %get3A_50, %eq3A_235 : vector<2000x1xbf16>
    %jit3A_237 = arith.constant -3.000000e+38 : f32
    %broadcast_in_dim3A_238 = vector.shape_cast %eq3A_236 : vector<2000x1xi1> to vector<2000x1xi1>
    %broadcast_in_dim3A_239 = vector.broadcast %broadcast_in_dim3A_238 : vector<2000x1xi1> to vector<2000x128xi1>
    %broadcast_in_dim3A_240 = vector.broadcast %jit3A_237 : f32 to vector<2000x128xf32>
    %select_n3A_241 = arith.select %broadcast_in_dim3A_239, %max3A_47, %broadcast_in_dim3A_240 : vector<2000x128xi1>, vector<2000x128xf32>
    %reduce_max3A_242 = arith.constant dense<0xFF800000> : vector<128xf32>
    %reduce_max3A_243 = vector.multi_reduction <maximumf>, %select_n3A_241, %reduce_max3A_242 [0] : vector<2000x128xf32> to vector<128xf32>
    %broadcast_in_dim3A_244 = vector.shape_cast %reduce_max3A_243 : vector<128xf32> to vector<1x128xf32>
    %eq3A_245 = arith.constant 1.800000e+01 : bf16
    %eq3A_246 = vector.broadcast %eq3A_245 : bf16 to vector<2000x1xbf16>
    %eq3A_247 = arith.cmpf oeq, %get3A_50, %eq3A_246 : vector<2000x1xbf16>
    %jit3A_248 = arith.constant -3.000000e+38 : f32
    %broadcast_in_dim3A_249 = vector.shape_cast %eq3A_247 : vector<2000x1xi1> to vector<2000x1xi1>
    %broadcast_in_dim3A_250 = vector.broadcast %broadcast_in_dim3A_249 : vector<2000x1xi1> to vector<2000x128xi1>
    %broadcast_in_dim3A_251 = vector.broadcast %jit3A_248 : f32 to vector<2000x128xf32>
    %select_n3A_252 = arith.select %broadcast_in_dim3A_250, %max3A_47, %broadcast_in_dim3A_251 : vector<2000x128xi1>, vector<2000x128xf32>
    %reduce_max3A_253 = arith.constant dense<0xFF800000> : vector<128xf32>
    %reduce_max3A_254 = vector.multi_reduction <maximumf>, %select_n3A_252, %reduce_max3A_253 [0] : vector<2000x128xf32> to vector<128xf32>
    %broadcast_in_dim3A_255 = vector.shape_cast %reduce_max3A_254 : vector<128xf32> to vector<1x128xf32>
    %eq3A_256 = arith.constant 1.900000e+01 : bf16
    %eq3A_257 = vector.broadcast %eq3A_256 : bf16 to vector<2000x1xbf16>
    %eq3A_258 = arith.cmpf oeq, %get3A_50, %eq3A_257 : vector<2000x1xbf16>
    %jit3A_259 = arith.constant -3.000000e+38 : f32
    %broadcast_in_dim3A_260 = vector.shape_cast %eq3A_258 : vector<2000x1xi1> to vector<2000x1xi1>
    %broadcast_in_dim3A_261 = vector.broadcast %broadcast_in_dim3A_260 : vector<2000x1xi1> to vector<2000x128xi1>
    %broadcast_in_dim3A_262 = vector.broadcast %jit3A_259 : f32 to vector<2000x128xf32>
    %select_n3A_263 = arith.select %broadcast_in_dim3A_261, %max3A_47, %broadcast_in_dim3A_262 : vector<2000x128xi1>, vector<2000x128xf32>
    %reduce_max3A_264 = arith.constant dense<0xFF800000> : vector<128xf32>
    %reduce_max3A_265 = vector.multi_reduction <maximumf>, %select_n3A_263, %reduce_max3A_264 [0] : vector<2000x128xf32> to vector<128xf32>
    %broadcast_in_dim3A_266 = vector.shape_cast %reduce_max3A_265 : vector<128xf32> to vector<1x128xf32>
    %eq3A_267 = arith.constant 2.000000e+01 : bf16
    %eq3A_268 = vector.broadcast %eq3A_267 : bf16 to vector<2000x1xbf16>
    %eq3A_269 = arith.cmpf oeq, %get3A_50, %eq3A_268 : vector<2000x1xbf16>
    %jit3A_270 = arith.constant -3.000000e+38 : f32
    %broadcast_in_dim3A_271 = vector.shape_cast %eq3A_269 : vector<2000x1xi1> to vector<2000x1xi1>
    %broadcast_in_dim3A_272 = vector.broadcast %broadcast_in_dim3A_271 : vector<2000x1xi1> to vector<2000x128xi1>
    %broadcast_in_dim3A_273 = vector.broadcast %jit3A_270 : f32 to vector<2000x128xf32>
    %select_n3A_274 = arith.select %broadcast_in_dim3A_272, %max3A_47, %broadcast_in_dim3A_273 : vector<2000x128xi1>, vector<2000x128xf32>
    %reduce_max3A_275 = arith.constant dense<0xFF800000> : vector<128xf32>
    %reduce_max3A_276 = vector.multi_reduction <maximumf>, %select_n3A_274, %reduce_max3A_275 [0] : vector<2000x128xf32> to vector<128xf32>
    %broadcast_in_dim3A_277 = vector.shape_cast %reduce_max3A_276 : vector<128xf32> to vector<1x128xf32>
    %eq3A_278 = arith.constant 2.100000e+01 : bf16
    %eq3A_279 = vector.broadcast %eq3A_278 : bf16 to vector<2000x1xbf16>
    %eq3A_280 = arith.cmpf oeq, %get3A_50, %eq3A_279 : vector<2000x1xbf16>
    %jit3A_281 = arith.constant -3.000000e+38 : f32
    %broadcast_in_dim3A_282 = vector.shape_cast %eq3A_280 : vector<2000x1xi1> to vector<2000x1xi1>
    %broadcast_in_dim3A_283 = vector.broadcast %broadcast_in_dim3A_282 : vector<2000x1xi1> to vector<2000x128xi1>
    %broadcast_in_dim3A_284 = vector.broadcast %jit3A_281 : f32 to vector<2000x128xf32>
    %select_n3A_285 = arith.select %broadcast_in_dim3A_283, %max3A_47, %broadcast_in_dim3A_284 : vector<2000x128xi1>, vector<2000x128xf32>
    %reduce_max3A_286 = arith.constant dense<0xFF800000> : vector<128xf32>
    %reduce_max3A_287 = vector.multi_reduction <maximumf>, %select_n3A_285, %reduce_max3A_286 [0] : vector<2000x128xf32> to vector<128xf32>
    %broadcast_in_dim3A_288 = vector.shape_cast %reduce_max3A_287 : vector<128xf32> to vector<1x128xf32>
    %eq3A_289 = arith.constant 2.200000e+01 : bf16
    %eq3A_290 = vector.broadcast %eq3A_289 : bf16 to vector<2000x1xbf16>
    %eq3A_291 = arith.cmpf oeq, %get3A_50, %eq3A_290 : vector<2000x1xbf16>
    %jit3A_292 = arith.constant -3.000000e+38 : f32
    %broadcast_in_dim3A_293 = vector.shape_cast %eq3A_291 : vector<2000x1xi1> to vector<2000x1xi1>
    %broadcast_in_dim3A_294 = vector.broadcast %broadcast_in_dim3A_293 : vector<2000x1xi1> to vector<2000x128xi1>
    %broadcast_in_dim3A_295 = vector.broadcast %jit3A_292 : f32 to vector<2000x128xf32>
    %select_n3A_296 = arith.select %broadcast_in_dim3A_294, %max3A_47, %broadcast_in_dim3A_295 : vector<2000x128xi1>, vector<2000x128xf32>
    %reduce_max3A_297 = arith.constant dense<0xFF800000> : vector<128xf32>
    %reduce_max3A_298 = vector.multi_reduction <maximumf>, %select_n3A_296, %reduce_max3A_297 [0] : vector<2000x128xf32> to vector<128xf32>
    %broadcast_in_dim3A_299 = vector.shape_cast %reduce_max3A_298 : vector<128xf32> to vector<1x128xf32>
    %eq3A_300 = arith.constant 2.300000e+01 : bf16
    %eq3A_301 = vector.broadcast %eq3A_300 : bf16 to vector<2000x1xbf16>
    %eq3A_302 = arith.cmpf oeq, %get3A_50, %eq3A_301 : vector<2000x1xbf16>
    %jit3A_303 = arith.constant -3.000000e+38 : f32
    %broadcast_in_dim3A_304 = vector.shape_cast %eq3A_302 : vector<2000x1xi1> to vector<2000x1xi1>
    %broadcast_in_dim3A_305 = vector.broadcast %broadcast_in_dim3A_304 : vector<2000x1xi1> to vector<2000x128xi1>
    %broadcast_in_dim3A_306 = vector.broadcast %jit3A_303 : f32 to vector<2000x128xf32>
    %select_n3A_307 = arith.select %broadcast_in_dim3A_305, %max3A_47, %broadcast_in_dim3A_306 : vector<2000x128xi1>, vector<2000x128xf32>
    %reduce_max3A_308 = arith.constant dense<0xFF800000> : vector<128xf32>
    %reduce_max3A_309 = vector.multi_reduction <maximumf>, %select_n3A_307, %reduce_max3A_308 [0] : vector<2000x128xf32> to vector<128xf32>
    %broadcast_in_dim3A_310 = vector.shape_cast %reduce_max3A_309 : vector<128xf32> to vector<1x128xf32>
    %eq3A_311 = arith.constant 2.400000e+01 : bf16
    %eq3A_312 = vector.broadcast %eq3A_311 : bf16 to vector<2000x1xbf16>
    %eq3A_313 = arith.cmpf oeq, %get3A_50, %eq3A_312 : vector<2000x1xbf16>
    %jit3A_314 = arith.constant -3.000000e+38 : f32
    %broadcast_in_dim3A_315 = vector.shape_cast %eq3A_313 : vector<2000x1xi1> to vector<2000x1xi1>
    %broadcast_in_dim3A_316 = vector.broadcast %broadcast_in_dim3A_315 : vector<2000x1xi1> to vector<2000x128xi1>
    %broadcast_in_dim3A_317 = vector.broadcast %jit3A_314 : f32 to vector<2000x128xf32>
    %select_n3A_318 = arith.select %broadcast_in_dim3A_316, %max3A_47, %broadcast_in_dim3A_317 : vector<2000x128xi1>, vector<2000x128xf32>
    %reduce_max3A_319 = arith.constant dense<0xFF800000> : vector<128xf32>
    %reduce_max3A_320 = vector.multi_reduction <maximumf>, %select_n3A_318, %reduce_max3A_319 [0] : vector<2000x128xf32> to vector<128xf32>
    %broadcast_in_dim3A_321 = vector.shape_cast %reduce_max3A_320 : vector<128xf32> to vector<1x128xf32>
    %eq3A_322 = arith.constant 2.500000e+01 : bf16
    %eq3A_323 = vector.broadcast %eq3A_322 : bf16 to vector<2000x1xbf16>
    %eq3A_324 = arith.cmpf oeq, %get3A_50, %eq3A_323 : vector<2000x1xbf16>
    %jit3A_325 = arith.constant -3.000000e+38 : f32
    %broadcast_in_dim3A_326 = vector.shape_cast %eq3A_324 : vector<2000x1xi1> to vector<2000x1xi1>
    %broadcast_in_dim3A_327 = vector.broadcast %broadcast_in_dim3A_326 : vector<2000x1xi1> to vector<2000x128xi1>
    %broadcast_in_dim3A_328 = vector.broadcast %jit3A_325 : f32 to vector<2000x128xf32>
    %select_n3A_329 = arith.select %broadcast_in_dim3A_327, %max3A_47, %broadcast_in_dim3A_328 : vector<2000x128xi1>, vector<2000x128xf32>
    %reduce_max3A_330 = arith.constant dense<0xFF800000> : vector<128xf32>
    %reduce_max3A_331 = vector.multi_reduction <maximumf>, %select_n3A_329, %reduce_max3A_330 [0] : vector<2000x128xf32> to vector<128xf32>
    %broadcast_in_dim3A_332 = vector.shape_cast %reduce_max3A_331 : vector<128xf32> to vector<1x128xf32>
    %eq3A_333 = arith.constant 2.600000e+01 : bf16
    %eq3A_334 = vector.broadcast %eq3A_333 : bf16 to vector<2000x1xbf16>
    %eq3A_335 = arith.cmpf oeq, %get3A_50, %eq3A_334 : vector<2000x1xbf16>
    %jit3A_336 = arith.constant -3.000000e+38 : f32
    %broadcast_in_dim3A_337 = vector.shape_cast %eq3A_335 : vector<2000x1xi1> to vector<2000x1xi1>
    %broadcast_in_dim3A_338 = vector.broadcast %broadcast_in_dim3A_337 : vector<2000x1xi1> to vector<2000x128xi1>
    %broadcast_in_dim3A_339 = vector.broadcast %jit3A_336 : f32 to vector<2000x128xf32>
    %select_n3A_340 = arith.select %broadcast_in_dim3A_338, %max3A_47, %broadcast_in_dim3A_339 : vector<2000x128xi1>, vector<2000x128xf32>
    %reduce_max3A_341 = arith.constant dense<0xFF800000> : vector<128xf32>
    %reduce_max3A_342 = vector.multi_reduction <maximumf>, %select_n3A_340, %reduce_max3A_341 [0] : vector<2000x128xf32> to vector<128xf32>
    %broadcast_in_dim3A_343 = vector.shape_cast %reduce_max3A_342 : vector<128xf32> to vector<1x128xf32>
    %eq3A_344 = arith.constant 2.700000e+01 : bf16
    %eq3A_345 = vector.broadcast %eq3A_344 : bf16 to vector<2000x1xbf16>
    %eq3A_346 = arith.cmpf oeq, %get3A_50, %eq3A_345 : vector<2000x1xbf16>
    %jit3A_347 = arith.constant -3.000000e+38 : f32
    %broadcast_in_dim3A_348 = vector.shape_cast %eq3A_346 : vector<2000x1xi1> to vector<2000x1xi1>
    %broadcast_in_dim3A_349 = vector.broadcast %broadcast_in_dim3A_348 : vector<2000x1xi1> to vector<2000x128xi1>
    %broadcast_in_dim3A_350 = vector.broadcast %jit3A_347 : f32 to vector<2000x128xf32>
    %select_n3A_351 = arith.select %broadcast_in_dim3A_349, %max3A_47, %broadcast_in_dim3A_350 : vector<2000x128xi1>, vector<2000x128xf32>
    %reduce_max3A_352 = arith.constant dense<0xFF800000> : vector<128xf32>
    %reduce_max3A_353 = vector.multi_reduction <maximumf>, %select_n3A_351, %reduce_max3A_352 [0] : vector<2000x128xf32> to vector<128xf32>
    %broadcast_in_dim3A_354 = vector.shape_cast %reduce_max3A_353 : vector<128xf32> to vector<1x128xf32>
    %eq3A_355 = arith.constant 2.800000e+01 : bf16
    %eq3A_356 = vector.broadcast %eq3A_355 : bf16 to vector<2000x1xbf16>
    %eq3A_357 = arith.cmpf oeq, %get3A_50, %eq3A_356 : vector<2000x1xbf16>
    %jit3A_358 = arith.constant -3.000000e+38 : f32
    %broadcast_in_dim3A_359 = vector.shape_cast %eq3A_357 : vector<2000x1xi1> to vector<2000x1xi1>
    %broadcast_in_dim3A_360 = vector.broadcast %broadcast_in_dim3A_359 : vector<2000x1xi1> to vector<2000x128xi1>
    %broadcast_in_dim3A_361 = vector.broadcast %jit3A_358 : f32 to vector<2000x128xf32>
    %select_n3A_362 = arith.select %broadcast_in_dim3A_360, %max3A_47, %broadcast_in_dim3A_361 : vector<2000x128xi1>, vector<2000x128xf32>
    %reduce_max3A_363 = arith.constant dense<0xFF800000> : vector<128xf32>
    %reduce_max3A_364 = vector.multi_reduction <maximumf>, %select_n3A_362, %reduce_max3A_363 [0] : vector<2000x128xf32> to vector<128xf32>
    %broadcast_in_dim3A_365 = vector.shape_cast %reduce_max3A_364 : vector<128xf32> to vector<1x128xf32>
    %eq3A_366 = arith.constant 2.900000e+01 : bf16
    %eq3A_367 = vector.broadcast %eq3A_366 : bf16 to vector<2000x1xbf16>
    %eq3A_368 = arith.cmpf oeq, %get3A_50, %eq3A_367 : vector<2000x1xbf16>
    %jit3A_369 = arith.constant -3.000000e+38 : f32
    %broadcast_in_dim3A_370 = vector.shape_cast %eq3A_368 : vector<2000x1xi1> to vector<2000x1xi1>
    %broadcast_in_dim3A_371 = vector.broadcast %broadcast_in_dim3A_370 : vector<2000x1xi1> to vector<2000x128xi1>
    %broadcast_in_dim3A_372 = vector.broadcast %jit3A_369 : f32 to vector<2000x128xf32>
    %select_n3A_373 = arith.select %broadcast_in_dim3A_371, %max3A_47, %broadcast_in_dim3A_372 : vector<2000x128xi1>, vector<2000x128xf32>
    %reduce_max3A_374 = arith.constant dense<0xFF800000> : vector<128xf32>
    %reduce_max3A_375 = vector.multi_reduction <maximumf>, %select_n3A_373, %reduce_max3A_374 [0] : vector<2000x128xf32> to vector<128xf32>
    %broadcast_in_dim3A_376 = vector.shape_cast %reduce_max3A_375 : vector<128xf32> to vector<1x128xf32>
    %eq3A_377 = arith.constant 3.000000e+01 : bf16
    %eq3A_378 = vector.broadcast %eq3A_377 : bf16 to vector<2000x1xbf16>
    %eq3A_379 = arith.cmpf oeq, %get3A_50, %eq3A_378 : vector<2000x1xbf16>
    %jit3A_380 = arith.constant -3.000000e+38 : f32
    %broadcast_in_dim3A_381 = vector.shape_cast %eq3A_379 : vector<2000x1xi1> to vector<2000x1xi1>
    %broadcast_in_dim3A_382 = vector.broadcast %broadcast_in_dim3A_381 : vector<2000x1xi1> to vector<2000x128xi1>
    %broadcast_in_dim3A_383 = vector.broadcast %jit3A_380 : f32 to vector<2000x128xf32>
    %select_n3A_384 = arith.select %broadcast_in_dim3A_382, %max3A_47, %broadcast_in_dim3A_383 : vector<2000x128xi1>, vector<2000x128xf32>
    %reduce_max3A_385 = arith.constant dense<0xFF800000> : vector<128xf32>
    %reduce_max3A_386 = vector.multi_reduction <maximumf>, %select_n3A_384, %reduce_max3A_385 [0] : vector<2000x128xf32> to vector<128xf32>
    %broadcast_in_dim3A_387 = vector.shape_cast %reduce_max3A_386 : vector<128xf32> to vector<1x128xf32>
    %eq3A_388 = arith.constant 3.100000e+01 : bf16
    %eq3A_389 = vector.broadcast %eq3A_388 : bf16 to vector<2000x1xbf16>
    %eq3A_390 = arith.cmpf oeq, %get3A_50, %eq3A_389 : vector<2000x1xbf16>
    %jit3A_391 = arith.constant -3.000000e+38 : f32
    %broadcast_in_dim3A_392 = vector.shape_cast %eq3A_390 : vector<2000x1xi1> to vector<2000x1xi1>
    %broadcast_in_dim3A_393 = vector.broadcast %broadcast_in_dim3A_392 : vector<2000x1xi1> to vector<2000x128xi1>
    %broadcast_in_dim3A_394 = vector.broadcast %jit3A_391 : f32 to vector<2000x128xf32>
    %select_n3A_395 = arith.select %broadcast_in_dim3A_393, %max3A_47, %broadcast_in_dim3A_394 : vector<2000x128xi1>, vector<2000x128xf32>
    %reduce_max3A_396 = arith.constant dense<0xFF800000> : vector<128xf32>
    %reduce_max3A_397 = vector.multi_reduction <maximumf>, %select_n3A_395, %reduce_max3A_396 [0] : vector<2000x128xf32> to vector<128xf32>
    %broadcast_in_dim3A_398 = vector.shape_cast %reduce_max3A_397 : vector<128xf32> to vector<1x128xf32>
    %concatenate3A = tpu.concatenate %broadcast_in_dim3A_57, %broadcast_in_dim3A_68, %broadcast_in_dim3A_79, %broadcast_in_dim3A_90, %broadcast_in_dim3A_101, %broadcast_in_dim3A_112, %broadcast_in_dim3A_123, %broadcast_in_dim3A_134, %broadcast_in_dim3A_145, %broadcast_in_dim3A_156, %broadcast_in_dim3A_167, %broadcast_in_dim3A_178, %broadcast_in_dim3A_189, %broadcast_in_dim3A_200, %broadcast_in_dim3A_211, %broadcast_in_dim3A_222, %broadcast_in_dim3A_233, %broadcast_in_dim3A_244, %broadcast_in_dim3A_255, %broadcast_in_dim3A_266, %broadcast_in_dim3A_277, %broadcast_in_dim3A_288, %broadcast_in_dim3A_299, %broadcast_in_dim3A_310, %broadcast_in_dim3A_321, %broadcast_in_dim3A_332, %broadcast_in_dim3A_343, %broadcast_in_dim3A_354, %broadcast_in_dim3A_365, %broadcast_in_dim3A_376, %broadcast_in_dim3A_387, %broadcast_in_dim3A_398 in 0 : vector<1x128xf32>, vector<1x128xf32>, vector<1x128xf32>, vector<1x128xf32>, vector<1x128xf32>, vector<1x128xf32>, vector<1x128xf32>, vector<1x128xf32>, vector<1x128xf32>, vector<1x128xf32>, vector<1x128xf32>, vector<1x128xf32>, vector<1x128xf32>, vector<1x128xf32>, vector<1x128xf32>, vector<1x128xf32>, vector<1x128xf32>, vector<1x128xf32>, vector<1x128xf32>, vector<1x128xf32>, vector<1x128xf32>, vector<1x128xf32>, vector<1x128xf32>, vector<1x128xf32>, vector<1x128xf32>, vector<1x128xf32>, vector<1x128xf32>, vector<1x128xf32>, vector<1x128xf32>, vector<1x128xf32>, vector<1x128xf32>, vector<1x128xf32> -> vector<32x128xf32>
    %get3A_399 = arith.constant 0 : index
    %get3A_400 = arith.constant 0 : index
    %get3A_401 = vector.load %arg22[%get3A_399, %get3A_400] : memref<32x128xf32, #tpu.memory_space<vmem>>, vector<32x128xf32>
    %max3A_402 = arith.maximumf %get3A_401, %concatenate3A : vector<32x128xf32>
    %swap3A = arith.constant 0 : index
    %swap3A_403 = arith.constant 0 : index
    %swap3A_404 = vector.load %arg22[%swap3A, %swap3A_403] : memref<32x128xf32, #tpu.memory_space<vmem>>, vector<32x128xf32>
    tpu.vector_store %arg22[%swap3A, %swap3A_403], %max3A_402 {strides = array<i32>} : memref<32x128xf32, #tpu.memory_space<vmem>>, vector<32x128xf32>,
    %get3A_405 = arith.constant 0 : index
    %get3A_406 = arith.constant 0 : index
    %get3A_407 = arith.constant 0 : index
    %get3A_408 = vector.load %arg9[%get3A_405, %get3A_406, %get3A_407] : memref<1x1x2000xf32, #tpu.memory_space<vmem>>, vector<1x1x2000xf32>
    %get3A_409 = vector.shape_cast %get3A_408 : vector<1x1x2000xf32> to vector<1x2000xf32>
    %get3A_410 = arith.constant 0 : index
    %get3A_411 = arith.constant 0 : index
    %get3A_412 = arith.constant 0 : index
    %get3A_413 = vector.load %arg10[%get3A_410, %get3A_411, %get3A_412] : memref<1x1x2000xf32, #tpu.memory_space<vmem>>, vector<1x1x2000xf32>
    %get3A_414 = vector.shape_cast %get3A_413 : vector<1x1x2000xf32> to vector<1x2000xf32>
    %ne3A = arith.cmpf one, %get3A_409, %get3A_414 : vector<1x2000xf32>
    %jit3A_415 = arith.constant 1.000000e+00 : f32
    %jit3A_416 = arith.constant 0.000000e+00 : f32
    %broadcast_in_dim3A_417 = vector.broadcast %jit3A_415 : f32 to vector<1x2000xf32>
    %broadcast_in_dim3A_418 = vector.broadcast %jit3A_416 : f32 to vector<1x2000xf32>
    %select_n3A_419 = arith.select %ne3A, %broadcast_in_dim3A_417, %broadcast_in_dim3A_418 : vector<1x2000xi1>, vector<1x2000xf32>
    %iota3A = tpu.iota {dimensions = array<i32: 0>} : vector<32x1xi32>
    %convert_element_type3A_420 = arith.sitofp %iota3A : vector<32x1xi32> to vector<32x1xf32>
    %eq3A_421 = vector.broadcast %get3A_409 : vector<1x2000xf32> to vector<32x2000xf32>
    %eq3A_422 = vector.broadcast %convert_element_type3A_420 : vector<32x1xf32> to vector<32x2000xf32>
    %eq3A_423 = arith.cmpf oeq, %eq3A_421, %eq3A_422 : vector<32x2000xf32>
    %jit3A_424 = arith.constant 1.000000e+00 : f32
    %jit3A_425 = arith.constant 0.000000e+00 : f32
    %broadcast_in_dim3A_426 = vector.broadcast %jit3A_424 : f32 to vector<32x2000xf32>
    %broadcast_in_dim3A_427 = vector.broadcast %jit3A_425 : f32 to vector<32x2000xf32>
    %select_n3A_428 = arith.select %eq3A_423, %broadcast_in_dim3A_426, %broadcast_in_dim3A_427 : vector<32x2000xi1>, vector<32x2000xf32>
    %mul3A_429 = vector.broadcast %select_n3A_419 : vector<1x2000xf32> to vector<32x2000xf32>
    %mul3A_430 = arith.mulf %select_n3A_428, %mul3A_429 : vector<32x2000xf32>
    %get3A_431 = arith.constant 0 : index
    %get3A_432 = arith.constant 0 : index
    %get3A_433 = vector.load %arg23[%get3A_431, %get3A_432] : memref<32x128xf32, #tpu.memory_space<vmem>>, vector<32x128xf32>
    %get3A_434 = arith.constant 0 : index
    %get3A_435 = arith.constant 0 : index
    %get3A_436 = vector.load %arg7[%get3A_434, %get3A_435] : memref<2000x128xf32, #tpu.memory_space<vmem>>, vector<2000x128xf32>
    %dot_general3A_437 = arith.constant dense<0.000000e+00> : vector<32x128xf32>
    %dot_general3A_438 = tpu.matmul %mul3A_430, %get3A_436, %dot_general3A_437 {dimension_numbers = #tpu.dot_dimension_numbers<[1], [0], [0], [1], [0, 0, 1, 1], [], []>, precision = #tpu.contract_precision<fp32>, transpose_lhs_hint = false} : vector<32x2000xf32>, vector<2000x128xf32>, vector<32x128xf32> -> vector<32x128xf32>
    %add3A_439 = arith.addf %get3A_433, %dot_general3A_438 : vector<32x128xf32>
    %swap3A_440 = arith.constant 0 : index
    %swap3A_441 = arith.constant 0 : index
    %swap3A_442 = vector.load %arg23[%swap3A_440, %swap3A_441] : memref<32x128xf32, #tpu.memory_space<vmem>>, vector<32x128xf32>
    tpu.vector_store %arg23[%swap3A_440, %swap3A_441], %add3A_439 {strides = array<i32>} : memref<32x128xf32, #tpu.memory_space<vmem>>, vector<32x128xf32>,
    %eq3A_443 = arith.constant 4 : i32
    %eq3A_444 = arith.cmpi eq, %arg0, %eq3A_443 : i32
    %convert_element_type3A_445 = arith.extui %eq3A_444 : i1 to i32
    %cond3A_446 = arith.constant 0 : i32
    %cond3A_447 = arith.cmpi ne, %convert_element_type3A_445, %cond3A_446 : i32
    scf.if %cond3A_447 {
      %get3A_448 = arith.constant 0 : index
      %get3A_449 = arith.constant 0 : index
      %get3A_450 = vector.load %arg22[%get3A_448, %get3A_449] : memref<32x128xf32, #tpu.memory_space<vmem>>, vector<32x128xf32>
      %get3A_451 = arith.constant 0 : index
      %get3A_452 = arith.constant 0 : index
      %get3A_453 = vector.load %arg11[%get3A_451, %get3A_452] : memref<128x128xf32, #tpu.memory_space<vmem>>, vector<128x128xf32>
      %get3A_454 = arith.constant 0 : index
      %get3A_455 = arith.constant 0 : index
      %get3A_456 = vector.load %arg12[%get3A_454, %get3A_455] : memref<1x128xf32, #tpu.memory_space<vmem>>, vector<1x128xf32>
      %dot_general3A_457 = arith.constant dense<0.000000e+00> : vector<32x128xf32>
      %dot_general3A_458 = tpu.matmul %get3A_450, %get3A_453, %dot_general3A_457 {dimension_numbers = #tpu.dot_dimension_numbers<[1], [1], [0], [0], [0, 0, 1, 0], [], []>, precision = #tpu.contract_precision<fp32>, transpose_lhs_hint = false} : vector<32x128xf32>, vector<128x128xf32>, vector<32x128xf32> -> vector<32x128xf32>
      %add3A_459 = vector.broadcast %get3A_456 : vector<1x128xf32> to vector<32x128xf32>
      %add3A_460 = arith.addf %dot_general3A_458, %add3A_459 : vector<32x128xf32>
      %max3A_461 = arith.constant 0.000000e+00 : f32
      %max3A_462 = vector.broadcast %max3A_461 : f32 to vector<32x128xf32>
      %max3A_463 = arith.maximumf %add3A_460, %max3A_462 : vector<32x128xf32>
      %get3A_464 = arith.constant 0 : index
      %get3A_465 = arith.constant 0 : index
      %get3A_466 = vector.load %arg13[%get3A_464, %get3A_465] : memref<64x128xf32, #tpu.memory_space<vmem>>, vector<64x128xf32>
      %get3A_467 = arith.constant 0 : index
      %get3A_468 = arith.constant 0 : index
      %get3A_469 = vector.load %arg14[%get3A_467, %get3A_468] : memref<1x64xf32, #tpu.memory_space<vmem>>, vector<1x64xf32>
      %dot_general3A_470 = arith.constant dense<0.000000e+00> : vector<32x64xf32>
      %dot_general3A_471 = tpu.matmul %max3A_463, %get3A_466, %dot_general3A_470 {dimension_numbers = #tpu.dot_dimension_numbers<[1], [1], [0], [0], [0, 0, 1, 0], [], []>, precision = #tpu.contract_precision<fp32>, transpose_lhs_hint = false} : vector<32x128xf32>, vector<64x128xf32>, vector<32x64xf32> -> vector<32x64xf32>
      %add3A_472 = vector.broadcast %get3A_469 : vector<1x64xf32> to vector<32x64xf32>
      %add3A_473 = arith.addf %dot_general3A_471, %add3A_472 : vector<32x64xf32>
      %max3A_474 = arith.constant 0.000000e+00 : f32
      %max3A_475 = vector.broadcast %max3A_474 : f32 to vector<32x64xf32>
      %max3A_476 = arith.maximumf %add3A_473, %max3A_475 : vector<32x64xf32>
      %get3A_477 = arith.constant 0 : index
      %get3A_478 = arith.constant 0 : index
      %get3A_479 = vector.load %arg15[%get3A_477, %get3A_478] : memref<64x64xf32, #tpu.memory_space<vmem>>, vector<64x64xf32>
      %get3A_480 = arith.constant 0 : index
      %get3A_481 = arith.constant 0 : index
      %get3A_482 = vector.load %arg16[%get3A_480, %get3A_481] : memref<1x64xf32, #tpu.memory_space<vmem>>, vector<1x64xf32>
      %dot_general3A_483 = arith.constant dense<0.000000e+00> : vector<32x64xf32>
      %dot_general3A_484 = tpu.matmul %max3A_476, %get3A_479, %dot_general3A_483 {dimension_numbers = #tpu.dot_dimension_numbers<[1], [1], [0], [0], [0, 0, 1, 0], [], []>, precision = #tpu.contract_precision<fp32>, transpose_lhs_hint = false} : vector<32x64xf32>, vector<64x64xf32>, vector<32x64xf32> -> vector<32x64xf32>
      %add3A_485 = vector.broadcast %get3A_482 : vector<1x64xf32> to vector<32x64xf32>
      %add3A_486 = arith.addf %dot_general3A_484, %add3A_485 : vector<32x64xf32>
      %max3A_487 = arith.constant 0.000000e+00 : f32
      %max3A_488 = vector.broadcast %max3A_487 : f32 to vector<32x64xf32>
      %max3A_489 = arith.maximumf %add3A_486, %max3A_488 : vector<32x64xf32>
      %get3A_490 = arith.constant 0 : index
      %get3A_491 = arith.constant 0 : index
      %get3A_492 = vector.load %arg23[%get3A_490, %get3A_491] : memref<32x128xf32, #tpu.memory_space<vmem>>, vector<32x128xf32>
      %get3A_493 = arith.constant 0 : index
      %get3A_494 = arith.constant 0 : index
      %get3A_495 = vector.load %arg17[%get3A_493, %get3A_494] : memref<64x128xf32, #tpu.memory_space<vmem>>, vector<64x128xf32>
      %get3A_496 = arith.constant 0 : index
      %get3A_497 = arith.constant 0 : index
      %get3A_498 = vector.load %arg18[%get3A_496, %get3A_497] : memref<1x64xf32, #tpu.memory_space<vmem>>, vector<1x64xf32>
      %dot_general3A_499 = arith.constant dense<0.000000e+00> : vector<32x64xf32>
      %dot_general3A_500 = tpu.matmul %get3A_492, %get3A_495, %dot_general3A_499 {dimension_numbers = #tpu.dot_dimension_numbers<[1], [1], [0], [0], [0, 0, 1, 0], [], []>, precision = #tpu.contract_precision<fp32>, transpose_lhs_hint = false} : vector<32x128xf32>, vector<64x128xf32>, vector<32x64xf32> -> vector<32x64xf32>
      %add3A_501 = vector.broadcast %get3A_498 : vector<1x64xf32> to vector<32x64xf32>
      %add3A_502 = arith.addf %dot_general3A_500, %add3A_501 : vector<32x64xf32>
      %max3A_503 = arith.constant 0.000000e+00 : f32
      %max3A_504 = vector.broadcast %max3A_503 : f32 to vector<32x64xf32>
      %max3A_505 = arith.maximumf %add3A_502, %max3A_504 : vector<32x64xf32>
      %get3A_506 = arith.constant 0 : index
      %get3A_507 = arith.constant 0 : index
      %get3A_508 = vector.load %arg19[%get3A_506, %get3A_507] : memref<1x128xf32, #tpu.memory_space<vmem>>, vector<1x128xf32>
      %slice3A = vector.extract_strided_slice %get3A_508 {offsets = [0, 0], sizes = [1, 64], strides = [1, 1]} : vector<1x128xf32> to vector<1x64xf32>
      %mul3A_509 = vector.broadcast %slice3A : vector<1x64xf32> to vector<32x64xf32>
      %mul3A_510 = arith.mulf %max3A_489, %mul3A_509 : vector<32x64xf32>
      %reduce_sum3A = arith.constant dense<0.000000e+00> : vector<32xf32>
      %reduce_sum3A_511 = vector.multi_reduction <add>, %mul3A_510, %reduce_sum3A [1] : vector<32x64xf32> to vector<32xf32>
      %broadcast_in_dim3A_512 = vector.shape_cast %reduce_sum3A_511 : vector<32xf32> to vector<32x1xf32>
      %slice3A_513 = vector.extract_strided_slice %get3A_508 {offsets = [0, 64], sizes = [1, 64], strides = [1, 1]} : vector<1x128xf32> to vector<1x64xf32>
      %mul3A_514 = vector.broadcast %slice3A_513 : vector<1x64xf32> to vector<32x64xf32>
      %mul3A_515 = arith.mulf %max3A_505, %mul3A_514 : vector<32x64xf32>
      %reduce_sum3A_516 = arith.constant dense<0.000000e+00> : vector<32xf32>
      %reduce_sum3A_517 = vector.multi_reduction <add>, %mul3A_515, %reduce_sum3A_516 [1] : vector<32x64xf32> to vector<32xf32>
      %broadcast_in_dim3A_518 = vector.shape_cast %reduce_sum3A_517 : vector<32xf32> to vector<32x1xf32>
      %add3A_519 = arith.addf %broadcast_in_dim3A_512, %broadcast_in_dim3A_518 : vector<32x1xf32>
      %get3A_520 = arith.constant 0 : index
      %get3A_521 = arith.constant 0 : index
      %get3A_522 = vector.load %arg20[%get3A_520, %get3A_521] : memref<1x1xf32, #tpu.memory_space<vmem>>, vector<1x1xf32>
      %add3A_523 = vector.broadcast %get3A_522 : vector<1x1xf32> to vector<32x1xf32>
      %add3A_524 = arith.addf %add3A_519, %add3A_523 : vector<32x1xf32>
      %neg3A = arith.constant 0.000000e+00 : f32
      %neg3A_525 = vector.broadcast %neg3A : f32 to vector<32x1xf32>
      %neg3A_526 = arith.subf %neg3A_525, %add3A_524 : vector<32x1xf32>
      %exp3A = math.exp %neg3A_526 : vector<32x1xf32>
      %add3A_527 = arith.constant 1.000000e+00 : f32
      %add3A_528 = vector.broadcast %add3A_527 : f32 to vector<32x1xf32>
      %add3A_529 = arith.addf %add3A_528, %exp3A : vector<32x1xf32>
      %div3A_530 = arith.constant 1.000000e+00 : f32
      %div3A_531 = vector.broadcast %div3A_530 : f32 to vector<32x1xf32>
      %div3A_532 = arith.divf %div3A_531, %add3A_529 : vector<32x1xf32>
      %swap3A_533 = arith.constant 0 : index
      %swap3A_534 = arith.constant 0 : index
      %swap3A_535 = vector.load %arg21[%swap3A_533, %swap3A_534] : memref<32x1xf32, #tpu.memory_space<vmem>>, vector<32x1xf32>
      tpu.vector_store %arg21[%swap3A_533, %swap3A_534], %div3A_532 {strides = array<i32>} : memref<32x1xf32, #tpu.memory_space<vmem>>, vector<32x1xf32>,
    } else {
    }
    return
  }
  func.func @transform_0(%arg0: i32) -> (i32, i32, i32) {
    %c0_i32 = arith.constant 0 : i32
    %c0_i32_0 = arith.constant 0 : i32
    %c0_i32_1 = arith.constant 0 : i32
    return %c0_i32, %arg0, %c0_i32_0 : i32, i32, i32
  }
  func.func @transform_1(%arg0: i32) -> (i32, i32, i32) {
    %c0_i32 = arith.constant 0 : i32
    %c0_i32_0 = arith.constant 0 : i32
    %c0_i32_1 = arith.constant 0 : i32
    return %c0_i32, %arg0, %c0_i32_0 : i32, i32, i32
  }
  func.func @transform_2(%arg0: i32) -> (i32, i32) {
    %c0_i32 = arith.constant 0 : i32
    %c0_i32_0 = arith.constant 0 : i32
    return %arg0, %c0_i32 : i32, i32
  }
  func.func @transform_3(%arg0: i32) -> (i32, i32) {
    %c0_i32 = arith.constant 0 : i32
    %c0_i32_0 = arith.constant 0 : i32
    %c0_i32_1 = arith.constant 0 : i32
    return %c0_i32, %c0_i32_0 : i32, i32
  }
  func.func @transform_4(%arg0: i32) -> (i32, i32) {
    %c0_i32 = arith.constant 0 : i32
    %c0_i32_0 = arith.constant 0 : i32
    %c0_i32_1 = arith.constant 0 : i32
    return %c0_i32, %c0_i32_0 : i32, i32
  }
  func.func @transform_5(%arg0: i32) -> (i32, i32) {
    %c0_i32 = arith.constant 0 : i32
    %c0_i32_0 = arith.constant 0 : i32
    %c0_i32_1 = arith.constant 0 : i32
    return %c0_i32, %c0_i32_0 : i32, i32
  }
  func.func @transform_6(%arg0: i32) -> (i32, i32) {
    %c0_i32 = arith.constant 0 : i32
    %c0_i32_0 = arith.constant 0 : i32
    return %arg0, %c0_i32 : i32, i32
  }
  func.func @transform_7(%arg0: i32) -> (i32, i32) {
    %c0_i32 = arith.constant 0 : i32
    %c0_i32_0 = arith.constant 0 : i32
    return %arg0, %c0_i32 : i32, i32
  }
  func.func @transform_8(%arg0: i32) -> (i32, i32, i32) {
    %c0_i32 = arith.constant 0 : i32
    %c0_i32_0 = arith.constant 0 : i32
    %c0_i32_1 = arith.constant 0 : i32
    return %arg0, %c0_i32, %c0_i32_0 : i32, i32, i32
  }
  func.func @transform_9(%arg0: i32) -> (i32, i32, i32) {
    %c0_i32 = arith.constant 0 : i32
    %c0_i32_0 = arith.constant 0 : i32
    %c0_i32_1 = arith.constant 0 : i32
    return %arg0, %c0_i32, %c0_i32_0 : i32, i32, i32
  }
  func.func @transform_10(%arg0: i32) -> (i32, i32) {
    %c0_i32 = arith.constant 0 : i32
    %c0_i32_0 = arith.constant 0 : i32
    %c0_i32_1 = arith.constant 0 : i32
    return %c0_i32, %c0_i32_0 : i32, i32
  }
  func.func @transform_11(%arg0: i32) -> (i32, i32) {
    %c0_i32 = arith.constant 0 : i32
    %c0_i32_0 = arith.constant 0 : i32
    %c0_i32_1 = arith.constant 0 : i32
    return %c0_i32, %c0_i32_0 : i32, i32
  }
  func.func @transform_12(%arg0: i32) -> (i32, i32) {
    %c0_i32 = arith.constant 0 : i32
    %c0_i32_0 = arith.constant 0 : i32
    %c0_i32_1 = arith.constant 0 : i32
    return %c0_i32, %c0_i32_0 : i32, i32
  }
  func.func @transform_13(%arg0: i32) -> (i32, i32) {
    %c0_i32 = arith.constant 0 : i32
    %c0_i32_0 = arith.constant 0 : i32
    %c0_i32_1 = arith.constant 0 : i32
    return %c0_i32, %c0_i32_0 : i32, i32
  }
  func.func @transform_14(%arg0: i32) -> (i32, i32) {
    %c0_i32 = arith.constant 0 : i32
    %c0_i32_0 = arith.constant 0 : i32
    %c0_i32_1 = arith.constant 0 : i32
    return %c0_i32, %c0_i32_0 : i32, i32
  }
  func.func @transform_15(%arg0: i32) -> (i32, i32) {
    %c0_i32 = arith.constant 0 : i32
    %c0_i32_0 = arith.constant 0 : i32
    %c0_i32_1 = arith.constant 0 : i32
    return %c0_i32, %c0_i32_0 : i32, i32
  }
  func.func @transform_16(%arg0: i32) -> (i32, i32) {
    %c0_i32 = arith.constant 0 : i32
    %c0_i32_0 = arith.constant 0 : i32
    %c0_i32_1 = arith.constant 0 : i32
    return %c0_i32, %c0_i32_0 : i32, i32
  }
  func.func @transform_17(%arg0: i32) -> (i32, i32) {
    %c0_i32 = arith.constant 0 : i32
    %c0_i32_0 = arith.constant 0 : i32
    %c0_i32_1 = arith.constant 0 : i32
    return %c0_i32, %c0_i32_0 : i32, i32
  }
  func.func @transform_18(%arg0: i32) -> (i32, i32) {
    %c0_i32 = arith.constant 0 : i32
    %c0_i32_0 = arith.constant 0 : i32
    %c0_i32_1 = arith.constant 0 : i32
    return %c0_i32, %c0_i32_0 : i32, i32
  }
  func.func @transform_19(%arg0: i32) -> (i32, i32) {
    %c0_i32 = arith.constant 0 : i32
    %c0_i32_0 = arith.constant 0 : i32
    %c0_i32_1 = arith.constant 0 : i32
    return %c0_i32, %c0_i32_0 : i32, i32
  }
  func.func @transform_20(%arg0: i32) -> (i32, i32) {
    %c0_i32 = arith.constant 0 : i32
    %c0_i32_0 = arith.constant 0 : i32
    %c0_i32_1 = arith.constant 0 : i32
    return %c0_i32, %c0_i32_0 : i32, i32
  }
}

</mosaic_0001>

<sc_bundles>
// kernel: kernel.11.cloned.1.call-start
scs
__scs_entry_jumppad:
0x0: {  	(pc) =	sbr.rel $0x88, $3  }
0x1: {  	(tag) =	ssettag $0x0;
	lr =	simm.s32 $0x1  }
0x2: {  	[smem:$0x3F8B] =	sst lr;
	_ =	strace $0xD0000000  }
0x3: {  	_ = 	snop  }
0x4: {  	_ = 	snop  }
0x5: {  	_ = 	snop  }
0x6: {  	_ = 	snop  }
0x7: {  	_ = 	snop  }
__scs_overlays_trampoline_lowered:
0x8: {  	[smem:$0x3F9A] =	sst s0  }
0x9: {  	[smem:$0x3F9B] =	sst s1  }
0xa: {  	[smem:$0x3F9C] =	sst s2  }
0xb: {  	[smem:$0x3F9D] =	sst s3  }
0xc: {  	[smem:$0x3F9E] =	sst s4  }
0xd: {  	[smem:$0x3F9F] =	sst s5  }
0xe: {  	[smem:$0x3FA0] =	sst s6  }
0xf: {  	[smem:$0x3FA1] =	sst s7  }
0x10: {  	[smem:$0x3FA2] =	sst s8  }
0x11: {  	[smem:$0x3FA3] =	sst s9;
	s0 =	simm.s32 @!p0 $0x0  }
0x12: {  	s1 =	sld [smem:$0x3F89];
	s0 =	simm.s32 @p0 $0x1  }
0x13: {  	[smem:$0x3FA4] =	sst s0;
	s0 =	simm.s32 @!p1 $0x0  }
0x14: {  	s2 =	sld [smem:$0x3F88];
	s0 =	simm.s32 @p1 $0x1  }
0x15: {  	[smem:$0x3FA5] =	sst s0;
	s0 =	simm.s32 @!p2 $0x0  }
0x16: {  	s3 =	sld [smem:$0x3FDB];
	s0 =	simm.s32 @p2 $0x1  }
0x17: {  	s4 =	simm.s32 $0x1BF5;
	[smem:$0x3FA7] =	sst s0  }
0x18: {  	s0 =	sld [smem:$0x3F8A];
	_ =	swait.ge [sflag:s4], $0x0  }
0x19: {  	s7 =	sld [smem:$0x3F8B]  }
0x1a: {  	s8 =	sadd.s32 $0xFFFFE003, lr  }
0x1b: {  	s9 =	sadd.s32 $0xFFFFFEF7, lr;
	s5 =	simm.s32 $0xFFFFFFFF;
	p2 =	slt.u32 s8, $0xFFFFF086  }
0x1c: {  	p1 =	slt.u32 s9, $0xF7A;
	s5 =	simm.s32 @!p2 $0x0  }
0x1d: {  	s5 =	simm.s32 @p1 $0x1;
	p0 =	seq.s32 s7, s2  }
0x1e: {  	s7 =	smul.u32 @!p0 $0xF7A, s2;
	p2 =	seq.s32 @!p0 s5, $0x0  }
0x1f: {  	s9 =	smul.u32 $0xF7A, s1;
	s8 =	simm.s32 @!p0 $0x1BF5;
	p2 =	por !p2, p0  }
0x20: {  	[sflag:s8] =	ssyncset.s32 @!p0 $0xFFFFF086;
	s6 =	sadd.s32 @!p0 s3, s7;
	s7 =	simm.s32 @!p0 $0x108  }
0x21: {  	s3 =	sadd.s32 s3, s9;
	s6 =	sadd.s32 @!p0 $0x88, s6;
	s7 =	simm.s32 @p2 $0x1082  }
0x22: {  	[simem:s7], [sflag:s8] =	dma.local @!p0 [hbm:s6], $0xF7A  }
0x23: {  	s9 =	sor.u32 $0xD0000000, s2;
	s6 =	simm.s32 $0x108;
	_ =	swait.ge @!p0 [sflag:s8], $0x0  }
0x24: {  	s3 =	sadd.s32 $0x88, s3;
	s6 =	simm.s32 @!p1 $0x1082;
	[sflag:s4] =	ssyncset.s32 $0xFFFFF086  }
0x25: {  	[simem:s6], [sflag:s4] =	dma.local [hbm:s3], $0xF7A  }
0x26: {  	[smem:$0x3F8B] =	sst s1;
	(tag) =	ssettag s2;
	_ =	strace s9  }
0x27: {  	s1 =	sld [smem:$0x3F9B]  }
0x28: {  	s2 =	sld [smem:$0x3F9C]  }
0x29: {  	s4 =	sld [smem:$0x3F9E]  }
0x2a: {  	p0 =	seq.s32 s5, $0x0;
	s5 =	sld [smem:$0x3F9F]  }
0x2b: {  	s6 =	sld [smem:$0x3FA0]  }
0x2c: {  	s7 =	sld [smem:$0x3FA1]  }
0x2d: {  	s3 =	simm.s32 $0x108;
	s8 =	sld [smem:$0x3FA2]  }
0x2e: {  	s3 =	simm.s32 @!p0 $0x1082;
	s9 =	sld [smem:$0x3FA3]  }
0x2f: {  	lr =	sadd.s32 s0, s3;
	s0 =	sld [smem:$0x3F9A]  }
0x30: {  	s3 =	sld [smem:$0x3F9D]  }
0x31: {  	[smem:$0x3FA6] =	sst s10  }
0x32: {  	s10 =	sld [smem:$0x3FA4];
	_ =	sdelay $0x3  }
0x33: {  	p0 =	seq.s32 s10, $0x1;
	s10 =	sld [smem:$0x3FA6];
	_ =	sdelay $0x3  }
0x34: {  	[smem:$0x3FA6] =	sst s10  }
0x35: {  	s10 =	sld [smem:$0x3FA5];
	_ =	sdelay $0x3  }
0x36: {  	p1 =	seq.s32 s10, $0x1;
	s10 =	sld [smem:$0x3FA6];
	_ =	sdelay $0x3  }
0x37: {  	[smem:$0x3FA6] =	sst s10  }
0x38: {  	s10 =	sld [smem:$0x3FA7]  }
0x39: {  	_ = 	snop;
	(pc) =	sbr.ind lr, $3  }
0x3a: {  	_ = 	snop  }
0x3b: {  	_ = 	snop  }
0x3c: {  	p2 =	seq.s32 s10, $0x1;
	s10 =	sld [smem:$0x3FA6]  }
0x3d: {  	_ =	shalt  }
0x3e: {  	_ =	shalt  }
0x3f: {  	_ =	shalt  }
0x40: {  	_ =	shalt  }
0x41: {  	_ =	shalt  }
0x42: {  	_ =	shalt  }
0x43: {  	_ =	shalt  }
0x44: {  	_ =	shalt  }
0x45: {  	_ =	shalt  }
0x46: {  	_ =	shalt  }
0x47: {  	_ =	shalt  }
0x48: {  	_ =	shalt  }
0x49: {  	_ =	shalt  }
0x4a: {  	_ =	shalt  }
0x4b: {  	_ =	shalt  }
0x4c: {  	_ =	shalt  }
0x4d: {  	_ =	shalt  }
0x4e: {  	_ =	shalt  }
0x4f: {  	_ =	shalt  }
0x50: {  	_ =	shalt  }
0x51: {  	_ =	shalt  }
0x52: {  	_ =	shalt  }
0x53: {  	_ =	shalt  }
0x54: {  	_ =	shalt  }
0x55: {  	_ =	shalt  }
0x56: {  	_ =	shalt  }
0x57: {  	_ =	shalt  }
0x58: {  	_ =	shalt  }
0x59: {  	_ =	shalt  }
0x5a: {  	_ =	shalt  }
0x5b: {  	_ =	shalt  }
0x5c: {  	_ =	shalt  }
0x5d: {  	_ =	shalt  }
0x5e: {  	_ =	shalt  }
0x5f: {  	_ =	shalt  }
0x60: {  	_ =	shalt  }
0x61: {  	_ =	shalt  }
0x62: {  	_ =	shalt  }
0x63: {  	_ =	shalt  }
0x64: {  	_ =	shalt  }
0x65: {  	_ =	shalt  }
0x66: {  	_ =	shalt  }
0x67: {  	_ =	shalt  }
0x68: {  	_ =	shalt  }
0x69: {  	_ =	shalt  }
0x6a: {  	_ =	shalt  }
0x6b: {  	_ =	shalt  }
0x6c: {  	_ =	shalt  }
0x6d: {  	_ =	shalt  }
0x6e: {  	_ =	shalt  }
0x6f: {  	_ =	shalt  }
0x70: {  	_ =	shalt  }
0x71: {  	_ =	shalt  }
0x72: {  	_ =	shalt  }
0x73: {  	_ =	shalt  }
0x74: {  	_ =	shalt  }
0x75: {  	_ =	shalt  }
0x76: {  	_ =	shalt  }
0x77: {  	_ =	shalt  }
0x78: {  	_ =	shalt  }
0x79: {  	_ =	shalt  }
0x7a: {  	_ =	shalt  }
0x7b: {  	_ =	shalt  }
0x7c: {  	_ =	shalt  }
0x7d: {  	_ =	shalt  }
0x7e: {  	_ =	shalt  }
0x7f: {  	_ =	shalt  }
0x80: {  	_ =	shalt  }
0x81: {  	_ =	shalt  }
0x82: {  	_ =	shalt  }
0x83: {  	_ =	shalt  }
0x84: {  	_ =	shalt  }
0x85: {  	_ =	shalt  }
0x86: {  	_ =	shalt  }
0x87: {  	_ =	shalt  }
.Lfunc_end0:
.L_simem_size_0:
called_computation.1_lowered:
.L_overlay_start_0:
0x88: {  	s2 =	sld [smem:$0x3FD9]  }
0x89: {  	s3 =	sld [smem:$0x3FFE];
	_ =	sdelay $0x1  }
0x8a: {  	s1 =	srdreg.scid  }
0x8b: {  	s0 =	sand.u32 $0x1, s1  }
0x8c: {  	s16 =	sshll.u32 s0, $0xA;
	s2 =	sadd.s32 s3, s2  }
0x8d: {  	s2 =	sadd.s32 s2, s16  }
0x8e: {  	[smem:$0x3FB2] =	sst s2  }
0x8f: {  	_ = 	snop  }
0x90: {  	(tm) =	ssettm $0x1  }
0x91: {  	s17 =	sld [smem:$0x3FFB];
	_ =	sdelay $0x3  }
0x92: {  	_ =	strace s17  }
0x93: {  	s2 =	sld [smem:$0x3FFC];
	_ =	sdelay $0x3  }
0x94: {  	_ =	strace s2  }
0x95: {  	s2 =	sld [smem:$0x3FFD];
	_ =	sdelay $0x3  }
0x96: {  	_ =	strace s2  }
0x97: {  	_ =	strace $0x8FFFFFFF  }
0x98: {  	s18 =	sld [smem:$0x3FDB];
	_ =	sdelay $0x1  }
0x99: {  	s19 =	simm.s32 $_scs_section_size  }
0x9a: {  	s4 =	simm.s32 $_size__tile_overlayer_lowered;
	s5 =	simm.s32 $_tile_overlayer_lowered  }
0x9b: {  	s22 =	simm.s32 $0x1BFF;
	s21 =	sshll.u32 s5, $0x1;
	s2 =	sadd.s32 s19, s18  }
0x9c: {  	s6 =	simm.s32 $0x0;
	s20 =	sshll.u32 s4, $0x1;
	s4 =	sadd.s32 s21, s2  }
0x9d: {  	[timem:s6], [sflag:s22] =	dma.local [hbm:s4], s20  }
0x9e: {  	_ =	swait.ge [sflag:s22], s20  }
0x9f: {  	s3 =	ssub.s32 $0x0, s20;
	[sflag:s22] =	ssyncset.done $0x0  }
0xa0: {  	[sflag:s22] =	ssyncadd.s32 s3;
	_ =	sdelay $0x1  }
0xa1: {  	s23 =	simm.s32 $0x1B8B  }
0xa2: {  	_ =	swait.ge [sflag:s23], $0x1  }
0xa3: {  	[sflag:s23] =	ssyncset.done $0x0  }
0xa4: {  	s25 =	simm.s32 $0x1B8E;
	s24 =	sld [smem:$0x3FFE];
	[sflag:s23] =	ssyncadd.s32 $0xFFFFFFFF  }
0xa5: {  	s26 =	simm.s32 $execute0_lowered;
	[smem:$0x3FD2] =	sst s25  }
0xa6: {  	s4 =	sshll.u32 s26, $0x1;
	_ =	strace $0x80000049;
	[dreg:$0x1] =	wrdreg $0xFFFFFFFF  }
0xa7: {  	s28 =	simm.s32 $_size_execute0_lowered;
	s2 =	sadd.s32 s2, s4;
	[dreg:$0x0] =	wrdreg $0x0  }
0xa8: {  	s4 =	sshll.u32 s28, $0x1;
	[dreg:$0x2] =	wrdreg s2  }
0xa9: {  	[dreg:$0x3] =	wrdreg s4  }
0xaa: {  	[dreg:$0x4] =	wrdreg $0xC0  }
0xab: {  	_ =	task [dreg:s6], $0x5FFFF  }
0xac: {  	[dreg:$0x1] =	wrdreg $0xFFFFFFFF  }
0xad: {  	[dreg:$0x0] =	wrdreg $0x60  }
0xae: {  	[dreg:$0x2] =	wrdreg s24  }
0xaf: {  	[dreg:$0x3] =	wrdreg $0xA8000  }
0xb0: {  	[dreg:$0x4] =	wrdreg $0x9  }
0xb1: {  	_ =	task.clear_ibuf [dreg:s6], $0x5FFFF;
	_ =	strace $0x90000049  }
0xb2: {  	s29 =	simm.s32 $0x9;
	_ =	strace $0x8000004B  }
0xb3: {  	_ =	swait.ge [sflag:s29], $0x1  }
0xb4: {  	[sflag:s29] =	ssyncadd.s32 $0xFFFFFFFF  }
0xb5: {  	_ =	strace $0x9000004B  }
0xb6: {  	_ =	sfence  }
0xb7: {  	s30 =	sld [smem:$0x0];
	_ =	sdelay $0x2  }
0xb8: {  	s31 =	sshll.u32 s1, $0xD;
	s1 =	sshrl.u32 s1, $0x2  }
0xb9: {  	s3 =	sand.u32 $0x4000, s31;
	s1 =	sadd.s32 s1, s30  }
0xba: {  	s0 =	sor.u32 s3, s0;
	s1 =	sshll.u32 s1, $0x11  }
0xbb: {  	s0 =	sor.u32 s1, s0  }
0xbc: {  	s0 =	sadd.s32 $0x8F2B, s0  }
0xbd: {  	[sflag:s0] =	ssyncadd.remote.s32 $0x1  }
0xbe: {  	_ =	sfence.sel $0xFFFF  }
0xbf: {  	[dreg:$0x0] =	wrdreg $0xFFFFFFFF;
	(pc) =	sbr.abs _section_cstart, $3  }
0xc0: {  	[dreg:$0x1] =	wrdreg $0xFFFFFFFF  }
0xc1: {  	_ =	task.clear_ibuf [dreg:s6], $0x2FFFF;
	_ =	strace $0x9FFFFFFF  }
0xc2: {  	(tm) =	ssettm $0x7FFFFFFF  }
0xc3: {  	_ =	shalt  }
tec
execute0_lowered:
.L_overlay_start_1:
0x0: {  	(tag) =	ssettag $0x1  }
0x1: {  	s6 =	rddreg [dreg:$0x0]  }
0x2: {  	s2 =	rddreg [dreg:$0x1]  }
0x3: {  	s0 =	srdreg.scid;
	s1 =	rddreg [dreg:$0x2];
	s3 =	simm.s32 $0x0  }
0x4: {  	s14 =	simm.s32 $0x3;
	s15 =	simm.s32 $0x1400;
	s16 =	simm.s32 $0x80  }
0x5: {  	s17 =	simm.s32 $0x2800;
	s18 =	simm.s32 $0x1;
	s7 =	sand.u32 $0x1, s0  }
0x6: {  	s19 =	simm.s32 $0x6800;
	s0 =	stileid.u32;
	s4 =	smul.u32 $0x28000, s7  }
0x7: {  	s20 =	simm.s32 $0x2;
	s21 =	simm.s32 $0x1380;
	s5 =	smul.u32 $0x2800, s0  }
0x8: {  	s22 =	simm.s32 $0x2700;
	s23 =	simm.s32 $0x2780;
	s8 =	smul.u32 $0x140000, s7  }
0x9: {  	s24 =	simm.s32 $0x0;
	[smem:$0x7FF] =	sst s3;
	s9 =	smul.u32 $0x14000, s0  }
0xa: {  	_ =	strace $0x8000004A;
	s28 =	smul.u32 $0x50000, s0;
	s29 =	ssub.s32 $0x2, s7  }
0xb: {  	s31 =	sshll.u32 s0, $0x6;
	s7 =	sshrl.u32 s29, $0x1;
	s5 =	sadd.s32 s5, s4  }
0xc: {  	s4 =	sadd.s32 $0x1B600, s6;
	s8 =	sadd.s32 s9, s8;
	s30 =	sshrl.u32 s28, $0x2  }
0xd: {  	s12 =	ssub.s32 s29, s7;
	s5 =	sshrl.u32 s5, $0x3;
	s8 =	sshrl.u32 s8, $0x3  }
0xe: {  	s13 =	sadd.s32 s30, s2;
	s12 =	smax.u32 s12, $0x1;
	s10 =	sadd.s32 s5, s6  }
0xf: {  	s5 =	sadd.s32 $0x18800, s6;
	s11 =	sadd.s32 s8, s6;
	s6 =	sor.u32 $0x1C03, s31  }
0x10: {  	s13 =	sshrl.u32 s13, $0x3;
	s7 =	sadd.s32 $0x4800, s10;
	s8 =	sadd.s32 $0xE800, s10  }
0x11: {  	s9 =	sadd.s32 $0x4A80, s10;
	s10 =	sadd.s32 $0xEA80, s10;
	s11 =	sadd.s32 $0xBC000, s11  }
.LBB2_1:
0x12: {  	[spmem:s13], [sflag:s6] =	dma.local [hbm:s5], $0x2800  }
0x13: {  	_ =	swait.ge [sflag:s14], $0x2800  }
0x14: {  	[sflag:s14] =	ssyncset.done $0x0  }
0x15: {  	[sflag:s14] =	ssyncadd.s32 $0xFFFFD800  }
0x16: {  	[bflag:$0x0] =	sbarrier.arrive $0xFFFF  }
0x17: {  	[tilespmem:s3], [sflag:$0x3] =	stream.linear.gather [hbm4b:s7+s3], $0x1400, $0x38;
	[tilespmem:$0x1E800] =	vst v63  }
0x18: {  	_ =	swait.ge [sflag:s14], $0x1400  }
0x19: {  	[sflag:s14] =	ssyncset.done $0x0  }
0x1a: {  	[sflag:s14] =	ssyncadd.s32 $0xFFFFEC00  }
0x1b: {  	[tilespmem:s15], [sflag:$0x3] =	stream.linear.gather [hbm4b:s8+s3], $0x1400, $0x38;
	[tilespmem:$0x1E800] =	vst v63  }
0x1c: {  	_ =	swait.ge [sflag:s14], $0x1400  }
0x1d: {  	[sflag:s14] =	ssyncset.done $0x0  }
0x1e: {  	[sflag:s14] =	ssyncadd.s32 $0xFFFFEC00  }
0x1f: {  	[tilespmem:s17], [sflag:$0x1] =	stream.indirect.gather [hbm4b:s4+s16], $0x80, s3, s16, $0xb8;
	[tilespmem:$0x1E800] =	vst v63  }
0x20: {  	_ =	swait.ge [sflag:s18], $0x4000  }
0x21: {  	[sflag:s18] =	ssyncset.done $0x0  }
0x22: {  	s25 =	simm.s32 $0x80;
	[sflag:s18] =	ssyncadd.s32 $0xFFFFC000  }
0x23: {  	[tilespmem:s19], [sflag:$0x2] =	stream.indirect.gather [hbm4b:s4+s16], $0x80, s25, s16, $0xb8;
	[tilespmem:$0x1E800] =	vst v63  }
0x24: {  	s29 =	simm.s32 $0x1400  }
0x25: {  	[spmem:s2] =	stream.indirect.scatter.add.f32 [tilespmem:s17], [sflag:$0x3], $0x80, s29, s16, $0xb8;
	[tilespmem:$0x1E800] =	vst v63  }
0x26: {  	_ =	swait.ge [sflag:s14], $0x4000  }
0x27: {  	[sflag:s14] =	ssyncset.done $0x0  }
0x28: {  	[sflag:s14] =	ssyncadd.s32 $0xFFFFC000  }
0x29: {  	_ =	swait.ge [sflag:s20], $0x4000  }
0x2a: {  	[sflag:s20] =	ssyncset.done $0x0  }
0x2b: {  	s30 =	simm.s32 $0x100;
	[sflag:s20] =	ssyncadd.s32 $0xFFFFC000  }
0x2c: {  	[tilespmem:s17], [sflag:$0x1] =	stream.indirect.gather [hbm4b:s4+s16], $0x80, s30, s16, $0xb8;
	[tilespmem:$0x1E800] =	vst v63  }
0x2d: {  	s31 =	simm.s32 $0x1480  }
0x2e: {  	[spmem:s2] =	stream.indirect.scatter.add.f32 [tilespmem:s19], [sflag:$0x3], $0x80, s31, s16, $0xb8;
	[tilespmem:$0x1E800] =	vst v63  }
0x2f: {  	_ =	swait.ge [sflag:s14], $0x4000  }
0x30: {  	s25 =	simm.s32 $0x400;
	[sflag:s14] =	ssyncset.done $0x0  }
.LBB2_2:
0x31: {  	p0 =	sne.s32 s25, $0x4800  }
0x32: {  	[sflag:s14] =	ssyncadd.s32 $0xFFFFC000;
	s26 =	smov.u32 s25;
	s25 =	sadd.s32 $0x400, s25  }
0x33: {  	_ = 	snop  }
0x34: {  	_ =	swait.ge [sflag:s18], $0x4000  }
0x35: {  	s26 =	sshra.s32 s26, $0x2;
	[sflag:s18] =	ssyncset.done $0x0  }
0x36: {  	s28 =	sadd.s32 $0x80, s26;
	[sflag:s18] =	ssyncadd.s32 $0xFFFFC000  }
0x37: {  	[tilespmem:s19], [sflag:$0x2] =	stream.indirect.gather [hbm4b:s4+s16], $0x80, s28, s16, $0xb8;
	[tilespmem:$0x1E800] =	vst v63  }
0x38: {  	s28 =	sadd.s32 $0x1400, s26  }
0x39: {  	[spmem:s2] =	stream.indirect.scatter.add.f32 [tilespmem:s17], [sflag:$0x3], $0x80, s28, s16, $0xb8;
	[tilespmem:$0x1E800] =	vst v63  }
0x3a: {  	_ =	swait.ge [sflag:s14], $0x4000  }
0x3b: {  	[sflag:s14] =	ssyncset.done $0x0  }
0x3c: {  	[sflag:s14] =	ssyncadd.s32 $0xFFFFC000  }
0x3d: {  	_ =	swait.ge [sflag:s20], $0x4000  }
0x3e: {  	[sflag:s20] =	ssyncset.done $0x0  }
0x3f: {  	s28 =	sadd.s32 $0x100, s26;
	[sflag:s20] =	ssyncadd.s32 $0xFFFFC000  }
0x40: {  	[tilespmem:s17], [sflag:$0x1] =	stream.indirect.gather [hbm4b:s4+s16], $0x80, s28, s16, $0xb8;
	[tilespmem:$0x1E800] =	vst v63  }
.Ltmp0:
0x41: {  	_ = 	snop;
	(pc) =	sbr.rel @p0 .LBB2_2-.Ltmp0, $4  }
0x42: {  	s26 =	sadd.s32 $0x1480, s26  }
0x43: {  	[spmem:s2] =	stream.indirect.scatter.add.f32 [tilespmem:s19], [sflag:$0x3], $0x80, s26, s16, $0xb8;
	[tilespmem:$0x1E800] =	vst v63  }
0x44: {  	_ =	swait.ge [sflag:s14], $0x4000  }
0x45: {  	[sflag:s14] =	ssyncset.done $0x0  }
0x46: {  	[sflag:s14] =	ssyncadd.s32 $0xFFFFC000  }
0x47: {  	_ =	swait.ge [sflag:s18], $0x4000  }
0x48: {  	[sflag:s18] =	ssyncset.done $0x0  }
0x49: {  	[sflag:s18] =	ssyncadd.s32 $0xFFFFC000  }
0x4a: {  	[tilespmem:s19], [sflag:$0x2] =	stream.indirect.gather [hbm4b:s4+s16], $0x80, s21, s16, $0xb8;
	[tilespmem:$0x1E800] =	vst v63  }
0x4b: {  	_ = 	snop  }
0x4c: {  	[spmem:s2] =	stream.indirect.scatter.add.f32 [tilespmem:s17], [sflag:$0x3], $0x80, s22, s16, $0xb8;
	[tilespmem:$0x1E800] =	vst v63  }
0x4d: {  	_ =	swait.ge [sflag:s14], $0x4000  }
0x4e: {  	[sflag:s14] =	ssyncset.done $0x0  }
0x4f: {  	[sflag:s14] =	ssyncadd.s32 $0xFFFFC000  }
0x50: {  	_ =	swait.ge [sflag:s20], $0x4000  }
0x51: {  	[sflag:s20] =	ssyncset.done $0x0  }
0x52: {  	[sflag:s20] =	ssyncadd.s32 $0xFFFFC000  }
0x53: {  	[spmem:s2] =	stream.indirect.scatter.add.f32 [tilespmem:s19], [sflag:$0x3], $0x80, s23, s16, $0xb8;
	[tilespmem:$0x1E800] =	vst v63  }
0x54: {  	_ =	swait.ge [sflag:s14], $0x4000  }
0x55: {  	[sflag:s14] =	ssyncset.done $0x0  }
0x56: {  	s25 =	simm.s32 $0x0;
	[sflag:s14] =	ssyncadd.s32 $0xFFFFC000  }
0x57: {  	[tilespmem:s25], [sflag:$0x3] =	stream.linear.gather [hbm4b:s9+s25], $0x1400, $0x38;
	[tilespmem:$0x1E800] =	vst v63  }
0x58: {  	_ =	swait.ge [sflag:s14], $0x1400  }
0x59: {  	[sflag:s14] =	ssyncset.done $0x0  }
0x5a: {  	[sflag:s14] =	ssyncadd.s32 $0xFFFFEC00  }
0x5b: {  	[tilespmem:s15], [sflag:$0x3] =	stream.linear.gather [hbm4b:s10+s25], $0x1400, $0x38;
	[tilespmem:$0x1E800] =	vst v63  }
0x5c: {  	_ =	swait.ge [sflag:s14], $0x1400  }
0x5d: {  	[sflag:s14] =	ssyncset.done $0x0  }
0x5e: {  	[sflag:s14] =	ssyncadd.s32 $0xFFFFEC00  }
0x5f: {  	[tilespmem:s17], [sflag:$0x1] =	stream.indirect.gather [hbm4b:s4+s16], $0x80, s25, s16, $0xb8;
	[tilespmem:$0x1E800] =	vst v63  }
0x60: {  	_ =	swait.ge [sflag:s18], $0x4000  }
0x61: {  	[sflag:s18] =	ssyncset.done $0x0  }
0x62: {  	s28 =	simm.s32 $0x80;
	[sflag:s18] =	ssyncadd.s32 $0xFFFFC000  }
0x63: {  	[tilespmem:s19], [sflag:$0x2] =	stream.indirect.gather [hbm4b:s4+s16], $0x80, s28, s16, $0xb8;
	[tilespmem:$0x1E800] =	vst v63  }
0x64: {  	s29 =	simm.s32 $0x1400  }
0x65: {  	[spmem:s2] =	stream.indirect.scatter.add.f32 [tilespmem:s17], [sflag:$0x3], $0x80, s29, s16, $0xb8;
	[tilespmem:$0x1E800] =	vst v63  }
0x66: {  	_ =	swait.ge [sflag:s14], $0x4000  }
0x67: {  	[sflag:s14] =	ssyncset.done $0x0  }
0x68: {  	[sflag:s14] =	ssyncadd.s32 $0xFFFFC000  }
0x69: {  	_ =	swait.ge [sflag:s20], $0x4000  }
0x6a: {  	[sflag:s20] =	ssyncset.done $0x0  }
0x6b: {  	s30 =	simm.s32 $0x100;
	[sflag:s20] =	ssyncadd.s32 $0xFFFFC000  }
0x6c: {  	[tilespmem:s17], [sflag:$0x1] =	stream.indirect.gather [hbm4b:s4+s16], $0x80, s30, s16, $0xb8;
	[tilespmem:$0x1E800] =	vst v63  }
0x6d: {  	s31 =	simm.s32 $0x1480  }
0x6e: {  	[spmem:s2] =	stream.indirect.scatter.add.f32 [tilespmem:s19], [sflag:$0x3], $0x80, s31, s16, $0xb8;
	[tilespmem:$0x1E800] =	vst v63  }
0x6f: {  	_ =	swait.ge [sflag:s14], $0x4000  }
0x70: {  	s25 =	simm.s32 $0x400;
	[sflag:s14] =	ssyncset.done $0x0  }
.LBB2_4:
0x71: {  	p0 =	sne.s32 s25, $0x4800  }
0x72: {  	[sflag:s14] =	ssyncadd.s32 $0xFFFFC000;
	s26 =	smov.u32 s25;
	s25 =	sadd.s32 $0x400, s25  }
0x73: {  	_ = 	snop  }
0x74: {  	_ =	swait.ge [sflag:s18], $0x4000  }
0x75: {  	s26 =	sshra.s32 s26, $0x2;
	[sflag:s18] =	ssyncset.done $0x0  }
0x76: {  	s28 =	sadd.s32 $0x80, s26;
	[sflag:s18] =	ssyncadd.s32 $0xFFFFC000  }
0x77: {  	[tilespmem:s19], [sflag:$0x2] =	stream.indirect.gather [hbm4b:s4+s16], $0x80, s28, s16, $0xb8;
	[tilespmem:$0x1E800] =	vst v63  }
0x78: {  	s28 =	sadd.s32 $0x1400, s26  }
0x79: {  	[spmem:s2] =	stream.indirect.scatter.add.f32 [tilespmem:s17], [sflag:$0x3], $0x80, s28, s16, $0xb8;
	[tilespmem:$0x1E800] =	vst v63  }
0x7a: {  	_ =	swait.ge [sflag:s14], $0x4000  }
0x7b: {  	[sflag:s14] =	ssyncset.done $0x0  }
0x7c: {  	[sflag:s14] =	ssyncadd.s32 $0xFFFFC000  }
0x7d: {  	_ =	swait.ge [sflag:s20], $0x4000  }
0x7e: {  	[sflag:s20] =	ssyncset.done $0x0  }
0x7f: {  	s28 =	sadd.s32 $0x100, s26;
	[sflag:s20] =	ssyncadd.s32 $0xFFFFC000  }
0x80: {  	[tilespmem:s17], [sflag:$0x1] =	stream.indirect.gather [hbm4b:s4+s16], $0x80, s28, s16, $0xb8;
	[tilespmem:$0x1E800] =	vst v63  }
.Ltmp1:
0x81: {  	_ = 	snop;
	(pc) =	sbr.rel @p0 .LBB2_4-.Ltmp1, $4  }
0x82: {  	s26 =	sadd.s32 $0x1480, s26  }
0x83: {  	[spmem:s2] =	stream.indirect.scatter.add.f32 [tilespmem:s19], [sflag:$0x3], $0x80, s26, s16, $0xb8;
	[tilespmem:$0x1E800] =	vst v63  }
0x84: {  	_ =	swait.ge [sflag:s14], $0x4000  }
0x85: {  	[sflag:s14] =	ssyncset.done $0x0  }
0x86: {  	[sflag:s14] =	ssyncadd.s32 $0xFFFFC000  }
0x87: {  	_ =	swait.ge [sflag:s18], $0x4000  }
0x88: {  	[sflag:s18] =	ssyncset.done $0x0  }
0x89: {  	[sflag:s18] =	ssyncadd.s32 $0xFFFFC000  }
0x8a: {  	[tilespmem:s19], [sflag:$0x2] =	stream.indirect.gather [hbm4b:s4+s16], $0x80, s21, s16, $0xb8;
	[tilespmem:$0x1E800] =	vst v63  }
0x8b: {  	_ = 	snop  }
0x8c: {  	[spmem:s2] =	stream.indirect.scatter.add.f32 [tilespmem:s17], [sflag:$0x3], $0x80, s22, s16, $0xb8;
	[tilespmem:$0x1E800] =	vst v63  }
0x8d: {  	_ =	swait.ge [sflag:s14], $0x4000  }
0x8e: {  	[sflag:s14] =	ssyncset.done $0x0  }
0x8f: {  	[sflag:s14] =	ssyncadd.s32 $0xFFFFC000  }
0x90: {  	_ =	swait.ge [sflag:s20], $0x4000  }
0x91: {  	[sflag:s20] =	ssyncset.done $0x0  }
0x92: {  	[sflag:s20] =	ssyncadd.s32 $0xFFFFC000  }
0x93: {  	[spmem:s2] =	stream.indirect.scatter.add.f32 [tilespmem:s19], [sflag:$0x3], $0x80, s23, s16, $0xb8;
	[tilespmem:$0x1E800] =	vst v63  }
0x94: {  	_ =	swait.ge [sflag:s14], $0x4000  }
0x95: {  	s24 =	sadd.s32 $0x1, s24;
	[sflag:s14] =	ssyncset.done $0x0  }
0x96: {  	p0 =	sne.s32 s24, s12;
	[sflag:s14] =	ssyncadd.s32 $0xFFFFC000  }
.Ltmp2:
0x97: {  	[bflag:$0x0] =	sbarrier.arrive $0xFFFF;
	(pc) =	sbr.rel @p0 .LBB2_1-.Ltmp2, $4  }
0x98: {  	[hbm:s11], [sflag:s6] =	dma.local [spmem:s13], $0x2800  }
0x99: {  	_ =	swait.ge [sflag:s14], $0x2800  }
0x9a: {  	[sflag:s14] =	ssyncset.done $0x0  }
0x9b: {  	[sflag:s14] =	ssyncadd.s32 $0xFFFFD800  }
0x9c: {  	_ =	sfence.sel $0x180000  }
0x9d: {  	[bflag:$0x0] =	sbarrier.arrive $0xFFFF  }
0x9e: {  	p0 =	sne.s32 s0, $0x0;
	_ =	strace $0x9000004A  }
0x9f: {  	s0 =	sadd.s32 @!p0 $0x100000, s1;
	[bflag:$0x2] =	sbarrier.arrive $0xFFFF  }
0xa0: {  	[sflag:s0] =	ssyncadd.tile.s32 @!p0 $0x1;
	_ =	shalt  }
.Lfunc_end2:
_tile_overlayer_lowered:
.L_overlay_start_2:
0xa1: {  	(tag) =	ssettag $0x2  }
0xa2: {  	s0 =	rddreg [dreg:$0x0];
	s2 =	stileid.u32  }
0xa3: {  	s1 =	rddreg [dreg:$0x1];
	p0 =	sne.s32 s2, $0x0  }
0xa4: {  	s3 =	rddreg [dreg:$0x2];
	[bflag:$0x3] =	sbarrier.arrive $0xFFFF;
	s2 =	simm.s32 @!p0 $0x1C03  }
0xa5: {  	[timem:s3], [sflag:s2] =	dma.local @!p0 [hbm:s0], s1  }
0xa6: {  	s0 =	simm.s32 @!p0 $0x3  }
0xa7: {  	_ =	swait.ge @!p0 [sflag:s0], s1  }
0xa8: {  	s1 =	ssub.s32 @!p0 $0x0, s1;
	[sflag:s0] =	ssyncset.done @!p0 $0x0  }
0xa9: {  	[sflag:s0] =	ssyncadd.s32 @!p0 s1  }
0xaa: {  	[bflag:$0x3] =	sbarrier.arrive $0xFFFF  }
0xab: {  	_ =	shalt  }

// kernel: kernel.14.cloned.1.call-start
scs
__scs_entry_jumppad:
0x0: {  	(pc) =	sbr.rel $0x88, $3  }
0x1: {  	(tag) =	ssettag $0x0;
	lr =	simm.s32 $0x1  }
0x2: {  	[smem:$0x3F8B] =	sst lr;
	_ =	strace $0xD0000000  }
0x3: {  	_ = 	snop  }
0x4: {  	_ = 	snop  }
0x5: {  	_ = 	snop  }
0x6: {  	_ = 	snop  }
0x7: {  	_ = 	snop  }
__scs_overlays_trampoline_lowered:
0x8: {  	[smem:$0x3F9A] =	sst s0  }
0x9: {  	[smem:$0x3F9B] =	sst s1  }
0xa: {  	[smem:$0x3F9C] =	sst s2  }
0xb: {  	[smem:$0x3F9D] =	sst s3  }
0xc: {  	[smem:$0x3F9E] =	sst s4  }
0xd: {  	[smem:$0x3F9F] =	sst s5  }
0xe: {  	[smem:$0x3FA0] =	sst s6  }
0xf: {  	[smem:$0x3FA1] =	sst s7  }
0x10: {  	[smem:$0x3FA2] =	sst s8  }
0x11: {  	[smem:$0x3FA3] =	sst s9;
	s0 =	simm.s32 @!p0 $0x0  }
0x12: {  	s1 =	sld [smem:$0x3F89];
	s0 =	simm.s32 @p0 $0x1  }
0x13: {  	[smem:$0x3FA4] =	sst s0;
	s0 =	simm.s32 @!p1 $0x0  }
0x14: {  	s2 =	sld [smem:$0x3F88];
	s0 =	simm.s32 @p1 $0x1  }
0x15: {  	[smem:$0x3FA5] =	sst s0;
	s0 =	simm.s32 @!p2 $0x0  }
0x16: {  	s3 =	sld [smem:$0x3FDB];
	s0 =	simm.s32 @p2 $0x1  }
0x17: {  	s4 =	simm.s32 $0x1BF5;
	[smem:$0x3FA7] =	sst s0  }
0x18: {  	s0 =	sld [smem:$0x3F8A];
	_ =	swait.ge [sflag:s4], $0x0  }
0x19: {  	s7 =	sld [smem:$0x3F8B]  }
0x1a: {  	s8 =	sadd.s32 $0xFFFFE003, lr  }
0x1b: {  	s9 =	sadd.s32 $0xFFFFFEF7, lr;
	s5 =	simm.s32 $0xFFFFFFFF;
	p2 =	slt.u32 s8, $0xFFFFF086  }
0x1c: {  	p1 =	slt.u32 s9, $0xF7A;
	s5 =	simm.s32 @!p2 $0x0  }
0x1d: {  	s5 =	simm.s32 @p1 $0x1;
	p0 =	seq.s32 s7, s2  }
0x1e: {  	s7 =	smul.u32 @!p0 $0xF7A, s2;
	p2 =	seq.s32 @!p0 s5, $0x0  }
0x1f: {  	s9 =	smul.u32 $0xF7A, s1;
	s8 =	simm.s32 @!p0 $0x1BF5;
	p2 =	por !p2, p0  }
0x20: {  	[sflag:s8] =	ssyncset.s32 @!p0 $0xFFFFF086;
	s6 =	sadd.s32 @!p0 s3, s7;
	s7 =	simm.s32 @!p0 $0x108  }
0x21: {  	s3 =	sadd.s32 s3, s9;
	s6 =	sadd.s32 @!p0 $0x88, s6;
	s7 =	simm.s32 @p2 $0x1082  }
0x22: {  	[simem:s7], [sflag:s8] =	dma.local @!p0 [hbm:s6], $0xF7A  }
0x23: {  	s9 =	sor.u32 $0xD0000000, s2;
	s6 =	simm.s32 $0x108;
	_ =	swait.ge @!p0 [sflag:s8], $0x0  }
0x24: {  	s3 =	sadd.s32 $0x88, s3;
	s6 =	simm.s32 @!p1 $0x1082;
	[sflag:s4] =	ssyncset.s32 $0xFFFFF086  }
0x25: {  	[simem:s6], [sflag:s4] =	dma.local [hbm:s3], $0xF7A  }
0x26: {  	[smem:$0x3F8B] =	sst s1;
	(tag) =	ssettag s2;
	_ =	strace s9  }
0x27: {  	s1 =	sld [smem:$0x3F9B]  }
0x28: {  	s2 =	sld [smem:$0x3F9C]  }
0x29: {  	s4 =	sld [smem:$0x3F9E]  }
0x2a: {  	p0 =	seq.s32 s5, $0x0;
	s5 =	sld [smem:$0x3F9F]  }
0x2b: {  	s6 =	sld [smem:$0x3FA0]  }
0x2c: {  	s7 =	sld [smem:$0x3FA1]  }
0x2d: {  	s3 =	simm.s32 $0x108;
	s8 =	sld [smem:$0x3FA2]  }
0x2e: {  	s3 =	simm.s32 @!p0 $0x1082;
	s9 =	sld [smem:$0x3FA3]  }
0x2f: {  	lr =	sadd.s32 s0, s3;
	s0 =	sld [smem:$0x3F9A]  }
0x30: {  	s3 =	sld [smem:$0x3F9D]  }
0x31: {  	[smem:$0x3FA6] =	sst s10  }
0x32: {  	s10 =	sld [smem:$0x3FA4];
	_ =	sdelay $0x3  }
0x33: {  	p0 =	seq.s32 s10, $0x1;
	s10 =	sld [smem:$0x3FA6];
	_ =	sdelay $0x3  }
0x34: {  	[smem:$0x3FA6] =	sst s10  }
0x35: {  	s10 =	sld [smem:$0x3FA5];
	_ =	sdelay $0x3  }
0x36: {  	p1 =	seq.s32 s10, $0x1;
	s10 =	sld [smem:$0x3FA6];
	_ =	sdelay $0x3  }
0x37: {  	[smem:$0x3FA6] =	sst s10  }
0x38: {  	s10 =	sld [smem:$0x3FA7]  }
0x39: {  	_ = 	snop;
	(pc) =	sbr.ind lr, $3  }
0x3a: {  	_ = 	snop  }
0x3b: {  	_ = 	snop  }
0x3c: {  	p2 =	seq.s32 s10, $0x1;
	s10 =	sld [smem:$0x3FA6]  }
0x3d: {  	_ =	shalt  }
0x3e: {  	_ =	shalt  }
0x3f: {  	_ =	shalt  }
0x40: {  	_ =	shalt  }
0x41: {  	_ =	shalt  }
0x42: {  	_ =	shalt  }
0x43: {  	_ =	shalt  }
0x44: {  	_ =	shalt  }
0x45: {  	_ =	shalt  }
0x46: {  	_ =	shalt  }
0x47: {  	_ =	shalt  }
0x48: {  	_ =	shalt  }
0x49: {  	_ =	shalt  }
0x4a: {  	_ =	shalt  }
0x4b: {  	_ =	shalt  }
0x4c: {  	_ =	shalt  }
0x4d: {  	_ =	shalt  }
0x4e: {  	_ =	shalt  }
0x4f: {  	_ =	shalt  }
0x50: {  	_ =	shalt  }
0x51: {  	_ =	shalt  }
0x52: {  	_ =	shalt  }
0x53: {  	_ =	shalt  }
0x54: {  	_ =	shalt  }
0x55: {  	_ =	shalt  }
0x56: {  	_ =	shalt  }
0x57: {  	_ =	shalt  }
0x58: {  	_ =	shalt  }
0x59: {  	_ =	shalt  }
0x5a: {  	_ =	shalt  }
0x5b: {  	_ =	shalt  }
0x5c: {  	_ =	shalt  }
0x5d: {  	_ =	shalt  }
0x5e: {  	_ =	shalt  }
0x5f: {  	_ =	shalt  }
0x60: {  	_ =	shalt  }
0x61: {  	_ =	shalt  }
0x62: {  	_ =	shalt  }
0x63: {  	_ =	shalt  }
0x64: {  	_ =	shalt  }
0x65: {  	_ =	shalt  }
0x66: {  	_ =	shalt  }
0x67: {  	_ =	shalt  }
0x68: {  	_ =	shalt  }
0x69: {  	_ =	shalt  }
0x6a: {  	_ =	shalt  }
0x6b: {  	_ =	shalt  }
0x6c: {  	_ =	shalt  }
0x6d: {  	_ =	shalt  }
0x6e: {  	_ =	shalt  }
0x6f: {  	_ =	shalt  }
0x70: {  	_ =	shalt  }
0x71: {  	_ =	shalt  }
0x72: {  	_ =	shalt  }
0x73: {  	_ =	shalt  }
0x74: {  	_ =	shalt  }
0x75: {  	_ =	shalt  }
0x76: {  	_ =	shalt  }
0x77: {  	_ =	shalt  }
0x78: {  	_ =	shalt  }
0x79: {  	_ =	shalt  }
0x7a: {  	_ =	shalt  }
0x7b: {  	_ =	shalt  }
0x7c: {  	_ =	shalt  }
0x7d: {  	_ =	shalt  }
0x7e: {  	_ =	shalt  }
0x7f: {  	_ =	shalt  }
0x80: {  	_ =	shalt  }
0x81: {  	_ =	shalt  }
0x82: {  	_ =	shalt  }
0x83: {  	_ =	shalt  }
0x84: {  	_ =	shalt  }
0x85: {  	_ =	shalt  }
0x86: {  	_ =	shalt  }
0x87: {  	_ =	shalt  }
.Lfunc_end0:
.L_simem_size_0:
called_computation.2_lowered:
.L_overlay_start_0:
0x88: {  	s2 =	sld [smem:$0x3FD9]  }
0x89: {  	s3 =	sld [smem:$0x3FFE];
	_ =	sdelay $0x1  }
0x8a: {  	s1 =	srdreg.scid  }
0x8b: {  	s0 =	sand.u32 $0x1, s1  }
0x8c: {  	s16 =	sshll.u32 s0, $0xA;
	s2 =	sadd.s32 s3, s2  }
0x8d: {  	s2 =	sadd.s32 s2, s16  }
0x8e: {  	[smem:$0x3FB2] =	sst s2  }
0x8f: {  	_ = 	snop  }
0x90: {  	(tm) =	ssettm $0x1  }
0x91: {  	s17 =	sld [smem:$0x3FFB];
	_ =	sdelay $0x3  }
0x92: {  	_ =	strace s17  }
0x93: {  	s2 =	sld [smem:$0x3FFC];
	_ =	sdelay $0x3  }
0x94: {  	_ =	strace s2  }
0x95: {  	s2 =	sld [smem:$0x3FFD];
	_ =	sdelay $0x3  }
0x96: {  	_ =	strace s2  }
0x97: {  	_ =	strace $0x8FFFFFFF  }
0x98: {  	s18 =	sld [smem:$0x3FDB];
	_ =	sdelay $0x1  }
0x99: {  	s19 =	simm.s32 $_scs_section_size  }
0x9a: {  	s4 =	simm.s32 $_size__tile_overlayer_lowered;
	s5 =	simm.s32 $_tile_overlayer_lowered  }
0x9b: {  	s22 =	simm.s32 $0x1BFF;
	s21 =	sshll.u32 s5, $0x1;
	s2 =	sadd.s32 s19, s18  }
0x9c: {  	s6 =	simm.s32 $0x0;
	s20 =	sshll.u32 s4, $0x1;
	s4 =	sadd.s32 s21, s2  }
0x9d: {  	[timem:s6], [sflag:s22] =	dma.local [hbm:s4], s20  }
0x9e: {  	_ =	swait.ge [sflag:s22], s20  }
0x9f: {  	s3 =	ssub.s32 $0x0, s20;
	[sflag:s22] =	ssyncset.done $0x0  }
0xa0: {  	[sflag:s22] =	ssyncadd.s32 s3;
	_ =	sdelay $0x1  }
0xa1: {  	s23 =	simm.s32 $0x1B8B  }
0xa2: {  	_ =	swait.ge [sflag:s23], $0x1  }
0xa3: {  	[sflag:s23] =	ssyncset.done $0x0  }
0xa4: {  	s25 =	simm.s32 $0x1B8E;
	s24 =	sld [smem:$0x3FFE];
	[sflag:s23] =	ssyncadd.s32 $0xFFFFFFFF  }
0xa5: {  	s26 =	simm.s32 $execute0_lowered;
	[smem:$0x3FD2] =	sst s25  }
0xa6: {  	s4 =	sshll.u32 s26, $0x1;
	_ =	strace $0x8000004C;
	[dreg:$0x1] =	wrdreg $0xFFFFFFFF  }
0xa7: {  	s28 =	simm.s32 $_size_execute0_lowered;
	s2 =	sadd.s32 s2, s4;
	[dreg:$0x0] =	wrdreg $0x0  }
0xa8: {  	s4 =	sshll.u32 s28, $0x1;
	[dreg:$0x2] =	wrdreg s2  }
0xa9: {  	[dreg:$0x3] =	wrdreg s4  }
0xaa: {  	[dreg:$0x4] =	wrdreg $0xC0  }
0xab: {  	_ =	task [dreg:s6], $0x5FFFF  }
0xac: {  	[dreg:$0x1] =	wrdreg $0xFFFFFFFF  }
0xad: {  	[dreg:$0x0] =	wrdreg $0x60  }
0xae: {  	[dreg:$0x2] =	wrdreg s24  }
0xaf: {  	[dreg:$0x3] =	wrdreg $0xA8000  }
0xb0: {  	[dreg:$0x4] =	wrdreg $0x9  }
0xb1: {  	_ =	task.clear_ibuf [dreg:s6], $0x5FFFF;
	_ =	strace $0x9000004C  }
0xb2: {  	s29 =	simm.s32 $0x9;
	_ =	strace $0x8000004E  }
0xb3: {  	_ =	swait.ge [sflag:s29], $0x1  }
0xb4: {  	[sflag:s29] =	ssyncadd.s32 $0xFFFFFFFF  }
0xb5: {  	_ =	strace $0x9000004E  }
0xb6: {  	_ =	sfence  }
0xb7: {  	s30 =	sld [smem:$0x0];
	_ =	sdelay $0x2  }
0xb8: {  	s31 =	sshll.u32 s1, $0xD;
	s1 =	sshrl.u32 s1, $0x2  }
0xb9: {  	s3 =	sand.u32 $0x4000, s31;
	s1 =	sadd.s32 s1, s30  }
0xba: {  	s0 =	sor.u32 s3, s0;
	s1 =	sshll.u32 s1, $0x11  }
0xbb: {  	s0 =	sor.u32 s1, s0  }
0xbc: {  	s0 =	sadd.s32 $0x8F2B, s0  }
0xbd: {  	[sflag:s0] =	ssyncadd.remote.s32 $0x1  }
0xbe: {  	_ =	sfence.sel $0xFFFF  }
0xbf: {  	[dreg:$0x0] =	wrdreg $0xFFFFFFFF;
	(pc) =	sbr.abs _section_cstart, $3  }
0xc0: {  	[dreg:$0x1] =	wrdreg $0xFFFFFFFF  }
0xc1: {  	_ =	task.clear_ibuf [dreg:s6], $0x2FFFF;
	_ =	strace $0x9FFFFFFF  }
0xc2: {  	(tm) =	ssettm $0x7FFFFFFF  }
0xc3: {  	_ =	shalt  }
tec
execute0_lowered:
.L_overlay_start_1:
0x0: {  	(tag) =	ssettag $0x1  }
0x1: {  	s6 =	rddreg [dreg:$0x0]  }
0x2: {  	s2 =	rddreg [dreg:$0x1]  }
0x3: {  	s0 =	srdreg.scid;
	s1 =	rddreg [dreg:$0x2];
	s3 =	simm.s32 $0x0  }
0x4: {  	s14 =	simm.s32 $0x3;
	s15 =	simm.s32 $0x1400;
	s16 =	simm.s32 $0x80  }
0x5: {  	s17 =	simm.s32 $0x2800;
	s18 =	simm.s32 $0x1;
	s7 =	sand.u32 $0x1, s0  }
0x6: {  	s19 =	simm.s32 $0x6800;
	s0 =	stileid.u32;
	s4 =	smul.u32 $0x28000, s7  }
0x7: {  	s20 =	simm.s32 $0x2;
	s21 =	simm.s32 $0x1380;
	s5 =	smul.u32 $0x2800, s0  }
0x8: {  	s22 =	simm.s32 $0x2700;
	s23 =	simm.s32 $0x2780;
	s8 =	smul.u32 $0x140000, s7  }
0x9: {  	s24 =	simm.s32 $0x0;
	[smem:$0x7FF] =	sst s3;
	s9 =	smul.u32 $0x14000, s0  }
0xa: {  	_ =	strace $0x8000004D;
	s28 =	smul.u32 $0x50000, s0;
	s29 =	ssub.s32 $0x2, s7  }
0xb: {  	s31 =	sshll.u32 s0, $0x6;
	s7 =	sshrl.u32 s29, $0x1;
	s5 =	sadd.s32 s5, s4  }
0xc: {  	s4 =	sadd.s32 $0x1B600, s6;
	s8 =	sadd.s32 s9, s8;
	s30 =	sshrl.u32 s28, $0x2  }
0xd: {  	s12 =	ssub.s32 s29, s7;
	s5 =	sshrl.u32 s5, $0x3;
	s8 =	sshrl.u32 s8, $0x3  }
0xe: {  	s13 =	sadd.s32 s30, s2;
	s12 =	smax.u32 s12, $0x1;
	s10 =	sadd.s32 s5, s6  }
0xf: {  	s5 =	sadd.s32 $0x18800, s6;
	s11 =	sadd.s32 s8, s6;
	s6 =	sor.u32 $0x1C03, s31  }
0x10: {  	s13 =	sshrl.u32 s13, $0x3;
	s7 =	sadd.s32 $0x4800, s10;
	s8 =	sadd.s32 $0xE800, s10  }
0x11: {  	s9 =	sadd.s32 $0x4A80, s10;
	s10 =	sadd.s32 $0xEA80, s10;
	s11 =	sadd.s32 $0xBC000, s11  }
.LBB2_1:
0x12: {  	[spmem:s13], [sflag:s6] =	dma.local [hbm:s5], $0x2800  }
0x13: {  	_ =	swait.ge [sflag:s14], $0x2800  }
0x14: {  	[sflag:s14] =	ssyncset.done $0x0  }
0x15: {  	[sflag:s14] =	ssyncadd.s32 $0xFFFFD800  }
0x16: {  	[bflag:$0x0] =	sbarrier.arrive $0xFFFF  }
0x17: {  	[tilespmem:s3], [sflag:$0x3] =	stream.linear.gather [hbm4b:s7+s3], $0x1400, $0x38;
	[tilespmem:$0x1E800] =	vst v63  }
0x18: {  	_ =	swait.ge [sflag:s14], $0x1400  }
0x19: {  	[sflag:s14] =	ssyncset.done $0x0  }
0x1a: {  	[sflag:s14] =	ssyncadd.s32 $0xFFFFEC00  }
0x1b: {  	[tilespmem:s15], [sflag:$0x3] =	stream.linear.gather [hbm4b:s8+s3], $0x1400, $0x38;
	[tilespmem:$0x1E800] =	vst v63  }
0x1c: {  	_ =	swait.ge [sflag:s14], $0x1400  }
0x1d: {  	[sflag:s14] =	ssyncset.done $0x0  }
0x1e: {  	[sflag:s14] =	ssyncadd.s32 $0xFFFFEC00  }
0x1f: {  	[tilespmem:s17], [sflag:$0x1] =	stream.indirect.gather [hbm4b:s4+s16], $0x80, s3, s16, $0xb8;
	[tilespmem:$0x1E800] =	vst v63  }
0x20: {  	_ =	swait.ge [sflag:s18], $0x4000  }
0x21: {  	[sflag:s18] =	ssyncset.done $0x0  }
0x22: {  	s25 =	simm.s32 $0x80;
	[sflag:s18] =	ssyncadd.s32 $0xFFFFC000  }
0x23: {  	[tilespmem:s19], [sflag:$0x2] =	stream.indirect.gather [hbm4b:s4+s16], $0x80, s25, s16, $0xb8;
	[tilespmem:$0x1E800] =	vst v63  }
0x24: {  	s29 =	simm.s32 $0x1400  }
0x25: {  	[spmem:s2] =	stream.indirect.scatter.add.f32 [tilespmem:s17], [sflag:$0x3], $0x80, s29, s16, $0xb8;
	[tilespmem:$0x1E800] =	vst v63  }
0x26: {  	_ =	swait.ge [sflag:s14], $0x4000  }
0x27: {  	[sflag:s14] =	ssyncset.done $0x0  }
0x28: {  	[sflag:s14] =	ssyncadd.s32 $0xFFFFC000  }
0x29: {  	_ =	swait.ge [sflag:s20], $0x4000  }
0x2a: {  	[sflag:s20] =	ssyncset.done $0x0  }
0x2b: {  	s30 =	simm.s32 $0x100;
	[sflag:s20] =	ssyncadd.s32 $0xFFFFC000  }
0x2c: {  	[tilespmem:s17], [sflag:$0x1] =	stream.indirect.gather [hbm4b:s4+s16], $0x80, s30, s16, $0xb8;
	[tilespmem:$0x1E800] =	vst v63  }
0x2d: {  	s31 =	simm.s32 $0x1480  }
0x2e: {  	[spmem:s2] =	stream.indirect.scatter.add.f32 [tilespmem:s19], [sflag:$0x3], $0x80, s31, s16, $0xb8;
	[tilespmem:$0x1E800] =	vst v63  }
0x2f: {  	_ =	swait.ge [sflag:s14], $0x4000  }
0x30: {  	s25 =	simm.s32 $0x400;
	[sflag:s14] =	ssyncset.done $0x0  }
.LBB2_2:
0x31: {  	p0 =	sne.s32 s25, $0x4800  }
0x32: {  	[sflag:s14] =	ssyncadd.s32 $0xFFFFC000;
	s26 =	smov.u32 s25;
	s25 =	sadd.s32 $0x400, s25  }
0x33: {  	_ = 	snop  }
0x34: {  	_ =	swait.ge [sflag:s18], $0x4000  }
0x35: {  	s26 =	sshra.s32 s26, $0x2;
	[sflag:s18] =	ssyncset.done $0x0  }
0x36: {  	s28 =	sadd.s32 $0x80, s26;
	[sflag:s18] =	ssyncadd.s32 $0xFFFFC000  }
0x37: {  	[tilespmem:s19], [sflag:$0x2] =	stream.indirect.gather [hbm4b:s4+s16], $0x80, s28, s16, $0xb8;
	[tilespmem:$0x1E800] =	vst v63  }
0x38: {  	s28 =	sadd.s32 $0x1400, s26  }
0x39: {  	[spmem:s2] =	stream.indirect.scatter.add.f32 [tilespmem:s17], [sflag:$0x3], $0x80, s28, s16, $0xb8;
	[tilespmem:$0x1E800] =	vst v63  }
0x3a: {  	_ =	swait.ge [sflag:s14], $0x4000  }
0x3b: {  	[sflag:s14] =	ssyncset.done $0x0  }
0x3c: {  	[sflag:s14] =	ssyncadd.s32 $0xFFFFC000  }
0x3d: {  	_ =	swait.ge [sflag:s20], $0x4000  }
0x3e: {  	[sflag:s20] =	ssyncset.done $0x0  }
0x3f: {  	s28 =	sadd.s32 $0x100, s26;
	[sflag:s20] =	ssyncadd.s32 $0xFFFFC000  }
0x40: {  	[tilespmem:s17], [sflag:$0x1] =	stream.indirect.gather [hbm4b:s4+s16], $0x80, s28, s16, $0xb8;
	[tilespmem:$0x1E800] =	vst v63  }
.Ltmp0:
0x41: {  	_ = 	snop;
	(pc) =	sbr.rel @p0 .LBB2_2-.Ltmp0, $4  }
0x42: {  	s26 =	sadd.s32 $0x1480, s26  }
0x43: {  	[spmem:s2] =	stream.indirect.scatter.add.f32 [tilespmem:s19], [sflag:$0x3], $0x80, s26, s16, $0xb8;
	[tilespmem:$0x1E800] =	vst v63  }
0x44: {  	_ =	swait.ge [sflag:s14], $0x4000  }
0x45: {  	[sflag:s14] =	ssyncset.done $0x0  }
0x46: {  	[sflag:s14] =	ssyncadd.s32 $0xFFFFC000  }
0x47: {  	_ =	swait.ge [sflag:s18], $0x4000  }
0x48: {  	[sflag:s18] =	ssyncset.done $0x0  }
0x49: {  	[sflag:s18] =	ssyncadd.s32 $0xFFFFC000  }
0x4a: {  	[tilespmem:s19], [sflag:$0x2] =	stream.indirect.gather [hbm4b:s4+s16], $0x80, s21, s16, $0xb8;
	[tilespmem:$0x1E800] =	vst v63  }
0x4b: {  	_ = 	snop  }
0x4c: {  	[spmem:s2] =	stream.indirect.scatter.add.f32 [tilespmem:s17], [sflag:$0x3], $0x80, s22, s16, $0xb8;
	[tilespmem:$0x1E800] =	vst v63  }
0x4d: {  	_ =	swait.ge [sflag:s14], $0x4000  }
0x4e: {  	[sflag:s14] =	ssyncset.done $0x0  }
0x4f: {  	[sflag:s14] =	ssyncadd.s32 $0xFFFFC000  }
0x50: {  	_ =	swait.ge [sflag:s20], $0x4000  }
0x51: {  	[sflag:s20] =	ssyncset.done $0x0  }
0x52: {  	[sflag:s20] =	ssyncadd.s32 $0xFFFFC000  }
0x53: {  	[spmem:s2] =	stream.indirect.scatter.add.f32 [tilespmem:s19], [sflag:$0x3], $0x80, s23, s16, $0xb8;
	[tilespmem:$0x1E800] =	vst v63  }
0x54: {  	_ =	swait.ge [sflag:s14], $0x4000  }
0x55: {  	[sflag:s14] =	ssyncset.done $0x0  }
0x56: {  	s25 =	simm.s32 $0x0;
	[sflag:s14] =	ssyncadd.s32 $0xFFFFC000  }
0x57: {  	[tilespmem:s25], [sflag:$0x3] =	stream.linear.gather [hbm4b:s9+s25], $0x1400, $0x38;
	[tilespmem:$0x1E800] =	vst v63  }
0x58: {  	_ =	swait.ge [sflag:s14], $0x1400  }
0x59: {  	[sflag:s14] =	ssyncset.done $0x0  }
0x5a: {  	[sflag:s14] =	ssyncadd.s32 $0xFFFFEC00  }
0x5b: {  	[tilespmem:s15], [sflag:$0x3] =	stream.linear.gather [hbm4b:s10+s25], $0x1400, $0x38;
	[tilespmem:$0x1E800] =	vst v63  }
0x5c: {  	_ =	swait.ge [sflag:s14], $0x1400  }
0x5d: {  	[sflag:s14] =	ssyncset.done $0x0  }
0x5e: {  	[sflag:s14] =	ssyncadd.s32 $0xFFFFEC00  }
0x5f: {  	[tilespmem:s17], [sflag:$0x1] =	stream.indirect.gather [hbm4b:s4+s16], $0x80, s25, s16, $0xb8;
	[tilespmem:$0x1E800] =	vst v63  }
0x60: {  	_ =	swait.ge [sflag:s18], $0x4000  }
0x61: {  	[sflag:s18] =	ssyncset.done $0x0  }
0x62: {  	s28 =	simm.s32 $0x80;
	[sflag:s18] =	ssyncadd.s32 $0xFFFFC000  }
0x63: {  	[tilespmem:s19], [sflag:$0x2] =	stream.indirect.gather [hbm4b:s4+s16], $0x80, s28, s16, $0xb8;
	[tilespmem:$0x1E800] =	vst v63  }
0x64: {  	s29 =	simm.s32 $0x1400  }
0x65: {  	[spmem:s2] =	stream.indirect.scatter.add.f32 [tilespmem:s17], [sflag:$0x3], $0x80, s29, s16, $0xb8;
	[tilespmem:$0x1E800] =	vst v63  }
0x66: {  	_ =	swait.ge [sflag:s14], $0x4000  }
0x67: {  	[sflag:s14] =	ssyncset.done $0x0  }
0x68: {  	[sflag:s14] =	ssyncadd.s32 $0xFFFFC000  }
0x69: {  	_ =	swait.ge [sflag:s20], $0x4000  }
0x6a: {  	[sflag:s20] =	ssyncset.done $0x0  }
0x6b: {  	s30 =	simm.s32 $0x100;
	[sflag:s20] =	ssyncadd.s32 $0xFFFFC000  }
0x6c: {  	[tilespmem:s17], [sflag:$0x1] =	stream.indirect.gather [hbm4b:s4+s16], $0x80, s30, s16, $0xb8;
	[tilespmem:$0x1E800] =	vst v63  }
0x6d: {  	s31 =	simm.s32 $0x1480  }
0x6e: {  	[spmem:s2] =	stream.indirect.scatter.add.f32 [tilespmem:s19], [sflag:$0x3], $0x80, s31, s16, $0xb8;
	[tilespmem:$0x1E800] =	vst v63  }
0x6f: {  	_ =	swait.ge [sflag:s14], $0x4000  }
0x70: {  	s25 =	simm.s32 $0x400;
	[sflag:s14] =	ssyncset.done $0x0  }
.LBB2_4:
0x71: {  	p0 =	sne.s32 s25, $0x4800  }
0x72: {  	[sflag:s14] =	ssyncadd.s32 $0xFFFFC000;
	s26 =	smov.u32 s25;
	s25 =	sadd.s32 $0x400, s25  }
0x73: {  	_ = 	snop  }
0x74: {  	_ =	swait.ge [sflag:s18], $0x4000  }
0x75: {  	s26 =	sshra.s32 s26, $0x2;
	[sflag:s18] =	ssyncset.done $0x0  }
0x76: {  	s28 =	sadd.s32 $0x80, s26;
	[sflag:s18] =	ssyncadd.s32 $0xFFFFC000  }
0x77: {  	[tilespmem:s19], [sflag:$0x2] =	stream.indirect.gather [hbm4b:s4+s16], $0x80, s28, s16, $0xb8;
	[tilespmem:$0x1E800] =	vst v63  }
0x78: {  	s28 =	sadd.s32 $0x1400, s26  }
0x79: {  	[spmem:s2] =	stream.indirect.scatter.add.f32 [tilespmem:s17], [sflag:$0x3], $0x80, s28, s16, $0xb8;
	[tilespmem:$0x1E800] =	vst v63  }
0x7a: {  	_ =	swait.ge [sflag:s14], $0x4000  }
0x7b: {  	[sflag:s14] =	ssyncset.done $0x0  }
0x7c: {  	[sflag:s14] =	ssyncadd.s32 $0xFFFFC000  }
0x7d: {  	_ =	swait.ge [sflag:s20], $0x4000  }
0x7e: {  	[sflag:s20] =	ssyncset.done $0x0  }
0x7f: {  	s28 =	sadd.s32 $0x100, s26;
	[sflag:s20] =	ssyncadd.s32 $0xFFFFC000  }
0x80: {  	[tilespmem:s17], [sflag:$0x1] =	stream.indirect.gather [hbm4b:s4+s16], $0x80, s28, s16, $0xb8;
	[tilespmem:$0x1E800] =	vst v63  }
.Ltmp1:
0x81: {  	_ = 	snop;
	(pc) =	sbr.rel @p0 .LBB2_4-.Ltmp1, $4  }
0x82: {  	s26 =	sadd.s32 $0x1480, s26  }
0x83: {  	[spmem:s2] =	stream.indirect.scatter.add.f32 [tilespmem:s19], [sflag:$0x3], $0x80, s26, s16, $0xb8;
	[tilespmem:$0x1E800] =	vst v63  }
0x84: {  	_ =	swait.ge [sflag:s14], $0x4000  }
0x85: {  	[sflag:s14] =	ssyncset.done $0x0  }
0x86: {  	[sflag:s14] =	ssyncadd.s32 $0xFFFFC000  }
0x87: {  	_ =	swait.ge [sflag:s18], $0x4000  }
0x88: {  	[sflag:s18] =	ssyncset.done $0x0  }
0x89: {  	[sflag:s18] =	ssyncadd.s32 $0xFFFFC000  }
0x8a: {  	[tilespmem:s19], [sflag:$0x2] =	stream.indirect.gather [hbm4b:s4+s16], $0x80, s21, s16, $0xb8;
	[tilespmem:$0x1E800] =	vst v63  }
0x8b: {  	_ = 	snop  }
0x8c: {  	[spmem:s2] =	stream.indirect.scatter.add.f32 [tilespmem:s17], [sflag:$0x3], $0x80, s22, s16, $0xb8;
	[tilespmem:$0x1E800] =	vst v63  }
0x8d: {  	_ =	swait.ge [sflag:s14], $0x4000  }
0x8e: {  	[sflag:s14] =	ssyncset.done $0x0  }
0x8f: {  	[sflag:s14] =	ssyncadd.s32 $0xFFFFC000  }
0x90: {  	_ =	swait.ge [sflag:s20], $0x4000  }
0x91: {  	[sflag:s20] =	ssyncset.done $0x0  }
0x92: {  	[sflag:s20] =	ssyncadd.s32 $0xFFFFC000  }
0x93: {  	[spmem:s2] =	stream.indirect.scatter.add.f32 [tilespmem:s19], [sflag:$0x3], $0x80, s23, s16, $0xb8;
	[tilespmem:$0x1E800] =	vst v63  }
0x94: {  	_ =	swait.ge [sflag:s14], $0x4000  }
0x95: {  	s24 =	sadd.s32 $0x1, s24;
	[sflag:s14] =	ssyncset.done $0x0  }
0x96: {  	p0 =	sne.s32 s24, s12;
	[sflag:s14] =	ssyncadd.s32 $0xFFFFC000  }
.Ltmp2:
0x97: {  	[bflag:$0x0] =	sbarrier.arrive $0xFFFF;
	(pc) =	sbr.rel @p0 .LBB2_1-.Ltmp2, $4  }
0x98: {  	[hbm:s11], [sflag:s6] =	dma.local [spmem:s13], $0x2800  }
0x99: {  	_ =	swait.ge [sflag:s14], $0x2800  }
0x9a: {  	[sflag:s14] =	ssyncset.done $0x0  }
0x9b: {  	[sflag:s14] =	ssyncadd.s32 $0xFFFFD800  }
0x9c: {  	_ =	sfence.sel $0x180000  }
0x9d: {  	[bflag:$0x0] =	sbarrier.arrive $0xFFFF  }
0x9e: {  	p0 =	sne.s32 s0, $0x0;
	_ =	strace $0x9000004D  }
0x9f: {  	s0 =	sadd.s32 @!p0 $0x100000, s1;
	[bflag:$0x2] =	sbarrier.arrive $0xFFFF  }
0xa0: {  	[sflag:s0] =	ssyncadd.tile.s32 @!p0 $0x1;
	_ =	shalt  }
.Lfunc_end2:
_tile_overlayer_lowered:
.L_overlay_start_2:
0xa1: {  	(tag) =	ssettag $0x2  }
0xa2: {  	s0 =	rddreg [dreg:$0x0];
	s2 =	stileid.u32  }
0xa3: {  	s1 =	rddreg [dreg:$0x1];
	p0 =	sne.s32 s2, $0x0  }
0xa4: {  	s3 =	rddreg [dreg:$0x2];
	[bflag:$0x3] =	sbarrier.arrive $0xFFFF;
	s2 =	simm.s32 @!p0 $0x1C03  }
0xa5: {  	[timem:s3], [sflag:s2] =	dma.local @!p0 [hbm:s0], s1  }
0xa6: {  	s0 =	simm.s32 @!p0 $0x3  }
0xa7: {  	_ =	swait.ge @!p0 [sflag:s0], s1  }
0xa8: {  	s1 =	ssub.s32 @!p0 $0x0, s1;
	[sflag:s0] =	ssyncset.done @!p0 $0x0  }
0xa9: {  	[sflag:s0] =	ssyncadd.s32 @!p0 s1  }
0xaa: {  	[bflag:$0x3] =	sbarrier.arrive $0xFFFF  }
0xab: {  	_ =	shalt  }

// kernel: kernel.8.cloned.1.call-start
scs
__scs_entry_jumppad:
0x0: {  	(pc) =	sbr.rel $0x88, $3  }
0x1: {  	(tag) =	ssettag $0x0;
	lr =	simm.s32 $0x1  }
0x2: {  	[smem:$0x3F8B] =	sst lr;
	_ =	strace $0xD0000000  }
0x3: {  	_ = 	snop  }
0x4: {  	_ = 	snop  }
0x5: {  	_ = 	snop  }
0x6: {  	_ = 	snop  }
0x7: {  	_ = 	snop  }
__scs_overlays_trampoline_lowered:
0x8: {  	[smem:$0x3F9A] =	sst s0  }
0x9: {  	[smem:$0x3F9B] =	sst s1  }
0xa: {  	[smem:$0x3F9C] =	sst s2  }
0xb: {  	[smem:$0x3F9D] =	sst s3  }
0xc: {  	[smem:$0x3F9E] =	sst s4  }
0xd: {  	[smem:$0x3F9F] =	sst s5  }
0xe: {  	[smem:$0x3FA0] =	sst s6  }
0xf: {  	[smem:$0x3FA1] =	sst s7  }
0x10: {  	[smem:$0x3FA2] =	sst s8  }
0x11: {  	[smem:$0x3FA3] =	sst s9;
	s0 =	simm.s32 @!p0 $0x0  }
0x12: {  	s1 =	sld [smem:$0x3F89];
	s0 =	simm.s32 @p0 $0x1  }
0x13: {  	[smem:$0x3FA4] =	sst s0;
	s0 =	simm.s32 @!p1 $0x0  }
0x14: {  	s2 =	sld [smem:$0x3F88];
	s0 =	simm.s32 @p1 $0x1  }
0x15: {  	[smem:$0x3FA5] =	sst s0;
	s0 =	simm.s32 @!p2 $0x0  }
0x16: {  	s3 =	sld [smem:$0x3FDB];
	s0 =	simm.s32 @p2 $0x1  }
0x17: {  	s4 =	simm.s32 $0x1BF5;
	[smem:$0x3FA7] =	sst s0  }
0x18: {  	s0 =	sld [smem:$0x3F8A];
	_ =	swait.ge [sflag:s4], $0x0  }
0x19: {  	s7 =	sld [smem:$0x3F8B]  }
0x1a: {  	s8 =	sadd.s32 $0xFFFFE003, lr  }
0x1b: {  	s9 =	sadd.s32 $0xFFFFFEF7, lr;
	s5 =	simm.s32 $0xFFFFFFFF;
	p2 =	slt.u32 s8, $0xFFFFF086  }
0x1c: {  	p1 =	slt.u32 s9, $0xF7A;
	s5 =	simm.s32 @!p2 $0x0  }
0x1d: {  	s5 =	simm.s32 @p1 $0x1;
	p0 =	seq.s32 s7, s2  }
0x1e: {  	s7 =	smul.u32 @!p0 $0xF7A, s2;
	p2 =	seq.s32 @!p0 s5, $0x0  }
0x1f: {  	s9 =	smul.u32 $0xF7A, s1;
	s8 =	simm.s32 @!p0 $0x1BF5;
	p2 =	por !p2, p0  }
0x20: {  	[sflag:s8] =	ssyncset.s32 @!p0 $0xFFFFF086;
	s6 =	sadd.s32 @!p0 s3, s7;
	s7 =	simm.s32 @!p0 $0x108  }
0x21: {  	s3 =	sadd.s32 s3, s9;
	s6 =	sadd.s32 @!p0 $0x88, s6;
	s7 =	simm.s32 @p2 $0x1082  }
0x22: {  	[simem:s7], [sflag:s8] =	dma.local @!p0 [hbm:s6], $0xF7A  }
0x23: {  	s9 =	sor.u32 $0xD0000000, s2;
	s6 =	simm.s32 $0x108;
	_ =	swait.ge @!p0 [sflag:s8], $0x0  }
0x24: {  	s3 =	sadd.s32 $0x88, s3;
	s6 =	simm.s32 @!p1 $0x1082;
	[sflag:s4] =	ssyncset.s32 $0xFFFFF086  }
0x25: {  	[simem:s6], [sflag:s4] =	dma.local [hbm:s3], $0xF7A  }
0x26: {  	[smem:$0x3F8B] =	sst s1;
	(tag) =	ssettag s2;
	_ =	strace s9  }
0x27: {  	s1 =	sld [smem:$0x3F9B]  }
0x28: {  	s2 =	sld [smem:$0x3F9C]  }
0x29: {  	s4 =	sld [smem:$0x3F9E]  }
0x2a: {  	p0 =	seq.s32 s5, $0x0;
	s5 =	sld [smem:$0x3F9F]  }
0x2b: {  	s6 =	sld [smem:$0x3FA0]  }
0x2c: {  	s7 =	sld [smem:$0x3FA1]  }
0x2d: {  	s3 =	simm.s32 $0x108;
	s8 =	sld [smem:$0x3FA2]  }
0x2e: {  	s3 =	simm.s32 @!p0 $0x1082;
	s9 =	sld [smem:$0x3FA3]  }
0x2f: {  	lr =	sadd.s32 s0, s3;
	s0 =	sld [smem:$0x3F9A]  }
0x30: {  	s3 =	sld [smem:$0x3F9D]  }
0x31: {  	[smem:$0x3FA6] =	sst s10  }
0x32: {  	s10 =	sld [smem:$0x3FA4];
	_ =	sdelay $0x3  }
0x33: {  	p0 =	seq.s32 s10, $0x1;
	s10 =	sld [smem:$0x3FA6];
	_ =	sdelay $0x3  }
0x34: {  	[smem:$0x3FA6] =	sst s10  }
0x35: {  	s10 =	sld [smem:$0x3FA5];
	_ =	sdelay $0x3  }
0x36: {  	p1 =	seq.s32 s10, $0x1;
	s10 =	sld [smem:$0x3FA6];
	_ =	sdelay $0x3  }
0x37: {  	[smem:$0x3FA6] =	sst s10  }
0x38: {  	s10 =	sld [smem:$0x3FA7]  }
0x39: {  	_ = 	snop;
	(pc) =	sbr.ind lr, $3  }
0x3a: {  	_ = 	snop  }
0x3b: {  	_ = 	snop  }
0x3c: {  	p2 =	seq.s32 s10, $0x1;
	s10 =	sld [smem:$0x3FA6]  }
0x3d: {  	_ =	shalt  }
0x3e: {  	_ =	shalt  }
0x3f: {  	_ =	shalt  }
0x40: {  	_ =	shalt  }
0x41: {  	_ =	shalt  }
0x42: {  	_ =	shalt  }
0x43: {  	_ =	shalt  }
0x44: {  	_ =	shalt  }
0x45: {  	_ =	shalt  }
0x46: {  	_ =	shalt  }
0x47: {  	_ =	shalt  }
0x48: {  	_ =	shalt  }
0x49: {  	_ =	shalt  }
0x4a: {  	_ =	shalt  }
0x4b: {  	_ =	shalt  }
0x4c: {  	_ =	shalt  }
0x4d: {  	_ =	shalt  }
0x4e: {  	_ =	shalt  }
0x4f: {  	_ =	shalt  }
0x50: {  	_ =	shalt  }
0x51: {  	_ =	shalt  }
0x52: {  	_ =	shalt  }
0x53: {  	_ =	shalt  }
0x54: {  	_ =	shalt  }
0x55: {  	_ =	shalt  }
0x56: {  	_ =	shalt  }
0x57: {  	_ =	shalt  }
0x58: {  	_ =	shalt  }
0x59: {  	_ =	shalt  }
0x5a: {  	_ =	shalt  }
0x5b: {  	_ =	shalt  }
0x5c: {  	_ =	shalt  }
0x5d: {  	_ =	shalt  }
0x5e: {  	_ =	shalt  }
0x5f: {  	_ =	shalt  }
0x60: {  	_ =	shalt  }
0x61: {  	_ =	shalt  }
0x62: {  	_ =	shalt  }
0x63: {  	_ =	shalt  }
0x64: {  	_ =	shalt  }
0x65: {  	_ =	shalt  }
0x66: {  	_ =	shalt  }
0x67: {  	_ =	shalt  }
0x68: {  	_ =	shalt  }
0x69: {  	_ =	shalt  }
0x6a: {  	_ =	shalt  }
0x6b: {  	_ =	shalt  }
0x6c: {  	_ =	shalt  }
0x6d: {  	_ =	shalt  }
0x6e: {  	_ =	shalt  }
0x6f: {  	_ =	shalt  }
0x70: {  	_ =	shalt  }
0x71: {  	_ =	shalt  }
0x72: {  	_ =	shalt  }
0x73: {  	_ =	shalt  }
0x74: {  	_ =	shalt  }
0x75: {  	_ =	shalt  }
0x76: {  	_ =	shalt  }
0x77: {  	_ =	shalt  }
0x78: {  	_ =	shalt  }
0x79: {  	_ =	shalt  }
0x7a: {  	_ =	shalt  }
0x7b: {  	_ =	shalt  }
0x7c: {  	_ =	shalt  }
0x7d: {  	_ =	shalt  }
0x7e: {  	_ =	shalt  }
0x7f: {  	_ =	shalt  }
0x80: {  	_ =	shalt  }
0x81: {  	_ =	shalt  }
0x82: {  	_ =	shalt  }
0x83: {  	_ =	shalt  }
0x84: {  	_ =	shalt  }
0x85: {  	_ =	shalt  }
0x86: {  	_ =	shalt  }
0x87: {  	_ =	shalt  }
.Lfunc_end0:
.L_simem_size_0:
called_computation_lowered:
.L_overlay_start_0:
0x88: {  	s2 =	sld [smem:$0x3FD9]  }
0x89: {  	s3 =	sld [smem:$0x3FFE];
	_ =	sdelay $0x1  }
0x8a: {  	s1 =	srdreg.scid  }
0x8b: {  	s0 =	sand.u32 $0x1, s1  }
0x8c: {  	s17 =	sshll.u32 s0, $0xA;
	s2 =	sadd.s32 s3, s2  }
0x8d: {  	s2 =	sadd.s32 s2, s17  }
0x8e: {  	[smem:$0x3FB2] =	sst s2  }
0x8f: {  	_ = 	snop  }
0x90: {  	s2 =	sld [smem:$0x3FC9];
	(tm) =	ssettm $0x1  }
0x91: {  	s18 =	sld [smem:$0x3FFB];
	_ =	sdelay $0x3  }
0x92: {  	_ =	strace s18  }
0x93: {  	s3 =	sld [smem:$0x3FFC];
	_ =	sdelay $0x3  }
0x94: {  	_ =	strace s3  }
0x95: {  	s3 =	sld [smem:$0x3FFD];
	_ =	sdelay $0x3  }
0x96: {  	_ =	strace s3  }
0x97: {  	_ =	strace $0x8FFFFFFF  }
0x98: {  	s19 =	sld [smem:$0x3FDB];
	_ =	sdelay $0x1  }
0x99: {  	s4 =	simm.s32 $_scs_section_size  }
0x9a: {  	s5 =	simm.s32 $_size__tile_overlayer_lowered;
	s6 =	simm.s32 $_tile_overlayer_lowered  }
0x9b: {  	s22 =	simm.s32 $0x1BFF;
	s21 =	sshll.u32 s6, $0x1;
	s3 =	sadd.s32 s4, s19  }
0x9c: {  	s7 =	simm.s32 $0x0;
	s20 =	sshll.u32 s5, $0x1;
	s5 =	sadd.s32 s21, s3  }
0x9d: {  	[timem:s7], [sflag:s22] =	dma.local [hbm:s5], s20  }
0x9e: {  	_ =	swait.ge [sflag:s22], s20  }
0x9f: {  	s4 =	ssub.s32 $0x0, s20;
	[sflag:s22] =	ssyncset.done $0x0  }
0xa0: {  	[sflag:s22] =	ssyncadd.s32 s4;
	_ =	sdelay $0x1  }
0xa1: {  	s23 =	simm.s32 $0x1B8B  }
0xa2: {  	_ =	swait.ge [sflag:s23], $0x1  }
0xa3: {  	[sflag:s23] =	ssyncset.done $0x0  }
0xa4: {  	s25 =	simm.s32 $0x1B8E;
	s24 =	sld [smem:$0x3FFE];
	[sflag:s23] =	ssyncadd.s32 $0xFFFFFFFF  }
0xa5: {  	s26 =	simm.s32 $execute0_lowered;
	[smem:$0x3FD2] =	sst s25  }
0xa6: {  	s5 =	sshll.u32 s26, $0x1;
	_ =	strace $0x80000046;
	[dreg:$0x1] =	wrdreg $0xFFFFFFFF  }
0xa7: {  	s28 =	simm.s32 $_size_execute0_lowered;
	s3 =	sadd.s32 s3, s5;
	[dreg:$0x0] =	wrdreg $0x0  }
0xa8: {  	s5 =	sshll.u32 s28, $0x1;
	[dreg:$0x2] =	wrdreg s3  }
0xa9: {  	[dreg:$0x3] =	wrdreg s5  }
0xaa: {  	[dreg:$0x4] =	wrdreg $0xC0  }
0xab: {  	_ =	task [dreg:s7], $0x5FFFF  }
0xac: {  	[dreg:$0x1] =	wrdreg $0xFFFFFFFF  }
0xad: {  	[dreg:$0x0] =	wrdreg $0x60  }
0xae: {  	[dreg:$0x2] =	wrdreg s2  }
0xaf: {  	[dreg:$0x3] =	wrdreg s24  }
0xb0: {  	[dreg:$0x4] =	wrdreg $0xA8800  }
0xb1: {  	[dreg:$0x5] =	wrdreg $0x1E8800  }
0xb2: {  	[dreg:$0x6] =	wrdreg $0x9  }
0xb3: {  	_ =	task.clear_ibuf [dreg:s7], $0x7FFFF;
	_ =	strace $0x90000046  }
0xb4: {  	s29 =	simm.s32 $0x9;
	_ =	strace $0x80000048  }
0xb5: {  	_ =	swait.ge [sflag:s29], $0x1  }
0xb6: {  	[sflag:s29] =	ssyncadd.s32 $0xFFFFFFFF  }
0xb7: {  	_ =	strace $0x90000048  }
0xb8: {  	_ =	sfence  }
0xb9: {  	s30 =	sld [smem:$0x0];
	_ =	sdelay $0x2  }
0xba: {  	s31 =	sshll.u32 s1, $0xD;
	s1 =	sshrl.u32 s1, $0x2  }
0xbb: {  	s3 =	sand.u32 $0x4000, s31;
	s1 =	sadd.s32 s1, s30  }
0xbc: {  	s0 =	sor.u32 s3, s0;
	s1 =	sshll.u32 s1, $0x11  }
0xbd: {  	s0 =	sor.u32 s1, s0  }
0xbe: {  	s0 =	sadd.s32 $0x8F2B, s0  }
0xbf: {  	[sflag:s0] =	ssyncadd.remote.s32 $0x1  }
0xc0: {  	_ =	sfence.sel $0xFFFF  }
0xc1: {  	[dreg:$0x0] =	wrdreg $0xFFFFFFFF;
	(pc) =	sbr.abs _section_cstart, $3  }
0xc2: {  	[dreg:$0x1] =	wrdreg $0xFFFFFFFF  }
0xc3: {  	_ =	task.clear_ibuf [dreg:s7], $0x2FFFF;
	_ =	strace $0x9FFFFFFF  }
0xc4: {  	(tm) =	ssettm $0x7FFFFFFF  }
0xc5: {  	_ =	shalt  }
tec
execute0_lowered:
.L_overlay_start_1:
0x0: {  	(tag) =	ssettag $0x1  }
0x1: {  	s0 =	rddreg [dreg:$0x0]  }
0x2: {  	s7 =	rddreg [dreg:$0x1]  }
0x3: {  	s2 =	srdreg.scid;
	s1 =	rddreg [dreg:$0x2]  }
0x4: {  	s15 =	stileid.u32;
	s3 =	rddreg [dreg:$0x3]  }
0x5: {  	s4 =	simm.s32 $0x0;
	s18 =	simm.s32 $0x1400;
	s19 =	simm.s32 $0x80  }
0x6: {  	s20 =	simm.s32 $0x2800;
	s21 =	simm.s32 $0x1;
	s22 =	simm.s32 $0x6800  }
0x7: {  	s23 =	simm.s32 $0xA800;
	s24 =	simm.s32 $0x2;
	s6 =	smul.u32 $0x2800, s15  }
0x8: {  	s28 =	simm.s32 $0x2780;
	s29 =	simm.s32 $0x0;
	s25 =	smul.u32 $0x14000, s15  }
0x9: {  	s8 =	sand.u32 $0x1, s2;
	[smem:$0x7FF] =	sst s4;
	s12 =	smul.u32 $0x50000, s15  }
0xa: {  	s31 =	sshll.u32 s15, $0x6;
	p0 =	sne.s32 s15, $0x0;
	s5 =	smul.u32 $0x28000, s8  }
0xb: {  	s9 =	smul.u32 $0x140000, s8;
	s10 =	sshll.u32 s8, $0x4;
	s8 =	ssub.s32 $0x2, s8  }
0xc: {  	_ =	strace $0x80000047;
	s14 =	sadd.s32 s10, s7;
	s26 =	sshrl.u32 s8, $0x1  }
0xd: {  	s30 =	sshrl.u32 s12, $0x2;
	s5 =	sadd.s32 s6, s5;
	s9 =	sadd.s32 s25, s9  }
0xe: {  	s6 =	sadd.s32 $0x1B000, s7;
	s16 =	ssub.s32 s8, s26;
	s17 =	sadd.s32 s30, s1  }
0xf: {  	s25 =	simm.s32 $0x1380;
	s26 =	simm.s32 $0x2700;
	s5 =	sshrl.u32 s5, $0x3  }
0x10: {  	s9 =	sshrl.u32 s9, $0x3;
	s15 =	sshrl.u32 s17, $0x3;
	s17 =	sshrl.u32 @!p0 s3, $0x3  }
0x11: {  	s11 =	sadd.s32 s5, s7;
	s5 =	sadd.s32 $0x18800, s7;
	s13 =	sadd.s32 s9, s7  }
0x12: {  	s7 =	sor.u32 $0x1C03, s31;
	s8 =	sadd.s32 $0x4800, s11;
	s9 =	sadd.s32 $0xE800, s11  }
0x13: {  	s10 =	sadd.s32 $0x4A80, s11;
	s11 =	sadd.s32 $0xEA80, s11;
	s12 =	sadd.s32 $0x1C000, s13  }
0x14: {  	v0 =	vimm.f32 $1.000000000e+00;
	s13 =	sadd.s32 $0x1B600, s14;
	s14 =	smax.u32 s16, $0x1;
	s16 =	simm.s32 $0x3  }
.LBB2_1:
0x15: {  	[spmem:s15], [sflag:s7] =	dma.local [hbm:s5], $0x2800  }
0x16: {  	_ =	swait.ge [sflag:s16], $0x2800  }
0x17: {  	[sflag:s16] =	ssyncset.done $0x0  }
0x18: {  	s30 =	simm.s32 @!p0 $0x3;
	[sflag:s16] =	ssyncadd.s32 $0xFFFFD800  }
0x19: {  	[spmem:s17], [sflag:s7] =	dma.local @!p0 [hbm:s6], $0x500  }
0x1a: {  	_ =	swait.ge @!p0 [sflag:s30], $0x500  }
0x1b: {  	[sflag:s30] =	ssyncset.done @!p0 $0x0  }
0x1c: {  	[sflag:s30] =	ssyncadd.s32 @!p0 $0xFFFFFB00  }
0x1d: {  	[tilespmem:$0xA800] =	vst v0  }
0x1e: {  	[tilespmem:$0xA810] =	vst v0  }
0x1f: {  	[tilespmem:$0xA820] =	vst v0  }
0x20: {  	[tilespmem:$0xA830] =	vst v0  }
0x21: {  	[tilespmem:$0xA840] =	vst v0  }
0x22: {  	[tilespmem:$0xA850] =	vst v0  }
0x23: {  	[tilespmem:$0xA860] =	vst v0  }
0x24: {  	[tilespmem:$0xA870] =	vst v0  }
0x25: {  	[bflag:$0x0] =	sbarrier.arrive $0xFFFF  }
0x26: {  	[tilespmem:s4], [sflag:$0x3] =	stream.linear.gather [hbm4b:s8+s4], $0x1400, $0x38;
	[tilespmem:$0x1EB00] =	vst v63  }
0x27: {  	_ =	swait.ge [sflag:s16], $0x1400  }
0x28: {  	[sflag:s16] =	ssyncset.done $0x0  }
0x29: {  	[sflag:s16] =	ssyncadd.s32 $0xFFFFEC00  }
0x2a: {  	[tilespmem:s18], [sflag:$0x3] =	stream.linear.gather [hbm4b:s9+s4], $0x1400, $0x38;
	[tilespmem:$0x1EB00] =	vst v63  }
0x2b: {  	_ =	swait.ge [sflag:s16], $0x1400  }
0x2c: {  	[sflag:s16] =	ssyncset.done $0x0  }
0x2d: {  	[sflag:s16] =	ssyncadd.s32 $0xFFFFEC00  }
0x2e: {  	[tilespmem:s20], [sflag:$0x1] =	stream.indirect.gather [hbm4b:s0+s19], $0x80, s4, s19, $0xb8;
	[tilespmem:$0x1EB00] =	vst v63  }
0x2f: {  	_ =	swait.ge [sflag:s21], $0x4000  }
0x30: {  	[sflag:s21] =	ssyncset.done $0x0  }
0x31: {  	s30 =	simm.s32 $0x80;
	[sflag:s21] =	ssyncadd.s32 $0xFFFFC000  }
0x32: {  	[tilespmem:s22], [sflag:$0x2] =	stream.indirect.gather [hbm4b:s0+s19], $0x80, s30, s19, $0xb8;
	[tilespmem:$0x1EB00] =	vst v63  }
0x33: {  	s30 =	simm.s32 $0x1400  }
0x34: {  	[spmem:s1] =	stream.indirect.scatter.add.f32 [tilespmem:s20], [sflag:$0x3], $0x80, s30, s19, $0xb8;
	[tilespmem:$0x1EB00] =	vst v63  }
0x35: {  	_ =	swait.ge [sflag:s16], $0x4000  }
0x36: {  	[sflag:s16] =	ssyncset.done $0x0  }
0x37: {  	[sflag:s16] =	ssyncadd.s32 $0xFFFFC000  }
0x38: {  	[spmem:s3] =	stream.indirect.scatter.add.f32 [tilespmem:s23], [sflag:$0x3], $0x1, s30, s19, $0xb8;
	[tilespmem:$0x1EB00] =	vst v63  }
0x39: {  	_ =	swait.ge [sflag:s16], $0x80  }
0x3a: {  	[sflag:s16] =	ssyncset.done $0x0  }
0x3b: {  	[sflag:s16] =	ssyncadd.s32 $0xFFFFFF80  }
0x3c: {  	_ =	swait.ge [sflag:s24], $0x4000  }
0x3d: {  	[sflag:s24] =	ssyncset.done $0x0  }
0x3e: {  	s30 =	simm.s32 $0x100;
	[sflag:s24] =	ssyncadd.s32 $0xFFFFC000  }
0x3f: {  	[tilespmem:s20], [sflag:$0x1] =	stream.indirect.gather [hbm4b:s0+s19], $0x80, s30, s19, $0xb8;
	[tilespmem:$0x1EB00] =	vst v63  }
0x40: {  	s30 =	simm.s32 $0x1480  }
0x41: {  	[spmem:s1] =	stream.indirect.scatter.add.f32 [tilespmem:s22], [sflag:$0x3], $0x80, s30, s19, $0xb8;
	[tilespmem:$0x1EB00] =	vst v63  }
0x42: {  	_ =	swait.ge [sflag:s16], $0x4000  }
0x43: {  	[sflag:s16] =	ssyncset.done $0x0  }
0x44: {  	[sflag:s16] =	ssyncadd.s32 $0xFFFFC000  }
0x45: {  	[spmem:s3] =	stream.indirect.scatter.add.f32 [tilespmem:s23], [sflag:$0x3], $0x1, s30, s19, $0xb8;
	[tilespmem:$0x1EB00] =	vst v63  }
0x46: {  	_ =	swait.ge [sflag:s16], $0x80  }
0x47: {  	s30 =	simm.s32 $0x400;
	[sflag:s16] =	ssyncset.done $0x0  }
.LBB2_2:
0x48: {  	p1 =	sne.s32 s30, $0x4800  }
0x49: {  	[sflag:s16] =	ssyncadd.s32 $0xFFFFFF80;
	s31 =	smov.u32 s30;
	s30 =	sadd.s32 $0x400, s30  }
0x4a: {  	_ =	swait.ge [sflag:s21], $0x4000  }
0x4b: {  	s31 =	sshra.s32 s31, $0x2;
	[sflag:s21] =	ssyncset.done $0x0  }
0x4c: {  	s2 =	sadd.s32 $0x80, s31;
	[sflag:s21] =	ssyncadd.s32 $0xFFFFC000  }
0x4d: {  	[tilespmem:s22], [sflag:$0x2] =	stream.indirect.gather [hbm4b:s0+s19], $0x80, s2, s19, $0xb8;
	[tilespmem:$0x1EB00] =	vst v63  }
0x4e: {  	s2 =	sadd.s32 $0x1400, s31  }
0x4f: {  	[spmem:s1] =	stream.indirect.scatter.add.f32 [tilespmem:s20], [sflag:$0x3], $0x80, s2, s19, $0xb8;
	[tilespmem:$0x1EB00] =	vst v63  }
0x50: {  	_ =	swait.ge [sflag:s16], $0x4000  }
0x51: {  	[sflag:s16] =	ssyncset.done $0x0  }
0x52: {  	[sflag:s16] =	ssyncadd.s32 $0xFFFFC000  }
0x53: {  	[spmem:s3] =	stream.indirect.scatter.add.f32 [tilespmem:s23], [sflag:$0x3], $0x1, s2, s19, $0xb8;
	[tilespmem:$0x1EB00] =	vst v63  }
0x54: {  	_ =	swait.ge [sflag:s16], $0x80  }
0x55: {  	[sflag:s16] =	ssyncset.done $0x0  }
0x56: {  	[sflag:s16] =	ssyncadd.s32 $0xFFFFFF80  }
0x57: {  	_ =	swait.ge [sflag:s24], $0x4000  }
0x58: {  	[sflag:s24] =	ssyncset.done $0x0  }
0x59: {  	s2 =	sadd.s32 $0x100, s31;
	[sflag:s24] =	ssyncadd.s32 $0xFFFFC000  }
0x5a: {  	[tilespmem:s20], [sflag:$0x1] =	stream.indirect.gather [hbm4b:s0+s19], $0x80, s2, s19, $0xb8;
	[tilespmem:$0x1EB00] =	vst v63  }
0x5b: {  	s2 =	sadd.s32 $0x1480, s31  }
0x5c: {  	[spmem:s1] =	stream.indirect.scatter.add.f32 [tilespmem:s22], [sflag:$0x3], $0x80, s2, s19, $0xb8;
	[tilespmem:$0x1EB00] =	vst v63  }
0x5d: {  	_ =	swait.ge [sflag:s16], $0x4000  }
.Ltmp0:
0x5e: {  	[sflag:s16] =	ssyncset.done $0x0;
	(pc) =	sbr.rel @p1 .LBB2_2-.Ltmp0, $4  }
0x5f: {  	[sflag:s16] =	ssyncadd.s32 $0xFFFFC000  }
0x60: {  	[spmem:s3] =	stream.indirect.scatter.add.f32 [tilespmem:s23], [sflag:$0x3], $0x1, s2, s19, $0xb8;
	[tilespmem:$0x1EB00] =	vst v63  }
0x61: {  	_ =	swait.ge [sflag:s16], $0x80  }
0x62: {  	[sflag:s16] =	ssyncset.done $0x0  }
0x63: {  	[sflag:s16] =	ssyncadd.s32 $0xFFFFFF80  }
0x64: {  	_ =	swait.ge [sflag:s21], $0x4000  }
0x65: {  	[sflag:s21] =	ssyncset.done $0x0  }
0x66: {  	[sflag:s21] =	ssyncadd.s32 $0xFFFFC000  }
0x67: {  	[tilespmem:s22], [sflag:$0x2] =	stream.indirect.gather [hbm4b:s0+s19], $0x80, s25, s19, $0xb8;
	[tilespmem:$0x1EB00] =	vst v63  }
0x68: {  	_ = 	snop  }
0x69: {  	[spmem:s1] =	stream.indirect.scatter.add.f32 [tilespmem:s20], [sflag:$0x3], $0x80, s26, s19, $0xb8;
	[tilespmem:$0x1EB00] =	vst v63  }
0x6a: {  	_ =	swait.ge [sflag:s16], $0x4000  }
0x6b: {  	[sflag:s16] =	ssyncset.done $0x0  }
0x6c: {  	[sflag:s16] =	ssyncadd.s32 $0xFFFFC000  }
0x6d: {  	[spmem:s3] =	stream.indirect.scatter.add.f32 [tilespmem:s23], [sflag:$0x3], $0x1, s26, s19, $0xb8;
	[tilespmem:$0x1EB00] =	vst v63  }
0x6e: {  	_ =	swait.ge [sflag:s16], $0x80  }
0x6f: {  	[sflag:s16] =	ssyncset.done $0x0  }
0x70: {  	[sflag:s16] =	ssyncadd.s32 $0xFFFFFF80  }
0x71: {  	_ =	swait.ge [sflag:s24], $0x4000  }
0x72: {  	[sflag:s24] =	ssyncset.done $0x0  }
0x73: {  	[sflag:s24] =	ssyncadd.s32 $0xFFFFC000  }
0x74: {  	[spmem:s1] =	stream.indirect.scatter.add.f32 [tilespmem:s22], [sflag:$0x3], $0x80, s28, s19, $0xb8;
	[tilespmem:$0x1EB00] =	vst v63  }
0x75: {  	_ =	swait.ge [sflag:s16], $0x4000  }
0x76: {  	[sflag:s16] =	ssyncset.done $0x0  }
0x77: {  	[sflag:s16] =	ssyncadd.s32 $0xFFFFC000  }
0x78: {  	[spmem:s3] =	stream.indirect.scatter.add.f32 [tilespmem:s23], [sflag:$0x3], $0x1, s28, s19, $0xb8;
	[tilespmem:$0x1EB00] =	vst v63  }
0x79: {  	_ =	swait.ge [sflag:s16], $0x80  }
0x7a: {  	[sflag:s16] =	ssyncset.done $0x0  }
0x7b: {  	s2 =	simm.s32 $0x0;
	[sflag:s16] =	ssyncadd.s32 $0xFFFFFF80  }
0x7c: {  	[tilespmem:s2], [sflag:$0x3] =	stream.linear.gather [hbm4b:s10+s2], $0x1400, $0x38;
	[tilespmem:$0x1EB00] =	vst v63  }
0x7d: {  	_ =	swait.ge [sflag:s16], $0x1400  }
0x7e: {  	[sflag:s16] =	ssyncset.done $0x0  }
0x7f: {  	[sflag:s16] =	ssyncadd.s32 $0xFFFFEC00  }
0x80: {  	[tilespmem:s18], [sflag:$0x3] =	stream.linear.gather [hbm4b:s11+s2], $0x1400, $0x38;
	[tilespmem:$0x1EB00] =	vst v63  }
0x81: {  	_ =	swait.ge [sflag:s16], $0x1400  }
0x82: {  	[sflag:s16] =	ssyncset.done $0x0  }
0x83: {  	[sflag:s16] =	ssyncadd.s32 $0xFFFFEC00  }
0x84: {  	[tilespmem:s20], [sflag:$0x1] =	stream.indirect.gather [hbm4b:s0+s19], $0x80, s2, s19, $0xb8;
	[tilespmem:$0x1EB00] =	vst v63  }
0x85: {  	_ =	swait.ge [sflag:s21], $0x4000  }
0x86: {  	[sflag:s21] =	ssyncset.done $0x0  }
0x87: {  	s31 =	simm.s32 $0x80;
	[sflag:s21] =	ssyncadd.s32 $0xFFFFC000  }
0x88: {  	[tilespmem:s22], [sflag:$0x2] =	stream.indirect.gather [hbm4b:s0+s19], $0x80, s31, s19, $0xb8;
	[tilespmem:$0x1EB00] =	vst v63  }
0x89: {  	s31 =	simm.s32 $0x1400  }
0x8a: {  	[spmem:s1] =	stream.indirect.scatter.add.f32 [tilespmem:s20], [sflag:$0x3], $0x80, s31, s19, $0xb8;
	[tilespmem:$0x1EB00] =	vst v63  }
0x8b: {  	_ =	swait.ge [sflag:s16], $0x4000  }
0x8c: {  	[sflag:s16] =	ssyncset.done $0x0  }
0x8d: {  	[sflag:s16] =	ssyncadd.s32 $0xFFFFC000  }
0x8e: {  	[spmem:s3] =	stream.indirect.scatter.add.f32 [tilespmem:s23], [sflag:$0x3], $0x1, s31, s19, $0xb8;
	[tilespmem:$0x1EB00] =	vst v63  }
0x8f: {  	_ =	swait.ge [sflag:s16], $0x80  }
0x90: {  	[sflag:s16] =	ssyncset.done $0x0  }
0x91: {  	[sflag:s16] =	ssyncadd.s32 $0xFFFFFF80  }
0x92: {  	_ =	swait.ge [sflag:s24], $0x4000  }
0x93: {  	[sflag:s24] =	ssyncset.done $0x0  }
0x94: {  	s31 =	simm.s32 $0x100;
	[sflag:s24] =	ssyncadd.s32 $0xFFFFC000  }
0x95: {  	[tilespmem:s20], [sflag:$0x1] =	stream.indirect.gather [hbm4b:s0+s19], $0x80, s31, s19, $0xb8;
	[tilespmem:$0x1EB00] =	vst v63  }
0x96: {  	s31 =	simm.s32 $0x1480  }
0x97: {  	[spmem:s1] =	stream.indirect.scatter.add.f32 [tilespmem:s22], [sflag:$0x3], $0x80, s31, s19, $0xb8;
	[tilespmem:$0x1EB00] =	vst v63  }
0x98: {  	_ =	swait.ge [sflag:s16], $0x4000  }
0x99: {  	[sflag:s16] =	ssyncset.done $0x0  }
0x9a: {  	[sflag:s16] =	ssyncadd.s32 $0xFFFFC000  }
0x9b: {  	[spmem:s3] =	stream.indirect.scatter.add.f32 [tilespmem:s23], [sflag:$0x3], $0x1, s31, s19, $0xb8;
	[tilespmem:$0x1EB00] =	vst v63  }
0x9c: {  	_ =	swait.ge [sflag:s16], $0x80  }
0x9d: {  	s30 =	simm.s32 $0x400;
	[sflag:s16] =	ssyncset.done $0x0  }
.LBB2_4:
0x9e: {  	p1 =	sne.s32 s30, $0x4800  }
0x9f: {  	[sflag:s16] =	ssyncadd.s32 $0xFFFFFF80;
	s2 =	smov.u32 s30;
	s30 =	sadd.s32 $0x400, s30  }
0xa0: {  	_ =	swait.ge [sflag:s21], $0x4000  }
0xa1: {  	s2 =	sshra.s32 s2, $0x2;
	[sflag:s21] =	ssyncset.done $0x0  }
0xa2: {  	s31 =	sadd.s32 $0x80, s2;
	[sflag:s21] =	ssyncadd.s32 $0xFFFFC000  }
0xa3: {  	[tilespmem:s22], [sflag:$0x2] =	stream.indirect.gather [hbm4b:s0+s19], $0x80, s31, s19, $0xb8;
	[tilespmem:$0x1EB00] =	vst v63  }
0xa4: {  	s31 =	sadd.s32 $0x1400, s2  }
0xa5: {  	[spmem:s1] =	stream.indirect.scatter.add.f32 [tilespmem:s20], [sflag:$0x3], $0x80, s31, s19, $0xb8;
	[tilespmem:$0x1EB00] =	vst v63  }
0xa6: {  	_ =	swait.ge [sflag:s16], $0x4000  }
0xa7: {  	[sflag:s16] =	ssyncset.done $0x0  }
0xa8: {  	[sflag:s16] =	ssyncadd.s32 $0xFFFFC000  }
0xa9: {  	[spmem:s3] =	stream.indirect.scatter.add.f32 [tilespmem:s23], [sflag:$0x3], $0x1, s31, s19, $0xb8;
	[tilespmem:$0x1EB00] =	vst v63  }
0xaa: {  	_ =	swait.ge [sflag:s16], $0x80  }
0xab: {  	[sflag:s16] =	ssyncset.done $0x0  }
0xac: {  	[sflag:s16] =	ssyncadd.s32 $0xFFFFFF80  }
0xad: {  	_ =	swait.ge [sflag:s24], $0x4000  }
0xae: {  	[sflag:s24] =	ssyncset.done $0x0  }
0xaf: {  	s31 =	sadd.s32 $0x100, s2;
	[sflag:s24] =	ssyncadd.s32 $0xFFFFC000  }
0xb0: {  	[tilespmem:s20], [sflag:$0x1] =	stream.indirect.gather [hbm4b:s0+s19], $0x80, s31, s19, $0xb8;
	[tilespmem:$0x1EB00] =	vst v63  }
0xb1: {  	s2 =	sadd.s32 $0x1480, s2  }
0xb2: {  	[spmem:s1] =	stream.indirect.scatter.add.f32 [tilespmem:s22], [sflag:$0x3], $0x80, s2, s19, $0xb8;
	[tilespmem:$0x1EB00] =	vst v63  }
0xb3: {  	_ =	swait.ge [sflag:s16], $0x4000  }
.Ltmp1:
0xb4: {  	[sflag:s16] =	ssyncset.done $0x0;
	(pc) =	sbr.rel @p1 .LBB2_4-.Ltmp1, $4  }
0xb5: {  	[sflag:s16] =	ssyncadd.s32 $0xFFFFC000  }
0xb6: {  	[spmem:s3] =	stream.indirect.scatter.add.f32 [tilespmem:s23], [sflag:$0x3], $0x1, s2, s19, $0xb8;
	[tilespmem:$0x1EB00] =	vst v63  }
0xb7: {  	_ =	swait.ge [sflag:s16], $0x80  }
0xb8: {  	[sflag:s16] =	ssyncset.done $0x0  }
0xb9: {  	[sflag:s16] =	ssyncadd.s32 $0xFFFFFF80  }
0xba: {  	_ =	swait.ge [sflag:s21], $0x4000  }
0xbb: {  	[sflag:s21] =	ssyncset.done $0x0  }
0xbc: {  	[sflag:s21] =	ssyncadd.s32 $0xFFFFC000  }
0xbd: {  	[tilespmem:s22], [sflag:$0x2] =	stream.indirect.gather [hbm4b:s0+s19], $0x80, s25, s19, $0xb8;
	[tilespmem:$0x1EB00] =	vst v63  }
0xbe: {  	_ = 	snop  }
0xbf: {  	[spmem:s1] =	stream.indirect.scatter.add.f32 [tilespmem:s20], [sflag:$0x3], $0x80, s26, s19, $0xb8;
	[tilespmem:$0x1EB00] =	vst v63  }
0xc0: {  	_ =	swait.ge [sflag:s16], $0x4000  }
0xc1: {  	[sflag:s16] =	ssyncset.done $0x0  }
0xc2: {  	[sflag:s16] =	ssyncadd.s32 $0xFFFFC000  }
0xc3: {  	[spmem:s3] =	stream.indirect.scatter.add.f32 [tilespmem:s23], [sflag:$0x3], $0x1, s26, s19, $0xb8;
	[tilespmem:$0x1EB00] =	vst v63  }
0xc4: {  	_ =	swait.ge [sflag:s16], $0x80  }
0xc5: {  	[sflag:s16] =	ssyncset.done $0x0  }
0xc6: {  	[sflag:s16] =	ssyncadd.s32 $0xFFFFFF80  }
0xc7: {  	_ =	swait.ge [sflag:s24], $0x4000  }
0xc8: {  	[sflag:s24] =	ssyncset.done $0x0  }
0xc9: {  	[sflag:s24] =	ssyncadd.s32 $0xFFFFC000  }
0xca: {  	[spmem:s1] =	stream.indirect.scatter.add.f32 [tilespmem:s22], [sflag:$0x3], $0x80, s28, s19, $0xb8;
	[tilespmem:$0x1EB00] =	vst v63  }
0xcb: {  	_ =	swait.ge [sflag:s16], $0x4000  }
0xcc: {  	[sflag:s16] =	ssyncset.done $0x0  }
0xcd: {  	[sflag:s16] =	ssyncadd.s32 $0xFFFFC000  }
0xce: {  	[spmem:s3] =	stream.indirect.scatter.add.f32 [tilespmem:s23], [sflag:$0x3], $0x1, s28, s19, $0xb8;
	[tilespmem:$0x1EB00] =	vst v63  }
0xcf: {  	_ =	swait.ge [sflag:s16], $0x80  }
0xd0: {  	[sflag:s16] =	ssyncset.done $0x0  }
0xd1: {  	[sflag:s16] =	ssyncadd.s32 $0xFFFFFF80  }
0xd2: {  	[bflag:$0x0] =	sbarrier.arrive $0xFFFF  }
0xd3: {  	[hbm:s12], [sflag:s7] =	dma.local [spmem:s15], $0x2800  }
0xd4: {  	s2 =	simm.s32 @!p0 $0x1;
	_ =	swait.ge [sflag:s16], $0x2800  }
0xd5: {  	s30 =	simm.s32 @!p0 $0x20;
	s29 =	sadd.s32 $0x1, s29;
	[sflag:s16] =	ssyncset.done $0x0  }
0xd6: {  	s31 =	simm.s32 @!p0 $0x10;
	p1 =	sne.s32 s29, s14;
	[sflag:s16] =	ssyncadd.s32 $0xFFFFD800  }
0xd7: {  	[hbm:s13@s30], [sflag:s7] =	dma.strided @!p0 [spmem:s17@s31], $0x500, s2, $0x10   }
.Ltmp2:
0xd8: {  	_ = 	snop;
	(pc) =	sbr.rel @p1 .LBB2_1-.Ltmp2, $4  }
0xd9: {  	s2 =	simm.s32 @!p0 $0x3  }
0xda: {  	_ =	swait.ge @!p0 [sflag:s2], $0x500  }
0xdb: {  	[sflag:s2] =	ssyncset.done @!p0 $0x0  }
0xdc: {  	[sflag:s2] =	ssyncadd.s32 @!p0 $0xFFFFFB00  }
0xdd: {  	_ =	sfence.sel $0x180000  }
0xde: {  	[bflag:$0x0] =	sbarrier.arrive $0xFFFF  }
0xdf: {  	_ =	strace $0x90000047  }
0xe0: {  	[bflag:$0x2] =	sbarrier.arrive $0xFFFF  }
0xe1: {  	s0 =	rddreg [dreg:$0x4]  }
0xe2: {  	s0 =	sadd.s32 @!p0 $0x100000, s0  }
0xe3: {  	[sflag:s0] =	ssyncadd.tile.s32 @!p0 $0x1;
	_ =	shalt  }
.Lfunc_end2:
_tile_overlayer_lowered:
.L_overlay_start_2:
0xe4: {  	(tag) =	ssettag $0x2  }
0xe5: {  	s0 =	rddreg [dreg:$0x0];
	s2 =	stileid.u32  }
0xe6: {  	s1 =	rddreg [dreg:$0x1];
	p0 =	sne.s32 s2, $0x0  }
0xe7: {  	s3 =	rddreg [dreg:$0x2];
	[bflag:$0x3] =	sbarrier.arrive $0xFFFF;
	s2 =	simm.s32 @!p0 $0x1C03  }
0xe8: {  	[timem:s3], [sflag:s2] =	dma.local @!p0 [hbm:s0], s1  }
0xe9: {  	s0 =	simm.s32 @!p0 $0x3  }
0xea: {  	_ =	swait.ge @!p0 [sflag:s0], s1  }
0xeb: {  	s1 =	ssub.s32 @!p0 $0x0, s1;
	[sflag:s0] =	ssyncset.done @!p0 $0x0  }
0xec: {  	[sflag:s0] =	ssyncadd.s32 @!p0 s1  }
0xed: {  	[bflag:$0x3] =	sbarrier.arrive $0xFFFF  }
0xee: {  	_ =	shalt  }

</sc_bundles>
